<compile_context>
chip_gen: v7x
topology: tpu7x:2x2x1
jax: 0.10.2.dev20260603
libtpu: 0.0.44.dev20260713+nightly
codegen_flags: <defaults>
</compile_context>

<pallas_src>
import jax
import jax.numpy as jnp
from jax import lax
from jax.experimental import pallas as pl
from jax.experimental.pallas import tpu as pltpu
from jax.experimental.pallas import tpu_sc as plsc

_N = 10000
_E = 320000
_D = 128
_NC = 2
_NS = 16
_NW = _NC * _NS
_NP = 10240
_ZR = 64
_K = 128
_EPW = _E // _NW
_STEPS = _EPW // _K
_KT = _EPW - _STEPS * _K
_RPT = _NP // _NS


def _make_sc_agg(with_deg: bool, d: int = _D):
    mesh = plsc.VectorSubcoreMesh(core_axis_name="c", subcore_axis_name="s",
                                  num_cores=_NC, num_subcores=_NS)
    acc_type = jax.ShapeDtypeStruct((_NC, _NP, d), jnp.float32)
    out_type = [acc_type] if with_deg else acc_type
    scratch = [
        pltpu.VMEM((_K,), jnp.int32),
        pltpu.VMEM((_K,), jnp.int32),
        pltpu.VMEM((_K,), jnp.int32),
        pltpu.VMEM((_K,), jnp.int32),
        pltpu.VMEM((_K, d), jnp.float32),
        pltpu.VMEM((_K, d), jnp.float32),
        pltpu.VMEM((_KT,), jnp.int32),
        pltpu.VMEM((_KT,), jnp.int32),
        pltpu.VMEM((_KT, d), jnp.float32),
        pltpu.VMEM((_ZR, d), jnp.float32),
        pltpu.VMEM_SHARED((_NP, d), jnp.float32),
        pltpu.SemaphoreType.DMA,
        pltpu.SemaphoreType.DMA,
        pltpu.SemaphoreType.DMA,
        pltpu.SemaphoreType.DMA,
        pltpu.SemaphoreType.DMA,
        pltpu.SemaphoreType.DMA,
        pltpu.SemaphoreType.DMA,
        pltpu.SemaphoreType.DMA,
    ]
    if with_deg:
        out_type.append(jax.ShapeDtypeStruct((_NC * _NP,), jnp.float32))
        scratch += [
            pltpu.VMEM((_K,), jnp.float32),
            pltpu.VMEM((_RPT,), jnp.float32),
            pltpu.VMEM_SHARED((_NP,), jnp.float32),
        ]

    def body(src, dst, h, *rest):
        if with_deg:
            (acc_out, deg_out, sidx_a, didx_a, sidx_b, didx_b, rows_a,
             rows_b, sidx_t, didx_t, rows_t, zblk, acc_sh, semg_a, semg_b,
             semis_a, semis_b, semid_a, semid_b, semsc_a, semsc_b,
             ones, zvec, deg_sh) = rest
        else:
            (acc_out, sidx_a, didx_a, sidx_b, didx_b, rows_a, rows_b,
             sidx_t, didx_t, rows_t, zblk, acc_sh, semg_a, semg_b,
             semis_a, semis_b, semid_a, semid_b, semsc_a, semsc_b) = rest

        c = lax.axis_index("c")
        s = lax.axis_index("s")
        wid = c * _NS + s

        z16 = jnp.zeros((16,), jnp.float32)

        def zrow(i, _):
            def zcol(j, carry):
                zblk[i, pl.ds(j * 16, 16)] = z16
                return carry
            return lax.fori_loop(0, d // 16, zcol, _)
        lax.fori_loop(0, _ZR, zrow, 0)

        if with_deg:
            o16 = jnp.ones((16,), jnp.float32)

            def fill_ones(j, carry):
                ones[pl.ds(j * 16, 16)] = o16
                return carry
            lax.fori_loop(0, _K // 16, fill_ones, 0)

            def fill_z(j, carry):
                zvec[pl.ds(j * 16, 16)] = z16
                return carry
            lax.fori_loop(0, _RPT // 16, fill_z, 0)

        r0 = s * _RPT
        zcps = [pltpu.async_copy(zblk, acc_sh.at[pl.ds(r0 + blk * _ZR, _ZR)],
                                 semg_a)
                for blk in range(_RPT // _ZR)]
        if with_deg:
            zcps.append(pltpu.async_copy(zvec, deg_sh.at[pl.ds(r0, _RPT)],
                                         semg_a))
        for cp in zcps:
            cp.wait()
        plsc.subcore_barrier()

        e0 = wid * _EPW

        def idx_src(ch, buf, sem):
            return pltpu.make_async_copy(src.at[pl.ds(e0 + ch * _K, _K)],
                                         buf, sem)

        def idx_dst(ch, buf, sem):
            return pltpu.make_async_copy(dst.at[pl.ds(e0 + ch * _K, _K)],
                                         buf, sem)

        def gath(sbuf, rbuf, sem):
            return pltpu.make_async_copy(h.at[sbuf], rbuf, sem)

        def scat(rbuf, dbuf, sem):
            return pltpu.async_copy(rbuf, acc_sh.at[dbuf], sem, add=True)

        def scat_deg(dbuf, sem):
            return pltpu.async_copy(ones, deg_sh.at[dbuf], sem, add=True)

        idx_src(0, sidx_a, semis_a).start()
        idx_dst(0, didx_a, semid_a).start()
        idx_src(1, sidx_b, semis_b).start()
        idx_dst(1, didx_b, semid_b).start()
        idx_src(0, sidx_a, semis_a).wait()
        gath(sidx_a, rows_a, semg_a).start()

        last = _STEPS - 1

        def pair(j, carry):
            ca = 2 * j
            cb = ca + 1
            cn_a = jnp.minimum(ca + 2, last)
            cn_b = jnp.minimum(cb + 2, last)
            idx_src(cb, sidx_b, semis_b).wait()
            gath(sidx_b, rows_b, semg_b).start()
            gath(sidx_a, rows_a, semg_a).wait()
            idx_src(cn_a, sidx_a, semis_a).start()
            idx_dst(ca, didx_a, semid_a).wait()
            sc_a = scat(rows_a, didx_a, semsc_a)
            dg_a = scat_deg(didx_a, semsc_a) if with_deg else None
            gath(sidx_b, rows_b, semg_b).wait()
            idx_src(cn_b, sidx_b, semis_b).start()
            idx_dst(cb, didx_b, semid_b).wait()
            sc_b = scat(rows_b, didx_b, semsc_b)
            dg_b = scat_deg(didx_b, semsc_b) if with_deg else None
            sc_a.wait()
            if with_deg:
                dg_a.wait()
            idx_dst(cn_a, didx_a, semid_a).start()
            idx_src(cn_a, sidx_a, semis_a).wait()
            gath(sidx_a, rows_a, semg_a).start()
            sc_b.wait()
            if with_deg:
                dg_b.wait()
            idx_dst(cn_b, didx_b, semid_b).start()
            return carry
        lax.fori_loop(0, _STEPS // 2, pair, 0)

        pltpu.sync_copy(src.at[pl.ds(e0 + _STEPS * _K, _KT)], sidx_t)
        pltpu.sync_copy(dst.at[pl.ds(e0 + _STEPS * _K, _KT)], didx_t)
        pltpu.async_copy(h.at[sidx_t], rows_t, semg_b).wait()
        pltpu.sync_copy(rows_t, acc_sh.at[didx_t], add=True)
        if with_deg:
            pltpu.sync_copy(ones.at[pl.ds(0, _KT)], deg_sh.at[didx_t],
                            add=True)
        gath(sidx_a, rows_a, semg_a).wait()
        idx_dst(last, didx_a, semid_a).wait()
        idx_src(last, sidx_b, semis_b).wait()
        idx_dst(last, didx_b, semid_b).wait()
        plsc.subcore_barrier()

        ocps = [pltpu.async_copy(acc_sh.at[pl.ds(r0 + blk * _ZR, _ZR)],
                                 acc_out.at[c, pl.ds(r0 + blk * _ZR, _ZR), :],
                                 semg_b)
                for blk in range(_RPT // _ZR)]
        if with_deg:
            ocps.append(pltpu.async_copy(deg_sh.at[pl.ds(r0, _RPT)],
                                         deg_out.at[pl.ds(c * _NP + r0, _RPT)],
                                         semg_b))
        for cp in ocps:
            cp.wait()

    params = (pltpu.CompilerParams(use_tc_tiling_on_sc=False)
              if d % 128 else None)
    return pl.kernel(body, mesh=mesh, out_type=out_type,
                     scratch_types=scratch, compiler_params=params)


def _make_tc_layer(d_in: int, d_out: int, first: bool, ln: bool, act: bool,
                   proj: int = 0, pre_projected: bool = False,
                   bm: int = 400, n_rows: int = _N):
    grid = (n_rows // bm,)
    d_agg = d_out if pre_projected else d_in

    def body(*refs):
        refs = list(refs)
        h_ref = refs.pop(0)
        a_ref = refs.pop(0)
        nd_ref = refs.pop(0)
        wl_ref = refs.pop(0)
        wr_ref = None if pre_projected else refs.pop(0)
        b_ref = refs.pop(0)
        wp_ref = refs.pop(0) if proj else None
        o_ref = refs.pop(0)
        n_ref = refs.pop(0) if first else None
        p_ref = refs.pop(0) if proj else None
        if first:
            deg = nd_ref[0] + nd_ref[1]
            nrm = jnp.where(deg > 0, 1.0 / deg, 0.0)
            n_ref[...] = nrm
        else:
            nrm = nd_ref[...]
        ah = (a_ref[0] + a_ref[1]) * nrm
        out = jnp.dot(h_ref[...], wl_ref[...],
                      preferred_element_type=jnp.float32) + b_ref[...]
        if pre_projected:
            out = out + ah
        else:
            out = out + jnp.dot(ah, wr_ref[...],
                                preferred_element_type=jnp.float32)
        if ln:
            mu = jnp.mean(out, axis=1, keepdims=True)
            ctr = out - mu
            var = jnp.mean(ctr * ctr, axis=1, keepdims=True)
            out = ctr * lax.rsqrt(var + 1e-5)
        if act:
            out = jnp.maximum(out, 0.0)
        o_ref[...] = out
        if proj:
            p_ref[...] = jnp.dot(out, wp_ref[...],
                                 preferred_element_type=jnp.float32)

    in_specs = [
        pl.BlockSpec((bm, d_in), lambda i: (i, 0)),
        pl.BlockSpec((2, bm, d_agg), lambda i: (0, i, 0)),
        (pl.BlockSpec((2, bm, 1), lambda i: (0, i, 0)) if first
         else pl.BlockSpec((bm, 1), lambda i: (i, 0))),
        pl.BlockSpec((d_in, d_out), lambda i: (0, 0)),
    ]
    if not pre_projected:
        in_specs.append(pl.BlockSpec((d_in, d_out), lambda i: (0, 0)))
    in_specs.append(pl.BlockSpec((1, d_out), lambda i: (0, 0)))
    if proj:
        in_specs.append(pl.BlockSpec((d_out, proj), lambda i: (0, 0)))
    out_specs = [pl.BlockSpec((bm, d_out), lambda i: (i, 0))]
    out_shape = [jax.ShapeDtypeStruct((n_rows, d_out), jnp.float32)]
    if first:
        out_specs.append(pl.BlockSpec((bm, 1), lambda i: (i, 0)))
        out_shape.append(jax.ShapeDtypeStruct((n_rows, 1), jnp.float32))
    if proj:
        out_specs.append(pl.BlockSpec((bm, proj), lambda i: (i, 0)))
        out_shape.append(jax.ShapeDtypeStruct((n_rows, proj), jnp.float32))
    return pl.pallas_call(body, grid=grid, in_specs=in_specs,
                          out_specs=out_specs, out_shape=out_shape)


import functools as _functools

_make_sc_agg = _functools.cache(_make_sc_agg)
_LAYER1 = _make_tc_layer(_D, _D, first=True, ln=True, act=True)
_LAYER2 = _make_tc_layer(_D, _D, first=False, ln=True, act=True, proj=64)
_LAYER3 = _make_tc_layer(_D, 64, first=False, ln=False, act=False,
                         pre_projected=True)


def kernel(x, edge_index, W1, b1, W2, b2, W3, b3):
    src = edge_index[0]
    dst = edge_index[1]
    acc1, degf = _make_sc_agg(True)(src, dst, x)
    deg3 = degf.reshape(_NC, _NP, 1)
    h1, norm = _LAYER1(x, acc1, deg3, W1[:, :_D].T, W1[:, _D:].T,
                       b1.reshape(1, -1))
    acc2 = _make_sc_agg(False)(src, dst, h1)
    h2, p2 = _LAYER2(h1, acc2, norm, W2[:, :_D].T, W2[:, _D:].T,
                     b2.reshape(1, -1), W3[:, _D:].T)
    acc3 = _make_sc_agg(False, 64)(src, dst, p2)
    (h3,) = _LAYER3(h2, acc3, norm, W3[:, :_D].T, b3.reshape(1, -1))
    return h3

# --- scband reference (transcript-rebuilt; emitter-appended) ---
"""Pipeline reference for scband-gcn-27307402068411 (READ-ONLY COPY).

The authoritative reference and input builder live on the scoring server;
editing this copy changes nothing except your own understanding.
"""

import jax, jax.numpy as jnp
import numpy as np

N = 10000
E = 320000
D_IN = 128
D_HID = 128
D_OUT = 64


def setup_inputs(seed: int = 0) -> dict:
    key = jax.random.key(seed)
    ks = jax.random.split(key, 9)
    x = jax.random.normal(ks[0], (N, D_IN), dtype=jnp.float32)
    edge_index = jax.random.randint(ks[1], (2, E), 0, N, dtype=jnp.int32)
    s1 = 1.0 / np.sqrt(2 * D_IN)
    W1 = jax.random.uniform(ks[2], (D_HID, 2 * D_IN), minval=-s1, maxval=s1, dtype=jnp.float32)
    b1 = jax.random.uniform(ks[3], (D_HID,), minval=-s1, maxval=s1, dtype=jnp.float32)
    s2 = 1.0 / np.sqrt(2 * D_HID)
    W2 = jax.random.uniform(ks[4], (D_HID, 2 * D_HID), minval=-s2, maxval=s2, dtype=jnp.float32)
    b2 = jax.random.uniform(ks[5], (D_HID,), minval=-s2, maxval=s2, dtype=jnp.float32)
    s3 = 1.0 / np.sqrt(2 * D_HID)
    W3 = jax.random.uniform(ks[6], (D_OUT, 2 * D_HID), minval=-s3, maxval=s3, dtype=jnp.float32)
    b3 = jax.random.uniform(ks[7], (D_OUT,), minval=-s3, maxval=s3, dtype=jnp.float32)
    return {"x": x, "edge_index": edge_index, "W1": W1, "b1": b1, "W2": W2, "b2": b2, "W3": W3, "b3": b3}


def reference(x, edge_index, W1, b1, W2, b2, W3, b3):
    src = edge_index[0]
    dst = edge_index[1]
    deg = jax.ops.segment_sum(jnp.ones((E,), dtype=jnp.float32), dst, num_segments=N)
    norm = jnp.where(deg > 0, 1.0 / deg, 0.0)[:, None]

    def sage_layer(h, W, b, use_ln, act):
        # DGL update_all(copy_src, sum): scatter-add source features to dst nodes
        ah = jax.ops.segment_sum(h[src], dst, num_segments=N) * norm
        hcat = jnp.concatenate([h, ah], axis=1)
        out = hcat @ W.T + b
        if use_ln:
            mu = jnp.mean(out, axis=-1, keepdims=True)
            var = jnp.var(out, axis=-1, keepdims=True)
            out = (out - mu) / jnp.sqrt(var + 1e-5)
        if act:
            out = jax.nn.relu(out)
        return out

    h = sage_layer(x, W1, b1, True, True)
    h = sage_layer(h, W2, b2, True, True)
    h = sage_layer(h, W3, b3, False, False)
    return h

if __name__ == "__main__":
    import jax
    _d = setup_inputs()
    print(jax.jit(kernel)(*tuple(_d.values())))

</pallas_src>

<mosaic_0001>
#map = affine_map<(d0, d1) -> (0)>
#map1 = affine_map<(d0, d1) -> (0, 0)>
#map2 = affine_map<(d0, d1) -> (0, 0, 0)>
module attributes {stable_mosaic.version = 14 : i64} {
  func.func @body(%arg0: i32, %arg1: i32, %arg2: memref<320000xi32, #tpu.memory_space<hbm>>, %arg3: memref<320000xi32, #tpu.memory_space<hbm>>, %arg4: memref<10000x128xf32, #tpu.memory_space<hbm>>, %arg5: memref<2x10240x128xf32, #tpu.memory_space<hbm>>, %arg6: memref<20480xf32, #tpu.memory_space<hbm>>, %arg7: memref<128xi32, #tpu.memory_space<vmem>>, %arg8: memref<128xi32, #tpu.memory_space<vmem>>, %arg9: memref<128xi32, #tpu.memory_space<vmem>>, %arg10: memref<128xi32, #tpu.memory_space<vmem>>, %arg11: memref<128x128xf32, #tpu.memory_space<vmem>>, %arg12: memref<128x128xf32, #tpu.memory_space<vmem>>, %arg13: memref<16xi32, #tpu.memory_space<vmem>>, %arg14: memref<16xi32, #tpu.memory_space<vmem>>, %arg15: memref<16x128xf32, #tpu.memory_space<vmem>>, %arg16: memref<64x128xf32, #tpu.memory_space<vmem>>, %arg17: memref<10240x128xf32, #tpu.memory_space<vmem_shared>>, %arg18: memref<!tpu.dma_semaphore, #tpu.memory_space<semaphore_mem>>, %arg19: memref<!tpu.dma_semaphore, #tpu.memory_space<semaphore_mem>>, %arg20: memref<!tpu.dma_semaphore, #tpu.memory_space<semaphore_mem>>, %arg21: memref<!tpu.dma_semaphore, #tpu.memory_space<semaphore_mem>>, %arg22: memref<!tpu.dma_semaphore, #tpu.memory_space<semaphore_mem>>, %arg23: memref<!tpu.dma_semaphore, #tpu.memory_space<semaphore_mem>>, %arg24: memref<!tpu.dma_semaphore, #tpu.memory_space<semaphore_mem>>, %arg25: memref<!tpu.dma_semaphore, #tpu.memory_space<semaphore_mem>>, %arg26: memref<128xf32, #tpu.memory_space<vmem>>, %arg27: memref<640xf32, #tpu.memory_space<vmem>>, %arg28: memref<10240xf32, #tpu.memory_space<vmem_shared>>) attributes {dimension_semantics = [#tpu.dimension_semantics<core_parallel>, #tpu.dimension_semantics<subcore_parallel>], iteration_bounds = array<i64: 2, 16>, scalar_prefetch = 0 : i64, scratch_operands = 22 : i64, tpu.core_type = #tpu.core_type<sc_vector_subcore>, window_params = [{transform_indices = #map}, {transform_indices = #map}, {transform_indices = #map1}, {transform_indices = #map2}, {transform_indices = #map}]} {
    %mul3A = arith.constant 16 : i32
    %mul3A_0 = arith.muli %arg0, %mul3A : i32
    %add3A = arith.addi %mul3A_0, %arg1 : i32
    %broadcast_in_dim3A = arith.constant 0.000000e+00 : f32
    %broadcast_in_dim3A_1 = vector.broadcast %broadcast_in_dim3A : f32 to vector<16xf32>
    %scan3A = arith.constant 0 : i32
    %scan3A_2 = arith.constant 0 : i32
    %scan3A_3 = arith.constant 64 : i32
    %scan3A_4 = arith.addi %scan3A_2, %scan3A_3 : i32
    %scan3A_5 = arith.constant 1 : i32
    scf.for %scan3A_329 = %scan3A_2 to %scan3A_4 step %scan3A_5  : i32 {
      %scan3A_330 = arith.constant 0 : i32
      %scan3A_331 = arith.constant 8 : i32
      %scan3A_332 = arith.addi %scan3A_330, %scan3A_331 : i32
      %scan3A_333 = arith.constant 1 : i32
      scf.for %scan3A_335 = %scan3A_330 to %scan3A_332 step %scan3A_333  : i32 {
        %mul3A_336 = arith.constant 16 : i32
        %mul3A_337 = arith.muli %scan3A_335, %mul3A_336 : i32
        %swap3A = arith.index_cast %scan3A_329 : i32 to index
        %swap3A_338 = arith.index_cast %mul3A_337 : i32 to index
        %swap3A_339 = tpu.vector_load %arg16[%swap3A, %swap3A_338] {strides = array<i32>} : memref<64x128xf32, #tpu.memory_space<vmem>>, vector<1x16xf32>,
        %swap3A_340 = vector.shape_cast %swap3A_339 : vector<1x16xf32> to vector<16xf32>
        %swap3A_341 = vector.shape_cast %broadcast_in_dim3A_1 : vector<16xf32> to vector<1x16xf32>
        tpu.vector_store %arg16[%swap3A, %swap3A_338], %swap3A_341 {strides = array<i32>} : memref<64x128xf32, #tpu.memory_space<vmem>>, vector<1x16xf32>,
      }
      %scan3A_334 = arith.constant 8 : i32
    }
    %scan3A_6 = arith.constant 64 : i32
    %broadcast_in_dim3A_7 = arith.constant 1.000000e+00 : f32
    %broadcast_in_dim3A_8 = vector.broadcast %broadcast_in_dim3A_7 : f32 to vector<16xf32>
    %scan3A_9 = arith.constant 0 : i32
    %scan3A_10 = arith.constant 0 : i32
    %scan3A_11 = arith.constant 8 : i32
    %scan3A_12 = arith.addi %scan3A_10, %scan3A_11 : i32
    %scan3A_13 = arith.constant 1 : i32
    scf.for %scan3A_329 = %scan3A_10 to %scan3A_12 step %scan3A_13  : i32 {
      %mul3A_330 = arith.constant 16 : i32
      %mul3A_331 = arith.muli %scan3A_329, %mul3A_330 : i32
      %swap3A = arith.index_cast %mul3A_331 : i32 to index
      %swap3A_332 = tpu.vector_load %arg26[%swap3A] {strides = array<i32>} : memref<128xf32, #tpu.memory_space<vmem>>, vector<16xf32>,
      %swap3A_333 = vector.shape_cast %swap3A_332 : vector<16xf32> to vector<16xf32>
      %swap3A_334 = vector.shape_cast %broadcast_in_dim3A_8 : vector<16xf32> to vector<16xf32>
      tpu.vector_store %arg26[%swap3A], %swap3A_334 {strides = array<i32>} : memref<128xf32, #tpu.memory_space<vmem>>, vector<16xf32>,
    }
    %scan3A_14 = arith.constant 8 : i32
    %scan3A_15 = arith.constant 0 : i32
    %scan3A_16 = arith.constant 0 : i32
    %scan3A_17 = arith.constant 40 : i32
    %scan3A_18 = arith.addi %scan3A_16, %scan3A_17 : i32
    %scan3A_19 = arith.constant 1 : i32
    scf.for %scan3A_329 = %scan3A_16 to %scan3A_18 step %scan3A_19  : i32 {
      %mul3A_330 = arith.constant 16 : i32
      %mul3A_331 = arith.muli %scan3A_329, %mul3A_330 : i32
      %swap3A = arith.index_cast %mul3A_331 : i32 to index
      %swap3A_332 = tpu.vector_load %arg27[%swap3A] {strides = array<i32>} : memref<640xf32, #tpu.memory_space<vmem>>, vector<16xf32>,
      %swap3A_333 = vector.shape_cast %swap3A_332 : vector<16xf32> to vector<16xf32>
      %swap3A_334 = vector.shape_cast %broadcast_in_dim3A_1 : vector<16xf32> to vector<16xf32>
      tpu.vector_store %arg27[%swap3A], %swap3A_334 {strides = array<i32>} : memref<640xf32, #tpu.memory_space<vmem>>, vector<16xf32>,
    }
    %scan3A_20 = arith.constant 40 : i32
    %mul3A_21 = arith.constant 640 : i32
    %mul3A_22 = arith.muli %arg1, %mul3A_21 : i32
    %add3A_23 = arith.constant 0 : i32
    %add3A_24 = arith.addi %mul3A_22, %add3A_23 : i32
    %dma_start3A = arith.constant 0 : i32
    %dma_start3A_25 = tpu.memref_slice %arg17[%add3A_24, %dma_start3A] : memref<10240x128xf32, #tpu.memory_space<vmem_shared>> -> memref<64x128xf32, #tpu.memory_space<vmem_shared>>
    %dma_start3A_26 = arith.constant 0 : i32
    %dma_start3A_27 = tpu.memref_slice %arg17[%add3A_24, %dma_start3A_26] : memref<10240x128xf32, #tpu.memory_space<vmem_shared>> -> memref<64x128xf32, #tpu.memory_space<vmem_shared>>
    tpu.enqueue_dma source(%arg16 : memref<64x128xf32, #tpu.memory_space<vmem>>) target(%dma_start3A_27 : memref<64x128xf32, #tpu.memory_space<vmem_shared>>) target_semaphore(%arg18 : memref<!tpu.dma_semaphore, #tpu.memory_space<semaphore_mem>>)
    %add3A_28 = arith.constant 64 : i32
    %add3A_29 = arith.addi %mul3A_22, %add3A_28 : i32
    %dma_start3A_30 = arith.constant 0 : i32
    %dma_start3A_31 = tpu.memref_slice %arg17[%add3A_29, %dma_start3A_30] : memref<10240x128xf32, #tpu.memory_space<vmem_shared>> -> memref<64x128xf32, #tpu.memory_space<vmem_shared>>
    %dma_start3A_32 = arith.constant 0 : i32
    %dma_start3A_33 = tpu.memref_slice %arg17[%add3A_29, %dma_start3A_32] : memref<10240x128xf32, #tpu.memory_space<vmem_shared>> -> memref<64x128xf32, #tpu.memory_space<vmem_shared>>
    tpu.enqueue_dma source(%arg16 : memref<64x128xf32, #tpu.memory_space<vmem>>) target(%dma_start3A_33 : memref<64x128xf32, #tpu.memory_space<vmem_shared>>) target_semaphore(%arg18 : memref<!tpu.dma_semaphore, #tpu.memory_space<semaphore_mem>>)
    %add3A_34 = arith.constant 128 : i32
    %add3A_35 = arith.addi %mul3A_22, %add3A_34 : i32
    %dma_start3A_36 = arith.constant 0 : i32
    %dma_start3A_37 = tpu.memref_slice %arg17[%add3A_35, %dma_start3A_36] : memref<10240x128xf32, #tpu.memory_space<vmem_shared>> -> memref<64x128xf32, #tpu.memory_space<vmem_shared>>
    %dma_start3A_38 = arith.constant 0 : i32
    %dma_start3A_39 = tpu.memref_slice %arg17[%add3A_35, %dma_start3A_38] : memref<10240x128xf32, #tpu.memory_space<vmem_shared>> -> memref<64x128xf32, #tpu.memory_space<vmem_shared>>
    tpu.enqueue_dma source(%arg16 : memref<64x128xf32, #tpu.memory_space<vmem>>) target(%dma_start3A_39 : memref<64x128xf32, #tpu.memory_space<vmem_shared>>) target_semaphore(%arg18 : memref<!tpu.dma_semaphore, #tpu.memory_space<semaphore_mem>>)
    %add3A_40 = arith.constant 192 : i32
    %add3A_41 = arith.addi %mul3A_22, %add3A_40 : i32
    %dma_start3A_42 = arith.constant 0 : i32
    %dma_start3A_43 = tpu.memref_slice %arg17[%add3A_41, %dma_start3A_42] : memref<10240x128xf32, #tpu.memory_space<vmem_shared>> -> memref<64x128xf32, #tpu.memory_space<vmem_shared>>
    %dma_start3A_44 = arith.constant 0 : i32
    %dma_start3A_45 = tpu.memref_slice %arg17[%add3A_41, %dma_start3A_44] : memref<10240x128xf32, #tpu.memory_space<vmem_shared>> -> memref<64x128xf32, #tpu.memory_space<vmem_shared>>
    tpu.enqueue_dma source(%arg16 : memref<64x128xf32, #tpu.memory_space<vmem>>) target(%dma_start3A_45 : memref<64x128xf32, #tpu.memory_space<vmem_shared>>) target_semaphore(%arg18 : memref<!tpu.dma_semaphore, #tpu.memory_space<semaphore_mem>>)
    %add3A_46 = arith.constant 256 : i32
    %add3A_47 = arith.addi %mul3A_22, %add3A_46 : i32
    %dma_start3A_48 = arith.constant 0 : i32
    %dma_start3A_49 = tpu.memref_slice %arg17[%add3A_47, %dma_start3A_48] : memref<10240x128xf32, #tpu.memory_space<vmem_shared>> -> memref<64x128xf32, #tpu.memory_space<vmem_shared>>
    %dma_start3A_50 = arith.constant 0 : i32
    %dma_start3A_51 = tpu.memref_slice %arg17[%add3A_47, %dma_start3A_50] : memref<10240x128xf32, #tpu.memory_space<vmem_shared>> -> memref<64x128xf32, #tpu.memory_space<vmem_shared>>
    tpu.enqueue_dma source(%arg16 : memref<64x128xf32, #tpu.memory_space<vmem>>) target(%dma_start3A_51 : memref<64x128xf32, #tpu.memory_space<vmem_shared>>) target_semaphore(%arg18 : memref<!tpu.dma_semaphore, #tpu.memory_space<semaphore_mem>>)
    %add3A_52 = arith.constant 320 : i32
    %add3A_53 = arith.addi %mul3A_22, %add3A_52 : i32
    %dma_start3A_54 = arith.constant 0 : i32
    %dma_start3A_55 = tpu.memref_slice %arg17[%add3A_53, %dma_start3A_54] : memref<10240x128xf32, #tpu.memory_space<vmem_shared>> -> memref<64x128xf32, #tpu.memory_space<vmem_shared>>
    %dma_start3A_56 = arith.constant 0 : i32
    %dma_start3A_57 = tpu.memref_slice %arg17[%add3A_53, %dma_start3A_56] : memref<10240x128xf32, #tpu.memory_space<vmem_shared>> -> memref<64x128xf32, #tpu.memory_space<vmem_shared>>
    tpu.enqueue_dma source(%arg16 : memref<64x128xf32, #tpu.memory_space<vmem>>) target(%dma_start3A_57 : memref<64x128xf32, #tpu.memory_space<vmem_shared>>) target_semaphore(%arg18 : memref<!tpu.dma_semaphore, #tpu.memory_space<semaphore_mem>>)
    %add3A_58 = arith.constant 384 : i32
    %add3A_59 = arith.addi %mul3A_22, %add3A_58 : i32
    %dma_start3A_60 = arith.constant 0 : i32
    %dma_start3A_61 = tpu.memref_slice %arg17[%add3A_59, %dma_start3A_60] : memref<10240x128xf32, #tpu.memory_space<vmem_shared>> -> memref<64x128xf32, #tpu.memory_space<vmem_shared>>
    %dma_start3A_62 = arith.constant 0 : i32
    %dma_start3A_63 = tpu.memref_slice %arg17[%add3A_59, %dma_start3A_62] : memref<10240x128xf32, #tpu.memory_space<vmem_shared>> -> memref<64x128xf32, #tpu.memory_space<vmem_shared>>
    tpu.enqueue_dma source(%arg16 : memref<64x128xf32, #tpu.memory_space<vmem>>) target(%dma_start3A_63 : memref<64x128xf32, #tpu.memory_space<vmem_shared>>) target_semaphore(%arg18 : memref<!tpu.dma_semaphore, #tpu.memory_space<semaphore_mem>>)
    %add3A_64 = arith.constant 448 : i32
    %add3A_65 = arith.addi %mul3A_22, %add3A_64 : i32
    %dma_start3A_66 = arith.constant 0 : i32
    %dma_start3A_67 = tpu.memref_slice %arg17[%add3A_65, %dma_start3A_66] : memref<10240x128xf32, #tpu.memory_space<vmem_shared>> -> memref<64x128xf32, #tpu.memory_space<vmem_shared>>
    %dma_start3A_68 = arith.constant 0 : i32
    %dma_start3A_69 = tpu.memref_slice %arg17[%add3A_65, %dma_start3A_68] : memref<10240x128xf32, #tpu.memory_space<vmem_shared>> -> memref<64x128xf32, #tpu.memory_space<vmem_shared>>
    tpu.enqueue_dma source(%arg16 : memref<64x128xf32, #tpu.memory_space<vmem>>) target(%dma_start3A_69 : memref<64x128xf32, #tpu.memory_space<vmem_shared>>) target_semaphore(%arg18 : memref<!tpu.dma_semaphore, #tpu.memory_space<semaphore_mem>>)
    %add3A_70 = arith.constant 512 : i32
    %add3A_71 = arith.addi %mul3A_22, %add3A_70 : i32
    %dma_start3A_72 = arith.constant 0 : i32
    %dma_start3A_73 = tpu.memref_slice %arg17[%add3A_71, %dma_start3A_72] : memref<10240x128xf32, #tpu.memory_space<vmem_shared>> -> memref<64x128xf32, #tpu.memory_space<vmem_shared>>
    %dma_start3A_74 = arith.constant 0 : i32
    %dma_start3A_75 = tpu.memref_slice %arg17[%add3A_71, %dma_start3A_74] : memref<10240x128xf32, #tpu.memory_space<vmem_shared>> -> memref<64x128xf32, #tpu.memory_space<vmem_shared>>
    tpu.enqueue_dma source(%arg16 : memref<64x128xf32, #tpu.memory_space<vmem>>) target(%dma_start3A_75 : memref<64x128xf32, #tpu.memory_space<vmem_shared>>) target_semaphore(%arg18 : memref<!tpu.dma_semaphore, #tpu.memory_space<semaphore_mem>>)
    %add3A_76 = arith.constant 576 : i32
    %add3A_77 = arith.addi %mul3A_22, %add3A_76 : i32
    %dma_start3A_78 = arith.constant 0 : i32
    %dma_start3A_79 = tpu.memref_slice %arg17[%add3A_77, %dma_start3A_78] : memref<10240x128xf32, #tpu.memory_space<vmem_shared>> -> memref<64x128xf32, #tpu.memory_space<vmem_shared>>
    %dma_start3A_80 = arith.constant 0 : i32
    %dma_start3A_81 = tpu.memref_slice %arg17[%add3A_77, %dma_start3A_80] : memref<10240x128xf32, #tpu.memory_space<vmem_shared>> -> memref<64x128xf32, #tpu.memory_space<vmem_shared>>
    tpu.enqueue_dma source(%arg16 : memref<64x128xf32, #tpu.memory_space<vmem>>) target(%dma_start3A_81 : memref<64x128xf32, #tpu.memory_space<vmem_shared>>) target_semaphore(%arg18 : memref<!tpu.dma_semaphore, #tpu.memory_space<semaphore_mem>>)
    %dma_start3A_82 = tpu.memref_slice %arg28[%mul3A_22] : memref<10240xf32, #tpu.memory_space<vmem_shared>> -> memref<640xf32, #tpu.memory_space<vmem_shared>>
    %dma_start3A_83 = tpu.memref_slice %arg28[%mul3A_22] : memref<10240xf32, #tpu.memory_space<vmem_shared>> -> memref<640xf32, #tpu.memory_space<vmem_shared>>
    tpu.enqueue_dma source(%arg27 : memref<640xf32, #tpu.memory_space<vmem>>) target(%dma_start3A_83 : memref<640xf32, #tpu.memory_space<vmem_shared>>) target_semaphore(%arg18 : memref<!tpu.dma_semaphore, #tpu.memory_space<semaphore_mem>>)
    %dma_wait3A = arith.constant 0 : i32
    %dma_wait3A_84 = tpu.memref_slice %arg17[%add3A_24, %dma_wait3A] : memref<10240x128xf32, #tpu.memory_space<vmem_shared>> -> memref<64x128xf32, #tpu.memory_space<vmem_shared>>
    %dma_wait3A_85 = arith.constant 0 : i32
    %dma_wait3A_86 = tpu.memref_slice %arg17[%add3A_24, %dma_wait3A_85] : memref<10240x128xf32, #tpu.memory_space<vmem_shared>> -> memref<64x128xf32, #tpu.memory_space<vmem_shared>>
    tpu.wait_dma2 semaphore(%arg18 : memref<!tpu.dma_semaphore, #tpu.memory_space<semaphore_mem>>) src(%arg16 : memref<64x128xf32, #tpu.memory_space<vmem>>) dst(%dma_wait3A_86 : memref<64x128xf32, #tpu.memory_space<vmem_shared>>)
    %dma_wait3A_87 = arith.constant 0 : i32
    %dma_wait3A_88 = tpu.memref_slice %arg17[%add3A_29, %dma_wait3A_87] : memref<10240x128xf32, #tpu.memory_space<vmem_shared>> -> memref<64x128xf32, #tpu.memory_space<vmem_shared>>
    %dma_wait3A_89 = arith.constant 0 : i32
    %dma_wait3A_90 = tpu.memref_slice %arg17[%add3A_29, %dma_wait3A_89] : memref<10240x128xf32, #tpu.memory_space<vmem_shared>> -> memref<64x128xf32, #tpu.memory_space<vmem_shared>>
    tpu.wait_dma2 semaphore(%arg18 : memref<!tpu.dma_semaphore, #tpu.memory_space<semaphore_mem>>) src(%arg16 : memref<64x128xf32, #tpu.memory_space<vmem>>) dst(%dma_wait3A_90 : memref<64x128xf32, #tpu.memory_space<vmem_shared>>)
    %dma_wait3A_91 = arith.constant 0 : i32
    %dma_wait3A_92 = tpu.memref_slice %arg17[%add3A_35, %dma_wait3A_91] : memref<10240x128xf32, #tpu.memory_space<vmem_shared>> -> memref<64x128xf32, #tpu.memory_space<vmem_shared>>
    %dma_wait3A_93 = arith.constant 0 : i32
    %dma_wait3A_94 = tpu.memref_slice %arg17[%add3A_35, %dma_wait3A_93] : memref<10240x128xf32, #tpu.memory_space<vmem_shared>> -> memref<64x128xf32, #tpu.memory_space<vmem_shared>>
    tpu.wait_dma2 semaphore(%arg18 : memref<!tpu.dma_semaphore, #tpu.memory_space<semaphore_mem>>) src(%arg16 : memref<64x128xf32, #tpu.memory_space<vmem>>) dst(%dma_wait3A_94 : memref<64x128xf32, #tpu.memory_space<vmem_shared>>)
    %dma_wait3A_95 = arith.constant 0 : i32
    %dma_wait3A_96 = tpu.memref_slice %arg17[%add3A_41, %dma_wait3A_95] : memref<10240x128xf32, #tpu.memory_space<vmem_shared>> -> memref<64x128xf32, #tpu.memory_space<vmem_shared>>
    %dma_wait3A_97 = arith.constant 0 : i32
    %dma_wait3A_98 = tpu.memref_slice %arg17[%add3A_41, %dma_wait3A_97] : memref<10240x128xf32, #tpu.memory_space<vmem_shared>> -> memref<64x128xf32, #tpu.memory_space<vmem_shared>>
    tpu.wait_dma2 semaphore(%arg18 : memref<!tpu.dma_semaphore, #tpu.memory_space<semaphore_mem>>) src(%arg16 : memref<64x128xf32, #tpu.memory_space<vmem>>) dst(%dma_wait3A_98 : memref<64x128xf32, #tpu.memory_space<vmem_shared>>)
    %dma_wait3A_99 = arith.constant 0 : i32
    %dma_wait3A_100 = tpu.memref_slice %arg17[%add3A_47, %dma_wait3A_99] : memref<10240x128xf32, #tpu.memory_space<vmem_shared>> -> memref<64x128xf32, #tpu.memory_space<vmem_shared>>
    %dma_wait3A_101 = arith.constant 0 : i32
    %dma_wait3A_102 = tpu.memref_slice %arg17[%add3A_47, %dma_wait3A_101] : memref<10240x128xf32, #tpu.memory_space<vmem_shared>> -> memref<64x128xf32, #tpu.memory_space<vmem_shared>>
    tpu.wait_dma2 semaphore(%arg18 : memref<!tpu.dma_semaphore, #tpu.memory_space<semaphore_mem>>) src(%arg16 : memref<64x128xf32, #tpu.memory_space<vmem>>) dst(%dma_wait3A_102 : memref<64x128xf32, #tpu.memory_space<vmem_shared>>)
    %dma_wait3A_103 = arith.constant 0 : i32
    %dma_wait3A_104 = tpu.memref_slice %arg17[%add3A_53, %dma_wait3A_103] : memref<10240x128xf32, #tpu.memory_space<vmem_shared>> -> memref<64x128xf32, #tpu.memory_space<vmem_shared>>
    %dma_wait3A_105 = arith.constant 0 : i32
    %dma_wait3A_106 = tpu.memref_slice %arg17[%add3A_53, %dma_wait3A_105] : memref<10240x128xf32, #tpu.memory_space<vmem_shared>> -> memref<64x128xf32, #tpu.memory_space<vmem_shared>>
    tpu.wait_dma2 semaphore(%arg18 : memref<!tpu.dma_semaphore, #tpu.memory_space<semaphore_mem>>) src(%arg16 : memref<64x128xf32, #tpu.memory_space<vmem>>) dst(%dma_wait3A_106 : memref<64x128xf32, #tpu.memory_space<vmem_shared>>)
    %dma_wait3A_107 = arith.constant 0 : i32
    %dma_wait3A_108 = tpu.memref_slice %arg17[%add3A_59, %dma_wait3A_107] : memref<10240x128xf32, #tpu.memory_space<vmem_shared>> -> memref<64x128xf32, #tpu.memory_space<vmem_shared>>
    %dma_wait3A_109 = arith.constant 0 : i32
    %dma_wait3A_110 = tpu.memref_slice %arg17[%add3A_59, %dma_wait3A_109] : memref<10240x128xf32, #tpu.memory_space<vmem_shared>> -> memref<64x128xf32, #tpu.memory_space<vmem_shared>>
    tpu.wait_dma2 semaphore(%arg18 : memref<!tpu.dma_semaphore, #tpu.memory_space<semaphore_mem>>) src(%arg16 : memref<64x128xf32, #tpu.memory_space<vmem>>) dst(%dma_wait3A_110 : memref<64x128xf32, #tpu.memory_space<vmem_shared>>)
    %dma_wait3A_111 = arith.constant 0 : i32
    %dma_wait3A_112 = tpu.memref_slice %arg17[%add3A_65, %dma_wait3A_111] : memref<10240x128xf32, #tpu.memory_space<vmem_shared>> -> memref<64x128xf32, #tpu.memory_space<vmem_shared>>
    %dma_wait3A_113 = arith.constant 0 : i32
    %dma_wait3A_114 = tpu.memref_slice %arg17[%add3A_65, %dma_wait3A_113] : memref<10240x128xf32, #tpu.memory_space<vmem_shared>> -> memref<64x128xf32, #tpu.memory_space<vmem_shared>>
    tpu.wait_dma2 semaphore(%arg18 : memref<!tpu.dma_semaphore, #tpu.memory_space<semaphore_mem>>) src(%arg16 : memref<64x128xf32, #tpu.memory_space<vmem>>) dst(%dma_wait3A_114 : memref<64x128xf32, #tpu.memory_space<vmem_shared>>)
    %dma_wait3A_115 = arith.constant 0 : i32
    %dma_wait3A_116 = tpu.memref_slice %arg17[%add3A_71, %dma_wait3A_115] : memref<10240x128xf32, #tpu.memory_space<vmem_shared>> -> memref<64x128xf32, #tpu.memory_space<vmem_shared>>
    %dma_wait3A_117 = arith.constant 0 : i32
    %dma_wait3A_118 = tpu.memref_slice %arg17[%add3A_71, %dma_wait3A_117] : memref<10240x128xf32, #tpu.memory_space<vmem_shared>> -> memref<64x128xf32, #tpu.memory_space<vmem_shared>>
    tpu.wait_dma2 semaphore(%arg18 : memref<!tpu.dma_semaphore, #tpu.memory_space<semaphore_mem>>) src(%arg16 : memref<64x128xf32, #tpu.memory_space<vmem>>) dst(%dma_wait3A_118 : memref<64x128xf32, #tpu.memory_space<vmem_shared>>)
    %dma_wait3A_119 = arith.constant 0 : i32
    %dma_wait3A_120 = tpu.memref_slice %arg17[%add3A_77, %dma_wait3A_119] : memref<10240x128xf32, #tpu.memory_space<vmem_shared>> -> memref<64x128xf32, #tpu.memory_space<vmem_shared>>
    %dma_wait3A_121 = arith.constant 0 : i32
    %dma_wait3A_122 = tpu.memref_slice %arg17[%add3A_77, %dma_wait3A_121] : memref<10240x128xf32, #tpu.memory_space<vmem_shared>> -> memref<64x128xf32, #tpu.memory_space<vmem_shared>>
    tpu.wait_dma2 semaphore(%arg18 : memref<!tpu.dma_semaphore, #tpu.memory_space<semaphore_mem>>) src(%arg16 : memref<64x128xf32, #tpu.memory_space<vmem>>) dst(%dma_wait3A_122 : memref<64x128xf32, #tpu.memory_space<vmem_shared>>)
    %dma_wait3A_123 = tpu.memref_slice %arg28[%mul3A_22] : memref<10240xf32, #tpu.memory_space<vmem_shared>> -> memref<640xf32, #tpu.memory_space<vmem_shared>>
    %dma_wait3A_124 = tpu.memref_slice %arg28[%mul3A_22] : memref<10240xf32, #tpu.memory_space<vmem_shared>> -> memref<640xf32, #tpu.memory_space<vmem_shared>>
    tpu.wait_dma2 semaphore(%arg18 : memref<!tpu.dma_semaphore, #tpu.memory_space<semaphore_mem>>) src(%arg27 : memref<640xf32, #tpu.memory_space<vmem>>) dst(%dma_wait3A_124 : memref<640xf32, #tpu.memory_space<vmem_shared>>)
    %barrier3A = arith.constant 0 : index
    tpu.barrier barrier_id(%barrier3A)
    %mul3A_125 = arith.constant 10000 : i32
    %mul3A_126 = arith.muli %add3A, %mul3A_125 : i32
    %add3A_127 = arith.constant 0 : i32
    %add3A_128 = arith.addi %mul3A_126, %add3A_127 : i32
    %dma_start3A_129 = tpu.memref_slice %arg2[%add3A_128] : memref<320000xi32, #tpu.memory_space<hbm>> -> memref<128xi32, #tpu.memory_space<hbm>>
    %dma_start3A_130 = tpu.memref_slice %arg2[%add3A_128] : memref<320000xi32, #tpu.memory_space<hbm>> -> memref<128xi32, #tpu.memory_space<hbm>>
    tpu.enqueue_dma source(%dma_start3A_130 : memref<128xi32, #tpu.memory_space<hbm>>) target(%arg7 : memref<128xi32, #tpu.memory_space<vmem>>) target_semaphore(%arg20 : memref<!tpu.dma_semaphore, #tpu.memory_space<semaphore_mem>>)
    %add3A_131 = arith.constant 0 : i32
    %add3A_132 = arith.addi %mul3A_126, %add3A_131 : i32
    %dma_start3A_133 = tpu.memref_slice %arg3[%add3A_132] : memref<320000xi32, #tpu.memory_space<hbm>> -> memref<128xi32, #tpu.memory_space<hbm>>
    %dma_start3A_134 = tpu.memref_slice %arg3[%add3A_132] : memref<320000xi32, #tpu.memory_space<hbm>> -> memref<128xi32, #tpu.memory_space<hbm>>
    tpu.enqueue_dma source(%dma_start3A_134 : memref<128xi32, #tpu.memory_space<hbm>>) target(%arg8 : memref<128xi32, #tpu.memory_space<vmem>>) target_semaphore(%arg22 : memref<!tpu.dma_semaphore, #tpu.memory_space<semaphore_mem>>)
    %add3A_135 = arith.constant 128 : i32
    %add3A_136 = arith.addi %mul3A_126, %add3A_135 : i32
    %dma_start3A_137 = tpu.memref_slice %arg2[%add3A_136] : memref<320000xi32, #tpu.memory_space<hbm>> -> memref<128xi32, #tpu.memory_space<hbm>>
    %dma_start3A_138 = tpu.memref_slice %arg2[%add3A_136] : memref<320000xi32, #tpu.memory_space<hbm>> -> memref<128xi32, #tpu.memory_space<hbm>>
    tpu.enqueue_dma source(%dma_start3A_138 : memref<128xi32, #tpu.memory_space<hbm>>) target(%arg9 : memref<128xi32, #tpu.memory_space<vmem>>) target_semaphore(%arg21 : memref<!tpu.dma_semaphore, #tpu.memory_space<semaphore_mem>>)
    %add3A_139 = arith.constant 128 : i32
    %add3A_140 = arith.addi %mul3A_126, %add3A_139 : i32
    %dma_start3A_141 = tpu.memref_slice %arg3[%add3A_140] : memref<320000xi32, #tpu.memory_space<hbm>> -> memref<128xi32, #tpu.memory_space<hbm>>
    %dma_start3A_142 = tpu.memref_slice %arg3[%add3A_140] : memref<320000xi32, #tpu.memory_space<hbm>> -> memref<128xi32, #tpu.memory_space<hbm>>
    tpu.enqueue_dma source(%dma_start3A_142 : memref<128xi32, #tpu.memory_space<hbm>>) target(%arg10 : memref<128xi32, #tpu.memory_space<vmem>>) target_semaphore(%arg23 : memref<!tpu.dma_semaphore, #tpu.memory_space<semaphore_mem>>)
    %add3A_143 = arith.constant 0 : i32
    %add3A_144 = arith.addi %mul3A_126, %add3A_143 : i32
    %dma_wait3A_145 = tpu.memref_slice %arg2[%add3A_144] : memref<320000xi32, #tpu.memory_space<hbm>> -> memref<128xi32, #tpu.memory_space<hbm>>
    %dma_wait3A_146 = tpu.memref_slice %arg2[%add3A_144] : memref<320000xi32, #tpu.memory_space<hbm>> -> memref<128xi32, #tpu.memory_space<hbm>>
    tpu.wait_dma2 semaphore(%arg20 : memref<!tpu.dma_semaphore, #tpu.memory_space<semaphore_mem>>) src(%dma_wait3A_146 : memref<128xi32, #tpu.memory_space<hbm>>) dst(%arg7 : memref<128xi32, #tpu.memory_space<vmem>>)
    %dma_start3A_147 = arith.constant 0 : i32
    %dma_start3A_148 = arith.constant 0 : i32
    %dma_start3A_149 = tpu.memref_slice %arg4[%dma_start3A_147, %dma_start3A_148] : memref<10000x128xf32, #tpu.memory_space<hbm>> -> memref<10000x128xf32, #tpu.memory_space<hbm>>
    tpu.enqueue_indirect_dma source(%dma_start3A_149 : memref<10000x128xf32, #tpu.memory_space<hbm>>) target(%arg11 : memref<128x128xf32, #tpu.memory_space<vmem>>) offsets(%arg7 : memref<128xi32, #tpu.memory_space<vmem>>) semaphore(%arg18 : memref<!tpu.dma_semaphore, #tpu.memory_space<semaphore_mem>>)
    %scan3A_150 = arith.constant 0 : i32
    %scan3A_151 = arith.constant 0 : i32
    %scan3A_152 = arith.constant 39 : i32
    %scan3A_153 = arith.addi %scan3A_151, %scan3A_152 : i32
    %scan3A_154 = arith.constant 1 : i32
    scf.for %scan3A_329 = %scan3A_151 to %scan3A_153 step %scan3A_154  : i32 {
      %mul3A_330 = arith.constant 2 : i32
      %mul3A_331 = arith.muli %mul3A_330, %scan3A_329 : i32
      %add3A_332 = arith.constant 1 : i32
      %add3A_333 = arith.addi %mul3A_331, %add3A_332 : i32
      %add3A_334 = arith.constant 2 : i32
      %add3A_335 = arith.addi %mul3A_331, %add3A_334 : i32
      %min3A = arith.constant 77 : i32
      %min3A_336 = arith.minsi %add3A_335, %min3A : i32
      %add3A_337 = arith.constant 2 : i32
      %add3A_338 = arith.addi %add3A_333, %add3A_337 : i32
      %min3A_339 = arith.constant 77 : i32
      %min3A_340 = arith.minsi %add3A_338, %min3A_339 : i32
      %mul3A_341 = arith.constant 128 : i32
      %mul3A_342 = arith.muli %add3A_333, %mul3A_341 : i32
      %add3A_343 = arith.addi %mul3A_126, %mul3A_342 : i32
      %dma_wait3A_344 = tpu.memref_slice %arg2[%add3A_343] : memref<320000xi32, #tpu.memory_space<hbm>> -> memref<128xi32, #tpu.memory_space<hbm>>
      %dma_wait3A_345 = tpu.memref_slice %arg2[%add3A_343] : memref<320000xi32, #tpu.memory_space<hbm>> -> memref<128xi32, #tpu.memory_space<hbm>>
      tpu.wait_dma2 semaphore(%arg21 : memref<!tpu.dma_semaphore, #tpu.memory_space<semaphore_mem>>) src(%dma_wait3A_345 : memref<128xi32, #tpu.memory_space<hbm>>) dst(%arg9 : memref<128xi32, #tpu.memory_space<vmem>>)
      %dma_start3A_346 = arith.constant 0 : i32
      %dma_start3A_347 = arith.constant 0 : i32
      %dma_start3A_348 = tpu.memref_slice %arg4[%dma_start3A_346, %dma_start3A_347] : memref<10000x128xf32, #tpu.memory_space<hbm>> -> memref<10000x128xf32, #tpu.memory_space<hbm>>
      tpu.enqueue_indirect_dma source(%dma_start3A_348 : memref<10000x128xf32, #tpu.memory_space<hbm>>) target(%arg12 : memref<128x128xf32, #tpu.memory_space<vmem>>) offsets(%arg9 : memref<128xi32, #tpu.memory_space<vmem>>) semaphore(%arg19 : memref<!tpu.dma_semaphore, #tpu.memory_space<semaphore_mem>>)
      %dma_wait3A_349 = arith.constant 0 : i32
      %dma_wait3A_350 = arith.constant 0 : i32
      %dma_wait3A_351 = tpu.memref_slice %arg4[%dma_wait3A_349, %dma_wait3A_350] : memref<10000x128xf32, #tpu.memory_space<hbm>> -> memref<10000x128xf32, #tpu.memory_space<hbm>>
      tpu.wait_indirect_dma semaphore(%arg18 : memref<!tpu.dma_semaphore, #tpu.memory_space<semaphore_mem>>) src(%dma_wait3A_351 : memref<10000x128xf32, #tpu.memory_space<hbm>>) dst(%arg11 : memref<128x128xf32, #tpu.memory_space<vmem>>)
      %mul3A_352 = arith.constant 128 : i32
      %mul3A_353 = arith.muli %min3A_336, %mul3A_352 : i32
      %add3A_354 = arith.addi %mul3A_126, %mul3A_353 : i32
      %dma_start3A_355 = tpu.memref_slice %arg2[%add3A_354] : memref<320000xi32, #tpu.memory_space<hbm>> -> memref<128xi32, #tpu.memory_space<hbm>>
      %dma_start3A_356 = tpu.memref_slice %arg2[%add3A_354] : memref<320000xi32, #tpu.memory_space<hbm>> -> memref<128xi32, #tpu.memory_space<hbm>>
      tpu.enqueue_dma source(%dma_start3A_356 : memref<128xi32, #tpu.memory_space<hbm>>) target(%arg7 : memref<128xi32, #tpu.memory_space<vmem>>) target_semaphore(%arg20 : memref<!tpu.dma_semaphore, #tpu.memory_space<semaphore_mem>>)
      %mul3A_357 = arith.constant 128 : i32
      %mul3A_358 = arith.muli %mul3A_331, %mul3A_357 : i32
      %add3A_359 = arith.addi %mul3A_126, %mul3A_358 : i32
      %dma_wait3A_360 = tpu.memref_slice %arg3[%add3A_359] : memref<320000xi32, #tpu.memory_space<hbm>> -> memref<128xi32, #tpu.memory_space<hbm>>
      %dma_wait3A_361 = tpu.memref_slice %arg3[%add3A_359] : memref<320000xi32, #tpu.memory_space<hbm>> -> memref<128xi32, #tpu.memory_space<hbm>>
      tpu.wait_dma2 semaphore(%arg22 : memref<!tpu.dma_semaphore, #tpu.memory_space<semaphore_mem>>) src(%dma_wait3A_361 : memref<128xi32, #tpu.memory_space<hbm>>) dst(%arg8 : memref<128xi32, #tpu.memory_space<vmem>>)
      %dma_start3A_362 = arith.constant 0 : i32
      %dma_start3A_363 = arith.constant 0 : i32
      %dma_start3A_364 = tpu.memref_slice %arg17[%dma_start3A_362, %dma_start3A_363] : memref<10240x128xf32, #tpu.memory_space<vmem_shared>> -> memref<10240x128xf32, #tpu.memory_space<vmem_shared>>
      tpu.enqueue_indirect_dma source(%arg11 : memref<128x128xf32, #tpu.memory_space<vmem>>) target(%dma_start3A_364 : memref<10240x128xf32, #tpu.memory_space<vmem_shared>>) offsets(%arg8 : memref<128xi32, #tpu.memory_space<vmem>>) semaphore(%arg24 : memref<!tpu.dma_semaphore, #tpu.memory_space<semaphore_mem>>) {add = true}
      %dma_start3A_365 = arith.constant 0 : i32
      %dma_start3A_366 = tpu.memref_slice %arg28[%dma_start3A_365] : memref<10240xf32, #tpu.memory_space<vmem_shared>> -> memref<10240xf32, #tpu.memory_space<vmem_shared>>
      tpu.enqueue_indirect_dma source(%arg26 : memref<128xf32, #tpu.memory_space<vmem>>) target(%dma_start3A_366 : memref<10240xf32, #tpu.memory_space<vmem_shared>>) offsets(%arg8 : memref<128xi32, #tpu.memory_space<vmem>>) semaphore(%arg24 : memref<!tpu.dma_semaphore, #tpu.memory_space<semaphore_mem>>) {add = true}
      %dma_wait3A_367 = arith.constant 0 : i32
      %dma_wait3A_368 = arith.constant 0 : i32
      %dma_wait3A_369 = tpu.memref_slice %arg4[%dma_wait3A_367, %dma_wait3A_368] : memref<10000x128xf32, #tpu.memory_space<hbm>> -> memref<10000x128xf32, #tpu.memory_space<hbm>>
      tpu.wait_indirect_dma semaphore(%arg19 : memref<!tpu.dma_semaphore, #tpu.memory_space<semaphore_mem>>) src(%dma_wait3A_369 : memref<10000x128xf32, #tpu.memory_space<hbm>>) dst(%arg12 : memref<128x128xf32, #tpu.memory_space<vmem>>)
      %mul3A_370 = arith.constant 128 : i32
      %mul3A_371 = arith.muli %min3A_340, %mul3A_370 : i32
      %add3A_372 = arith.addi %mul3A_126, %mul3A_371 : i32
      %dma_start3A_373 = tpu.memref_slice %arg2[%add3A_372] : memref<320000xi32, #tpu.memory_space<hbm>> -> memref<128xi32, #tpu.memory_space<hbm>>
      %dma_start3A_374 = tpu.memref_slice %arg2[%add3A_372] : memref<320000xi32, #tpu.memory_space<hbm>> -> memref<128xi32, #tpu.memory_space<hbm>>
      tpu.enqueue_dma source(%dma_start3A_374 : memref<128xi32, #tpu.memory_space<hbm>>) target(%arg9 : memref<128xi32, #tpu.memory_space<vmem>>) target_semaphore(%arg21 : memref<!tpu.dma_semaphore, #tpu.memory_space<semaphore_mem>>)
      %mul3A_375 = arith.constant 128 : i32
      %mul3A_376 = arith.muli %add3A_333, %mul3A_375 : i32
      %add3A_377 = arith.addi %mul3A_126, %mul3A_376 : i32
      %dma_wait3A_378 = tpu.memref_slice %arg3[%add3A_377] : memref<320000xi32, #tpu.memory_space<hbm>> -> memref<128xi32, #tpu.memory_space<hbm>>
      %dma_wait3A_379 = tpu.memref_slice %arg3[%add3A_377] : memref<320000xi32, #tpu.memory_space<hbm>> -> memref<128xi32, #tpu.memory_space<hbm>>
      tpu.wait_dma2 semaphore(%arg23 : memref<!tpu.dma_semaphore, #tpu.memory_space<semaphore_mem>>) src(%dma_wait3A_379 : memref<128xi32, #tpu.memory_space<hbm>>) dst(%arg10 : memref<128xi32, #tpu.memory_space<vmem>>)
      %dma_start3A_380 = arith.constant 0 : i32
      %dma_start3A_381 = arith.constant 0 : i32
      %dma_start3A_382 = tpu.memref_slice %arg17[%dma_start3A_380, %dma_start3A_381] : memref<10240x128xf32, #tpu.memory_space<vmem_shared>> -> memref<10240x128xf32, #tpu.memory_space<vmem_shared>>
      tpu.enqueue_indirect_dma source(%arg12 : memref<128x128xf32, #tpu.memory_space<vmem>>) target(%dma_start3A_382 : memref<10240x128xf32, #tpu.memory_space<vmem_shared>>) offsets(%arg10 : memref<128xi32, #tpu.memory_space<vmem>>) semaphore(%arg25 : memref<!tpu.dma_semaphore, #tpu.memory_space<semaphore_mem>>) {add = true}
      %dma_start3A_383 = arith.constant 0 : i32
      %dma_start3A_384 = tpu.memref_slice %arg28[%dma_start3A_383] : memref<10240xf32, #tpu.memory_space<vmem_shared>> -> memref<10240xf32, #tpu.memory_space<vmem_shared>>
      tpu.enqueue_indirect_dma source(%arg26 : memref<128xf32, #tpu.memory_space<vmem>>) target(%dma_start3A_384 : memref<10240xf32, #tpu.memory_space<vmem_shared>>) offsets(%arg10 : memref<128xi32, #tpu.memory_space<vmem>>) semaphore(%arg25 : memref<!tpu.dma_semaphore, #tpu.memory_space<semaphore_mem>>) {add = true}
      %dma_wait3A_385 = arith.constant 0 : i32
      %dma_wait3A_386 = arith.constant 0 : i32
      %dma_wait3A_387 = tpu.memref_slice %arg17[%dma_wait3A_385, %dma_wait3A_386] : memref<10240x128xf32, #tpu.memory_space<vmem_shared>> -> memref<10240x128xf32, #tpu.memory_space<vmem_shared>>
      tpu.wait_indirect_dma semaphore(%arg24 : memref<!tpu.dma_semaphore, #tpu.memory_space<semaphore_mem>>) src(%arg11 : memref<128x128xf32, #tpu.memory_space<vmem>>) dst(%dma_wait3A_387 : memref<10240x128xf32, #tpu.memory_space<vmem_shared>>)
      %dma_wait3A_388 = arith.constant 0 : i32
      %dma_wait3A_389 = tpu.memref_slice %arg28[%dma_wait3A_388] : memref<10240xf32, #tpu.memory_space<vmem_shared>> -> memref<10240xf32, #tpu.memory_space<vmem_shared>>
      tpu.wait_indirect_dma semaphore(%arg24 : memref<!tpu.dma_semaphore, #tpu.memory_space<semaphore_mem>>) src(%arg26 : memref<128xf32, #tpu.memory_space<vmem>>) dst(%dma_wait3A_389 : memref<10240xf32, #tpu.memory_space<vmem_shared>>)
      %mul3A_390 = arith.constant 128 : i32
      %mul3A_391 = arith.muli %min3A_336, %mul3A_390 : i32
      %add3A_392 = arith.addi %mul3A_126, %mul3A_391 : i32
      %dma_start3A_393 = tpu.memref_slice %arg3[%add3A_392] : memref<320000xi32, #tpu.memory_space<hbm>> -> memref<128xi32, #tpu.memory_space<hbm>>
      %dma_start3A_394 = tpu.memref_slice %arg3[%add3A_392] : memref<320000xi32, #tpu.memory_space<hbm>> -> memref<128xi32, #tpu.memory_space<hbm>>
      tpu.enqueue_dma source(%dma_start3A_394 : memref<128xi32, #tpu.memory_space<hbm>>) target(%arg8 : memref<128xi32, #tpu.memory_space<vmem>>) target_semaphore(%arg22 : memref<!tpu.dma_semaphore, #tpu.memory_space<semaphore_mem>>)
      %mul3A_395 = arith.constant 128 : i32
      %mul3A_396 = arith.muli %min3A_336, %mul3A_395 : i32
      %add3A_397 = arith.addi %mul3A_126, %mul3A_396 : i32
      %dma_wait3A_398 = tpu.memref_slice %arg2[%add3A_397] : memref<320000xi32, #tpu.memory_space<hbm>> -> memref<128xi32, #tpu.memory_space<hbm>>
      %dma_wait3A_399 = tpu.memref_slice %arg2[%add3A_397] : memref<320000xi32, #tpu.memory_space<hbm>> -> memref<128xi32, #tpu.memory_space<hbm>>
      tpu.wait_dma2 semaphore(%arg20 : memref<!tpu.dma_semaphore, #tpu.memory_space<semaphore_mem>>) src(%dma_wait3A_399 : memref<128xi32, #tpu.memory_space<hbm>>) dst(%arg7 : memref<128xi32, #tpu.memory_space<vmem>>)
      %dma_start3A_400 = arith.constant 0 : i32
      %dma_start3A_401 = arith.constant 0 : i32
      %dma_start3A_402 = tpu.memref_slice %arg4[%dma_start3A_400, %dma_start3A_401] : memref<10000x128xf32, #tpu.memory_space<hbm>> -> memref<10000x128xf32, #tpu.memory_space<hbm>>
      tpu.enqueue_indirect_dma source(%dma_start3A_402 : memref<10000x128xf32, #tpu.memory_space<hbm>>) target(%arg11 : memref<128x128xf32, #tpu.memory_space<vmem>>) offsets(%arg7 : memref<128xi32, #tpu.memory_space<vmem>>) semaphore(%arg18 : memref<!tpu.dma_semaphore, #tpu.memory_space<semaphore_mem>>)
      %dma_wait3A_403 = arith.constant 0 : i32
      %dma_wait3A_404 = arith.constant 0 : i32
      %dma_wait3A_405 = tpu.memref_slice %arg17[%dma_wait3A_403, %dma_wait3A_404] : memref<10240x128xf32, #tpu.memory_space<vmem_shared>> -> memref<10240x128xf32, #tpu.memory_space<vmem_shared>>
      tpu.wait_indirect_dma semaphore(%arg25 : memref<!tpu.dma_semaphore, #tpu.memory_space<semaphore_mem>>) src(%arg12 : memref<128x128xf32, #tpu.memory_space<vmem>>) dst(%dma_wait3A_405 : memref<10240x128xf32, #tpu.memory_space<vmem_shared>>)
      %dma_wait3A_406 = arith.constant 0 : i32
      %dma_wait3A_407 = tpu.memref_slice %arg28[%dma_wait3A_406] : memref<10240xf32, #tpu.memory_space<vmem_shared>> -> memref<10240xf32, #tpu.memory_space<vmem_shared>>
      tpu.wait_indirect_dma semaphore(%arg25 : memref<!tpu.dma_semaphore, #tpu.memory_space<semaphore_mem>>) src(%arg26 : memref<128xf32, #tpu.memory_space<vmem>>) dst(%dma_wait3A_407 : memref<10240xf32, #tpu.memory_space<vmem_shared>>)
      %mul3A_408 = arith.constant 128 : i32
      %mul3A_409 = arith.muli %min3A_340, %mul3A_408 : i32
      %add3A_410 = arith.addi %mul3A_126, %mul3A_409 : i32
      %dma_start3A_411 = tpu.memref_slice %arg3[%add3A_410] : memref<320000xi32, #tpu.memory_space<hbm>> -> memref<128xi32, #tpu.memory_space<hbm>>
      %dma_start3A_412 = tpu.memref_slice %arg3[%add3A_410] : memref<320000xi32, #tpu.memory_space<hbm>> -> memref<128xi32, #tpu.memory_space<hbm>>
      tpu.enqueue_dma source(%dma_start3A_412 : memref<128xi32, #tpu.memory_space<hbm>>) target(%arg10 : memref<128xi32, #tpu.memory_space<vmem>>) target_semaphore(%arg23 : memref<!tpu.dma_semaphore, #tpu.memory_space<semaphore_mem>>)
    }
    %scan3A_155 = arith.constant 39 : i32
    %add3A_156 = arith.constant 9984 : i32
    %add3A_157 = arith.addi %mul3A_126, %add3A_156 : i32
    "tpu.region"() ({
      %run_scoped3A = tpu.sem_alloc : memref<!tpu.dma_semaphore, #tpu.memory_space<semaphore_mem>>
      %dma_start3A_329 = tpu.memref_slice %arg2[%add3A_157] : memref<320000xi32, #tpu.memory_space<hbm>> -> memref<16xi32, #tpu.memory_space<hbm>>
      %dma_start3A_330 = tpu.memref_slice %arg2[%add3A_157] : memref<320000xi32, #tpu.memory_space<hbm>> -> memref<16xi32, #tpu.memory_space<hbm>>
      tpu.enqueue_dma source(%dma_start3A_330 : memref<16xi32, #tpu.memory_space<hbm>>) target(%arg13 : memref<16xi32, #tpu.memory_space<vmem>>) target_semaphore(%run_scoped3A : memref<!tpu.dma_semaphore, #tpu.memory_space<semaphore_mem>>)
      %dma_wait3A_331 = tpu.memref_slice %arg2[%add3A_157] : memref<320000xi32, #tpu.memory_space<hbm>> -> memref<16xi32, #tpu.memory_space<hbm>>
      %dma_wait3A_332 = tpu.memref_slice %arg2[%add3A_157] : memref<320000xi32, #tpu.memory_space<hbm>> -> memref<16xi32, #tpu.memory_space<hbm>>
      tpu.wait_dma2 semaphore(%run_scoped3A : memref<!tpu.dma_semaphore, #tpu.memory_space<semaphore_mem>>) src(%dma_wait3A_332 : memref<16xi32, #tpu.memory_space<hbm>>) dst(%arg13 : memref<16xi32, #tpu.memory_space<vmem>>)
      tpu.yield
    }) : () -> ()
    %add3A_158 = arith.constant 9984 : i32
    %add3A_159 = arith.addi %mul3A_126, %add3A_158 : i32
    "tpu.region"() ({
      %run_scoped3A = tpu.sem_alloc : memref<!tpu.dma_semaphore, #tpu.memory_space<semaphore_mem>>
      %dma_start3A_329 = tpu.memref_slice %arg3[%add3A_159] : memref<320000xi32, #tpu.memory_space<hbm>> -> memref<16xi32, #tpu.memory_space<hbm>>
      %dma_start3A_330 = tpu.memref_slice %arg3[%add3A_159] : memref<320000xi32, #tpu.memory_space<hbm>> -> memref<16xi32, #tpu.memory_space<hbm>>
      tpu.enqueue_dma source(%dma_start3A_330 : memref<16xi32, #tpu.memory_space<hbm>>) target(%arg14 : memref<16xi32, #tpu.memory_space<vmem>>) target_semaphore(%run_scoped3A : memref<!tpu.dma_semaphore, #tpu.memory_space<semaphore_mem>>)
      %dma_wait3A_331 = tpu.memref_slice %arg3[%add3A_159] : memref<320000xi32, #tpu.memory_space<hbm>> -> memref<16xi32, #tpu.memory_space<hbm>>
      %dma_wait3A_332 = tpu.memref_slice %arg3[%add3A_159] : memref<320000xi32, #tpu.memory_space<hbm>> -> memref<16xi32, #tpu.memory_space<hbm>>
      tpu.wait_dma2 semaphore(%run_scoped3A : memref<!tpu.dma_semaphore, #tpu.memory_space<semaphore_mem>>) src(%dma_wait3A_332 : memref<16xi32, #tpu.memory_space<hbm>>) dst(%arg14 : memref<16xi32, #tpu.memory_space<vmem>>)
      tpu.yield
    }) : () -> ()
    %dma_start3A_160 = arith.constant 0 : i32
    %dma_start3A_161 = arith.constant 0 : i32
    %dma_start3A_162 = tpu.memref_slice %arg4[%dma_start3A_160, %dma_start3A_161] : memref<10000x128xf32, #tpu.memory_space<hbm>> -> memref<10000x128xf32, #tpu.memory_space<hbm>>
    tpu.enqueue_indirect_dma source(%dma_start3A_162 : memref<10000x128xf32, #tpu.memory_space<hbm>>) target(%arg15 : memref<16x128xf32, #tpu.memory_space<vmem>>) offsets(%arg13 : memref<16xi32, #tpu.memory_space<vmem>>) semaphore(%arg19 : memref<!tpu.dma_semaphore, #tpu.memory_space<semaphore_mem>>)
    %dma_wait3A_163 = arith.constant 0 : i32
    %dma_wait3A_164 = arith.constant 0 : i32
    %dma_wait3A_165 = tpu.memref_slice %arg4[%dma_wait3A_163, %dma_wait3A_164] : memref<10000x128xf32, #tpu.memory_space<hbm>> -> memref<10000x128xf32, #tpu.memory_space<hbm>>
    tpu.wait_indirect_dma semaphore(%arg19 : memref<!tpu.dma_semaphore, #tpu.memory_space<semaphore_mem>>) src(%dma_wait3A_165 : memref<10000x128xf32, #tpu.memory_space<hbm>>) dst(%arg15 : memref<16x128xf32, #tpu.memory_space<vmem>>)
    "tpu.region"() ({
      %run_scoped3A = tpu.sem_alloc : memref<!tpu.dma_semaphore, #tpu.memory_space<semaphore_mem>>
      %dma_start3A_329 = arith.constant 0 : i32
      %dma_start3A_330 = arith.constant 0 : i32
      %dma_start3A_331 = tpu.memref_slice %arg17[%dma_start3A_329, %dma_start3A_330] : memref<10240x128xf32, #tpu.memory_space<vmem_shared>> -> memref<10240x128xf32, #tpu.memory_space<vmem_shared>>
      tpu.enqueue_indirect_dma source(%arg15 : memref<16x128xf32, #tpu.memory_space<vmem>>) target(%dma_start3A_331 : memref<10240x128xf32, #tpu.memory_space<vmem_shared>>) offsets(%arg14 : memref<16xi32, #tpu.memory_space<vmem>>) semaphore(%run_scoped3A : memref<!tpu.dma_semaphore, #tpu.memory_space<semaphore_mem>>) {add = true}
      %dma_wait3A_332 = arith.constant 0 : i32
      %dma_wait3A_333 = arith.constant 0 : i32
      %dma_wait3A_334 = tpu.memref_slice %arg17[%dma_wait3A_332, %dma_wait3A_333] : memref<10240x128xf32, #tpu.memory_space<vmem_shared>> -> memref<10240x128xf32, #tpu.memory_space<vmem_shared>>
      tpu.wait_indirect_dma semaphore(%run_scoped3A : memref<!tpu.dma_semaphore, #tpu.memory_space<semaphore_mem>>) src(%arg15 : memref<16x128xf32, #tpu.memory_space<vmem>>) dst(%dma_wait3A_334 : memref<10240x128xf32, #tpu.memory_space<vmem_shared>>)
      tpu.yield
    }) : () -> ()
    "tpu.region"() ({
      %run_scoped3A = tpu.sem_alloc : memref<!tpu.dma_semaphore, #tpu.memory_space<semaphore_mem>>
      %dma_start3A_329 = arith.constant 0 : i32
      %dma_start3A_330 = tpu.memref_slice %arg26[%dma_start3A_329] : memref<128xf32, #tpu.memory_space<vmem>> -> memref<16xf32, #tpu.memory_space<vmem>>
      %dma_start3A_331 = arith.constant 0 : i32
      %dma_start3A_332 = tpu.memref_slice %arg28[%dma_start3A_331] : memref<10240xf32, #tpu.memory_space<vmem_shared>> -> memref<10240xf32, #tpu.memory_space<vmem_shared>>
      tpu.enqueue_indirect_dma source(%dma_start3A_330 : memref<16xf32, #tpu.memory_space<vmem>>) target(%dma_start3A_332 : memref<10240xf32, #tpu.memory_space<vmem_shared>>) offsets(%arg14 : memref<16xi32, #tpu.memory_space<vmem>>) semaphore(%run_scoped3A : memref<!tpu.dma_semaphore, #tpu.memory_space<semaphore_mem>>) {add = true}
      %dma_wait3A_333 = arith.constant 0 : i32
      %dma_wait3A_334 = tpu.memref_slice %arg26[%dma_wait3A_333] : memref<128xf32, #tpu.memory_space<vmem>> -> memref<16xf32, #tpu.memory_space<vmem>>
      %dma_wait3A_335 = arith.constant 0 : i32
      %dma_wait3A_336 = tpu.memref_slice %arg28[%dma_wait3A_335] : memref<10240xf32, #tpu.memory_space<vmem_shared>> -> memref<10240xf32, #tpu.memory_space<vmem_shared>>
      tpu.wait_indirect_dma semaphore(%run_scoped3A : memref<!tpu.dma_semaphore, #tpu.memory_space<semaphore_mem>>) src(%dma_wait3A_334 : memref<16xf32, #tpu.memory_space<vmem>>) dst(%dma_wait3A_336 : memref<10240xf32, #tpu.memory_space<vmem_shared>>)
      tpu.yield
    }) : () -> ()
    %dma_wait3A_166 = arith.constant 0 : i32
    %dma_wait3A_167 = arith.constant 0 : i32
    %dma_wait3A_168 = tpu.memref_slice %arg4[%dma_wait3A_166, %dma_wait3A_167] : memref<10000x128xf32, #tpu.memory_space<hbm>> -> memref<10000x128xf32, #tpu.memory_space<hbm>>
    tpu.wait_indirect_dma semaphore(%arg18 : memref<!tpu.dma_semaphore, #tpu.memory_space<semaphore_mem>>) src(%dma_wait3A_168 : memref<10000x128xf32, #tpu.memory_space<hbm>>) dst(%arg11 : memref<128x128xf32, #tpu.memory_space<vmem>>)
    %add3A_169 = arith.constant 9856 : i32
    %add3A_170 = arith.addi %mul3A_126, %add3A_169 : i32
    %dma_wait3A_171 = tpu.memref_slice %arg3[%add3A_170] : memref<320000xi32, #tpu.memory_space<hbm>> -> memref<128xi32, #tpu.memory_space<hbm>>
    %dma_wait3A_172 = tpu.memref_slice %arg3[%add3A_170] : memref<320000xi32, #tpu.memory_space<hbm>> -> memref<128xi32, #tpu.memory_space<hbm>>
    tpu.wait_dma2 semaphore(%arg22 : memref<!tpu.dma_semaphore, #tpu.memory_space<semaphore_mem>>) src(%dma_wait3A_172 : memref<128xi32, #tpu.memory_space<hbm>>) dst(%arg8 : memref<128xi32, #tpu.memory_space<vmem>>)
    %add3A_173 = arith.constant 9856 : i32
    %add3A_174 = arith.addi %mul3A_126, %add3A_173 : i32
    %dma_wait3A_175 = tpu.memref_slice %arg2[%add3A_174] : memref<320000xi32, #tpu.memory_space<hbm>> -> memref<128xi32, #tpu.memory_space<hbm>>
    %dma_wait3A_176 = tpu.memref_slice %arg2[%add3A_174] : memref<320000xi32, #tpu.memory_space<hbm>> -> memref<128xi32, #tpu.memory_space<hbm>>
    tpu.wait_dma2 semaphore(%arg21 : memref<!tpu.dma_semaphore, #tpu.memory_space<semaphore_mem>>) src(%dma_wait3A_176 : memref<128xi32, #tpu.memory_space<hbm>>) dst(%arg9 : memref<128xi32, #tpu.memory_space<vmem>>)
    %add3A_177 = arith.constant 9856 : i32
    %add3A_178 = arith.addi %mul3A_126, %add3A_177 : i32
    %dma_wait3A_179 = tpu.memref_slice %arg3[%add3A_178] : memref<320000xi32, #tpu.memory_space<hbm>> -> memref<128xi32, #tpu.memory_space<hbm>>
    %dma_wait3A_180 = tpu.memref_slice %arg3[%add3A_178] : memref<320000xi32, #tpu.memory_space<hbm>> -> memref<128xi32, #tpu.memory_space<hbm>>
    tpu.wait_dma2 semaphore(%arg23 : memref<!tpu.dma_semaphore, #tpu.memory_space<semaphore_mem>>) src(%dma_wait3A_180 : memref<128xi32, #tpu.memory_space<hbm>>) dst(%arg10 : memref<128xi32, #tpu.memory_space<vmem>>)
    %barrier3A_181 = arith.constant 0 : index
    tpu.barrier barrier_id(%barrier3A_181)
    %add3A_182 = arith.constant 0 : i32
    %add3A_183 = arith.addi %mul3A_22, %add3A_182 : i32
    %add3A_184 = arith.constant 0 : i32
    %add3A_185 = arith.addi %mul3A_22, %add3A_184 : i32
    %dma_start3A_186 = arith.constant 0 : i32
    %dma_start3A_187 = tpu.memref_slice %arg5[%arg0, %add3A_185, %dma_start3A_186] : memref<2x10240x128xf32, #tpu.memory_space<hbm>> -> memref<1x64x128xf32, #tpu.memory_space<hbm>>
    %dma_start3A_188 = tpu.memref_squeeze %dma_start3A_187 : memref<1x64x128xf32, #tpu.memory_space<hbm>> -> memref<64x128xf32, #tpu.memory_space<hbm>>
    %dma_start3A_189 = arith.constant 0 : i32
    %dma_start3A_190 = tpu.memref_slice %arg17[%add3A_183, %dma_start3A_189] : memref<10240x128xf32, #tpu.memory_space<vmem_shared>> -> memref<64x128xf32, #tpu.memory_space<vmem_shared>>
    tpu.enqueue_dma source(%dma_start3A_190 : memref<64x128xf32, #tpu.memory_space<vmem_shared>>) target(%dma_start3A_188 : memref<64x128xf32, #tpu.memory_space<hbm>>) target_semaphore(%arg19 : memref<!tpu.dma_semaphore, #tpu.memory_space<semaphore_mem>>)
    %add3A_191 = arith.constant 64 : i32
    %add3A_192 = arith.addi %mul3A_22, %add3A_191 : i32
    %add3A_193 = arith.constant 64 : i32
    %add3A_194 = arith.addi %mul3A_22, %add3A_193 : i32
    %dma_start3A_195 = arith.constant 0 : i32
    %dma_start3A_196 = tpu.memref_slice %arg5[%arg0, %add3A_194, %dma_start3A_195] : memref<2x10240x128xf32, #tpu.memory_space<hbm>> -> memref<1x64x128xf32, #tpu.memory_space<hbm>>
    %dma_start3A_197 = tpu.memref_squeeze %dma_start3A_196 : memref<1x64x128xf32, #tpu.memory_space<hbm>> -> memref<64x128xf32, #tpu.memory_space<hbm>>
    %dma_start3A_198 = arith.constant 0 : i32
    %dma_start3A_199 = tpu.memref_slice %arg17[%add3A_192, %dma_start3A_198] : memref<10240x128xf32, #tpu.memory_space<vmem_shared>> -> memref<64x128xf32, #tpu.memory_space<vmem_shared>>
    tpu.enqueue_dma source(%dma_start3A_199 : memref<64x128xf32, #tpu.memory_space<vmem_shared>>) target(%dma_start3A_197 : memref<64x128xf32, #tpu.memory_space<hbm>>) target_semaphore(%arg19 : memref<!tpu.dma_semaphore, #tpu.memory_space<semaphore_mem>>)
    %add3A_200 = arith.constant 128 : i32
    %add3A_201 = arith.addi %mul3A_22, %add3A_200 : i32
    %add3A_202 = arith.constant 128 : i32
    %add3A_203 = arith.addi %mul3A_22, %add3A_202 : i32
    %dma_start3A_204 = arith.constant 0 : i32
    %dma_start3A_205 = tpu.memref_slice %arg5[%arg0, %add3A_203, %dma_start3A_204] : memref<2x10240x128xf32, #tpu.memory_space<hbm>> -> memref<1x64x128xf32, #tpu.memory_space<hbm>>
    %dma_start3A_206 = tpu.memref_squeeze %dma_start3A_205 : memref<1x64x128xf32, #tpu.memory_space<hbm>> -> memref<64x128xf32, #tpu.memory_space<hbm>>
    %dma_start3A_207 = arith.constant 0 : i32
    %dma_start3A_208 = tpu.memref_slice %arg17[%add3A_201, %dma_start3A_207] : memref<10240x128xf32, #tpu.memory_space<vmem_shared>> -> memref<64x128xf32, #tpu.memory_space<vmem_shared>>
    tpu.enqueue_dma source(%dma_start3A_208 : memref<64x128xf32, #tpu.memory_space<vmem_shared>>) target(%dma_start3A_206 : memref<64x128xf32, #tpu.memory_space<hbm>>) target_semaphore(%arg19 : memref<!tpu.dma_semaphore, #tpu.memory_space<semaphore_mem>>)
    %add3A_209 = arith.constant 192 : i32
    %add3A_210 = arith.addi %mul3A_22, %add3A_209 : i32
    %add3A_211 = arith.constant 192 : i32
    %add3A_212 = arith.addi %mul3A_22, %add3A_211 : i32
    %dma_start3A_213 = arith.constant 0 : i32
    %dma_start3A_214 = tpu.memref_slice %arg5[%arg0, %add3A_212, %dma_start3A_213] : memref<2x10240x128xf32, #tpu.memory_space<hbm>> -> memref<1x64x128xf32, #tpu.memory_space<hbm>>
    %dma_start3A_215 = tpu.memref_squeeze %dma_start3A_214 : memref<1x64x128xf32, #tpu.memory_space<hbm>> -> memref<64x128xf32, #tpu.memory_space<hbm>>
    %dma_start3A_216 = arith.constant 0 : i32
    %dma_start3A_217 = tpu.memref_slice %arg17[%add3A_210, %dma_start3A_216] : memref<10240x128xf32, #tpu.memory_space<vmem_shared>> -> memref<64x128xf32, #tpu.memory_space<vmem_shared>>
    tpu.enqueue_dma source(%dma_start3A_217 : memref<64x128xf32, #tpu.memory_space<vmem_shared>>) target(%dma_start3A_215 : memref<64x128xf32, #tpu.memory_space<hbm>>) target_semaphore(%arg19 : memref<!tpu.dma_semaphore, #tpu.memory_space<semaphore_mem>>)
    %add3A_218 = arith.constant 256 : i32
    %add3A_219 = arith.addi %mul3A_22, %add3A_218 : i32
    %add3A_220 = arith.constant 256 : i32
    %add3A_221 = arith.addi %mul3A_22, %add3A_220 : i32
    %dma_start3A_222 = arith.constant 0 : i32
    %dma_start3A_223 = tpu.memref_slice %arg5[%arg0, %add3A_221, %dma_start3A_222] : memref<2x10240x128xf32, #tpu.memory_space<hbm>> -> memref<1x64x128xf32, #tpu.memory_space<hbm>>
    %dma_start3A_224 = tpu.memref_squeeze %dma_start3A_223 : memref<1x64x128xf32, #tpu.memory_space<hbm>> -> memref<64x128xf32, #tpu.memory_space<hbm>>
    %dma_start3A_225 = arith.constant 0 : i32
    %dma_start3A_226 = tpu.memref_slice %arg17[%add3A_219, %dma_start3A_225] : memref<10240x128xf32, #tpu.memory_space<vmem_shared>> -> memref<64x128xf32, #tpu.memory_space<vmem_shared>>
    tpu.enqueue_dma source(%dma_start3A_226 : memref<64x128xf32, #tpu.memory_space<vmem_shared>>) target(%dma_start3A_224 : memref<64x128xf32, #tpu.memory_space<hbm>>) target_semaphore(%arg19 : memref<!tpu.dma_semaphore, #tpu.memory_space<semaphore_mem>>)
    %add3A_227 = arith.constant 320 : i32
    %add3A_228 = arith.addi %mul3A_22, %add3A_227 : i32
    %add3A_229 = arith.constant 320 : i32
    %add3A_230 = arith.addi %mul3A_22, %add3A_229 : i32
    %dma_start3A_231 = arith.constant 0 : i32
    %dma_start3A_232 = tpu.memref_slice %arg5[%arg0, %add3A_230, %dma_start3A_231] : memref<2x10240x128xf32, #tpu.memory_space<hbm>> -> memref<1x64x128xf32, #tpu.memory_space<hbm>>
    %dma_start3A_233 = tpu.memref_squeeze %dma_start3A_232 : memref<1x64x128xf32, #tpu.memory_space<hbm>> -> memref<64x128xf32, #tpu.memory_space<hbm>>
    %dma_start3A_234 = arith.constant 0 : i32
    %dma_start3A_235 = tpu.memref_slice %arg17[%add3A_228, %dma_start3A_234] : memref<10240x128xf32, #tpu.memory_space<vmem_shared>> -> memref<64x128xf32, #tpu.memory_space<vmem_shared>>
    tpu.enqueue_dma source(%dma_start3A_235 : memref<64x128xf32, #tpu.memory_space<vmem_shared>>) target(%dma_start3A_233 : memref<64x128xf32, #tpu.memory_space<hbm>>) target_semaphore(%arg19 : memref<!tpu.dma_semaphore, #tpu.memory_space<semaphore_mem>>)
    %add3A_236 = arith.constant 384 : i32
    %add3A_237 = arith.addi %mul3A_22, %add3A_236 : i32
    %add3A_238 = arith.constant 384 : i32
    %add3A_239 = arith.addi %mul3A_22, %add3A_238 : i32
    %dma_start3A_240 = arith.constant 0 : i32
    %dma_start3A_241 = tpu.memref_slice %arg5[%arg0, %add3A_239, %dma_start3A_240] : memref<2x10240x128xf32, #tpu.memory_space<hbm>> -> memref<1x64x128xf32, #tpu.memory_space<hbm>>
    %dma_start3A_242 = tpu.memref_squeeze %dma_start3A_241 : memref<1x64x128xf32, #tpu.memory_space<hbm>> -> memref<64x128xf32, #tpu.memory_space<hbm>>
    %dma_start3A_243 = arith.constant 0 : i32
    %dma_start3A_244 = tpu.memref_slice %arg17[%add3A_237, %dma_start3A_243] : memref<10240x128xf32, #tpu.memory_space<vmem_shared>> -> memref<64x128xf32, #tpu.memory_space<vmem_shared>>
    tpu.enqueue_dma source(%dma_start3A_244 : memref<64x128xf32, #tpu.memory_space<vmem_shared>>) target(%dma_start3A_242 : memref<64x128xf32, #tpu.memory_space<hbm>>) target_semaphore(%arg19 : memref<!tpu.dma_semaphore, #tpu.memory_space<semaphore_mem>>)
    %add3A_245 = arith.constant 448 : i32
    %add3A_246 = arith.addi %mul3A_22, %add3A_245 : i32
    %add3A_247 = arith.constant 448 : i32
    %add3A_248 = arith.addi %mul3A_22, %add3A_247 : i32
    %dma_start3A_249 = arith.constant 0 : i32
    %dma_start3A_250 = tpu.memref_slice %arg5[%arg0, %add3A_248, %dma_start3A_249] : memref<2x10240x128xf32, #tpu.memory_space<hbm>> -> memref<1x64x128xf32, #tpu.memory_space<hbm>>
    %dma_start3A_251 = tpu.memref_squeeze %dma_start3A_250 : memref<1x64x128xf32, #tpu.memory_space<hbm>> -> memref<64x128xf32, #tpu.memory_space<hbm>>
    %dma_start3A_252 = arith.constant 0 : i32
    %dma_start3A_253 = tpu.memref_slice %arg17[%add3A_246, %dma_start3A_252] : memref<10240x128xf32, #tpu.memory_space<vmem_shared>> -> memref<64x128xf32, #tpu.memory_space<vmem_shared>>
    tpu.enqueue_dma source(%dma_start3A_253 : memref<64x128xf32, #tpu.memory_space<vmem_shared>>) target(%dma_start3A_251 : memref<64x128xf32, #tpu.memory_space<hbm>>) target_semaphore(%arg19 : memref<!tpu.dma_semaphore, #tpu.memory_space<semaphore_mem>>)
    %add3A_254 = arith.constant 512 : i32
    %add3A_255 = arith.addi %mul3A_22, %add3A_254 : i32
    %add3A_256 = arith.constant 512 : i32
    %add3A_257 = arith.addi %mul3A_22, %add3A_256 : i32
    %dma_start3A_258 = arith.constant 0 : i32
    %dma_start3A_259 = tpu.memref_slice %arg5[%arg0, %add3A_257, %dma_start3A_258] : memref<2x10240x128xf32, #tpu.memory_space<hbm>> -> memref<1x64x128xf32, #tpu.memory_space<hbm>>
    %dma_start3A_260 = tpu.memref_squeeze %dma_start3A_259 : memref<1x64x128xf32, #tpu.memory_space<hbm>> -> memref<64x128xf32, #tpu.memory_space<hbm>>
    %dma_start3A_261 = arith.constant 0 : i32
    %dma_start3A_262 = tpu.memref_slice %arg17[%add3A_255, %dma_start3A_261] : memref<10240x128xf32, #tpu.memory_space<vmem_shared>> -> memref<64x128xf32, #tpu.memory_space<vmem_shared>>
    tpu.enqueue_dma source(%dma_start3A_262 : memref<64x128xf32, #tpu.memory_space<vmem_shared>>) target(%dma_start3A_260 : memref<64x128xf32, #tpu.memory_space<hbm>>) target_semaphore(%arg19 : memref<!tpu.dma_semaphore, #tpu.memory_space<semaphore_mem>>)
    %add3A_263 = arith.constant 576 : i32
    %add3A_264 = arith.addi %mul3A_22, %add3A_263 : i32
    %add3A_265 = arith.constant 576 : i32
    %add3A_266 = arith.addi %mul3A_22, %add3A_265 : i32
    %dma_start3A_267 = arith.constant 0 : i32
    %dma_start3A_268 = tpu.memref_slice %arg5[%arg0, %add3A_266, %dma_start3A_267] : memref<2x10240x128xf32, #tpu.memory_space<hbm>> -> memref<1x64x128xf32, #tpu.memory_space<hbm>>
    %dma_start3A_269 = tpu.memref_squeeze %dma_start3A_268 : memref<1x64x128xf32, #tpu.memory_space<hbm>> -> memref<64x128xf32, #tpu.memory_space<hbm>>
    %dma_start3A_270 = arith.constant 0 : i32
    %dma_start3A_271 = tpu.memref_slice %arg17[%add3A_264, %dma_start3A_270] : memref<10240x128xf32, #tpu.memory_space<vmem_shared>> -> memref<64x128xf32, #tpu.memory_space<vmem_shared>>
    tpu.enqueue_dma source(%dma_start3A_271 : memref<64x128xf32, #tpu.memory_space<vmem_shared>>) target(%dma_start3A_269 : memref<64x128xf32, #tpu.memory_space<hbm>>) target_semaphore(%arg19 : memref<!tpu.dma_semaphore, #tpu.memory_space<semaphore_mem>>)
    %mul3A_272 = arith.constant 10240 : i32
    %mul3A_273 = arith.muli %arg0, %mul3A_272 : i32
    %add3A_274 = arith.addi %mul3A_273, %mul3A_22 : i32
    %dma_start3A_275 = tpu.memref_slice %arg6[%add3A_274] : memref<20480xf32, #tpu.memory_space<hbm>> -> memref<640xf32, #tpu.memory_space<hbm>>
    %dma_start3A_276 = tpu.memref_slice %arg28[%mul3A_22] : memref<10240xf32, #tpu.memory_space<vmem_shared>> -> memref<640xf32, #tpu.memory_space<vmem_shared>>
    tpu.enqueue_dma source(%dma_start3A_276 : memref<640xf32, #tpu.memory_space<vmem_shared>>) target(%dma_start3A_275 : memref<640xf32, #tpu.memory_space<hbm>>) target_semaphore(%arg19 : memref<!tpu.dma_semaphore, #tpu.memory_space<semaphore_mem>>)
    %dma_wait3A_277 = arith.constant 0 : i32
    %dma_wait3A_278 = tpu.memref_slice %arg5[%arg0, %add3A_185, %dma_wait3A_277] : memref<2x10240x128xf32, #tpu.memory_space<hbm>> -> memref<1x64x128xf32, #tpu.memory_space<hbm>>
    %dma_wait3A_279 = tpu.memref_squeeze %dma_wait3A_278 : memref<1x64x128xf32, #tpu.memory_space<hbm>> -> memref<64x128xf32, #tpu.memory_space<hbm>>
    %dma_wait3A_280 = arith.constant 0 : i32
    %dma_wait3A_281 = tpu.memref_slice %arg17[%add3A_183, %dma_wait3A_280] : memref<10240x128xf32, #tpu.memory_space<vmem_shared>> -> memref<64x128xf32, #tpu.memory_space<vmem_shared>>
    tpu.wait_dma2 semaphore(%arg19 : memref<!tpu.dma_semaphore, #tpu.memory_space<semaphore_mem>>) src(%dma_wait3A_281 : memref<64x128xf32, #tpu.memory_space<vmem_shared>>) dst(%dma_wait3A_279 : memref<64x128xf32, #tpu.memory_space<hbm>>)
    %dma_wait3A_282 = arith.constant 0 : i32
    %dma_wait3A_283 = tpu.memref_slice %arg5[%arg0, %add3A_194, %dma_wait3A_282] : memref<2x10240x128xf32, #tpu.memory_space<hbm>> -> memref<1x64x128xf32, #tpu.memory_space<hbm>>
    %dma_wait3A_284 = tpu.memref_squeeze %dma_wait3A_283 : memref<1x64x128xf32, #tpu.memory_space<hbm>> -> memref<64x128xf32, #tpu.memory_space<hbm>>
    %dma_wait3A_285 = arith.constant 0 : i32
    %dma_wait3A_286 = tpu.memref_slice %arg17[%add3A_192, %dma_wait3A_285] : memref<10240x128xf32, #tpu.memory_space<vmem_shared>> -> memref<64x128xf32, #tpu.memory_space<vmem_shared>>
    tpu.wait_dma2 semaphore(%arg19 : memref<!tpu.dma_semaphore, #tpu.memory_space<semaphore_mem>>) src(%dma_wait3A_286 : memref<64x128xf32, #tpu.memory_space<vmem_shared>>) dst(%dma_wait3A_284 : memref<64x128xf32, #tpu.memory_space<hbm>>)
    %dma_wait3A_287 = arith.constant 0 : i32
    %dma_wait3A_288 = tpu.memref_slice %arg5[%arg0, %add3A_203, %dma_wait3A_287] : memref<2x10240x128xf32, #tpu.memory_space<hbm>> -> memref<1x64x128xf32, #tpu.memory_space<hbm>>
    %dma_wait3A_289 = tpu.memref_squeeze %dma_wait3A_288 : memref<1x64x128xf32, #tpu.memory_space<hbm>> -> memref<64x128xf32, #tpu.memory_space<hbm>>
    %dma_wait3A_290 = arith.constant 0 : i32
    %dma_wait3A_291 = tpu.memref_slice %arg17[%add3A_201, %dma_wait3A_290] : memref<10240x128xf32, #tpu.memory_space<vmem_shared>> -> memref<64x128xf32, #tpu.memory_space<vmem_shared>>
    tpu.wait_dma2 semaphore(%arg19 : memref<!tpu.dma_semaphore, #tpu.memory_space<semaphore_mem>>) src(%dma_wait3A_291 : memref<64x128xf32, #tpu.memory_space<vmem_shared>>) dst(%dma_wait3A_289 : memref<64x128xf32, #tpu.memory_space<hbm>>)
    %dma_wait3A_292 = arith.constant 0 : i32
    %dma_wait3A_293 = tpu.memref_slice %arg5[%arg0, %add3A_212, %dma_wait3A_292] : memref<2x10240x128xf32, #tpu.memory_space<hbm>> -> memref<1x64x128xf32, #tpu.memory_space<hbm>>
    %dma_wait3A_294 = tpu.memref_squeeze %dma_wait3A_293 : memref<1x64x128xf32, #tpu.memory_space<hbm>> -> memref<64x128xf32, #tpu.memory_space<hbm>>
    %dma_wait3A_295 = arith.constant 0 : i32
    %dma_wait3A_296 = tpu.memref_slice %arg17[%add3A_210, %dma_wait3A_295] : memref<10240x128xf32, #tpu.memory_space<vmem_shared>> -> memref<64x128xf32, #tpu.memory_space<vmem_shared>>
    tpu.wait_dma2 semaphore(%arg19 : memref<!tpu.dma_semaphore, #tpu.memory_space<semaphore_mem>>) src(%dma_wait3A_296 : memref<64x128xf32, #tpu.memory_space<vmem_shared>>) dst(%dma_wait3A_294 : memref<64x128xf32, #tpu.memory_space<hbm>>)
    %dma_wait3A_297 = arith.constant 0 : i32
    %dma_wait3A_298 = tpu.memref_slice %arg5[%arg0, %add3A_221, %dma_wait3A_297] : memref<2x10240x128xf32, #tpu.memory_space<hbm>> -> memref<1x64x128xf32, #tpu.memory_space<hbm>>
    %dma_wait3A_299 = tpu.memref_squeeze %dma_wait3A_298 : memref<1x64x128xf32, #tpu.memory_space<hbm>> -> memref<64x128xf32, #tpu.memory_space<hbm>>
    %dma_wait3A_300 = arith.constant 0 : i32
    %dma_wait3A_301 = tpu.memref_slice %arg17[%add3A_219, %dma_wait3A_300] : memref<10240x128xf32, #tpu.memory_space<vmem_shared>> -> memref<64x128xf32, #tpu.memory_space<vmem_shared>>
    tpu.wait_dma2 semaphore(%arg19 : memref<!tpu.dma_semaphore, #tpu.memory_space<semaphore_mem>>) src(%dma_wait3A_301 : memref<64x128xf32, #tpu.memory_space<vmem_shared>>) dst(%dma_wait3A_299 : memref<64x128xf32, #tpu.memory_space<hbm>>)
    %dma_wait3A_302 = arith.constant 0 : i32
    %dma_wait3A_303 = tpu.memref_slice %arg5[%arg0, %add3A_230, %dma_wait3A_302] : memref<2x10240x128xf32, #tpu.memory_space<hbm>> -> memref<1x64x128xf32, #tpu.memory_space<hbm>>
    %dma_wait3A_304 = tpu.memref_squeeze %dma_wait3A_303 : memref<1x64x128xf32, #tpu.memory_space<hbm>> -> memref<64x128xf32, #tpu.memory_space<hbm>>
    %dma_wait3A_305 = arith.constant 0 : i32
    %dma_wait3A_306 = tpu.memref_slice %arg17[%add3A_228, %dma_wait3A_305] : memref<10240x128xf32, #tpu.memory_space<vmem_shared>> -> memref<64x128xf32, #tpu.memory_space<vmem_shared>>
    tpu.wait_dma2 semaphore(%arg19 : memref<!tpu.dma_semaphore, #tpu.memory_space<semaphore_mem>>) src(%dma_wait3A_306 : memref<64x128xf32, #tpu.memory_space<vmem_shared>>) dst(%dma_wait3A_304 : memref<64x128xf32, #tpu.memory_space<hbm>>)
    %dma_wait3A_307 = arith.constant 0 : i32
    %dma_wait3A_308 = tpu.memref_slice %arg5[%arg0, %add3A_239, %dma_wait3A_307] : memref<2x10240x128xf32, #tpu.memory_space<hbm>> -> memref<1x64x128xf32, #tpu.memory_space<hbm>>
    %dma_wait3A_309 = tpu.memref_squeeze %dma_wait3A_308 : memref<1x64x128xf32, #tpu.memory_space<hbm>> -> memref<64x128xf32, #tpu.memory_space<hbm>>
    %dma_wait3A_310 = arith.constant 0 : i32
    %dma_wait3A_311 = tpu.memref_slice %arg17[%add3A_237, %dma_wait3A_310] : memref<10240x128xf32, #tpu.memory_space<vmem_shared>> -> memref<64x128xf32, #tpu.memory_space<vmem_shared>>
    tpu.wait_dma2 semaphore(%arg19 : memref<!tpu.dma_semaphore, #tpu.memory_space<semaphore_mem>>) src(%dma_wait3A_311 : memref<64x128xf32, #tpu.memory_space<vmem_shared>>) dst(%dma_wait3A_309 : memref<64x128xf32, #tpu.memory_space<hbm>>)
    %dma_wait3A_312 = arith.constant 0 : i32
    %dma_wait3A_313 = tpu.memref_slice %arg5[%arg0, %add3A_248, %dma_wait3A_312] : memref<2x10240x128xf32, #tpu.memory_space<hbm>> -> memref<1x64x128xf32, #tpu.memory_space<hbm>>
    %dma_wait3A_314 = tpu.memref_squeeze %dma_wait3A_313 : memref<1x64x128xf32, #tpu.memory_space<hbm>> -> memref<64x128xf32, #tpu.memory_space<hbm>>
    %dma_wait3A_315 = arith.constant 0 : i32
    %dma_wait3A_316 = tpu.memref_slice %arg17[%add3A_246, %dma_wait3A_315] : memref<10240x128xf32, #tpu.memory_space<vmem_shared>> -> memref<64x128xf32, #tpu.memory_space<vmem_shared>>
    tpu.wait_dma2 semaphore(%arg19 : memref<!tpu.dma_semaphore, #tpu.memory_space<semaphore_mem>>) src(%dma_wait3A_316 : memref<64x128xf32, #tpu.memory_space<vmem_shared>>) dst(%dma_wait3A_314 : memref<64x128xf32, #tpu.memory_space<hbm>>)
    %dma_wait3A_317 = arith.constant 0 : i32
    %dma_wait3A_318 = tpu.memref_slice %arg5[%arg0, %add3A_257, %dma_wait3A_317] : memref<2x10240x128xf32, #tpu.memory_space<hbm>> -> memref<1x64x128xf32, #tpu.memory_space<hbm>>
    %dma_wait3A_319 = tpu.memref_squeeze %dma_wait3A_318 : memref<1x64x128xf32, #tpu.memory_space<hbm>> -> memref<64x128xf32, #tpu.memory_space<hbm>>
    %dma_wait3A_320 = arith.constant 0 : i32
    %dma_wait3A_321 = tpu.memref_slice %arg17[%add3A_255, %dma_wait3A_320] : memref<10240x128xf32, #tpu.memory_space<vmem_shared>> -> memref<64x128xf32, #tpu.memory_space<vmem_shared>>
    tpu.wait_dma2 semaphore(%arg19 : memref<!tpu.dma_semaphore, #tpu.memory_space<semaphore_mem>>) src(%dma_wait3A_321 : memref<64x128xf32, #tpu.memory_space<vmem_shared>>) dst(%dma_wait3A_319 : memref<64x128xf32, #tpu.memory_space<hbm>>)
    %dma_wait3A_322 = arith.constant 0 : i32
    %dma_wait3A_323 = tpu.memref_slice %arg5[%arg0, %add3A_266, %dma_wait3A_322] : memref<2x10240x128xf32, #tpu.memory_space<hbm>> -> memref<1x64x128xf32, #tpu.memory_space<hbm>>
    %dma_wait3A_324 = tpu.memref_squeeze %dma_wait3A_323 : memref<1x64x128xf32, #tpu.memory_space<hbm>> -> memref<64x128xf32, #tpu.memory_space<hbm>>
    %dma_wait3A_325 = arith.constant 0 : i32
    %dma_wait3A_326 = tpu.memref_slice %arg17[%add3A_264, %dma_wait3A_325] : memref<10240x128xf32, #tpu.memory_space<vmem_shared>> -> memref<64x128xf32, #tpu.memory_space<vmem_shared>>
    tpu.wait_dma2 semaphore(%arg19 : memref<!tpu.dma_semaphore, #tpu.memory_space<semaphore_mem>>) src(%dma_wait3A_326 : memref<64x128xf32, #tpu.memory_space<vmem_shared>>) dst(%dma_wait3A_324 : memref<64x128xf32, #tpu.memory_space<hbm>>)
    %dma_wait3A_327 = tpu.memref_slice %arg6[%add3A_274] : memref<20480xf32, #tpu.memory_space<hbm>> -> memref<640xf32, #tpu.memory_space<hbm>>
    %dma_wait3A_328 = tpu.memref_slice %arg28[%mul3A_22] : memref<10240xf32, #tpu.memory_space<vmem_shared>> -> memref<640xf32, #tpu.memory_space<vmem_shared>>
    tpu.wait_dma2 semaphore(%arg19 : memref<!tpu.dma_semaphore, #tpu.memory_space<semaphore_mem>>) src(%dma_wait3A_328 : memref<640xf32, #tpu.memory_space<vmem_shared>>) dst(%dma_wait3A_327 : memref<640xf32, #tpu.memory_space<hbm>>)
    return
  }
}

#map = affine_map<(d0, d1) -> (0)>
#map1 = affine_map<(d0, d1) -> (0, 0)>
#map2 = affine_map<(d0, d1) -> (0, 0, 0)>
module attributes {stable_mosaic.version = 14 : i64} {
  func.func @body(%arg0: i32, %arg1: i32, %arg2: memref<320000xi32, #tpu.memory_space<hbm>>, %arg3: memref<320000xi32, #tpu.memory_space<hbm>>, %arg4: memref<10000x64xf32, #tpu.memory_space<hbm>>, %arg5: memref<2x10240x64xf32, #tpu.memory_space<hbm>>, %arg6: memref<128xi32, #tpu.memory_space<vmem>>, %arg7: memref<128xi32, #tpu.memory_space<vmem>>, %arg8: memref<128xi32, #tpu.memory_space<vmem>>, %arg9: memref<128xi32, #tpu.memory_space<vmem>>, %arg10: memref<128x64xf32, #tpu.memory_space<vmem>>, %arg11: memref<128x64xf32, #tpu.memory_space<vmem>>, %arg12: memref<16xi32, #tpu.memory_space<vmem>>, %arg13: memref<16xi32, #tpu.memory_space<vmem>>, %arg14: memref<16x64xf32, #tpu.memory_space<vmem>>, %arg15: memref<64x64xf32, #tpu.memory_space<vmem>>, %arg16: memref<10240x64xf32, #tpu.memory_space<vmem_shared>>, %arg17: memref<!tpu.dma_semaphore, #tpu.memory_space<semaphore_mem>>, %arg18: memref<!tpu.dma_semaphore, #tpu.memory_space<semaphore_mem>>, %arg19: memref<!tpu.dma_semaphore, #tpu.memory_space<semaphore_mem>>, %arg20: memref<!tpu.dma_semaphore, #tpu.memory_space<semaphore_mem>>, %arg21: memref<!tpu.dma_semaphore, #tpu.memory_space<semaphore_mem>>, %arg22: memref<!tpu.dma_semaphore, #tpu.memory_space<semaphore_mem>>, %arg23: memref<!tpu.dma_semaphore, #tpu.memory_space<semaphore_mem>>, %arg24: memref<!tpu.dma_semaphore, #tpu.memory_space<semaphore_mem>>) attributes {dimension_semantics = [#tpu.dimension_semantics<core_parallel>, #tpu.dimension_semantics<subcore_parallel>], iteration_bounds = array<i64: 2, 16>, scalar_prefetch = 0 : i64, scratch_operands = 19 : i64, tpu.core_type = #tpu.core_type<sc_vector_subcore>, window_params = [{transform_indices = #map}, {transform_indices = #map}, {transform_indices = #map1}, {transform_indices = #map2}]} {
    %mul3A = arith.constant 16 : i32
    %mul3A_0 = arith.muli %arg0, %mul3A : i32
    %add3A = arith.addi %mul3A_0, %arg1 : i32
    %broadcast_in_dim3A = arith.constant 0.000000e+00 : f32
    %broadcast_in_dim3A_1 = vector.broadcast %broadcast_in_dim3A : f32 to vector<16xf32>
    %scan3A = arith.constant 0 : i32
    %scan3A_2 = arith.constant 0 : i32
    %scan3A_3 = arith.constant 64 : i32
    %scan3A_4 = arith.addi %scan3A_2, %scan3A_3 : i32
    %scan3A_5 = arith.constant 1 : i32
    scf.for %scan3A_304 = %scan3A_2 to %scan3A_4 step %scan3A_5  : i32 {
      %scan3A_305 = arith.constant 0 : i32
      %scan3A_306 = arith.constant 4 : i32
      %scan3A_307 = arith.addi %scan3A_305, %scan3A_306 : i32
      %scan3A_308 = arith.constant 1 : i32
      scf.for %scan3A_310 = %scan3A_305 to %scan3A_307 step %scan3A_308  : i32 {
        %mul3A_311 = arith.constant 16 : i32
        %mul3A_312 = arith.muli %scan3A_310, %mul3A_311 : i32
        %swap3A = arith.index_cast %scan3A_304 : i32 to index
        %swap3A_313 = arith.index_cast %mul3A_312 : i32 to index
        %swap3A_314 = tpu.vector_load %arg15[%swap3A, %swap3A_313] {strides = array<i32>} : memref<64x64xf32, #tpu.memory_space<vmem>>, vector<1x16xf32>,
        %swap3A_315 = vector.shape_cast %swap3A_314 : vector<1x16xf32> to vector<16xf32>
        %swap3A_316 = vector.shape_cast %broadcast_in_dim3A_1 : vector<16xf32> to vector<1x16xf32>
        tpu.vector_store %arg15[%swap3A, %swap3A_313], %swap3A_316 {strides = array<i32>} : memref<64x64xf32, #tpu.memory_space<vmem>>, vector<1x16xf32>,
      }
      %scan3A_309 = arith.constant 4 : i32
    }
    %scan3A_6 = arith.constant 64 : i32
    %mul3A_7 = arith.constant 640 : i32
    %mul3A_8 = arith.muli %arg1, %mul3A_7 : i32
    %add3A_9 = arith.constant 0 : i32
    %add3A_10 = arith.addi %mul3A_8, %add3A_9 : i32
    %dma_start3A = arith.constant 0 : i32
    %dma_start3A_11 = tpu.memref_slice %arg16[%add3A_10, %dma_start3A] : memref<10240x64xf32, #tpu.memory_space<vmem_shared>> -> memref<64x64xf32, #tpu.memory_space<vmem_shared>>
    %dma_start3A_12 = arith.constant 0 : i32
    %dma_start3A_13 = tpu.memref_slice %arg16[%add3A_10, %dma_start3A_12] : memref<10240x64xf32, #tpu.memory_space<vmem_shared>> -> memref<64x64xf32, #tpu.memory_space<vmem_shared>>
    tpu.enqueue_dma source(%arg15 : memref<64x64xf32, #tpu.memory_space<vmem>>) target(%dma_start3A_13 : memref<64x64xf32, #tpu.memory_space<vmem_shared>>) target_semaphore(%arg17 : memref<!tpu.dma_semaphore, #tpu.memory_space<semaphore_mem>>)
    %add3A_14 = arith.constant 64 : i32
    %add3A_15 = arith.addi %mul3A_8, %add3A_14 : i32
    %dma_start3A_16 = arith.constant 0 : i32
    %dma_start3A_17 = tpu.memref_slice %arg16[%add3A_15, %dma_start3A_16] : memref<10240x64xf32, #tpu.memory_space<vmem_shared>> -> memref<64x64xf32, #tpu.memory_space<vmem_shared>>
    %dma_start3A_18 = arith.constant 0 : i32
    %dma_start3A_19 = tpu.memref_slice %arg16[%add3A_15, %dma_start3A_18] : memref<10240x64xf32, #tpu.memory_space<vmem_shared>> -> memref<64x64xf32, #tpu.memory_space<vmem_shared>>
    tpu.enqueue_dma source(%arg15 : memref<64x64xf32, #tpu.memory_space<vmem>>) target(%dma_start3A_19 : memref<64x64xf32, #tpu.memory_space<vmem_shared>>) target_semaphore(%arg17 : memref<!tpu.dma_semaphore, #tpu.memory_space<semaphore_mem>>)
    %add3A_20 = arith.constant 128 : i32
    %add3A_21 = arith.addi %mul3A_8, %add3A_20 : i32
    %dma_start3A_22 = arith.constant 0 : i32
    %dma_start3A_23 = tpu.memref_slice %arg16[%add3A_21, %dma_start3A_22] : memref<10240x64xf32, #tpu.memory_space<vmem_shared>> -> memref<64x64xf32, #tpu.memory_space<vmem_shared>>
    %dma_start3A_24 = arith.constant 0 : i32
    %dma_start3A_25 = tpu.memref_slice %arg16[%add3A_21, %dma_start3A_24] : memref<10240x64xf32, #tpu.memory_space<vmem_shared>> -> memref<64x64xf32, #tpu.memory_space<vmem_shared>>
    tpu.enqueue_dma source(%arg15 : memref<64x64xf32, #tpu.memory_space<vmem>>) target(%dma_start3A_25 : memref<64x64xf32, #tpu.memory_space<vmem_shared>>) target_semaphore(%arg17 : memref<!tpu.dma_semaphore, #tpu.memory_space<semaphore_mem>>)
    %add3A_26 = arith.constant 192 : i32
    %add3A_27 = arith.addi %mul3A_8, %add3A_26 : i32
    %dma_start3A_28 = arith.constant 0 : i32
    %dma_start3A_29 = tpu.memref_slice %arg16[%add3A_27, %dma_start3A_28] : memref<10240x64xf32, #tpu.memory_space<vmem_shared>> -> memref<64x64xf32, #tpu.memory_space<vmem_shared>>
    %dma_start3A_30 = arith.constant 0 : i32
    %dma_start3A_31 = tpu.memref_slice %arg16[%add3A_27, %dma_start3A_30] : memref<10240x64xf32, #tpu.memory_space<vmem_shared>> -> memref<64x64xf32, #tpu.memory_space<vmem_shared>>
    tpu.enqueue_dma source(%arg15 : memref<64x64xf32, #tpu.memory_space<vmem>>) target(%dma_start3A_31 : memref<64x64xf32, #tpu.memory_space<vmem_shared>>) target_semaphore(%arg17 : memref<!tpu.dma_semaphore, #tpu.memory_space<semaphore_mem>>)
    %add3A_32 = arith.constant 256 : i32
    %add3A_33 = arith.addi %mul3A_8, %add3A_32 : i32
    %dma_start3A_34 = arith.constant 0 : i32
    %dma_start3A_35 = tpu.memref_slice %arg16[%add3A_33, %dma_start3A_34] : memref<10240x64xf32, #tpu.memory_space<vmem_shared>> -> memref<64x64xf32, #tpu.memory_space<vmem_shared>>
    %dma_start3A_36 = arith.constant 0 : i32
    %dma_start3A_37 = tpu.memref_slice %arg16[%add3A_33, %dma_start3A_36] : memref<10240x64xf32, #tpu.memory_space<vmem_shared>> -> memref<64x64xf32, #tpu.memory_space<vmem_shared>>
    tpu.enqueue_dma source(%arg15 : memref<64x64xf32, #tpu.memory_space<vmem>>) target(%dma_start3A_37 : memref<64x64xf32, #tpu.memory_space<vmem_shared>>) target_semaphore(%arg17 : memref<!tpu.dma_semaphore, #tpu.memory_space<semaphore_mem>>)
    %add3A_38 = arith.constant 320 : i32
    %add3A_39 = arith.addi %mul3A_8, %add3A_38 : i32
    %dma_start3A_40 = arith.constant 0 : i32
    %dma_start3A_41 = tpu.memref_slice %arg16[%add3A_39, %dma_start3A_40] : memref<10240x64xf32, #tpu.memory_space<vmem_shared>> -> memref<64x64xf32, #tpu.memory_space<vmem_shared>>
    %dma_start3A_42 = arith.constant 0 : i32
    %dma_start3A_43 = tpu.memref_slice %arg16[%add3A_39, %dma_start3A_42] : memref<10240x64xf32, #tpu.memory_space<vmem_shared>> -> memref<64x64xf32, #tpu.memory_space<vmem_shared>>
    tpu.enqueue_dma source(%arg15 : memref<64x64xf32, #tpu.memory_space<vmem>>) target(%dma_start3A_43 : memref<64x64xf32, #tpu.memory_space<vmem_shared>>) target_semaphore(%arg17 : memref<!tpu.dma_semaphore, #tpu.memory_space<semaphore_mem>>)
    %add3A_44 = arith.constant 384 : i32
    %add3A_45 = arith.addi %mul3A_8, %add3A_44 : i32
    %dma_start3A_46 = arith.constant 0 : i32
    %dma_start3A_47 = tpu.memref_slice %arg16[%add3A_45, %dma_start3A_46] : memref<10240x64xf32, #tpu.memory_space<vmem_shared>> -> memref<64x64xf32, #tpu.memory_space<vmem_shared>>
    %dma_start3A_48 = arith.constant 0 : i32
    %dma_start3A_49 = tpu.memref_slice %arg16[%add3A_45, %dma_start3A_48] : memref<10240x64xf32, #tpu.memory_space<vmem_shared>> -> memref<64x64xf32, #tpu.memory_space<vmem_shared>>
    tpu.enqueue_dma source(%arg15 : memref<64x64xf32, #tpu.memory_space<vmem>>) target(%dma_start3A_49 : memref<64x64xf32, #tpu.memory_space<vmem_shared>>) target_semaphore(%arg17 : memref<!tpu.dma_semaphore, #tpu.memory_space<semaphore_mem>>)
    %add3A_50 = arith.constant 448 : i32
    %add3A_51 = arith.addi %mul3A_8, %add3A_50 : i32
    %dma_start3A_52 = arith.constant 0 : i32
    %dma_start3A_53 = tpu.memref_slice %arg16[%add3A_51, %dma_start3A_52] : memref<10240x64xf32, #tpu.memory_space<vmem_shared>> -> memref<64x64xf32, #tpu.memory_space<vmem_shared>>
    %dma_start3A_54 = arith.constant 0 : i32
    %dma_start3A_55 = tpu.memref_slice %arg16[%add3A_51, %dma_start3A_54] : memref<10240x64xf32, #tpu.memory_space<vmem_shared>> -> memref<64x64xf32, #tpu.memory_space<vmem_shared>>
    tpu.enqueue_dma source(%arg15 : memref<64x64xf32, #tpu.memory_space<vmem>>) target(%dma_start3A_55 : memref<64x64xf32, #tpu.memory_space<vmem_shared>>) target_semaphore(%arg17 : memref<!tpu.dma_semaphore, #tpu.memory_space<semaphore_mem>>)
    %add3A_56 = arith.constant 512 : i32
    %add3A_57 = arith.addi %mul3A_8, %add3A_56 : i32
    %dma_start3A_58 = arith.constant 0 : i32
    %dma_start3A_59 = tpu.memref_slice %arg16[%add3A_57, %dma_start3A_58] : memref<10240x64xf32, #tpu.memory_space<vmem_shared>> -> memref<64x64xf32, #tpu.memory_space<vmem_shared>>
    %dma_start3A_60 = arith.constant 0 : i32
    %dma_start3A_61 = tpu.memref_slice %arg16[%add3A_57, %dma_start3A_60] : memref<10240x64xf32, #tpu.memory_space<vmem_shared>> -> memref<64x64xf32, #tpu.memory_space<vmem_shared>>
    tpu.enqueue_dma source(%arg15 : memref<64x64xf32, #tpu.memory_space<vmem>>) target(%dma_start3A_61 : memref<64x64xf32, #tpu.memory_space<vmem_shared>>) target_semaphore(%arg17 : memref<!tpu.dma_semaphore, #tpu.memory_space<semaphore_mem>>)
    %add3A_62 = arith.constant 576 : i32
    %add3A_63 = arith.addi %mul3A_8, %add3A_62 : i32
    %dma_start3A_64 = arith.constant 0 : i32
    %dma_start3A_65 = tpu.memref_slice %arg16[%add3A_63, %dma_start3A_64] : memref<10240x64xf32, #tpu.memory_space<vmem_shared>> -> memref<64x64xf32, #tpu.memory_space<vmem_shared>>
    %dma_start3A_66 = arith.constant 0 : i32
    %dma_start3A_67 = tpu.memref_slice %arg16[%add3A_63, %dma_start3A_66] : memref<10240x64xf32, #tpu.memory_space<vmem_shared>> -> memref<64x64xf32, #tpu.memory_space<vmem_shared>>
    tpu.enqueue_dma source(%arg15 : memref<64x64xf32, #tpu.memory_space<vmem>>) target(%dma_start3A_67 : memref<64x64xf32, #tpu.memory_space<vmem_shared>>) target_semaphore(%arg17 : memref<!tpu.dma_semaphore, #tpu.memory_space<semaphore_mem>>)
    %dma_wait3A = arith.constant 0 : i32
    %dma_wait3A_68 = tpu.memref_slice %arg16[%add3A_10, %dma_wait3A] : memref<10240x64xf32, #tpu.memory_space<vmem_shared>> -> memref<64x64xf32, #tpu.memory_space<vmem_shared>>
    %dma_wait3A_69 = arith.constant 0 : i32
    %dma_wait3A_70 = tpu.memref_slice %arg16[%add3A_10, %dma_wait3A_69] : memref<10240x64xf32, #tpu.memory_space<vmem_shared>> -> memref<64x64xf32, #tpu.memory_space<vmem_shared>>
    tpu.wait_dma2 semaphore(%arg17 : memref<!tpu.dma_semaphore, #tpu.memory_space<semaphore_mem>>) src(%arg15 : memref<64x64xf32, #tpu.memory_space<vmem>>) dst(%dma_wait3A_70 : memref<64x64xf32, #tpu.memory_space<vmem_shared>>)
    %dma_wait3A_71 = arith.constant 0 : i32
    %dma_wait3A_72 = tpu.memref_slice %arg16[%add3A_15, %dma_wait3A_71] : memref<10240x64xf32, #tpu.memory_space<vmem_shared>> -> memref<64x64xf32, #tpu.memory_space<vmem_shared>>
    %dma_wait3A_73 = arith.constant 0 : i32
    %dma_wait3A_74 = tpu.memref_slice %arg16[%add3A_15, %dma_wait3A_73] : memref<10240x64xf32, #tpu.memory_space<vmem_shared>> -> memref<64x64xf32, #tpu.memory_space<vmem_shared>>
    tpu.wait_dma2 semaphore(%arg17 : memref<!tpu.dma_semaphore, #tpu.memory_space<semaphore_mem>>) src(%arg15 : memref<64x64xf32, #tpu.memory_space<vmem>>) dst(%dma_wait3A_74 : memref<64x64xf32, #tpu.memory_space<vmem_shared>>)
    %dma_wait3A_75 = arith.constant 0 : i32
    %dma_wait3A_76 = tpu.memref_slice %arg16[%add3A_21, %dma_wait3A_75] : memref<10240x64xf32, #tpu.memory_space<vmem_shared>> -> memref<64x64xf32, #tpu.memory_space<vmem_shared>>
    %dma_wait3A_77 = arith.constant 0 : i32
    %dma_wait3A_78 = tpu.memref_slice %arg16[%add3A_21, %dma_wait3A_77] : memref<10240x64xf32, #tpu.memory_space<vmem_shared>> -> memref<64x64xf32, #tpu.memory_space<vmem_shared>>
    tpu.wait_dma2 semaphore(%arg17 : memref<!tpu.dma_semaphore, #tpu.memory_space<semaphore_mem>>) src(%arg15 : memref<64x64xf32, #tpu.memory_space<vmem>>) dst(%dma_wait3A_78 : memref<64x64xf32, #tpu.memory_space<vmem_shared>>)
    %dma_wait3A_79 = arith.constant 0 : i32
    %dma_wait3A_80 = tpu.memref_slice %arg16[%add3A_27, %dma_wait3A_79] : memref<10240x64xf32, #tpu.memory_space<vmem_shared>> -> memref<64x64xf32, #tpu.memory_space<vmem_shared>>
    %dma_wait3A_81 = arith.constant 0 : i32
    %dma_wait3A_82 = tpu.memref_slice %arg16[%add3A_27, %dma_wait3A_81] : memref<10240x64xf32, #tpu.memory_space<vmem_shared>> -> memref<64x64xf32, #tpu.memory_space<vmem_shared>>
    tpu.wait_dma2 semaphore(%arg17 : memref<!tpu.dma_semaphore, #tpu.memory_space<semaphore_mem>>) src(%arg15 : memref<64x64xf32, #tpu.memory_space<vmem>>) dst(%dma_wait3A_82 : memref<64x64xf32, #tpu.memory_space<vmem_shared>>)
    %dma_wait3A_83 = arith.constant 0 : i32
    %dma_wait3A_84 = tpu.memref_slice %arg16[%add3A_33, %dma_wait3A_83] : memref<10240x64xf32, #tpu.memory_space<vmem_shared>> -> memref<64x64xf32, #tpu.memory_space<vmem_shared>>
    %dma_wait3A_85 = arith.constant 0 : i32
    %dma_wait3A_86 = tpu.memref_slice %arg16[%add3A_33, %dma_wait3A_85] : memref<10240x64xf32, #tpu.memory_space<vmem_shared>> -> memref<64x64xf32, #tpu.memory_space<vmem_shared>>
    tpu.wait_dma2 semaphore(%arg17 : memref<!tpu.dma_semaphore, #tpu.memory_space<semaphore_mem>>) src(%arg15 : memref<64x64xf32, #tpu.memory_space<vmem>>) dst(%dma_wait3A_86 : memref<64x64xf32, #tpu.memory_space<vmem_shared>>)
    %dma_wait3A_87 = arith.constant 0 : i32
    %dma_wait3A_88 = tpu.memref_slice %arg16[%add3A_39, %dma_wait3A_87] : memref<10240x64xf32, #tpu.memory_space<vmem_shared>> -> memref<64x64xf32, #tpu.memory_space<vmem_shared>>
    %dma_wait3A_89 = arith.constant 0 : i32
    %dma_wait3A_90 = tpu.memref_slice %arg16[%add3A_39, %dma_wait3A_89] : memref<10240x64xf32, #tpu.memory_space<vmem_shared>> -> memref<64x64xf32, #tpu.memory_space<vmem_shared>>
    tpu.wait_dma2 semaphore(%arg17 : memref<!tpu.dma_semaphore, #tpu.memory_space<semaphore_mem>>) src(%arg15 : memref<64x64xf32, #tpu.memory_space<vmem>>) dst(%dma_wait3A_90 : memref<64x64xf32, #tpu.memory_space<vmem_shared>>)
    %dma_wait3A_91 = arith.constant 0 : i32
    %dma_wait3A_92 = tpu.memref_slice %arg16[%add3A_45, %dma_wait3A_91] : memref<10240x64xf32, #tpu.memory_space<vmem_shared>> -> memref<64x64xf32, #tpu.memory_space<vmem_shared>>
    %dma_wait3A_93 = arith.constant 0 : i32
    %dma_wait3A_94 = tpu.memref_slice %arg16[%add3A_45, %dma_wait3A_93] : memref<10240x64xf32, #tpu.memory_space<vmem_shared>> -> memref<64x64xf32, #tpu.memory_space<vmem_shared>>
    tpu.wait_dma2 semaphore(%arg17 : memref<!tpu.dma_semaphore, #tpu.memory_space<semaphore_mem>>) src(%arg15 : memref<64x64xf32, #tpu.memory_space<vmem>>) dst(%dma_wait3A_94 : memref<64x64xf32, #tpu.memory_space<vmem_shared>>)
    %dma_wait3A_95 = arith.constant 0 : i32
    %dma_wait3A_96 = tpu.memref_slice %arg16[%add3A_51, %dma_wait3A_95] : memref<10240x64xf32, #tpu.memory_space<vmem_shared>> -> memref<64x64xf32, #tpu.memory_space<vmem_shared>>
    %dma_wait3A_97 = arith.constant 0 : i32
    %dma_wait3A_98 = tpu.memref_slice %arg16[%add3A_51, %dma_wait3A_97] : memref<10240x64xf32, #tpu.memory_space<vmem_shared>> -> memref<64x64xf32, #tpu.memory_space<vmem_shared>>
    tpu.wait_dma2 semaphore(%arg17 : memref<!tpu.dma_semaphore, #tpu.memory_space<semaphore_mem>>) src(%arg15 : memref<64x64xf32, #tpu.memory_space<vmem>>) dst(%dma_wait3A_98 : memref<64x64xf32, #tpu.memory_space<vmem_shared>>)
    %dma_wait3A_99 = arith.constant 0 : i32
    %dma_wait3A_100 = tpu.memref_slice %arg16[%add3A_57, %dma_wait3A_99] : memref<10240x64xf32, #tpu.memory_space<vmem_shared>> -> memref<64x64xf32, #tpu.memory_space<vmem_shared>>
    %dma_wait3A_101 = arith.constant 0 : i32
    %dma_wait3A_102 = tpu.memref_slice %arg16[%add3A_57, %dma_wait3A_101] : memref<10240x64xf32, #tpu.memory_space<vmem_shared>> -> memref<64x64xf32, #tpu.memory_space<vmem_shared>>
    tpu.wait_dma2 semaphore(%arg17 : memref<!tpu.dma_semaphore, #tpu.memory_space<semaphore_mem>>) src(%arg15 : memref<64x64xf32, #tpu.memory_space<vmem>>) dst(%dma_wait3A_102 : memref<64x64xf32, #tpu.memory_space<vmem_shared>>)
    %dma_wait3A_103 = arith.constant 0 : i32
    %dma_wait3A_104 = tpu.memref_slice %arg16[%add3A_63, %dma_wait3A_103] : memref<10240x64xf32, #tpu.memory_space<vmem_shared>> -> memref<64x64xf32, #tpu.memory_space<vmem_shared>>
    %dma_wait3A_105 = arith.constant 0 : i32
    %dma_wait3A_106 = tpu.memref_slice %arg16[%add3A_63, %dma_wait3A_105] : memref<10240x64xf32, #tpu.memory_space<vmem_shared>> -> memref<64x64xf32, #tpu.memory_space<vmem_shared>>
    tpu.wait_dma2 semaphore(%arg17 : memref<!tpu.dma_semaphore, #tpu.memory_space<semaphore_mem>>) src(%arg15 : memref<64x64xf32, #tpu.memory_space<vmem>>) dst(%dma_wait3A_106 : memref<64x64xf32, #tpu.memory_space<vmem_shared>>)
    %barrier3A = arith.constant 0 : index
    tpu.barrier barrier_id(%barrier3A)
    %mul3A_107 = arith.constant 10000 : i32
    %mul3A_108 = arith.muli %add3A, %mul3A_107 : i32
    %add3A_109 = arith.constant 0 : i32
    %add3A_110 = arith.addi %mul3A_108, %add3A_109 : i32
    %dma_start3A_111 = tpu.memref_slice %arg2[%add3A_110] : memref<320000xi32, #tpu.memory_space<hbm>> -> memref<128xi32, #tpu.memory_space<hbm>>
    %dma_start3A_112 = tpu.memref_slice %arg2[%add3A_110] : memref<320000xi32, #tpu.memory_space<hbm>> -> memref<128xi32, #tpu.memory_space<hbm>>
    tpu.enqueue_dma source(%dma_start3A_112 : memref<128xi32, #tpu.memory_space<hbm>>) target(%arg6 : memref<128xi32, #tpu.memory_space<vmem>>) target_semaphore(%arg19 : memref<!tpu.dma_semaphore, #tpu.memory_space<semaphore_mem>>)
    %add3A_113 = arith.constant 0 : i32
    %add3A_114 = arith.addi %mul3A_108, %add3A_113 : i32
    %dma_start3A_115 = tpu.memref_slice %arg3[%add3A_114] : memref<320000xi32, #tpu.memory_space<hbm>> -> memref<128xi32, #tpu.memory_space<hbm>>
    %dma_start3A_116 = tpu.memref_slice %arg3[%add3A_114] : memref<320000xi32, #tpu.memory_space<hbm>> -> memref<128xi32, #tpu.memory_space<hbm>>
    tpu.enqueue_dma source(%dma_start3A_116 : memref<128xi32, #tpu.memory_space<hbm>>) target(%arg7 : memref<128xi32, #tpu.memory_space<vmem>>) target_semaphore(%arg21 : memref<!tpu.dma_semaphore, #tpu.memory_space<semaphore_mem>>)
    %add3A_117 = arith.constant 128 : i32
    %add3A_118 = arith.addi %mul3A_108, %add3A_117 : i32
    %dma_start3A_119 = tpu.memref_slice %arg2[%add3A_118] : memref<320000xi32, #tpu.memory_space<hbm>> -> memref<128xi32, #tpu.memory_space<hbm>>
    %dma_start3A_120 = tpu.memref_slice %arg2[%add3A_118] : memref<320000xi32, #tpu.memory_space<hbm>> -> memref<128xi32, #tpu.memory_space<hbm>>
    tpu.enqueue_dma source(%dma_start3A_120 : memref<128xi32, #tpu.memory_space<hbm>>) target(%arg8 : memref<128xi32, #tpu.memory_space<vmem>>) target_semaphore(%arg20 : memref<!tpu.dma_semaphore, #tpu.memory_space<semaphore_mem>>)
    %add3A_121 = arith.constant 128 : i32
    %add3A_122 = arith.addi %mul3A_108, %add3A_121 : i32
    %dma_start3A_123 = tpu.memref_slice %arg3[%add3A_122] : memref<320000xi32, #tpu.memory_space<hbm>> -> memref<128xi32, #tpu.memory_space<hbm>>
    %dma_start3A_124 = tpu.memref_slice %arg3[%add3A_122] : memref<320000xi32, #tpu.memory_space<hbm>> -> memref<128xi32, #tpu.memory_space<hbm>>
    tpu.enqueue_dma source(%dma_start3A_124 : memref<128xi32, #tpu.memory_space<hbm>>) target(%arg9 : memref<128xi32, #tpu.memory_space<vmem>>) target_semaphore(%arg22 : memref<!tpu.dma_semaphore, #tpu.memory_space<semaphore_mem>>)
    %add3A_125 = arith.constant 0 : i32
    %add3A_126 = arith.addi %mul3A_108, %add3A_125 : i32
    %dma_wait3A_127 = tpu.memref_slice %arg2[%add3A_126] : memref<320000xi32, #tpu.memory_space<hbm>> -> memref<128xi32, #tpu.memory_space<hbm>>
    %dma_wait3A_128 = tpu.memref_slice %arg2[%add3A_126] : memref<320000xi32, #tpu.memory_space<hbm>> -> memref<128xi32, #tpu.memory_space<hbm>>
    tpu.wait_dma2 semaphore(%arg19 : memref<!tpu.dma_semaphore, #tpu.memory_space<semaphore_mem>>) src(%dma_wait3A_128 : memref<128xi32, #tpu.memory_space<hbm>>) dst(%arg6 : memref<128xi32, #tpu.memory_space<vmem>>)
    %dma_start3A_129 = arith.constant 0 : i32
    %dma_start3A_130 = arith.constant 0 : i32
    %dma_start3A_131 = tpu.memref_slice %arg4[%dma_start3A_129, %dma_start3A_130] : memref<10000x64xf32, #tpu.memory_space<hbm>> -> memref<10000x64xf32, #tpu.memory_space<hbm>>
    tpu.enqueue_indirect_dma source(%dma_start3A_131 : memref<10000x64xf32, #tpu.memory_space<hbm>>) target(%arg10 : memref<128x64xf32, #tpu.memory_space<vmem>>) offsets(%arg6 : memref<128xi32, #tpu.memory_space<vmem>>) semaphore(%arg17 : memref<!tpu.dma_semaphore, #tpu.memory_space<semaphore_mem>>)
    %scan3A_132 = arith.constant 0 : i32
    %scan3A_133 = arith.constant 0 : i32
    %scan3A_134 = arith.constant 39 : i32
    %scan3A_135 = arith.addi %scan3A_133, %scan3A_134 : i32
    %scan3A_136 = arith.constant 1 : i32
    scf.for %scan3A_304 = %scan3A_133 to %scan3A_135 step %scan3A_136  : i32 {
      %mul3A_305 = arith.constant 2 : i32
      %mul3A_306 = arith.muli %mul3A_305, %scan3A_304 : i32
      %add3A_307 = arith.constant 1 : i32
      %add3A_308 = arith.addi %mul3A_306, %add3A_307 : i32
      %add3A_309 = arith.constant 2 : i32
      %add3A_310 = arith.addi %mul3A_306, %add3A_309 : i32
      %min3A = arith.constant 77 : i32
      %min3A_311 = arith.minsi %add3A_310, %min3A : i32
      %add3A_312 = arith.constant 2 : i32
      %add3A_313 = arith.addi %add3A_308, %add3A_312 : i32
      %min3A_314 = arith.constant 77 : i32
      %min3A_315 = arith.minsi %add3A_313, %min3A_314 : i32
      %mul3A_316 = arith.constant 128 : i32
      %mul3A_317 = arith.muli %add3A_308, %mul3A_316 : i32
      %add3A_318 = arith.addi %mul3A_108, %mul3A_317 : i32
      %dma_wait3A_319 = tpu.memref_slice %arg2[%add3A_318] : memref<320000xi32, #tpu.memory_space<hbm>> -> memref<128xi32, #tpu.memory_space<hbm>>
      %dma_wait3A_320 = tpu.memref_slice %arg2[%add3A_318] : memref<320000xi32, #tpu.memory_space<hbm>> -> memref<128xi32, #tpu.memory_space<hbm>>
      tpu.wait_dma2 semaphore(%arg20 : memref<!tpu.dma_semaphore, #tpu.memory_space<semaphore_mem>>) src(%dma_wait3A_320 : memref<128xi32, #tpu.memory_space<hbm>>) dst(%arg8 : memref<128xi32, #tpu.memory_space<vmem>>)
      %dma_start3A_321 = arith.constant 0 : i32
      %dma_start3A_322 = arith.constant 0 : i32
      %dma_start3A_323 = tpu.memref_slice %arg4[%dma_start3A_321, %dma_start3A_322] : memref<10000x64xf32, #tpu.memory_space<hbm>> -> memref<10000x64xf32, #tpu.memory_space<hbm>>
      tpu.enqueue_indirect_dma source(%dma_start3A_323 : memref<10000x64xf32, #tpu.memory_space<hbm>>) target(%arg11 : memref<128x64xf32, #tpu.memory_space<vmem>>) offsets(%arg8 : memref<128xi32, #tpu.memory_space<vmem>>) semaphore(%arg18 : memref<!tpu.dma_semaphore, #tpu.memory_space<semaphore_mem>>)
      %dma_wait3A_324 = arith.constant 0 : i32
      %dma_wait3A_325 = arith.constant 0 : i32
      %dma_wait3A_326 = tpu.memref_slice %arg4[%dma_wait3A_324, %dma_wait3A_325] : memref<10000x64xf32, #tpu.memory_space<hbm>> -> memref<10000x64xf32, #tpu.memory_space<hbm>>
      tpu.wait_indirect_dma semaphore(%arg17 : memref<!tpu.dma_semaphore, #tpu.memory_space<semaphore_mem>>) src(%dma_wait3A_326 : memref<10000x64xf32, #tpu.memory_space<hbm>>) dst(%arg10 : memref<128x64xf32, #tpu.memory_space<vmem>>)
      %mul3A_327 = arith.constant 128 : i32
      %mul3A_328 = arith.muli %min3A_311, %mul3A_327 : i32
      %add3A_329 = arith.addi %mul3A_108, %mul3A_328 : i32
      %dma_start3A_330 = tpu.memref_slice %arg2[%add3A_329] : memref<320000xi32, #tpu.memory_space<hbm>> -> memref<128xi32, #tpu.memory_space<hbm>>
      %dma_start3A_331 = tpu.memref_slice %arg2[%add3A_329] : memref<320000xi32, #tpu.memory_space<hbm>> -> memref<128xi32, #tpu.memory_space<hbm>>
      tpu.enqueue_dma source(%dma_start3A_331 : memref<128xi32, #tpu.memory_space<hbm>>) target(%arg6 : memref<128xi32, #tpu.memory_space<vmem>>) target_semaphore(%arg19 : memref<!tpu.dma_semaphore, #tpu.memory_space<semaphore_mem>>)
      %mul3A_332 = arith.constant 128 : i32
      %mul3A_333 = arith.muli %mul3A_306, %mul3A_332 : i32
      %add3A_334 = arith.addi %mul3A_108, %mul3A_333 : i32
      %dma_wait3A_335 = tpu.memref_slice %arg3[%add3A_334] : memref<320000xi32, #tpu.memory_space<hbm>> -> memref<128xi32, #tpu.memory_space<hbm>>
      %dma_wait3A_336 = tpu.memref_slice %arg3[%add3A_334] : memref<320000xi32, #tpu.memory_space<hbm>> -> memref<128xi32, #tpu.memory_space<hbm>>
      tpu.wait_dma2 semaphore(%arg21 : memref<!tpu.dma_semaphore, #tpu.memory_space<semaphore_mem>>) src(%dma_wait3A_336 : memref<128xi32, #tpu.memory_space<hbm>>) dst(%arg7 : memref<128xi32, #tpu.memory_space<vmem>>)
      %dma_start3A_337 = arith.constant 0 : i32
      %dma_start3A_338 = arith.constant 0 : i32
      %dma_start3A_339 = tpu.memref_slice %arg16[%dma_start3A_337, %dma_start3A_338] : memref<10240x64xf32, #tpu.memory_space<vmem_shared>> -> memref<10240x64xf32, #tpu.memory_space<vmem_shared>>
      tpu.enqueue_indirect_dma source(%arg10 : memref<128x64xf32, #tpu.memory_space<vmem>>) target(%dma_start3A_339 : memref<10240x64xf32, #tpu.memory_space<vmem_shared>>) offsets(%arg7 : memref<128xi32, #tpu.memory_space<vmem>>) semaphore(%arg23 : memref<!tpu.dma_semaphore, #tpu.memory_space<semaphore_mem>>) {add = true}
      %dma_wait3A_340 = arith.constant 0 : i32
      %dma_wait3A_341 = arith.constant 0 : i32
      %dma_wait3A_342 = tpu.memref_slice %arg4[%dma_wait3A_340, %dma_wait3A_341] : memref<10000x64xf32, #tpu.memory_space<hbm>> -> memref<10000x64xf32, #tpu.memory_space<hbm>>
      tpu.wait_indirect_dma semaphore(%arg18 : memref<!tpu.dma_semaphore, #tpu.memory_space<semaphore_mem>>) src(%dma_wait3A_342 : memref<10000x64xf32, #tpu.memory_space<hbm>>) dst(%arg11 : memref<128x64xf32, #tpu.memory_space<vmem>>)
      %mul3A_343 = arith.constant 128 : i32
      %mul3A_344 = arith.muli %min3A_315, %mul3A_343 : i32
      %add3A_345 = arith.addi %mul3A_108, %mul3A_344 : i32
      %dma_start3A_346 = tpu.memref_slice %arg2[%add3A_345] : memref<320000xi32, #tpu.memory_space<hbm>> -> memref<128xi32, #tpu.memory_space<hbm>>
      %dma_start3A_347 = tpu.memref_slice %arg2[%add3A_345] : memref<320000xi32, #tpu.memory_space<hbm>> -> memref<128xi32, #tpu.memory_space<hbm>>
      tpu.enqueue_dma source(%dma_start3A_347 : memref<128xi32, #tpu.memory_space<hbm>>) target(%arg8 : memref<128xi32, #tpu.memory_space<vmem>>) target_semaphore(%arg20 : memref<!tpu.dma_semaphore, #tpu.memory_space<semaphore_mem>>)
      %mul3A_348 = arith.constant 128 : i32
      %mul3A_349 = arith.muli %add3A_308, %mul3A_348 : i32
      %add3A_350 = arith.addi %mul3A_108, %mul3A_349 : i32
      %dma_wait3A_351 = tpu.memref_slice %arg3[%add3A_350] : memref<320000xi32, #tpu.memory_space<hbm>> -> memref<128xi32, #tpu.memory_space<hbm>>
      %dma_wait3A_352 = tpu.memref_slice %arg3[%add3A_350] : memref<320000xi32, #tpu.memory_space<hbm>> -> memref<128xi32, #tpu.memory_space<hbm>>
      tpu.wait_dma2 semaphore(%arg22 : memref<!tpu.dma_semaphore, #tpu.memory_space<semaphore_mem>>) src(%dma_wait3A_352 : memref<128xi32, #tpu.memory_space<hbm>>) dst(%arg9 : memref<128xi32, #tpu.memory_space<vmem>>)
      %dma_start3A_353 = arith.constant 0 : i32
      %dma_start3A_354 = arith.constant 0 : i32
      %dma_start3A_355 = tpu.memref_slice %arg16[%dma_start3A_353, %dma_start3A_354] : memref<10240x64xf32, #tpu.memory_space<vmem_shared>> -> memref<10240x64xf32, #tpu.memory_space<vmem_shared>>
      tpu.enqueue_indirect_dma source(%arg11 : memref<128x64xf32, #tpu.memory_space<vmem>>) target(%dma_start3A_355 : memref<10240x64xf32, #tpu.memory_space<vmem_shared>>) offsets(%arg9 : memref<128xi32, #tpu.memory_space<vmem>>) semaphore(%arg24 : memref<!tpu.dma_semaphore, #tpu.memory_space<semaphore_mem>>) {add = true}
      %dma_wait3A_356 = arith.constant 0 : i32
      %dma_wait3A_357 = arith.constant 0 : i32
      %dma_wait3A_358 = tpu.memref_slice %arg16[%dma_wait3A_356, %dma_wait3A_357] : memref<10240x64xf32, #tpu.memory_space<vmem_shared>> -> memref<10240x64xf32, #tpu.memory_space<vmem_shared>>
      tpu.wait_indirect_dma semaphore(%arg23 : memref<!tpu.dma_semaphore, #tpu.memory_space<semaphore_mem>>) src(%arg10 : memref<128x64xf32, #tpu.memory_space<vmem>>) dst(%dma_wait3A_358 : memref<10240x64xf32, #tpu.memory_space<vmem_shared>>)
      %mul3A_359 = arith.constant 128 : i32
      %mul3A_360 = arith.muli %min3A_311, %mul3A_359 : i32
      %add3A_361 = arith.addi %mul3A_108, %mul3A_360 : i32
      %dma_start3A_362 = tpu.memref_slice %arg3[%add3A_361] : memref<320000xi32, #tpu.memory_space<hbm>> -> memref<128xi32, #tpu.memory_space<hbm>>
      %dma_start3A_363 = tpu.memref_slice %arg3[%add3A_361] : memref<320000xi32, #tpu.memory_space<hbm>> -> memref<128xi32, #tpu.memory_space<hbm>>
      tpu.enqueue_dma source(%dma_start3A_363 : memref<128xi32, #tpu.memory_space<hbm>>) target(%arg7 : memref<128xi32, #tpu.memory_space<vmem>>) target_semaphore(%arg21 : memref<!tpu.dma_semaphore, #tpu.memory_space<semaphore_mem>>)
      %mul3A_364 = arith.constant 128 : i32
      %mul3A_365 = arith.muli %min3A_311, %mul3A_364 : i32
      %add3A_366 = arith.addi %mul3A_108, %mul3A_365 : i32
      %dma_wait3A_367 = tpu.memref_slice %arg2[%add3A_366] : memref<320000xi32, #tpu.memory_space<hbm>> -> memref<128xi32, #tpu.memory_space<hbm>>
      %dma_wait3A_368 = tpu.memref_slice %arg2[%add3A_366] : memref<320000xi32, #tpu.memory_space<hbm>> -> memref<128xi32, #tpu.memory_space<hbm>>
      tpu.wait_dma2 semaphore(%arg19 : memref<!tpu.dma_semaphore, #tpu.memory_space<semaphore_mem>>) src(%dma_wait3A_368 : memref<128xi32, #tpu.memory_space<hbm>>) dst(%arg6 : memref<128xi32, #tpu.memory_space<vmem>>)
      %dma_start3A_369 = arith.constant 0 : i32
      %dma_start3A_370 = arith.constant 0 : i32
      %dma_start3A_371 = tpu.memref_slice %arg4[%dma_start3A_369, %dma_start3A_370] : memref<10000x64xf32, #tpu.memory_space<hbm>> -> memref<10000x64xf32, #tpu.memory_space<hbm>>
      tpu.enqueue_indirect_dma source(%dma_start3A_371 : memref<10000x64xf32, #tpu.memory_space<hbm>>) target(%arg10 : memref<128x64xf32, #tpu.memory_space<vmem>>) offsets(%arg6 : memref<128xi32, #tpu.memory_space<vmem>>) semaphore(%arg17 : memref<!tpu.dma_semaphore, #tpu.memory_space<semaphore_mem>>)
      %dma_wait3A_372 = arith.constant 0 : i32
      %dma_wait3A_373 = arith.constant 0 : i32
      %dma_wait3A_374 = tpu.memref_slice %arg16[%dma_wait3A_372, %dma_wait3A_373] : memref<10240x64xf32, #tpu.memory_space<vmem_shared>> -> memref<10240x64xf32, #tpu.memory_space<vmem_shared>>
      tpu.wait_indirect_dma semaphore(%arg24 : memref<!tpu.dma_semaphore, #tpu.memory_space<semaphore_mem>>) src(%arg11 : memref<128x64xf32, #tpu.memory_space<vmem>>) dst(%dma_wait3A_374 : memref<10240x64xf32, #tpu.memory_space<vmem_shared>>)
      %mul3A_375 = arith.constant 128 : i32
      %mul3A_376 = arith.muli %min3A_315, %mul3A_375 : i32
      %add3A_377 = arith.addi %mul3A_108, %mul3A_376 : i32
      %dma_start3A_378 = tpu.memref_slice %arg3[%add3A_377] : memref<320000xi32, #tpu.memory_space<hbm>> -> memref<128xi32, #tpu.memory_space<hbm>>
      %dma_start3A_379 = tpu.memref_slice %arg3[%add3A_377] : memref<320000xi32, #tpu.memory_space<hbm>> -> memref<128xi32, #tpu.memory_space<hbm>>
      tpu.enqueue_dma source(%dma_start3A_379 : memref<128xi32, #tpu.memory_space<hbm>>) target(%arg9 : memref<128xi32, #tpu.memory_space<vmem>>) target_semaphore(%arg22 : memref<!tpu.dma_semaphore, #tpu.memory_space<semaphore_mem>>)
    }
    %scan3A_137 = arith.constant 39 : i32
    %add3A_138 = arith.constant 9984 : i32
    %add3A_139 = arith.addi %mul3A_108, %add3A_138 : i32
    "tpu.region"() ({
      %run_scoped3A = tpu.sem_alloc : memref<!tpu.dma_semaphore, #tpu.memory_space<semaphore_mem>>
      %dma_start3A_304 = tpu.memref_slice %arg2[%add3A_139] : memref<320000xi32, #tpu.memory_space<hbm>> -> memref<16xi32, #tpu.memory_space<hbm>>
      %dma_start3A_305 = tpu.memref_slice %arg2[%add3A_139] : memref<320000xi32, #tpu.memory_space<hbm>> -> memref<16xi32, #tpu.memory_space<hbm>>
      tpu.enqueue_dma source(%dma_start3A_305 : memref<16xi32, #tpu.memory_space<hbm>>) target(%arg12 : memref<16xi32, #tpu.memory_space<vmem>>) target_semaphore(%run_scoped3A : memref<!tpu.dma_semaphore, #tpu.memory_space<semaphore_mem>>)
      %dma_wait3A_306 = tpu.memref_slice %arg2[%add3A_139] : memref<320000xi32, #tpu.memory_space<hbm>> -> memref<16xi32, #tpu.memory_space<hbm>>
      %dma_wait3A_307 = tpu.memref_slice %arg2[%add3A_139] : memref<320000xi32, #tpu.memory_space<hbm>> -> memref<16xi32, #tpu.memory_space<hbm>>
      tpu.wait_dma2 semaphore(%run_scoped3A : memref<!tpu.dma_semaphore, #tpu.memory_space<semaphore_mem>>) src(%dma_wait3A_307 : memref<16xi32, #tpu.memory_space<hbm>>) dst(%arg12 : memref<16xi32, #tpu.memory_space<vmem>>)
      tpu.yield
    }) : () -> ()
    %add3A_140 = arith.constant 9984 : i32
    %add3A_141 = arith.addi %mul3A_108, %add3A_140 : i32
    "tpu.region"() ({
      %run_scoped3A = tpu.sem_alloc : memref<!tpu.dma_semaphore, #tpu.memory_space<semaphore_mem>>
      %dma_start3A_304 = tpu.memref_slice %arg3[%add3A_141] : memref<320000xi32, #tpu.memory_space<hbm>> -> memref<16xi32, #tpu.memory_space<hbm>>
      %dma_start3A_305 = tpu.memref_slice %arg3[%add3A_141] : memref<320000xi32, #tpu.memory_space<hbm>> -> memref<16xi32, #tpu.memory_space<hbm>>
      tpu.enqueue_dma source(%dma_start3A_305 : memref<16xi32, #tpu.memory_space<hbm>>) target(%arg13 : memref<16xi32, #tpu.memory_space<vmem>>) target_semaphore(%run_scoped3A : memref<!tpu.dma_semaphore, #tpu.memory_space<semaphore_mem>>)
      %dma_wait3A_306 = tpu.memref_slice %arg3[%add3A_141] : memref<320000xi32, #tpu.memory_space<hbm>> -> memref<16xi32, #tpu.memory_space<hbm>>
      %dma_wait3A_307 = tpu.memref_slice %arg3[%add3A_141] : memref<320000xi32, #tpu.memory_space<hbm>> -> memref<16xi32, #tpu.memory_space<hbm>>
      tpu.wait_dma2 semaphore(%run_scoped3A : memref<!tpu.dma_semaphore, #tpu.memory_space<semaphore_mem>>) src(%dma_wait3A_307 : memref<16xi32, #tpu.memory_space<hbm>>) dst(%arg13 : memref<16xi32, #tpu.memory_space<vmem>>)
      tpu.yield
    }) : () -> ()
    %dma_start3A_142 = arith.constant 0 : i32
    %dma_start3A_143 = arith.constant 0 : i32
    %dma_start3A_144 = tpu.memref_slice %arg4[%dma_start3A_142, %dma_start3A_143] : memref<10000x64xf32, #tpu.memory_space<hbm>> -> memref<10000x64xf32, #tpu.memory_space<hbm>>
    tpu.enqueue_indirect_dma source(%dma_start3A_144 : memref<10000x64xf32, #tpu.memory_space<hbm>>) target(%arg14 : memref<16x64xf32, #tpu.memory_space<vmem>>) offsets(%arg12 : memref<16xi32, #tpu.memory_space<vmem>>) semaphore(%arg18 : memref<!tpu.dma_semaphore, #tpu.memory_space<semaphore_mem>>)
    %dma_wait3A_145 = arith.constant 0 : i32
    %dma_wait3A_146 = arith.constant 0 : i32
    %dma_wait3A_147 = tpu.memref_slice %arg4[%dma_wait3A_145, %dma_wait3A_146] : memref<10000x64xf32, #tpu.memory_space<hbm>> -> memref<10000x64xf32, #tpu.memory_space<hbm>>
    tpu.wait_indirect_dma semaphore(%arg18 : memref<!tpu.dma_semaphore, #tpu.memory_space<semaphore_mem>>) src(%dma_wait3A_147 : memref<10000x64xf32, #tpu.memory_space<hbm>>) dst(%arg14 : memref<16x64xf32, #tpu.memory_space<vmem>>)
    "tpu.region"() ({
      %run_scoped3A = tpu.sem_alloc : memref<!tpu.dma_semaphore, #tpu.memory_space<semaphore_mem>>
      %dma_start3A_304 = arith.constant 0 : i32
      %dma_start3A_305 = arith.constant 0 : i32
      %dma_start3A_306 = tpu.memref_slice %arg16[%dma_start3A_304, %dma_start3A_305] : memref<10240x64xf32, #tpu.memory_space<vmem_shared>> -> memref<10240x64xf32, #tpu.memory_space<vmem_shared>>
      tpu.enqueue_indirect_dma source(%arg14 : memref<16x64xf32, #tpu.memory_space<vmem>>) target(%dma_start3A_306 : memref<10240x64xf32, #tpu.memory_space<vmem_shared>>) offsets(%arg13 : memref<16xi32, #tpu.memory_space<vmem>>) semaphore(%run_scoped3A : memref<!tpu.dma_semaphore, #tpu.memory_space<semaphore_mem>>) {add = true}
      %dma_wait3A_307 = arith.constant 0 : i32
      %dma_wait3A_308 = arith.constant 0 : i32
      %dma_wait3A_309 = tpu.memref_slice %arg16[%dma_wait3A_307, %dma_wait3A_308] : memref<10240x64xf32, #tpu.memory_space<vmem_shared>> -> memref<10240x64xf32, #tpu.memory_space<vmem_shared>>
      tpu.wait_indirect_dma semaphore(%run_scoped3A : memref<!tpu.dma_semaphore, #tpu.memory_space<semaphore_mem>>) src(%arg14 : memref<16x64xf32, #tpu.memory_space<vmem>>) dst(%dma_wait3A_309 : memref<10240x64xf32, #tpu.memory_space<vmem_shared>>)
      tpu.yield
    }) : () -> ()
    %dma_wait3A_148 = arith.constant 0 : i32
    %dma_wait3A_149 = arith.constant 0 : i32
    %dma_wait3A_150 = tpu.memref_slice %arg4[%dma_wait3A_148, %dma_wait3A_149] : memref<10000x64xf32, #tpu.memory_space<hbm>> -> memref<10000x64xf32, #tpu.memory_space<hbm>>
    tpu.wait_indirect_dma semaphore(%arg17 : memref<!tpu.dma_semaphore, #tpu.memory_space<semaphore_mem>>) src(%dma_wait3A_150 : memref<10000x64xf32, #tpu.memory_space<hbm>>) dst(%arg10 : memref<128x64xf32, #tpu.memory_space<vmem>>)
    %add3A_151 = arith.constant 9856 : i32
    %add3A_152 = arith.addi %mul3A_108, %add3A_151 : i32
    %dma_wait3A_153 = tpu.memref_slice %arg3[%add3A_152] : memref<320000xi32, #tpu.memory_space<hbm>> -> memref<128xi32, #tpu.memory_space<hbm>>
    %dma_wait3A_154 = tpu.memref_slice %arg3[%add3A_152] : memref<320000xi32, #tpu.memory_space<hbm>> -> memref<128xi32, #tpu.memory_space<hbm>>
    tpu.wait_dma2 semaphore(%arg21 : memref<!tpu.dma_semaphore, #tpu.memory_space<semaphore_mem>>) src(%dma_wait3A_154 : memref<128xi32, #tpu.memory_space<hbm>>) dst(%arg7 : memref<128xi32, #tpu.memory_space<vmem>>)
    %add3A_155 = arith.constant 9856 : i32
    %add3A_156 = arith.addi %mul3A_108, %add3A_155 : i32
    %dma_wait3A_157 = tpu.memref_slice %arg2[%add3A_156] : memref<320000xi32, #tpu.memory_space<hbm>> -> memref<128xi32, #tpu.memory_space<hbm>>
    %dma_wait3A_158 = tpu.memref_slice %arg2[%add3A_156] : memref<320000xi32, #tpu.memory_space<hbm>> -> memref<128xi32, #tpu.memory_space<hbm>>
    tpu.wait_dma2 semaphore(%arg20 : memref<!tpu.dma_semaphore, #tpu.memory_space<semaphore_mem>>) src(%dma_wait3A_158 : memref<128xi32, #tpu.memory_space<hbm>>) dst(%arg8 : memref<128xi32, #tpu.memory_space<vmem>>)
    %add3A_159 = arith.constant 9856 : i32
    %add3A_160 = arith.addi %mul3A_108, %add3A_159 : i32
    %dma_wait3A_161 = tpu.memref_slice %arg3[%add3A_160] : memref<320000xi32, #tpu.memory_space<hbm>> -> memref<128xi32, #tpu.memory_space<hbm>>
    %dma_wait3A_162 = tpu.memref_slice %arg3[%add3A_160] : memref<320000xi32, #tpu.memory_space<hbm>> -> memref<128xi32, #tpu.memory_space<hbm>>
    tpu.wait_dma2 semaphore(%arg22 : memref<!tpu.dma_semaphore, #tpu.memory_space<semaphore_mem>>) src(%dma_wait3A_162 : memref<128xi32, #tpu.memory_space<hbm>>) dst(%arg9 : memref<128xi32, #tpu.memory_space<vmem>>)
    %barrier3A_163 = arith.constant 0 : index
    tpu.barrier barrier_id(%barrier3A_163)
    %add3A_164 = arith.constant 0 : i32
    %add3A_165 = arith.addi %mul3A_8, %add3A_164 : i32
    %add3A_166 = arith.constant 0 : i32
    %add3A_167 = arith.addi %mul3A_8, %add3A_166 : i32
    %dma_start3A_168 = arith.constant 0 : i32
    %dma_start3A_169 = tpu.memref_slice %arg5[%arg0, %add3A_167, %dma_start3A_168] : memref<2x10240x64xf32, #tpu.memory_space<hbm>> -> memref<1x64x64xf32, #tpu.memory_space<hbm>>
    %dma_start3A_170 = tpu.memref_squeeze %dma_start3A_169 : memref<1x64x64xf32, #tpu.memory_space<hbm>> -> memref<64x64xf32, #tpu.memory_space<hbm>>
    %dma_start3A_171 = arith.constant 0 : i32
    %dma_start3A_172 = tpu.memref_slice %arg16[%add3A_165, %dma_start3A_171] : memref<10240x64xf32, #tpu.memory_space<vmem_shared>> -> memref<64x64xf32, #tpu.memory_space<vmem_shared>>
    tpu.enqueue_dma source(%dma_start3A_172 : memref<64x64xf32, #tpu.memory_space<vmem_shared>>) target(%dma_start3A_170 : memref<64x64xf32, #tpu.memory_space<hbm>>) target_semaphore(%arg18 : memref<!tpu.dma_semaphore, #tpu.memory_space<semaphore_mem>>)
    %add3A_173 = arith.constant 64 : i32
    %add3A_174 = arith.addi %mul3A_8, %add3A_173 : i32
    %add3A_175 = arith.constant 64 : i32
    %add3A_176 = arith.addi %mul3A_8, %add3A_175 : i32
    %dma_start3A_177 = arith.constant 0 : i32
    %dma_start3A_178 = tpu.memref_slice %arg5[%arg0, %add3A_176, %dma_start3A_177] : memref<2x10240x64xf32, #tpu.memory_space<hbm>> -> memref<1x64x64xf32, #tpu.memory_space<hbm>>
    %dma_start3A_179 = tpu.memref_squeeze %dma_start3A_178 : memref<1x64x64xf32, #tpu.memory_space<hbm>> -> memref<64x64xf32, #tpu.memory_space<hbm>>
    %dma_start3A_180 = arith.constant 0 : i32
    %dma_start3A_181 = tpu.memref_slice %arg16[%add3A_174, %dma_start3A_180] : memref<10240x64xf32, #tpu.memory_space<vmem_shared>> -> memref<64x64xf32, #tpu.memory_space<vmem_shared>>
    tpu.enqueue_dma source(%dma_start3A_181 : memref<64x64xf32, #tpu.memory_space<vmem_shared>>) target(%dma_start3A_179 : memref<64x64xf32, #tpu.memory_space<hbm>>) target_semaphore(%arg18 : memref<!tpu.dma_semaphore, #tpu.memory_space<semaphore_mem>>)
    %add3A_182 = arith.constant 128 : i32
    %add3A_183 = arith.addi %mul3A_8, %add3A_182 : i32
    %add3A_184 = arith.constant 128 : i32
    %add3A_185 = arith.addi %mul3A_8, %add3A_184 : i32
    %dma_start3A_186 = arith.constant 0 : i32
    %dma_start3A_187 = tpu.memref_slice %arg5[%arg0, %add3A_185, %dma_start3A_186] : memref<2x10240x64xf32, #tpu.memory_space<hbm>> -> memref<1x64x64xf32, #tpu.memory_space<hbm>>
    %dma_start3A_188 = tpu.memref_squeeze %dma_start3A_187 : memref<1x64x64xf32, #tpu.memory_space<hbm>> -> memref<64x64xf32, #tpu.memory_space<hbm>>
    %dma_start3A_189 = arith.constant 0 : i32
    %dma_start3A_190 = tpu.memref_slice %arg16[%add3A_183, %dma_start3A_189] : memref<10240x64xf32, #tpu.memory_space<vmem_shared>> -> memref<64x64xf32, #tpu.memory_space<vmem_shared>>
    tpu.enqueue_dma source(%dma_start3A_190 : memref<64x64xf32, #tpu.memory_space<vmem_shared>>) target(%dma_start3A_188 : memref<64x64xf32, #tpu.memory_space<hbm>>) target_semaphore(%arg18 : memref<!tpu.dma_semaphore, #tpu.memory_space<semaphore_mem>>)
    %add3A_191 = arith.constant 192 : i32
    %add3A_192 = arith.addi %mul3A_8, %add3A_191 : i32
    %add3A_193 = arith.constant 192 : i32
    %add3A_194 = arith.addi %mul3A_8, %add3A_193 : i32
    %dma_start3A_195 = arith.constant 0 : i32
    %dma_start3A_196 = tpu.memref_slice %arg5[%arg0, %add3A_194, %dma_start3A_195] : memref<2x10240x64xf32, #tpu.memory_space<hbm>> -> memref<1x64x64xf32, #tpu.memory_space<hbm>>
    %dma_start3A_197 = tpu.memref_squeeze %dma_start3A_196 : memref<1x64x64xf32, #tpu.memory_space<hbm>> -> memref<64x64xf32, #tpu.memory_space<hbm>>
    %dma_start3A_198 = arith.constant 0 : i32
    %dma_start3A_199 = tpu.memref_slice %arg16[%add3A_192, %dma_start3A_198] : memref<10240x64xf32, #tpu.memory_space<vmem_shared>> -> memref<64x64xf32, #tpu.memory_space<vmem_shared>>
    tpu.enqueue_dma source(%dma_start3A_199 : memref<64x64xf32, #tpu.memory_space<vmem_shared>>) target(%dma_start3A_197 : memref<64x64xf32, #tpu.memory_space<hbm>>) target_semaphore(%arg18 : memref<!tpu.dma_semaphore, #tpu.memory_space<semaphore_mem>>)
    %add3A_200 = arith.constant 256 : i32
    %add3A_201 = arith.addi %mul3A_8, %add3A_200 : i32
    %add3A_202 = arith.constant 256 : i32
    %add3A_203 = arith.addi %mul3A_8, %add3A_202 : i32
    %dma_start3A_204 = arith.constant 0 : i32
    %dma_start3A_205 = tpu.memref_slice %arg5[%arg0, %add3A_203, %dma_start3A_204] : memref<2x10240x64xf32, #tpu.memory_space<hbm>> -> memref<1x64x64xf32, #tpu.memory_space<hbm>>
    %dma_start3A_206 = tpu.memref_squeeze %dma_start3A_205 : memref<1x64x64xf32, #tpu.memory_space<hbm>> -> memref<64x64xf32, #tpu.memory_space<hbm>>
    %dma_start3A_207 = arith.constant 0 : i32
    %dma_start3A_208 = tpu.memref_slice %arg16[%add3A_201, %dma_start3A_207] : memref<10240x64xf32, #tpu.memory_space<vmem_shared>> -> memref<64x64xf32, #tpu.memory_space<vmem_shared>>
    tpu.enqueue_dma source(%dma_start3A_208 : memref<64x64xf32, #tpu.memory_space<vmem_shared>>) target(%dma_start3A_206 : memref<64x64xf32, #tpu.memory_space<hbm>>) target_semaphore(%arg18 : memref<!tpu.dma_semaphore, #tpu.memory_space<semaphore_mem>>)
    %add3A_209 = arith.constant 320 : i32
    %add3A_210 = arith.addi %mul3A_8, %add3A_209 : i32
    %add3A_211 = arith.constant 320 : i32
    %add3A_212 = arith.addi %mul3A_8, %add3A_211 : i32
    %dma_start3A_213 = arith.constant 0 : i32
    %dma_start3A_214 = tpu.memref_slice %arg5[%arg0, %add3A_212, %dma_start3A_213] : memref<2x10240x64xf32, #tpu.memory_space<hbm>> -> memref<1x64x64xf32, #tpu.memory_space<hbm>>
    %dma_start3A_215 = tpu.memref_squeeze %dma_start3A_214 : memref<1x64x64xf32, #tpu.memory_space<hbm>> -> memref<64x64xf32, #tpu.memory_space<hbm>>
    %dma_start3A_216 = arith.constant 0 : i32
    %dma_start3A_217 = tpu.memref_slice %arg16[%add3A_210, %dma_start3A_216] : memref<10240x64xf32, #tpu.memory_space<vmem_shared>> -> memref<64x64xf32, #tpu.memory_space<vmem_shared>>
    tpu.enqueue_dma source(%dma_start3A_217 : memref<64x64xf32, #tpu.memory_space<vmem_shared>>) target(%dma_start3A_215 : memref<64x64xf32, #tpu.memory_space<hbm>>) target_semaphore(%arg18 : memref<!tpu.dma_semaphore, #tpu.memory_space<semaphore_mem>>)
    %add3A_218 = arith.constant 384 : i32
    %add3A_219 = arith.addi %mul3A_8, %add3A_218 : i32
    %add3A_220 = arith.constant 384 : i32
    %add3A_221 = arith.addi %mul3A_8, %add3A_220 : i32
    %dma_start3A_222 = arith.constant 0 : i32
    %dma_start3A_223 = tpu.memref_slice %arg5[%arg0, %add3A_221, %dma_start3A_222] : memref<2x10240x64xf32, #tpu.memory_space<hbm>> -> memref<1x64x64xf32, #tpu.memory_space<hbm>>
    %dma_start3A_224 = tpu.memref_squeeze %dma_start3A_223 : memref<1x64x64xf32, #tpu.memory_space<hbm>> -> memref<64x64xf32, #tpu.memory_space<hbm>>
    %dma_start3A_225 = arith.constant 0 : i32
    %dma_start3A_226 = tpu.memref_slice %arg16[%add3A_219, %dma_start3A_225] : memref<10240x64xf32, #tpu.memory_space<vmem_shared>> -> memref<64x64xf32, #tpu.memory_space<vmem_shared>>
    tpu.enqueue_dma source(%dma_start3A_226 : memref<64x64xf32, #tpu.memory_space<vmem_shared>>) target(%dma_start3A_224 : memref<64x64xf32, #tpu.memory_space<hbm>>) target_semaphore(%arg18 : memref<!tpu.dma_semaphore, #tpu.memory_space<semaphore_mem>>)
    %add3A_227 = arith.constant 448 : i32
    %add3A_228 = arith.addi %mul3A_8, %add3A_227 : i32
    %add3A_229 = arith.constant 448 : i32
    %add3A_230 = arith.addi %mul3A_8, %add3A_229 : i32
    %dma_start3A_231 = arith.constant 0 : i32
    %dma_start3A_232 = tpu.memref_slice %arg5[%arg0, %add3A_230, %dma_start3A_231] : memref<2x10240x64xf32, #tpu.memory_space<hbm>> -> memref<1x64x64xf32, #tpu.memory_space<hbm>>
    %dma_start3A_233 = tpu.memref_squeeze %dma_start3A_232 : memref<1x64x64xf32, #tpu.memory_space<hbm>> -> memref<64x64xf32, #tpu.memory_space<hbm>>
    %dma_start3A_234 = arith.constant 0 : i32
    %dma_start3A_235 = tpu.memref_slice %arg16[%add3A_228, %dma_start3A_234] : memref<10240x64xf32, #tpu.memory_space<vmem_shared>> -> memref<64x64xf32, #tpu.memory_space<vmem_shared>>
    tpu.enqueue_dma source(%dma_start3A_235 : memref<64x64xf32, #tpu.memory_space<vmem_shared>>) target(%dma_start3A_233 : memref<64x64xf32, #tpu.memory_space<hbm>>) target_semaphore(%arg18 : memref<!tpu.dma_semaphore, #tpu.memory_space<semaphore_mem>>)
    %add3A_236 = arith.constant 512 : i32
    %add3A_237 = arith.addi %mul3A_8, %add3A_236 : i32
    %add3A_238 = arith.constant 512 : i32
    %add3A_239 = arith.addi %mul3A_8, %add3A_238 : i32
    %dma_start3A_240 = arith.constant 0 : i32
    %dma_start3A_241 = tpu.memref_slice %arg5[%arg0, %add3A_239, %dma_start3A_240] : memref<2x10240x64xf32, #tpu.memory_space<hbm>> -> memref<1x64x64xf32, #tpu.memory_space<hbm>>
    %dma_start3A_242 = tpu.memref_squeeze %dma_start3A_241 : memref<1x64x64xf32, #tpu.memory_space<hbm>> -> memref<64x64xf32, #tpu.memory_space<hbm>>
    %dma_start3A_243 = arith.constant 0 : i32
    %dma_start3A_244 = tpu.memref_slice %arg16[%add3A_237, %dma_start3A_243] : memref<10240x64xf32, #tpu.memory_space<vmem_shared>> -> memref<64x64xf32, #tpu.memory_space<vmem_shared>>
    tpu.enqueue_dma source(%dma_start3A_244 : memref<64x64xf32, #tpu.memory_space<vmem_shared>>) target(%dma_start3A_242 : memref<64x64xf32, #tpu.memory_space<hbm>>) target_semaphore(%arg18 : memref<!tpu.dma_semaphore, #tpu.memory_space<semaphore_mem>>)
    %add3A_245 = arith.constant 576 : i32
    %add3A_246 = arith.addi %mul3A_8, %add3A_245 : i32
    %add3A_247 = arith.constant 576 : i32
    %add3A_248 = arith.addi %mul3A_8, %add3A_247 : i32
    %dma_start3A_249 = arith.constant 0 : i32
    %dma_start3A_250 = tpu.memref_slice %arg5[%arg0, %add3A_248, %dma_start3A_249] : memref<2x10240x64xf32, #tpu.memory_space<hbm>> -> memref<1x64x64xf32, #tpu.memory_space<hbm>>
    %dma_start3A_251 = tpu.memref_squeeze %dma_start3A_250 : memref<1x64x64xf32, #tpu.memory_space<hbm>> -> memref<64x64xf32, #tpu.memory_space<hbm>>
    %dma_start3A_252 = arith.constant 0 : i32
    %dma_start3A_253 = tpu.memref_slice %arg16[%add3A_246, %dma_start3A_252] : memref<10240x64xf32, #tpu.memory_space<vmem_shared>> -> memref<64x64xf32, #tpu.memory_space<vmem_shared>>
    tpu.enqueue_dma source(%dma_start3A_253 : memref<64x64xf32, #tpu.memory_space<vmem_shared>>) target(%dma_start3A_251 : memref<64x64xf32, #tpu.memory_space<hbm>>) target_semaphore(%arg18 : memref<!tpu.dma_semaphore, #tpu.memory_space<semaphore_mem>>)
    %dma_wait3A_254 = arith.constant 0 : i32
    %dma_wait3A_255 = tpu.memref_slice %arg5[%arg0, %add3A_167, %dma_wait3A_254] : memref<2x10240x64xf32, #tpu.memory_space<hbm>> -> memref<1x64x64xf32, #tpu.memory_space<hbm>>
    %dma_wait3A_256 = tpu.memref_squeeze %dma_wait3A_255 : memref<1x64x64xf32, #tpu.memory_space<hbm>> -> memref<64x64xf32, #tpu.memory_space<hbm>>
    %dma_wait3A_257 = arith.constant 0 : i32
    %dma_wait3A_258 = tpu.memref_slice %arg16[%add3A_165, %dma_wait3A_257] : memref<10240x64xf32, #tpu.memory_space<vmem_shared>> -> memref<64x64xf32, #tpu.memory_space<vmem_shared>>
    tpu.wait_dma2 semaphore(%arg18 : memref<!tpu.dma_semaphore, #tpu.memory_space<semaphore_mem>>) src(%dma_wait3A_258 : memref<64x64xf32, #tpu.memory_space<vmem_shared>>) dst(%dma_wait3A_256 : memref<64x64xf32, #tpu.memory_space<hbm>>)
    %dma_wait3A_259 = arith.constant 0 : i32
    %dma_wait3A_260 = tpu.memref_slice %arg5[%arg0, %add3A_176, %dma_wait3A_259] : memref<2x10240x64xf32, #tpu.memory_space<hbm>> -> memref<1x64x64xf32, #tpu.memory_space<hbm>>
    %dma_wait3A_261 = tpu.memref_squeeze %dma_wait3A_260 : memref<1x64x64xf32, #tpu.memory_space<hbm>> -> memref<64x64xf32, #tpu.memory_space<hbm>>
    %dma_wait3A_262 = arith.constant 0 : i32
    %dma_wait3A_263 = tpu.memref_slice %arg16[%add3A_174, %dma_wait3A_262] : memref<10240x64xf32, #tpu.memory_space<vmem_shared>> -> memref<64x64xf32, #tpu.memory_space<vmem_shared>>
    tpu.wait_dma2 semaphore(%arg18 : memref<!tpu.dma_semaphore, #tpu.memory_space<semaphore_mem>>) src(%dma_wait3A_263 : memref<64x64xf32, #tpu.memory_space<vmem_shared>>) dst(%dma_wait3A_261 : memref<64x64xf32, #tpu.memory_space<hbm>>)
    %dma_wait3A_264 = arith.constant 0 : i32
    %dma_wait3A_265 = tpu.memref_slice %arg5[%arg0, %add3A_185, %dma_wait3A_264] : memref<2x10240x64xf32, #tpu.memory_space<hbm>> -> memref<1x64x64xf32, #tpu.memory_space<hbm>>
    %dma_wait3A_266 = tpu.memref_squeeze %dma_wait3A_265 : memref<1x64x64xf32, #tpu.memory_space<hbm>> -> memref<64x64xf32, #tpu.memory_space<hbm>>
    %dma_wait3A_267 = arith.constant 0 : i32
    %dma_wait3A_268 = tpu.memref_slice %arg16[%add3A_183, %dma_wait3A_267] : memref<10240x64xf32, #tpu.memory_space<vmem_shared>> -> memref<64x64xf32, #tpu.memory_space<vmem_shared>>
    tpu.wait_dma2 semaphore(%arg18 : memref<!tpu.dma_semaphore, #tpu.memory_space<semaphore_mem>>) src(%dma_wait3A_268 : memref<64x64xf32, #tpu.memory_space<vmem_shared>>) dst(%dma_wait3A_266 : memref<64x64xf32, #tpu.memory_space<hbm>>)
    %dma_wait3A_269 = arith.constant 0 : i32
    %dma_wait3A_270 = tpu.memref_slice %arg5[%arg0, %add3A_194, %dma_wait3A_269] : memref<2x10240x64xf32, #tpu.memory_space<hbm>> -> memref<1x64x64xf32, #tpu.memory_space<hbm>>
    %dma_wait3A_271 = tpu.memref_squeeze %dma_wait3A_270 : memref<1x64x64xf32, #tpu.memory_space<hbm>> -> memref<64x64xf32, #tpu.memory_space<hbm>>
    %dma_wait3A_272 = arith.constant 0 : i32
    %dma_wait3A_273 = tpu.memref_slice %arg16[%add3A_192, %dma_wait3A_272] : memref<10240x64xf32, #tpu.memory_space<vmem_shared>> -> memref<64x64xf32, #tpu.memory_space<vmem_shared>>
    tpu.wait_dma2 semaphore(%arg18 : memref<!tpu.dma_semaphore, #tpu.memory_space<semaphore_mem>>) src(%dma_wait3A_273 : memref<64x64xf32, #tpu.memory_space<vmem_shared>>) dst(%dma_wait3A_271 : memref<64x64xf32, #tpu.memory_space<hbm>>)
    %dma_wait3A_274 = arith.constant 0 : i32
    %dma_wait3A_275 = tpu.memref_slice %arg5[%arg0, %add3A_203, %dma_wait3A_274] : memref<2x10240x64xf32, #tpu.memory_space<hbm>> -> memref<1x64x64xf32, #tpu.memory_space<hbm>>
    %dma_wait3A_276 = tpu.memref_squeeze %dma_wait3A_275 : memref<1x64x64xf32, #tpu.memory_space<hbm>> -> memref<64x64xf32, #tpu.memory_space<hbm>>
    %dma_wait3A_277 = arith.constant 0 : i32
    %dma_wait3A_278 = tpu.memref_slice %arg16[%add3A_201, %dma_wait3A_277] : memref<10240x64xf32, #tpu.memory_space<vmem_shared>> -> memref<64x64xf32, #tpu.memory_space<vmem_shared>>
    tpu.wait_dma2 semaphore(%arg18 : memref<!tpu.dma_semaphore, #tpu.memory_space<semaphore_mem>>) src(%dma_wait3A_278 : memref<64x64xf32, #tpu.memory_space<vmem_shared>>) dst(%dma_wait3A_276 : memref<64x64xf32, #tpu.memory_space<hbm>>)
    %dma_wait3A_279 = arith.constant 0 : i32
    %dma_wait3A_280 = tpu.memref_slice %arg5[%arg0, %add3A_212, %dma_wait3A_279] : memref<2x10240x64xf32, #tpu.memory_space<hbm>> -> memref<1x64x64xf32, #tpu.memory_space<hbm>>
    %dma_wait3A_281 = tpu.memref_squeeze %dma_wait3A_280 : memref<1x64x64xf32, #tpu.memory_space<hbm>> -> memref<64x64xf32, #tpu.memory_space<hbm>>
    %dma_wait3A_282 = arith.constant 0 : i32
    %dma_wait3A_283 = tpu.memref_slice %arg16[%add3A_210, %dma_wait3A_282] : memref<10240x64xf32, #tpu.memory_space<vmem_shared>> -> memref<64x64xf32, #tpu.memory_space<vmem_shared>>
    tpu.wait_dma2 semaphore(%arg18 : memref<!tpu.dma_semaphore, #tpu.memory_space<semaphore_mem>>) src(%dma_wait3A_283 : memref<64x64xf32, #tpu.memory_space<vmem_shared>>) dst(%dma_wait3A_281 : memref<64x64xf32, #tpu.memory_space<hbm>>)
    %dma_wait3A_284 = arith.constant 0 : i32
    %dma_wait3A_285 = tpu.memref_slice %arg5[%arg0, %add3A_221, %dma_wait3A_284] : memref<2x10240x64xf32, #tpu.memory_space<hbm>> -> memref<1x64x64xf32, #tpu.memory_space<hbm>>
    %dma_wait3A_286 = tpu.memref_squeeze %dma_wait3A_285 : memref<1x64x64xf32, #tpu.memory_space<hbm>> -> memref<64x64xf32, #tpu.memory_space<hbm>>
    %dma_wait3A_287 = arith.constant 0 : i32
    %dma_wait3A_288 = tpu.memref_slice %arg16[%add3A_219, %dma_wait3A_287] : memref<10240x64xf32, #tpu.memory_space<vmem_shared>> -> memref<64x64xf32, #tpu.memory_space<vmem_shared>>
    tpu.wait_dma2 semaphore(%arg18 : memref<!tpu.dma_semaphore, #tpu.memory_space<semaphore_mem>>) src(%dma_wait3A_288 : memref<64x64xf32, #tpu.memory_space<vmem_shared>>) dst(%dma_wait3A_286 : memref<64x64xf32, #tpu.memory_space<hbm>>)
    %dma_wait3A_289 = arith.constant 0 : i32
    %dma_wait3A_290 = tpu.memref_slice %arg5[%arg0, %add3A_230, %dma_wait3A_289] : memref<2x10240x64xf32, #tpu.memory_space<hbm>> -> memref<1x64x64xf32, #tpu.memory_space<hbm>>
    %dma_wait3A_291 = tpu.memref_squeeze %dma_wait3A_290 : memref<1x64x64xf32, #tpu.memory_space<hbm>> -> memref<64x64xf32, #tpu.memory_space<hbm>>
    %dma_wait3A_292 = arith.constant 0 : i32
    %dma_wait3A_293 = tpu.memref_slice %arg16[%add3A_228, %dma_wait3A_292] : memref<10240x64xf32, #tpu.memory_space<vmem_shared>> -> memref<64x64xf32, #tpu.memory_space<vmem_shared>>
    tpu.wait_dma2 semaphore(%arg18 : memref<!tpu.dma_semaphore, #tpu.memory_space<semaphore_mem>>) src(%dma_wait3A_293 : memref<64x64xf32, #tpu.memory_space<vmem_shared>>) dst(%dma_wait3A_291 : memref<64x64xf32, #tpu.memory_space<hbm>>)
    %dma_wait3A_294 = arith.constant 0 : i32
    %dma_wait3A_295 = tpu.memref_slice %arg5[%arg0, %add3A_239, %dma_wait3A_294] : memref<2x10240x64xf32, #tpu.memory_space<hbm>> -> memref<1x64x64xf32, #tpu.memory_space<hbm>>
    %dma_wait3A_296 = tpu.memref_squeeze %dma_wait3A_295 : memref<1x64x64xf32, #tpu.memory_space<hbm>> -> memref<64x64xf32, #tpu.memory_space<hbm>>
    %dma_wait3A_297 = arith.constant 0 : i32
    %dma_wait3A_298 = tpu.memref_slice %arg16[%add3A_237, %dma_wait3A_297] : memref<10240x64xf32, #tpu.memory_space<vmem_shared>> -> memref<64x64xf32, #tpu.memory_space<vmem_shared>>
    tpu.wait_dma2 semaphore(%arg18 : memref<!tpu.dma_semaphore, #tpu.memory_space<semaphore_mem>>) src(%dma_wait3A_298 : memref<64x64xf32, #tpu.memory_space<vmem_shared>>) dst(%dma_wait3A_296 : memref<64x64xf32, #tpu.memory_space<hbm>>)
    %dma_wait3A_299 = arith.constant 0 : i32
    %dma_wait3A_300 = tpu.memref_slice %arg5[%arg0, %add3A_248, %dma_wait3A_299] : memref<2x10240x64xf32, #tpu.memory_space<hbm>> -> memref<1x64x64xf32, #tpu.memory_space<hbm>>
    %dma_wait3A_301 = tpu.memref_squeeze %dma_wait3A_300 : memref<1x64x64xf32, #tpu.memory_space<hbm>> -> memref<64x64xf32, #tpu.memory_space<hbm>>
    %dma_wait3A_302 = arith.constant 0 : i32
    %dma_wait3A_303 = tpu.memref_slice %arg16[%add3A_246, %dma_wait3A_302] : memref<10240x64xf32, #tpu.memory_space<vmem_shared>> -> memref<64x64xf32, #tpu.memory_space<vmem_shared>>
    tpu.wait_dma2 semaphore(%arg18 : memref<!tpu.dma_semaphore, #tpu.memory_space<semaphore_mem>>) src(%dma_wait3A_303 : memref<64x64xf32, #tpu.memory_space<vmem_shared>>) dst(%dma_wait3A_301 : memref<64x64xf32, #tpu.memory_space<hbm>>)
    return
  }
}

#map = affine_map<(d0, d1) -> (0)>
#map1 = affine_map<(d0, d1) -> (0, 0)>
#map2 = affine_map<(d0, d1) -> (0, 0, 0)>
module attributes {stable_mosaic.version = 14 : i64} {
  func.func @body(%arg0: i32, %arg1: i32, %arg2: memref<320000xi32, #tpu.memory_space<hbm>>, %arg3: memref<320000xi32, #tpu.memory_space<hbm>>, %arg4: memref<10000x128xf32, #tpu.memory_space<hbm>>, %arg5: memref<2x10240x128xf32, #tpu.memory_space<hbm>>, %arg6: memref<128xi32, #tpu.memory_space<vmem>>, %arg7: memref<128xi32, #tpu.memory_space<vmem>>, %arg8: memref<128xi32, #tpu.memory_space<vmem>>, %arg9: memref<128xi32, #tpu.memory_space<vmem>>, %arg10: memref<128x128xf32, #tpu.memory_space<vmem>>, %arg11: memref<128x128xf32, #tpu.memory_space<vmem>>, %arg12: memref<16xi32, #tpu.memory_space<vmem>>, %arg13: memref<16xi32, #tpu.memory_space<vmem>>, %arg14: memref<16x128xf32, #tpu.memory_space<vmem>>, %arg15: memref<64x128xf32, #tpu.memory_space<vmem>>, %arg16: memref<10240x128xf32, #tpu.memory_space<vmem_shared>>, %arg17: memref<!tpu.dma_semaphore, #tpu.memory_space<semaphore_mem>>, %arg18: memref<!tpu.dma_semaphore, #tpu.memory_space<semaphore_mem>>, %arg19: memref<!tpu.dma_semaphore, #tpu.memory_space<semaphore_mem>>, %arg20: memref<!tpu.dma_semaphore, #tpu.memory_space<semaphore_mem>>, %arg21: memref<!tpu.dma_semaphore, #tpu.memory_space<semaphore_mem>>, %arg22: memref<!tpu.dma_semaphore, #tpu.memory_space<semaphore_mem>>, %arg23: memref<!tpu.dma_semaphore, #tpu.memory_space<semaphore_mem>>, %arg24: memref<!tpu.dma_semaphore, #tpu.memory_space<semaphore_mem>>) attributes {dimension_semantics = [#tpu.dimension_semantics<core_parallel>, #tpu.dimension_semantics<subcore_parallel>], iteration_bounds = array<i64: 2, 16>, scalar_prefetch = 0 : i64, scratch_operands = 19 : i64, tpu.core_type = #tpu.core_type<sc_vector_subcore>, window_params = [{transform_indices = #map}, {transform_indices = #map}, {transform_indices = #map1}, {transform_indices = #map2}]} {
    %mul3A = arith.constant 16 : i32
    %mul3A_0 = arith.muli %arg0, %mul3A : i32
    %add3A = arith.addi %mul3A_0, %arg1 : i32
    %broadcast_in_dim3A = arith.constant 0.000000e+00 : f32
    %broadcast_in_dim3A_1 = vector.broadcast %broadcast_in_dim3A : f32 to vector<16xf32>
    %scan3A = arith.constant 0 : i32
    %scan3A_2 = arith.constant 0 : i32
    %scan3A_3 = arith.constant 64 : i32
    %scan3A_4 = arith.addi %scan3A_2, %scan3A_3 : i32
    %scan3A_5 = arith.constant 1 : i32
    scf.for %scan3A_304 = %scan3A_2 to %scan3A_4 step %scan3A_5  : i32 {
      %scan3A_305 = arith.constant 0 : i32
      %scan3A_306 = arith.constant 8 : i32
      %scan3A_307 = arith.addi %scan3A_305, %scan3A_306 : i32
      %scan3A_308 = arith.constant 1 : i32
      scf.for %scan3A_310 = %scan3A_305 to %scan3A_307 step %scan3A_308  : i32 {
        %mul3A_311 = arith.constant 16 : i32
        %mul3A_312 = arith.muli %scan3A_310, %mul3A_311 : i32
        %swap3A = arith.index_cast %scan3A_304 : i32 to index
        %swap3A_313 = arith.index_cast %mul3A_312 : i32 to index
        %swap3A_314 = tpu.vector_load %arg15[%swap3A, %swap3A_313] {strides = array<i32>} : memref<64x128xf32, #tpu.memory_space<vmem>>, vector<1x16xf32>,
        %swap3A_315 = vector.shape_cast %swap3A_314 : vector<1x16xf32> to vector<16xf32>
        %swap3A_316 = vector.shape_cast %broadcast_in_dim3A_1 : vector<16xf32> to vector<1x16xf32>
        tpu.vector_store %arg15[%swap3A, %swap3A_313], %swap3A_316 {strides = array<i32>} : memref<64x128xf32, #tpu.memory_space<vmem>>, vector<1x16xf32>,
      }
      %scan3A_309 = arith.constant 8 : i32
    }
    %scan3A_6 = arith.constant 64 : i32
    %mul3A_7 = arith.constant 640 : i32
    %mul3A_8 = arith.muli %arg1, %mul3A_7 : i32
    %add3A_9 = arith.constant 0 : i32
    %add3A_10 = arith.addi %mul3A_8, %add3A_9 : i32
    %dma_start3A = arith.constant 0 : i32
    %dma_start3A_11 = tpu.memref_slice %arg16[%add3A_10, %dma_start3A] : memref<10240x128xf32, #tpu.memory_space<vmem_shared>> -> memref<64x128xf32, #tpu.memory_space<vmem_shared>>
    %dma_start3A_12 = arith.constant 0 : i32
    %dma_start3A_13 = tpu.memref_slice %arg16[%add3A_10, %dma_start3A_12] : memref<10240x128xf32, #tpu.memory_space<vmem_shared>> -> memref<64x128xf32, #tpu.memory_space<vmem_shared>>
    tpu.enqueue_dma source(%arg15 : memref<64x128xf32, #tpu.memory_space<vmem>>) target(%dma_start3A_13 : memref<64x128xf32, #tpu.memory_space<vmem_shared>>) target_semaphore(%arg17 : memref<!tpu.dma_semaphore, #tpu.memory_space<semaphore_mem>>)
    %add3A_14 = arith.constant 64 : i32
    %add3A_15 = arith.addi %mul3A_8, %add3A_14 : i32
    %dma_start3A_16 = arith.constant 0 : i32
    %dma_start3A_17 = tpu.memref_slice %arg16[%add3A_15, %dma_start3A_16] : memref<10240x128xf32, #tpu.memory_space<vmem_shared>> -> memref<64x128xf32, #tpu.memory_space<vmem_shared>>
    %dma_start3A_18 = arith.constant 0 : i32
    %dma_start3A_19 = tpu.memref_slice %arg16[%add3A_15, %dma_start3A_18] : memref<10240x128xf32, #tpu.memory_space<vmem_shared>> -> memref<64x128xf32, #tpu.memory_space<vmem_shared>>
    tpu.enqueue_dma source(%arg15 : memref<64x128xf32, #tpu.memory_space<vmem>>) target(%dma_start3A_19 : memref<64x128xf32, #tpu.memory_space<vmem_shared>>) target_semaphore(%arg17 : memref<!tpu.dma_semaphore, #tpu.memory_space<semaphore_mem>>)
    %add3A_20 = arith.constant 128 : i32
    %add3A_21 = arith.addi %mul3A_8, %add3A_20 : i32
    %dma_start3A_22 = arith.constant 0 : i32
    %dma_start3A_23 = tpu.memref_slice %arg16[%add3A_21, %dma_start3A_22] : memref<10240x128xf32, #tpu.memory_space<vmem_shared>> -> memref<64x128xf32, #tpu.memory_space<vmem_shared>>
    %dma_start3A_24 = arith.constant 0 : i32
    %dma_start3A_25 = tpu.memref_slice %arg16[%add3A_21, %dma_start3A_24] : memref<10240x128xf32, #tpu.memory_space<vmem_shared>> -> memref<64x128xf32, #tpu.memory_space<vmem_shared>>
    tpu.enqueue_dma source(%arg15 : memref<64x128xf32, #tpu.memory_space<vmem>>) target(%dma_start3A_25 : memref<64x128xf32, #tpu.memory_space<vmem_shared>>) target_semaphore(%arg17 : memref<!tpu.dma_semaphore, #tpu.memory_space<semaphore_mem>>)
    %add3A_26 = arith.constant 192 : i32
    %add3A_27 = arith.addi %mul3A_8, %add3A_26 : i32
    %dma_start3A_28 = arith.constant 0 : i32
    %dma_start3A_29 = tpu.memref_slice %arg16[%add3A_27, %dma_start3A_28] : memref<10240x128xf32, #tpu.memory_space<vmem_shared>> -> memref<64x128xf32, #tpu.memory_space<vmem_shared>>
    %dma_start3A_30 = arith.constant 0 : i32
    %dma_start3A_31 = tpu.memref_slice %arg16[%add3A_27, %dma_start3A_30] : memref<10240x128xf32, #tpu.memory_space<vmem_shared>> -> memref<64x128xf32, #tpu.memory_space<vmem_shared>>
    tpu.enqueue_dma source(%arg15 : memref<64x128xf32, #tpu.memory_space<vmem>>) target(%dma_start3A_31 : memref<64x128xf32, #tpu.memory_space<vmem_shared>>) target_semaphore(%arg17 : memref<!tpu.dma_semaphore, #tpu.memory_space<semaphore_mem>>)
    %add3A_32 = arith.constant 256 : i32
    %add3A_33 = arith.addi %mul3A_8, %add3A_32 : i32
    %dma_start3A_34 = arith.constant 0 : i32
    %dma_start3A_35 = tpu.memref_slice %arg16[%add3A_33, %dma_start3A_34] : memref<10240x128xf32, #tpu.memory_space<vmem_shared>> -> memref<64x128xf32, #tpu.memory_space<vmem_shared>>
    %dma_start3A_36 = arith.constant 0 : i32
    %dma_start3A_37 = tpu.memref_slice %arg16[%add3A_33, %dma_start3A_36] : memref<10240x128xf32, #tpu.memory_space<vmem_shared>> -> memref<64x128xf32, #tpu.memory_space<vmem_shared>>
    tpu.enqueue_dma source(%arg15 : memref<64x128xf32, #tpu.memory_space<vmem>>) target(%dma_start3A_37 : memref<64x128xf32, #tpu.memory_space<vmem_shared>>) target_semaphore(%arg17 : memref<!tpu.dma_semaphore, #tpu.memory_space<semaphore_mem>>)
    %add3A_38 = arith.constant 320 : i32
    %add3A_39 = arith.addi %mul3A_8, %add3A_38 : i32
    %dma_start3A_40 = arith.constant 0 : i32
    %dma_start3A_41 = tpu.memref_slice %arg16[%add3A_39, %dma_start3A_40] : memref<10240x128xf32, #tpu.memory_space<vmem_shared>> -> memref<64x128xf32, #tpu.memory_space<vmem_shared>>
    %dma_start3A_42 = arith.constant 0 : i32
    %dma_start3A_43 = tpu.memref_slice %arg16[%add3A_39, %dma_start3A_42] : memref<10240x128xf32, #tpu.memory_space<vmem_shared>> -> memref<64x128xf32, #tpu.memory_space<vmem_shared>>
    tpu.enqueue_dma source(%arg15 : memref<64x128xf32, #tpu.memory_space<vmem>>) target(%dma_start3A_43 : memref<64x128xf32, #tpu.memory_space<vmem_shared>>) target_semaphore(%arg17 : memref<!tpu.dma_semaphore, #tpu.memory_space<semaphore_mem>>)
    %add3A_44 = arith.constant 384 : i32
    %add3A_45 = arith.addi %mul3A_8, %add3A_44 : i32
    %dma_start3A_46 = arith.constant 0 : i32
    %dma_start3A_47 = tpu.memref_slice %arg16[%add3A_45, %dma_start3A_46] : memref<10240x128xf32, #tpu.memory_space<vmem_shared>> -> memref<64x128xf32, #tpu.memory_space<vmem_shared>>
    %dma_start3A_48 = arith.constant 0 : i32
    %dma_start3A_49 = tpu.memref_slice %arg16[%add3A_45, %dma_start3A_48] : memref<10240x128xf32, #tpu.memory_space<vmem_shared>> -> memref<64x128xf32, #tpu.memory_space<vmem_shared>>
    tpu.enqueue_dma source(%arg15 : memref<64x128xf32, #tpu.memory_space<vmem>>) target(%dma_start3A_49 : memref<64x128xf32, #tpu.memory_space<vmem_shared>>) target_semaphore(%arg17 : memref<!tpu.dma_semaphore, #tpu.memory_space<semaphore_mem>>)
    %add3A_50 = arith.constant 448 : i32
    %add3A_51 = arith.addi %mul3A_8, %add3A_50 : i32
    %dma_start3A_52 = arith.constant 0 : i32
    %dma_start3A_53 = tpu.memref_slice %arg16[%add3A_51, %dma_start3A_52] : memref<10240x128xf32, #tpu.memory_space<vmem_shared>> -> memref<64x128xf32, #tpu.memory_space<vmem_shared>>
    %dma_start3A_54 = arith.constant 0 : i32
    %dma_start3A_55 = tpu.memref_slice %arg16[%add3A_51, %dma_start3A_54] : memref<10240x128xf32, #tpu.memory_space<vmem_shared>> -> memref<64x128xf32, #tpu.memory_space<vmem_shared>>
    tpu.enqueue_dma source(%arg15 : memref<64x128xf32, #tpu.memory_space<vmem>>) target(%dma_start3A_55 : memref<64x128xf32, #tpu.memory_space<vmem_shared>>) target_semaphore(%arg17 : memref<!tpu.dma_semaphore, #tpu.memory_space<semaphore_mem>>)
    %add3A_56 = arith.constant 512 : i32
    %add3A_57 = arith.addi %mul3A_8, %add3A_56 : i32
    %dma_start3A_58 = arith.constant 0 : i32
    %dma_start3A_59 = tpu.memref_slice %arg16[%add3A_57, %dma_start3A_58] : memref<10240x128xf32, #tpu.memory_space<vmem_shared>> -> memref<64x128xf32, #tpu.memory_space<vmem_shared>>
    %dma_start3A_60 = arith.constant 0 : i32
    %dma_start3A_61 = tpu.memref_slice %arg16[%add3A_57, %dma_start3A_60] : memref<10240x128xf32, #tpu.memory_space<vmem_shared>> -> memref<64x128xf32, #tpu.memory_space<vmem_shared>>
    tpu.enqueue_dma source(%arg15 : memref<64x128xf32, #tpu.memory_space<vmem>>) target(%dma_start3A_61 : memref<64x128xf32, #tpu.memory_space<vmem_shared>>) target_semaphore(%arg17 : memref<!tpu.dma_semaphore, #tpu.memory_space<semaphore_mem>>)
    %add3A_62 = arith.constant 576 : i32
    %add3A_63 = arith.addi %mul3A_8, %add3A_62 : i32
    %dma_start3A_64 = arith.constant 0 : i32
    %dma_start3A_65 = tpu.memref_slice %arg16[%add3A_63, %dma_start3A_64] : memref<10240x128xf32, #tpu.memory_space<vmem_shared>> -> memref<64x128xf32, #tpu.memory_space<vmem_shared>>
    %dma_start3A_66 = arith.constant 0 : i32
    %dma_start3A_67 = tpu.memref_slice %arg16[%add3A_63, %dma_start3A_66] : memref<10240x128xf32, #tpu.memory_space<vmem_shared>> -> memref<64x128xf32, #tpu.memory_space<vmem_shared>>
    tpu.enqueue_dma source(%arg15 : memref<64x128xf32, #tpu.memory_space<vmem>>) target(%dma_start3A_67 : memref<64x128xf32, #tpu.memory_space<vmem_shared>>) target_semaphore(%arg17 : memref<!tpu.dma_semaphore, #tpu.memory_space<semaphore_mem>>)
    %dma_wait3A = arith.constant 0 : i32
    %dma_wait3A_68 = tpu.memref_slice %arg16[%add3A_10, %dma_wait3A] : memref<10240x128xf32, #tpu.memory_space<vmem_shared>> -> memref<64x128xf32, #tpu.memory_space<vmem_shared>>
    %dma_wait3A_69 = arith.constant 0 : i32
    %dma_wait3A_70 = tpu.memref_slice %arg16[%add3A_10, %dma_wait3A_69] : memref<10240x128xf32, #tpu.memory_space<vmem_shared>> -> memref<64x128xf32, #tpu.memory_space<vmem_shared>>
    tpu.wait_dma2 semaphore(%arg17 : memref<!tpu.dma_semaphore, #tpu.memory_space<semaphore_mem>>) src(%arg15 : memref<64x128xf32, #tpu.memory_space<vmem>>) dst(%dma_wait3A_70 : memref<64x128xf32, #tpu.memory_space<vmem_shared>>)
    %dma_wait3A_71 = arith.constant 0 : i32
    %dma_wait3A_72 = tpu.memref_slice %arg16[%add3A_15, %dma_wait3A_71] : memref<10240x128xf32, #tpu.memory_space<vmem_shared>> -> memref<64x128xf32, #tpu.memory_space<vmem_shared>>
    %dma_wait3A_73 = arith.constant 0 : i32
    %dma_wait3A_74 = tpu.memref_slice %arg16[%add3A_15, %dma_wait3A_73] : memref<10240x128xf32, #tpu.memory_space<vmem_shared>> -> memref<64x128xf32, #tpu.memory_space<vmem_shared>>
    tpu.wait_dma2 semaphore(%arg17 : memref<!tpu.dma_semaphore, #tpu.memory_space<semaphore_mem>>) src(%arg15 : memref<64x128xf32, #tpu.memory_space<vmem>>) dst(%dma_wait3A_74 : memref<64x128xf32, #tpu.memory_space<vmem_shared>>)
    %dma_wait3A_75 = arith.constant 0 : i32
    %dma_wait3A_76 = tpu.memref_slice %arg16[%add3A_21, %dma_wait3A_75] : memref<10240x128xf32, #tpu.memory_space<vmem_shared>> -> memref<64x128xf32, #tpu.memory_space<vmem_shared>>
    %dma_wait3A_77 = arith.constant 0 : i32
    %dma_wait3A_78 = tpu.memref_slice %arg16[%add3A_21, %dma_wait3A_77] : memref<10240x128xf32, #tpu.memory_space<vmem_shared>> -> memref<64x128xf32, #tpu.memory_space<vmem_shared>>
    tpu.wait_dma2 semaphore(%arg17 : memref<!tpu.dma_semaphore, #tpu.memory_space<semaphore_mem>>) src(%arg15 : memref<64x128xf32, #tpu.memory_space<vmem>>) dst(%dma_wait3A_78 : memref<64x128xf32, #tpu.memory_space<vmem_shared>>)
    %dma_wait3A_79 = arith.constant 0 : i32
    %dma_wait3A_80 = tpu.memref_slice %arg16[%add3A_27, %dma_wait3A_79] : memref<10240x128xf32, #tpu.memory_space<vmem_shared>> -> memref<64x128xf32, #tpu.memory_space<vmem_shared>>
    %dma_wait3A_81 = arith.constant 0 : i32
    %dma_wait3A_82 = tpu.memref_slice %arg16[%add3A_27, %dma_wait3A_81] : memref<10240x128xf32, #tpu.memory_space<vmem_shared>> -> memref<64x128xf32, #tpu.memory_space<vmem_shared>>
    tpu.wait_dma2 semaphore(%arg17 : memref<!tpu.dma_semaphore, #tpu.memory_space<semaphore_mem>>) src(%arg15 : memref<64x128xf32, #tpu.memory_space<vmem>>) dst(%dma_wait3A_82 : memref<64x128xf32, #tpu.memory_space<vmem_shared>>)
    %dma_wait3A_83 = arith.constant 0 : i32
    %dma_wait3A_84 = tpu.memref_slice %arg16[%add3A_33, %dma_wait3A_83] : memref<10240x128xf32, #tpu.memory_space<vmem_shared>> -> memref<64x128xf32, #tpu.memory_space<vmem_shared>>
    %dma_wait3A_85 = arith.constant 0 : i32
    %dma_wait3A_86 = tpu.memref_slice %arg16[%add3A_33, %dma_wait3A_85] : memref<10240x128xf32, #tpu.memory_space<vmem_shared>> -> memref<64x128xf32, #tpu.memory_space<vmem_shared>>
    tpu.wait_dma2 semaphore(%arg17 : memref<!tpu.dma_semaphore, #tpu.memory_space<semaphore_mem>>) src(%arg15 : memref<64x128xf32, #tpu.memory_space<vmem>>) dst(%dma_wait3A_86 : memref<64x128xf32, #tpu.memory_space<vmem_shared>>)
    %dma_wait3A_87 = arith.constant 0 : i32
    %dma_wait3A_88 = tpu.memref_slice %arg16[%add3A_39, %dma_wait3A_87] : memref<10240x128xf32, #tpu.memory_space<vmem_shared>> -> memref<64x128xf32, #tpu.memory_space<vmem_shared>>
    %dma_wait3A_89 = arith.constant 0 : i32
    %dma_wait3A_90 = tpu.memref_slice %arg16[%add3A_39, %dma_wait3A_89] : memref<10240x128xf32, #tpu.memory_space<vmem_shared>> -> memref<64x128xf32, #tpu.memory_space<vmem_shared>>
    tpu.wait_dma2 semaphore(%arg17 : memref<!tpu.dma_semaphore, #tpu.memory_space<semaphore_mem>>) src(%arg15 : memref<64x128xf32, #tpu.memory_space<vmem>>) dst(%dma_wait3A_90 : memref<64x128xf32, #tpu.memory_space<vmem_shared>>)
    %dma_wait3A_91 = arith.constant 0 : i32
    %dma_wait3A_92 = tpu.memref_slice %arg16[%add3A_45, %dma_wait3A_91] : memref<10240x128xf32, #tpu.memory_space<vmem_shared>> -> memref<64x128xf32, #tpu.memory_space<vmem_shared>>
    %dma_wait3A_93 = arith.constant 0 : i32
    %dma_wait3A_94 = tpu.memref_slice %arg16[%add3A_45, %dma_wait3A_93] : memref<10240x128xf32, #tpu.memory_space<vmem_shared>> -> memref<64x128xf32, #tpu.memory_space<vmem_shared>>
    tpu.wait_dma2 semaphore(%arg17 : memref<!tpu.dma_semaphore, #tpu.memory_space<semaphore_mem>>) src(%arg15 : memref<64x128xf32, #tpu.memory_space<vmem>>) dst(%dma_wait3A_94 : memref<64x128xf32, #tpu.memory_space<vmem_shared>>)
    %dma_wait3A_95 = arith.constant 0 : i32
    %dma_wait3A_96 = tpu.memref_slice %arg16[%add3A_51, %dma_wait3A_95] : memref<10240x128xf32, #tpu.memory_space<vmem_shared>> -> memref<64x128xf32, #tpu.memory_space<vmem_shared>>
    %dma_wait3A_97 = arith.constant 0 : i32
    %dma_wait3A_98 = tpu.memref_slice %arg16[%add3A_51, %dma_wait3A_97] : memref<10240x128xf32, #tpu.memory_space<vmem_shared>> -> memref<64x128xf32, #tpu.memory_space<vmem_shared>>
    tpu.wait_dma2 semaphore(%arg17 : memref<!tpu.dma_semaphore, #tpu.memory_space<semaphore_mem>>) src(%arg15 : memref<64x128xf32, #tpu.memory_space<vmem>>) dst(%dma_wait3A_98 : memref<64x128xf32, #tpu.memory_space<vmem_shared>>)
    %dma_wait3A_99 = arith.constant 0 : i32
    %dma_wait3A_100 = tpu.memref_slice %arg16[%add3A_57, %dma_wait3A_99] : memref<10240x128xf32, #tpu.memory_space<vmem_shared>> -> memref<64x128xf32, #tpu.memory_space<vmem_shared>>
    %dma_wait3A_101 = arith.constant 0 : i32
    %dma_wait3A_102 = tpu.memref_slice %arg16[%add3A_57, %dma_wait3A_101] : memref<10240x128xf32, #tpu.memory_space<vmem_shared>> -> memref<64x128xf32, #tpu.memory_space<vmem_shared>>
    tpu.wait_dma2 semaphore(%arg17 : memref<!tpu.dma_semaphore, #tpu.memory_space<semaphore_mem>>) src(%arg15 : memref<64x128xf32, #tpu.memory_space<vmem>>) dst(%dma_wait3A_102 : memref<64x128xf32, #tpu.memory_space<vmem_shared>>)
    %dma_wait3A_103 = arith.constant 0 : i32
    %dma_wait3A_104 = tpu.memref_slice %arg16[%add3A_63, %dma_wait3A_103] : memref<10240x128xf32, #tpu.memory_space<vmem_shared>> -> memref<64x128xf32, #tpu.memory_space<vmem_shared>>
    %dma_wait3A_105 = arith.constant 0 : i32
    %dma_wait3A_106 = tpu.memref_slice %arg16[%add3A_63, %dma_wait3A_105] : memref<10240x128xf32, #tpu.memory_space<vmem_shared>> -> memref<64x128xf32, #tpu.memory_space<vmem_shared>>
    tpu.wait_dma2 semaphore(%arg17 : memref<!tpu.dma_semaphore, #tpu.memory_space<semaphore_mem>>) src(%arg15 : memref<64x128xf32, #tpu.memory_space<vmem>>) dst(%dma_wait3A_106 : memref<64x128xf32, #tpu.memory_space<vmem_shared>>)
    %barrier3A = arith.constant 0 : index
    tpu.barrier barrier_id(%barrier3A)
    %mul3A_107 = arith.constant 10000 : i32
    %mul3A_108 = arith.muli %add3A, %mul3A_107 : i32
    %add3A_109 = arith.constant 0 : i32
    %add3A_110 = arith.addi %mul3A_108, %add3A_109 : i32
    %dma_start3A_111 = tpu.memref_slice %arg2[%add3A_110] : memref<320000xi32, #tpu.memory_space<hbm>> -> memref<128xi32, #tpu.memory_space<hbm>>
    %dma_start3A_112 = tpu.memref_slice %arg2[%add3A_110] : memref<320000xi32, #tpu.memory_space<hbm>> -> memref<128xi32, #tpu.memory_space<hbm>>
    tpu.enqueue_dma source(%dma_start3A_112 : memref<128xi32, #tpu.memory_space<hbm>>) target(%arg6 : memref<128xi32, #tpu.memory_space<vmem>>) target_semaphore(%arg19 : memref<!tpu.dma_semaphore, #tpu.memory_space<semaphore_mem>>)
    %add3A_113 = arith.constant 0 : i32
    %add3A_114 = arith.addi %mul3A_108, %add3A_113 : i32
    %dma_start3A_115 = tpu.memref_slice %arg3[%add3A_114] : memref<320000xi32, #tpu.memory_space<hbm>> -> memref<128xi32, #tpu.memory_space<hbm>>
    %dma_start3A_116 = tpu.memref_slice %arg3[%add3A_114] : memref<320000xi32, #tpu.memory_space<hbm>> -> memref<128xi32, #tpu.memory_space<hbm>>
    tpu.enqueue_dma source(%dma_start3A_116 : memref<128xi32, #tpu.memory_space<hbm>>) target(%arg7 : memref<128xi32, #tpu.memory_space<vmem>>) target_semaphore(%arg21 : memref<!tpu.dma_semaphore, #tpu.memory_space<semaphore_mem>>)
    %add3A_117 = arith.constant 128 : i32
    %add3A_118 = arith.addi %mul3A_108, %add3A_117 : i32
    %dma_start3A_119 = tpu.memref_slice %arg2[%add3A_118] : memref<320000xi32, #tpu.memory_space<hbm>> -> memref<128xi32, #tpu.memory_space<hbm>>
    %dma_start3A_120 = tpu.memref_slice %arg2[%add3A_118] : memref<320000xi32, #tpu.memory_space<hbm>> -> memref<128xi32, #tpu.memory_space<hbm>>
    tpu.enqueue_dma source(%dma_start3A_120 : memref<128xi32, #tpu.memory_space<hbm>>) target(%arg8 : memref<128xi32, #tpu.memory_space<vmem>>) target_semaphore(%arg20 : memref<!tpu.dma_semaphore, #tpu.memory_space<semaphore_mem>>)
    %add3A_121 = arith.constant 128 : i32
    %add3A_122 = arith.addi %mul3A_108, %add3A_121 : i32
    %dma_start3A_123 = tpu.memref_slice %arg3[%add3A_122] : memref<320000xi32, #tpu.memory_space<hbm>> -> memref<128xi32, #tpu.memory_space<hbm>>
    %dma_start3A_124 = tpu.memref_slice %arg3[%add3A_122] : memref<320000xi32, #tpu.memory_space<hbm>> -> memref<128xi32, #tpu.memory_space<hbm>>
    tpu.enqueue_dma source(%dma_start3A_124 : memref<128xi32, #tpu.memory_space<hbm>>) target(%arg9 : memref<128xi32, #tpu.memory_space<vmem>>) target_semaphore(%arg22 : memref<!tpu.dma_semaphore, #tpu.memory_space<semaphore_mem>>)
    %add3A_125 = arith.constant 0 : i32
    %add3A_126 = arith.addi %mul3A_108, %add3A_125 : i32
    %dma_wait3A_127 = tpu.memref_slice %arg2[%add3A_126] : memref<320000xi32, #tpu.memory_space<hbm>> -> memref<128xi32, #tpu.memory_space<hbm>>
    %dma_wait3A_128 = tpu.memref_slice %arg2[%add3A_126] : memref<320000xi32, #tpu.memory_space<hbm>> -> memref<128xi32, #tpu.memory_space<hbm>>
    tpu.wait_dma2 semaphore(%arg19 : memref<!tpu.dma_semaphore, #tpu.memory_space<semaphore_mem>>) src(%dma_wait3A_128 : memref<128xi32, #tpu.memory_space<hbm>>) dst(%arg6 : memref<128xi32, #tpu.memory_space<vmem>>)
    %dma_start3A_129 = arith.constant 0 : i32
    %dma_start3A_130 = arith.constant 0 : i32
    %dma_start3A_131 = tpu.memref_slice %arg4[%dma_start3A_129, %dma_start3A_130] : memref<10000x128xf32, #tpu.memory_space<hbm>> -> memref<10000x128xf32, #tpu.memory_space<hbm>>
    tpu.enqueue_indirect_dma source(%dma_start3A_131 : memref<10000x128xf32, #tpu.memory_space<hbm>>) target(%arg10 : memref<128x128xf32, #tpu.memory_space<vmem>>) offsets(%arg6 : memref<128xi32, #tpu.memory_space<vmem>>) semaphore(%arg17 : memref<!tpu.dma_semaphore, #tpu.memory_space<semaphore_mem>>)
    %scan3A_132 = arith.constant 0 : i32
    %scan3A_133 = arith.constant 0 : i32
    %scan3A_134 = arith.constant 39 : i32
    %scan3A_135 = arith.addi %scan3A_133, %scan3A_134 : i32
    %scan3A_136 = arith.constant 1 : i32
    scf.for %scan3A_304 = %scan3A_133 to %scan3A_135 step %scan3A_136  : i32 {
      %mul3A_305 = arith.constant 2 : i32
      %mul3A_306 = arith.muli %mul3A_305, %scan3A_304 : i32
      %add3A_307 = arith.constant 1 : i32
      %add3A_308 = arith.addi %mul3A_306, %add3A_307 : i32
      %add3A_309 = arith.constant 2 : i32
      %add3A_310 = arith.addi %mul3A_306, %add3A_309 : i32
      %min3A = arith.constant 77 : i32
      %min3A_311 = arith.minsi %add3A_310, %min3A : i32
      %add3A_312 = arith.constant 2 : i32
      %add3A_313 = arith.addi %add3A_308, %add3A_312 : i32
      %min3A_314 = arith.constant 77 : i32
      %min3A_315 = arith.minsi %add3A_313, %min3A_314 : i32
      %mul3A_316 = arith.constant 128 : i32
      %mul3A_317 = arith.muli %add3A_308, %mul3A_316 : i32
      %add3A_318 = arith.addi %mul3A_108, %mul3A_317 : i32
      %dma_wait3A_319 = tpu.memref_slice %arg2[%add3A_318] : memref<320000xi32, #tpu.memory_space<hbm>> -> memref<128xi32, #tpu.memory_space<hbm>>
      %dma_wait3A_320 = tpu.memref_slice %arg2[%add3A_318] : memref<320000xi32, #tpu.memory_space<hbm>> -> memref<128xi32, #tpu.memory_space<hbm>>
      tpu.wait_dma2 semaphore(%arg20 : memref<!tpu.dma_semaphore, #tpu.memory_space<semaphore_mem>>) src(%dma_wait3A_320 : memref<128xi32, #tpu.memory_space<hbm>>) dst(%arg8 : memref<128xi32, #tpu.memory_space<vmem>>)
      %dma_start3A_321 = arith.constant 0 : i32
      %dma_start3A_322 = arith.constant 0 : i32
      %dma_start3A_323 = tpu.memref_slice %arg4[%dma_start3A_321, %dma_start3A_322] : memref<10000x128xf32, #tpu.memory_space<hbm>> -> memref<10000x128xf32, #tpu.memory_space<hbm>>
      tpu.enqueue_indirect_dma source(%dma_start3A_323 : memref<10000x128xf32, #tpu.memory_space<hbm>>) target(%arg11 : memref<128x128xf32, #tpu.memory_space<vmem>>) offsets(%arg8 : memref<128xi32, #tpu.memory_space<vmem>>) semaphore(%arg18 : memref<!tpu.dma_semaphore, #tpu.memory_space<semaphore_mem>>)
      %dma_wait3A_324 = arith.constant 0 : i32
      %dma_wait3A_325 = arith.constant 0 : i32
      %dma_wait3A_326 = tpu.memref_slice %arg4[%dma_wait3A_324, %dma_wait3A_325] : memref<10000x128xf32, #tpu.memory_space<hbm>> -> memref<10000x128xf32, #tpu.memory_space<hbm>>
      tpu.wait_indirect_dma semaphore(%arg17 : memref<!tpu.dma_semaphore, #tpu.memory_space<semaphore_mem>>) src(%dma_wait3A_326 : memref<10000x128xf32, #tpu.memory_space<hbm>>) dst(%arg10 : memref<128x128xf32, #tpu.memory_space<vmem>>)
      %mul3A_327 = arith.constant 128 : i32
      %mul3A_328 = arith.muli %min3A_311, %mul3A_327 : i32
      %add3A_329 = arith.addi %mul3A_108, %mul3A_328 : i32
      %dma_start3A_330 = tpu.memref_slice %arg2[%add3A_329] : memref<320000xi32, #tpu.memory_space<hbm>> -> memref<128xi32, #tpu.memory_space<hbm>>
      %dma_start3A_331 = tpu.memref_slice %arg2[%add3A_329] : memref<320000xi32, #tpu.memory_space<hbm>> -> memref<128xi32, #tpu.memory_space<hbm>>
      tpu.enqueue_dma source(%dma_start3A_331 : memref<128xi32, #tpu.memory_space<hbm>>) target(%arg6 : memref<128xi32, #tpu.memory_space<vmem>>) target_semaphore(%arg19 : memref<!tpu.dma_semaphore, #tpu.memory_space<semaphore_mem>>)
      %mul3A_332 = arith.constant 128 : i32
      %mul3A_333 = arith.muli %mul3A_306, %mul3A_332 : i32
      %add3A_334 = arith.addi %mul3A_108, %mul3A_333 : i32
      %dma_wait3A_335 = tpu.memref_slice %arg3[%add3A_334] : memref<320000xi32, #tpu.memory_space<hbm>> -> memref<128xi32, #tpu.memory_space<hbm>>
      %dma_wait3A_336 = tpu.memref_slice %arg3[%add3A_334] : memref<320000xi32, #tpu.memory_space<hbm>> -> memref<128xi32, #tpu.memory_space<hbm>>
      tpu.wait_dma2 semaphore(%arg21 : memref<!tpu.dma_semaphore, #tpu.memory_space<semaphore_mem>>) src(%dma_wait3A_336 : memref<128xi32, #tpu.memory_space<hbm>>) dst(%arg7 : memref<128xi32, #tpu.memory_space<vmem>>)
      %dma_start3A_337 = arith.constant 0 : i32
      %dma_start3A_338 = arith.constant 0 : i32
      %dma_start3A_339 = tpu.memref_slice %arg16[%dma_start3A_337, %dma_start3A_338] : memref<10240x128xf32, #tpu.memory_space<vmem_shared>> -> memref<10240x128xf32, #tpu.memory_space<vmem_shared>>
      tpu.enqueue_indirect_dma source(%arg10 : memref<128x128xf32, #tpu.memory_space<vmem>>) target(%dma_start3A_339 : memref<10240x128xf32, #tpu.memory_space<vmem_shared>>) offsets(%arg7 : memref<128xi32, #tpu.memory_space<vmem>>) semaphore(%arg23 : memref<!tpu.dma_semaphore, #tpu.memory_space<semaphore_mem>>) {add = true}
      %dma_wait3A_340 = arith.constant 0 : i32
      %dma_wait3A_341 = arith.constant 0 : i32
      %dma_wait3A_342 = tpu.memref_slice %arg4[%dma_wait3A_340, %dma_wait3A_341] : memref<10000x128xf32, #tpu.memory_space<hbm>> -> memref<10000x128xf32, #tpu.memory_space<hbm>>
      tpu.wait_indirect_dma semaphore(%arg18 : memref<!tpu.dma_semaphore, #tpu.memory_space<semaphore_mem>>) src(%dma_wait3A_342 : memref<10000x128xf32, #tpu.memory_space<hbm>>) dst(%arg11 : memref<128x128xf32, #tpu.memory_space<vmem>>)
      %mul3A_343 = arith.constant 128 : i32
      %mul3A_344 = arith.muli %min3A_315, %mul3A_343 : i32
      %add3A_345 = arith.addi %mul3A_108, %mul3A_344 : i32
      %dma_start3A_346 = tpu.memref_slice %arg2[%add3A_345] : memref<320000xi32, #tpu.memory_space<hbm>> -> memref<128xi32, #tpu.memory_space<hbm>>
      %dma_start3A_347 = tpu.memref_slice %arg2[%add3A_345] : memref<320000xi32, #tpu.memory_space<hbm>> -> memref<128xi32, #tpu.memory_space<hbm>>
      tpu.enqueue_dma source(%dma_start3A_347 : memref<128xi32, #tpu.memory_space<hbm>>) target(%arg8 : memref<128xi32, #tpu.memory_space<vmem>>) target_semaphore(%arg20 : memref<!tpu.dma_semaphore, #tpu.memory_space<semaphore_mem>>)
      %mul3A_348 = arith.constant 128 : i32
      %mul3A_349 = arith.muli %add3A_308, %mul3A_348 : i32
      %add3A_350 = arith.addi %mul3A_108, %mul3A_349 : i32
      %dma_wait3A_351 = tpu.memref_slice %arg3[%add3A_350] : memref<320000xi32, #tpu.memory_space<hbm>> -> memref<128xi32, #tpu.memory_space<hbm>>
      %dma_wait3A_352 = tpu.memref_slice %arg3[%add3A_350] : memref<320000xi32, #tpu.memory_space<hbm>> -> memref<128xi32, #tpu.memory_space<hbm>>
      tpu.wait_dma2 semaphore(%arg22 : memref<!tpu.dma_semaphore, #tpu.memory_space<semaphore_mem>>) src(%dma_wait3A_352 : memref<128xi32, #tpu.memory_space<hbm>>) dst(%arg9 : memref<128xi32, #tpu.memory_space<vmem>>)
      %dma_start3A_353 = arith.constant 0 : i32
      %dma_start3A_354 = arith.constant 0 : i32
      %dma_start3A_355 = tpu.memref_slice %arg16[%dma_start3A_353, %dma_start3A_354] : memref<10240x128xf32, #tpu.memory_space<vmem_shared>> -> memref<10240x128xf32, #tpu.memory_space<vmem_shared>>
      tpu.enqueue_indirect_dma source(%arg11 : memref<128x128xf32, #tpu.memory_space<vmem>>) target(%dma_start3A_355 : memref<10240x128xf32, #tpu.memory_space<vmem_shared>>) offsets(%arg9 : memref<128xi32, #tpu.memory_space<vmem>>) semaphore(%arg24 : memref<!tpu.dma_semaphore, #tpu.memory_space<semaphore_mem>>) {add = true}
      %dma_wait3A_356 = arith.constant 0 : i32
      %dma_wait3A_357 = arith.constant 0 : i32
      %dma_wait3A_358 = tpu.memref_slice %arg16[%dma_wait3A_356, %dma_wait3A_357] : memref<10240x128xf32, #tpu.memory_space<vmem_shared>> -> memref<10240x128xf32, #tpu.memory_space<vmem_shared>>
      tpu.wait_indirect_dma semaphore(%arg23 : memref<!tpu.dma_semaphore, #tpu.memory_space<semaphore_mem>>) src(%arg10 : memref<128x128xf32, #tpu.memory_space<vmem>>) dst(%dma_wait3A_358 : memref<10240x128xf32, #tpu.memory_space<vmem_shared>>)
      %mul3A_359 = arith.constant 128 : i32
      %mul3A_360 = arith.muli %min3A_311, %mul3A_359 : i32
      %add3A_361 = arith.addi %mul3A_108, %mul3A_360 : i32
      %dma_start3A_362 = tpu.memref_slice %arg3[%add3A_361] : memref<320000xi32, #tpu.memory_space<hbm>> -> memref<128xi32, #tpu.memory_space<hbm>>
      %dma_start3A_363 = tpu.memref_slice %arg3[%add3A_361] : memref<320000xi32, #tpu.memory_space<hbm>> -> memref<128xi32, #tpu.memory_space<hbm>>
      tpu.enqueue_dma source(%dma_start3A_363 : memref<128xi32, #tpu.memory_space<hbm>>) target(%arg7 : memref<128xi32, #tpu.memory_space<vmem>>) target_semaphore(%arg21 : memref<!tpu.dma_semaphore, #tpu.memory_space<semaphore_mem>>)
      %mul3A_364 = arith.constant 128 : i32
      %mul3A_365 = arith.muli %min3A_311, %mul3A_364 : i32
      %add3A_366 = arith.addi %mul3A_108, %mul3A_365 : i32
      %dma_wait3A_367 = tpu.memref_slice %arg2[%add3A_366] : memref<320000xi32, #tpu.memory_space<hbm>> -> memref<128xi32, #tpu.memory_space<hbm>>
      %dma_wait3A_368 = tpu.memref_slice %arg2[%add3A_366] : memref<320000xi32, #tpu.memory_space<hbm>> -> memref<128xi32, #tpu.memory_space<hbm>>
      tpu.wait_dma2 semaphore(%arg19 : memref<!tpu.dma_semaphore, #tpu.memory_space<semaphore_mem>>) src(%dma_wait3A_368 : memref<128xi32, #tpu.memory_space<hbm>>) dst(%arg6 : memref<128xi32, #tpu.memory_space<vmem>>)
      %dma_start3A_369 = arith.constant 0 : i32
      %dma_start3A_370 = arith.constant 0 : i32
      %dma_start3A_371 = tpu.memref_slice %arg4[%dma_start3A_369, %dma_start3A_370] : memref<10000x128xf32, #tpu.memory_space<hbm>> -> memref<10000x128xf32, #tpu.memory_space<hbm>>
      tpu.enqueue_indirect_dma source(%dma_start3A_371 : memref<10000x128xf32, #tpu.memory_space<hbm>>) target(%arg10 : memref<128x128xf32, #tpu.memory_space<vmem>>) offsets(%arg6 : memref<128xi32, #tpu.memory_space<vmem>>) semaphore(%arg17 : memref<!tpu.dma_semaphore, #tpu.memory_space<semaphore_mem>>)
      %dma_wait3A_372 = arith.constant 0 : i32
      %dma_wait3A_373 = arith.constant 0 : i32
      %dma_wait3A_374 = tpu.memref_slice %arg16[%dma_wait3A_372, %dma_wait3A_373] : memref<10240x128xf32, #tpu.memory_space<vmem_shared>> -> memref<10240x128xf32, #tpu.memory_space<vmem_shared>>
      tpu.wait_indirect_dma semaphore(%arg24 : memref<!tpu.dma_semaphore, #tpu.memory_space<semaphore_mem>>) src(%arg11 : memref<128x128xf32, #tpu.memory_space<vmem>>) dst(%dma_wait3A_374 : memref<10240x128xf32, #tpu.memory_space<vmem_shared>>)
      %mul3A_375 = arith.constant 128 : i32
      %mul3A_376 = arith.muli %min3A_315, %mul3A_375 : i32
      %add3A_377 = arith.addi %mul3A_108, %mul3A_376 : i32
      %dma_start3A_378 = tpu.memref_slice %arg3[%add3A_377] : memref<320000xi32, #tpu.memory_space<hbm>> -> memref<128xi32, #tpu.memory_space<hbm>>
      %dma_start3A_379 = tpu.memref_slice %arg3[%add3A_377] : memref<320000xi32, #tpu.memory_space<hbm>> -> memref<128xi32, #tpu.memory_space<hbm>>
      tpu.enqueue_dma source(%dma_start3A_379 : memref<128xi32, #tpu.memory_space<hbm>>) target(%arg9 : memref<128xi32, #tpu.memory_space<vmem>>) target_semaphore(%arg22 : memref<!tpu.dma_semaphore, #tpu.memory_space<semaphore_mem>>)
    }
    %scan3A_137 = arith.constant 39 : i32
    %add3A_138 = arith.constant 9984 : i32
    %add3A_139 = arith.addi %mul3A_108, %add3A_138 : i32
    "tpu.region"() ({
      %run_scoped3A = tpu.sem_alloc : memref<!tpu.dma_semaphore, #tpu.memory_space<semaphore_mem>>
      %dma_start3A_304 = tpu.memref_slice %arg2[%add3A_139] : memref<320000xi32, #tpu.memory_space<hbm>> -> memref<16xi32, #tpu.memory_space<hbm>>
      %dma_start3A_305 = tpu.memref_slice %arg2[%add3A_139] : memref<320000xi32, #tpu.memory_space<hbm>> -> memref<16xi32, #tpu.memory_space<hbm>>
      tpu.enqueue_dma source(%dma_start3A_305 : memref<16xi32, #tpu.memory_space<hbm>>) target(%arg12 : memref<16xi32, #tpu.memory_space<vmem>>) target_semaphore(%run_scoped3A : memref<!tpu.dma_semaphore, #tpu.memory_space<semaphore_mem>>)
      %dma_wait3A_306 = tpu.memref_slice %arg2[%add3A_139] : memref<320000xi32, #tpu.memory_space<hbm>> -> memref<16xi32, #tpu.memory_space<hbm>>
      %dma_wait3A_307 = tpu.memref_slice %arg2[%add3A_139] : memref<320000xi32, #tpu.memory_space<hbm>> -> memref<16xi32, #tpu.memory_space<hbm>>
      tpu.wait_dma2 semaphore(%run_scoped3A : memref<!tpu.dma_semaphore, #tpu.memory_space<semaphore_mem>>) src(%dma_wait3A_307 : memref<16xi32, #tpu.memory_space<hbm>>) dst(%arg12 : memref<16xi32, #tpu.memory_space<vmem>>)
      tpu.yield
    }) : () -> ()
    %add3A_140 = arith.constant 9984 : i32
    %add3A_141 = arith.addi %mul3A_108, %add3A_140 : i32
    "tpu.region"() ({
      %run_scoped3A = tpu.sem_alloc : memref<!tpu.dma_semaphore, #tpu.memory_space<semaphore_mem>>
      %dma_start3A_304 = tpu.memref_slice %arg3[%add3A_141] : memref<320000xi32, #tpu.memory_space<hbm>> -> memref<16xi32, #tpu.memory_space<hbm>>
      %dma_start3A_305 = tpu.memref_slice %arg3[%add3A_141] : memref<320000xi32, #tpu.memory_space<hbm>> -> memref<16xi32, #tpu.memory_space<hbm>>
      tpu.enqueue_dma source(%dma_start3A_305 : memref<16xi32, #tpu.memory_space<hbm>>) target(%arg13 : memref<16xi32, #tpu.memory_space<vmem>>) target_semaphore(%run_scoped3A : memref<!tpu.dma_semaphore, #tpu.memory_space<semaphore_mem>>)
      %dma_wait3A_306 = tpu.memref_slice %arg3[%add3A_141] : memref<320000xi32, #tpu.memory_space<hbm>> -> memref<16xi32, #tpu.memory_space<hbm>>
      %dma_wait3A_307 = tpu.memref_slice %arg3[%add3A_141] : memref<320000xi32, #tpu.memory_space<hbm>> -> memref<16xi32, #tpu.memory_space<hbm>>
      tpu.wait_dma2 semaphore(%run_scoped3A : memref<!tpu.dma_semaphore, #tpu.memory_space<semaphore_mem>>) src(%dma_wait3A_307 : memref<16xi32, #tpu.memory_space<hbm>>) dst(%arg13 : memref<16xi32, #tpu.memory_space<vmem>>)
      tpu.yield
    }) : () -> ()
    %dma_start3A_142 = arith.constant 0 : i32
    %dma_start3A_143 = arith.constant 0 : i32
    %dma_start3A_144 = tpu.memref_slice %arg4[%dma_start3A_142, %dma_start3A_143] : memref<10000x128xf32, #tpu.memory_space<hbm>> -> memref<10000x128xf32, #tpu.memory_space<hbm>>
    tpu.enqueue_indirect_dma source(%dma_start3A_144 : memref<10000x128xf32, #tpu.memory_space<hbm>>) target(%arg14 : memref<16x128xf32, #tpu.memory_space<vmem>>) offsets(%arg12 : memref<16xi32, #tpu.memory_space<vmem>>) semaphore(%arg18 : memref<!tpu.dma_semaphore, #tpu.memory_space<semaphore_mem>>)
    %dma_wait3A_145 = arith.constant 0 : i32
    %dma_wait3A_146 = arith.constant 0 : i32
    %dma_wait3A_147 = tpu.memref_slice %arg4[%dma_wait3A_145, %dma_wait3A_146] : memref<10000x128xf32, #tpu.memory_space<hbm>> -> memref<10000x128xf32, #tpu.memory_space<hbm>>
    tpu.wait_indirect_dma semaphore(%arg18 : memref<!tpu.dma_semaphore, #tpu.memory_space<semaphore_mem>>) src(%dma_wait3A_147 : memref<10000x128xf32, #tpu.memory_space<hbm>>) dst(%arg14 : memref<16x128xf32, #tpu.memory_space<vmem>>)
    "tpu.region"() ({
      %run_scoped3A = tpu.sem_alloc : memref<!tpu.dma_semaphore, #tpu.memory_space<semaphore_mem>>
      %dma_start3A_304 = arith.constant 0 : i32
      %dma_start3A_305 = arith.constant 0 : i32
      %dma_start3A_306 = tpu.memref_slice %arg16[%dma_start3A_304, %dma_start3A_305] : memref<10240x128xf32, #tpu.memory_space<vmem_shared>> -> memref<10240x128xf32, #tpu.memory_space<vmem_shared>>
      tpu.enqueue_indirect_dma source(%arg14 : memref<16x128xf32, #tpu.memory_space<vmem>>) target(%dma_start3A_306 : memref<10240x128xf32, #tpu.memory_space<vmem_shared>>) offsets(%arg13 : memref<16xi32, #tpu.memory_space<vmem>>) semaphore(%run_scoped3A : memref<!tpu.dma_semaphore, #tpu.memory_space<semaphore_mem>>) {add = true}
      %dma_wait3A_307 = arith.constant 0 : i32
      %dma_wait3A_308 = arith.constant 0 : i32
      %dma_wait3A_309 = tpu.memref_slice %arg16[%dma_wait3A_307, %dma_wait3A_308] : memref<10240x128xf32, #tpu.memory_space<vmem_shared>> -> memref<10240x128xf32, #tpu.memory_space<vmem_shared>>
      tpu.wait_indirect_dma semaphore(%run_scoped3A : memref<!tpu.dma_semaphore, #tpu.memory_space<semaphore_mem>>) src(%arg14 : memref<16x128xf32, #tpu.memory_space<vmem>>) dst(%dma_wait3A_309 : memref<10240x128xf32, #tpu.memory_space<vmem_shared>>)
      tpu.yield
    }) : () -> ()
    %dma_wait3A_148 = arith.constant 0 : i32
    %dma_wait3A_149 = arith.constant 0 : i32
    %dma_wait3A_150 = tpu.memref_slice %arg4[%dma_wait3A_148, %dma_wait3A_149] : memref<10000x128xf32, #tpu.memory_space<hbm>> -> memref<10000x128xf32, #tpu.memory_space<hbm>>
    tpu.wait_indirect_dma semaphore(%arg17 : memref<!tpu.dma_semaphore, #tpu.memory_space<semaphore_mem>>) src(%dma_wait3A_150 : memref<10000x128xf32, #tpu.memory_space<hbm>>) dst(%arg10 : memref<128x128xf32, #tpu.memory_space<vmem>>)
    %add3A_151 = arith.constant 9856 : i32
    %add3A_152 = arith.addi %mul3A_108, %add3A_151 : i32
    %dma_wait3A_153 = tpu.memref_slice %arg3[%add3A_152] : memref<320000xi32, #tpu.memory_space<hbm>> -> memref<128xi32, #tpu.memory_space<hbm>>
    %dma_wait3A_154 = tpu.memref_slice %arg3[%add3A_152] : memref<320000xi32, #tpu.memory_space<hbm>> -> memref<128xi32, #tpu.memory_space<hbm>>
    tpu.wait_dma2 semaphore(%arg21 : memref<!tpu.dma_semaphore, #tpu.memory_space<semaphore_mem>>) src(%dma_wait3A_154 : memref<128xi32, #tpu.memory_space<hbm>>) dst(%arg7 : memref<128xi32, #tpu.memory_space<vmem>>)
    %add3A_155 = arith.constant 9856 : i32
    %add3A_156 = arith.addi %mul3A_108, %add3A_155 : i32
    %dma_wait3A_157 = tpu.memref_slice %arg2[%add3A_156] : memref<320000xi32, #tpu.memory_space<hbm>> -> memref<128xi32, #tpu.memory_space<hbm>>
    %dma_wait3A_158 = tpu.memref_slice %arg2[%add3A_156] : memref<320000xi32, #tpu.memory_space<hbm>> -> memref<128xi32, #tpu.memory_space<hbm>>
    tpu.wait_dma2 semaphore(%arg20 : memref<!tpu.dma_semaphore, #tpu.memory_space<semaphore_mem>>) src(%dma_wait3A_158 : memref<128xi32, #tpu.memory_space<hbm>>) dst(%arg8 : memref<128xi32, #tpu.memory_space<vmem>>)
    %add3A_159 = arith.constant 9856 : i32
    %add3A_160 = arith.addi %mul3A_108, %add3A_159 : i32
    %dma_wait3A_161 = tpu.memref_slice %arg3[%add3A_160] : memref<320000xi32, #tpu.memory_space<hbm>> -> memref<128xi32, #tpu.memory_space<hbm>>
    %dma_wait3A_162 = tpu.memref_slice %arg3[%add3A_160] : memref<320000xi32, #tpu.memory_space<hbm>> -> memref<128xi32, #tpu.memory_space<hbm>>
    tpu.wait_dma2 semaphore(%arg22 : memref<!tpu.dma_semaphore, #tpu.memory_space<semaphore_mem>>) src(%dma_wait3A_162 : memref<128xi32, #tpu.memory_space<hbm>>) dst(%arg9 : memref<128xi32, #tpu.memory_space<vmem>>)
    %barrier3A_163 = arith.constant 0 : index
    tpu.barrier barrier_id(%barrier3A_163)
    %add3A_164 = arith.constant 0 : i32
    %add3A_165 = arith.addi %mul3A_8, %add3A_164 : i32
    %add3A_166 = arith.constant 0 : i32
    %add3A_167 = arith.addi %mul3A_8, %add3A_166 : i32
    %dma_start3A_168 = arith.constant 0 : i32
    %dma_start3A_169 = tpu.memref_slice %arg5[%arg0, %add3A_167, %dma_start3A_168] : memref<2x10240x128xf32, #tpu.memory_space<hbm>> -> memref<1x64x128xf32, #tpu.memory_space<hbm>>
    %dma_start3A_170 = tpu.memref_squeeze %dma_start3A_169 : memref<1x64x128xf32, #tpu.memory_space<hbm>> -> memref<64x128xf32, #tpu.memory_space<hbm>>
    %dma_start3A_171 = arith.constant 0 : i32
    %dma_start3A_172 = tpu.memref_slice %arg16[%add3A_165, %dma_start3A_171] : memref<10240x128xf32, #tpu.memory_space<vmem_shared>> -> memref<64x128xf32, #tpu.memory_space<vmem_shared>>
    tpu.enqueue_dma source(%dma_start3A_172 : memref<64x128xf32, #tpu.memory_space<vmem_shared>>) target(%dma_start3A_170 : memref<64x128xf32, #tpu.memory_space<hbm>>) target_semaphore(%arg18 : memref<!tpu.dma_semaphore, #tpu.memory_space<semaphore_mem>>)
    %add3A_173 = arith.constant 64 : i32
    %add3A_174 = arith.addi %mul3A_8, %add3A_173 : i32
    %add3A_175 = arith.constant 64 : i32
    %add3A_176 = arith.addi %mul3A_8, %add3A_175 : i32
    %dma_start3A_177 = arith.constant 0 : i32
    %dma_start3A_178 = tpu.memref_slice %arg5[%arg0, %add3A_176, %dma_start3A_177] : memref<2x10240x128xf32, #tpu.memory_space<hbm>> -> memref<1x64x128xf32, #tpu.memory_space<hbm>>
    %dma_start3A_179 = tpu.memref_squeeze %dma_start3A_178 : memref<1x64x128xf32, #tpu.memory_space<hbm>> -> memref<64x128xf32, #tpu.memory_space<hbm>>
    %dma_start3A_180 = arith.constant 0 : i32
    %dma_start3A_181 = tpu.memref_slice %arg16[%add3A_174, %dma_start3A_180] : memref<10240x128xf32, #tpu.memory_space<vmem_shared>> -> memref<64x128xf32, #tpu.memory_space<vmem_shared>>
    tpu.enqueue_dma source(%dma_start3A_181 : memref<64x128xf32, #tpu.memory_space<vmem_shared>>) target(%dma_start3A_179 : memref<64x128xf32, #tpu.memory_space<hbm>>) target_semaphore(%arg18 : memref<!tpu.dma_semaphore, #tpu.memory_space<semaphore_mem>>)
    %add3A_182 = arith.constant 128 : i32
    %add3A_183 = arith.addi %mul3A_8, %add3A_182 : i32
    %add3A_184 = arith.constant 128 : i32
    %add3A_185 = arith.addi %mul3A_8, %add3A_184 : i32
    %dma_start3A_186 = arith.constant 0 : i32
    %dma_start3A_187 = tpu.memref_slice %arg5[%arg0, %add3A_185, %dma_start3A_186] : memref<2x10240x128xf32, #tpu.memory_space<hbm>> -> memref<1x64x128xf32, #tpu.memory_space<hbm>>
    %dma_start3A_188 = tpu.memref_squeeze %dma_start3A_187 : memref<1x64x128xf32, #tpu.memory_space<hbm>> -> memref<64x128xf32, #tpu.memory_space<hbm>>
    %dma_start3A_189 = arith.constant 0 : i32
    %dma_start3A_190 = tpu.memref_slice %arg16[%add3A_183, %dma_start3A_189] : memref<10240x128xf32, #tpu.memory_space<vmem_shared>> -> memref<64x128xf32, #tpu.memory_space<vmem_shared>>
    tpu.enqueue_dma source(%dma_start3A_190 : memref<64x128xf32, #tpu.memory_space<vmem_shared>>) target(%dma_start3A_188 : memref<64x128xf32, #tpu.memory_space<hbm>>) target_semaphore(%arg18 : memref<!tpu.dma_semaphore, #tpu.memory_space<semaphore_mem>>)
    %add3A_191 = arith.constant 192 : i32
    %add3A_192 = arith.addi %mul3A_8, %add3A_191 : i32
    %add3A_193 = arith.constant 192 : i32
    %add3A_194 = arith.addi %mul3A_8, %add3A_193 : i32
    %dma_start3A_195 = arith.constant 0 : i32
    %dma_start3A_196 = tpu.memref_slice %arg5[%arg0, %add3A_194, %dma_start3A_195] : memref<2x10240x128xf32, #tpu.memory_space<hbm>> -> memref<1x64x128xf32, #tpu.memory_space<hbm>>
    %dma_start3A_197 = tpu.memref_squeeze %dma_start3A_196 : memref<1x64x128xf32, #tpu.memory_space<hbm>> -> memref<64x128xf32, #tpu.memory_space<hbm>>
    %dma_start3A_198 = arith.constant 0 : i32
    %dma_start3A_199 = tpu.memref_slice %arg16[%add3A_192, %dma_start3A_198] : memref<10240x128xf32, #tpu.memory_space<vmem_shared>> -> memref<64x128xf32, #tpu.memory_space<vmem_shared>>
    tpu.enqueue_dma source(%dma_start3A_199 : memref<64x128xf32, #tpu.memory_space<vmem_shared>>) target(%dma_start3A_197 : memref<64x128xf32, #tpu.memory_space<hbm>>) target_semaphore(%arg18 : memref<!tpu.dma_semaphore, #tpu.memory_space<semaphore_mem>>)
    %add3A_200 = arith.constant 256 : i32
    %add3A_201 = arith.addi %mul3A_8, %add3A_200 : i32
    %add3A_202 = arith.constant 256 : i32
    %add3A_203 = arith.addi %mul3A_8, %add3A_202 : i32
    %dma_start3A_204 = arith.constant 0 : i32
    %dma_start3A_205 = tpu.memref_slice %arg5[%arg0, %add3A_203, %dma_start3A_204] : memref<2x10240x128xf32, #tpu.memory_space<hbm>> -> memref<1x64x128xf32, #tpu.memory_space<hbm>>
    %dma_start3A_206 = tpu.memref_squeeze %dma_start3A_205 : memref<1x64x128xf32, #tpu.memory_space<hbm>> -> memref<64x128xf32, #tpu.memory_space<hbm>>
    %dma_start3A_207 = arith.constant 0 : i32
    %dma_start3A_208 = tpu.memref_slice %arg16[%add3A_201, %dma_start3A_207] : memref<10240x128xf32, #tpu.memory_space<vmem_shared>> -> memref<64x128xf32, #tpu.memory_space<vmem_shared>>
    tpu.enqueue_dma source(%dma_start3A_208 : memref<64x128xf32, #tpu.memory_space<vmem_shared>>) target(%dma_start3A_206 : memref<64x128xf32, #tpu.memory_space<hbm>>) target_semaphore(%arg18 : memref<!tpu.dma_semaphore, #tpu.memory_space<semaphore_mem>>)
    %add3A_209 = arith.constant 320 : i32
    %add3A_210 = arith.addi %mul3A_8, %add3A_209 : i32
    %add3A_211 = arith.constant 320 : i32
    %add3A_212 = arith.addi %mul3A_8, %add3A_211 : i32
    %dma_start3A_213 = arith.constant 0 : i32
    %dma_start3A_214 = tpu.memref_slice %arg5[%arg0, %add3A_212, %dma_start3A_213] : memref<2x10240x128xf32, #tpu.memory_space<hbm>> -> memref<1x64x128xf32, #tpu.memory_space<hbm>>
    %dma_start3A_215 = tpu.memref_squeeze %dma_start3A_214 : memref<1x64x128xf32, #tpu.memory_space<hbm>> -> memref<64x128xf32, #tpu.memory_space<hbm>>
    %dma_start3A_216 = arith.constant 0 : i32
    %dma_start3A_217 = tpu.memref_slice %arg16[%add3A_210, %dma_start3A_216] : memref<10240x128xf32, #tpu.memory_space<vmem_shared>> -> memref<64x128xf32, #tpu.memory_space<vmem_shared>>
    tpu.enqueue_dma source(%dma_start3A_217 : memref<64x128xf32, #tpu.memory_space<vmem_shared>>) target(%dma_start3A_215 : memref<64x128xf32, #tpu.memory_space<hbm>>) target_semaphore(%arg18 : memref<!tpu.dma_semaphore, #tpu.memory_space<semaphore_mem>>)
    %add3A_218 = arith.constant 384 : i32
    %add3A_219 = arith.addi %mul3A_8, %add3A_218 : i32
    %add3A_220 = arith.constant 384 : i32
    %add3A_221 = arith.addi %mul3A_8, %add3A_220 : i32
    %dma_start3A_222 = arith.constant 0 : i32
    %dma_start3A_223 = tpu.memref_slice %arg5[%arg0, %add3A_221, %dma_start3A_222] : memref<2x10240x128xf32, #tpu.memory_space<hbm>> -> memref<1x64x128xf32, #tpu.memory_space<hbm>>
    %dma_start3A_224 = tpu.memref_squeeze %dma_start3A_223 : memref<1x64x128xf32, #tpu.memory_space<hbm>> -> memref<64x128xf32, #tpu.memory_space<hbm>>
    %dma_start3A_225 = arith.constant 0 : i32
    %dma_start3A_226 = tpu.memref_slice %arg16[%add3A_219, %dma_start3A_225] : memref<10240x128xf32, #tpu.memory_space<vmem_shared>> -> memref<64x128xf32, #tpu.memory_space<vmem_shared>>
    tpu.enqueue_dma source(%dma_start3A_226 : memref<64x128xf32, #tpu.memory_space<vmem_shared>>) target(%dma_start3A_224 : memref<64x128xf32, #tpu.memory_space<hbm>>) target_semaphore(%arg18 : memref<!tpu.dma_semaphore, #tpu.memory_space<semaphore_mem>>)
    %add3A_227 = arith.constant 448 : i32
    %add3A_228 = arith.addi %mul3A_8, %add3A_227 : i32
    %add3A_229 = arith.constant 448 : i32
    %add3A_230 = arith.addi %mul3A_8, %add3A_229 : i32
    %dma_start3A_231 = arith.constant 0 : i32
    %dma_start3A_232 = tpu.memref_slice %arg5[%arg0, %add3A_230, %dma_start3A_231] : memref<2x10240x128xf32, #tpu.memory_space<hbm>> -> memref<1x64x128xf32, #tpu.memory_space<hbm>>
    %dma_start3A_233 = tpu.memref_squeeze %dma_start3A_232 : memref<1x64x128xf32, #tpu.memory_space<hbm>> -> memref<64x128xf32, #tpu.memory_space<hbm>>
    %dma_start3A_234 = arith.constant 0 : i32
    %dma_start3A_235 = tpu.memref_slice %arg16[%add3A_228, %dma_start3A_234] : memref<10240x128xf32, #tpu.memory_space<vmem_shared>> -> memref<64x128xf32, #tpu.memory_space<vmem_shared>>
    tpu.enqueue_dma source(%dma_start3A_235 : memref<64x128xf32, #tpu.memory_space<vmem_shared>>) target(%dma_start3A_233 : memref<64x128xf32, #tpu.memory_space<hbm>>) target_semaphore(%arg18 : memref<!tpu.dma_semaphore, #tpu.memory_space<semaphore_mem>>)
    %add3A_236 = arith.constant 512 : i32
    %add3A_237 = arith.addi %mul3A_8, %add3A_236 : i32
    %add3A_238 = arith.constant 512 : i32
    %add3A_239 = arith.addi %mul3A_8, %add3A_238 : i32
    %dma_start3A_240 = arith.constant 0 : i32
    %dma_start3A_241 = tpu.memref_slice %arg5[%arg0, %add3A_239, %dma_start3A_240] : memref<2x10240x128xf32, #tpu.memory_space<hbm>> -> memref<1x64x128xf32, #tpu.memory_space<hbm>>
    %dma_start3A_242 = tpu.memref_squeeze %dma_start3A_241 : memref<1x64x128xf32, #tpu.memory_space<hbm>> -> memref<64x128xf32, #tpu.memory_space<hbm>>
    %dma_start3A_243 = arith.constant 0 : i32
    %dma_start3A_244 = tpu.memref_slice %arg16[%add3A_237, %dma_start3A_243] : memref<10240x128xf32, #tpu.memory_space<vmem_shared>> -> memref<64x128xf32, #tpu.memory_space<vmem_shared>>
    tpu.enqueue_dma source(%dma_start3A_244 : memref<64x128xf32, #tpu.memory_space<vmem_shared>>) target(%dma_start3A_242 : memref<64x128xf32, #tpu.memory_space<hbm>>) target_semaphore(%arg18 : memref<!tpu.dma_semaphore, #tpu.memory_space<semaphore_mem>>)
    %add3A_245 = arith.constant 576 : i32
    %add3A_246 = arith.addi %mul3A_8, %add3A_245 : i32
    %add3A_247 = arith.constant 576 : i32
    %add3A_248 = arith.addi %mul3A_8, %add3A_247 : i32
    %dma_start3A_249 = arith.constant 0 : i32
    %dma_start3A_250 = tpu.memref_slice %arg5[%arg0, %add3A_248, %dma_start3A_249] : memref<2x10240x128xf32, #tpu.memory_space<hbm>> -> memref<1x64x128xf32, #tpu.memory_space<hbm>>
    %dma_start3A_251 = tpu.memref_squeeze %dma_start3A_250 : memref<1x64x128xf32, #tpu.memory_space<hbm>> -> memref<64x128xf32, #tpu.memory_space<hbm>>
    %dma_start3A_252 = arith.constant 0 : i32
    %dma_start3A_253 = tpu.memref_slice %arg16[%add3A_246, %dma_start3A_252] : memref<10240x128xf32, #tpu.memory_space<vmem_shared>> -> memref<64x128xf32, #tpu.memory_space<vmem_shared>>
    tpu.enqueue_dma source(%dma_start3A_253 : memref<64x128xf32, #tpu.memory_space<vmem_shared>>) target(%dma_start3A_251 : memref<64x128xf32, #tpu.memory_space<hbm>>) target_semaphore(%arg18 : memref<!tpu.dma_semaphore, #tpu.memory_space<semaphore_mem>>)
    %dma_wait3A_254 = arith.constant 0 : i32
    %dma_wait3A_255 = tpu.memref_slice %arg5[%arg0, %add3A_167, %dma_wait3A_254] : memref<2x10240x128xf32, #tpu.memory_space<hbm>> -> memref<1x64x128xf32, #tpu.memory_space<hbm>>
    %dma_wait3A_256 = tpu.memref_squeeze %dma_wait3A_255 : memref<1x64x128xf32, #tpu.memory_space<hbm>> -> memref<64x128xf32, #tpu.memory_space<hbm>>
    %dma_wait3A_257 = arith.constant 0 : i32
    %dma_wait3A_258 = tpu.memref_slice %arg16[%add3A_165, %dma_wait3A_257] : memref<10240x128xf32, #tpu.memory_space<vmem_shared>> -> memref<64x128xf32, #tpu.memory_space<vmem_shared>>
    tpu.wait_dma2 semaphore(%arg18 : memref<!tpu.dma_semaphore, #tpu.memory_space<semaphore_mem>>) src(%dma_wait3A_258 : memref<64x128xf32, #tpu.memory_space<vmem_shared>>) dst(%dma_wait3A_256 : memref<64x128xf32, #tpu.memory_space<hbm>>)
    %dma_wait3A_259 = arith.constant 0 : i32
    %dma_wait3A_260 = tpu.memref_slice %arg5[%arg0, %add3A_176, %dma_wait3A_259] : memref<2x10240x128xf32, #tpu.memory_space<hbm>> -> memref<1x64x128xf32, #tpu.memory_space<hbm>>
    %dma_wait3A_261 = tpu.memref_squeeze %dma_wait3A_260 : memref<1x64x128xf32, #tpu.memory_space<hbm>> -> memref<64x128xf32, #tpu.memory_space<hbm>>
    %dma_wait3A_262 = arith.constant 0 : i32
    %dma_wait3A_263 = tpu.memref_slice %arg16[%add3A_174, %dma_wait3A_262] : memref<10240x128xf32, #tpu.memory_space<vmem_shared>> -> memref<64x128xf32, #tpu.memory_space<vmem_shared>>
    tpu.wait_dma2 semaphore(%arg18 : memref<!tpu.dma_semaphore, #tpu.memory_space<semaphore_mem>>) src(%dma_wait3A_263 : memref<64x128xf32, #tpu.memory_space<vmem_shared>>) dst(%dma_wait3A_261 : memref<64x128xf32, #tpu.memory_space<hbm>>)
    %dma_wait3A_264 = arith.constant 0 : i32
    %dma_wait3A_265 = tpu.memref_slice %arg5[%arg0, %add3A_185, %dma_wait3A_264] : memref<2x10240x128xf32, #tpu.memory_space<hbm>> -> memref<1x64x128xf32, #tpu.memory_space<hbm>>
    %dma_wait3A_266 = tpu.memref_squeeze %dma_wait3A_265 : memref<1x64x128xf32, #tpu.memory_space<hbm>> -> memref<64x128xf32, #tpu.memory_space<hbm>>
    %dma_wait3A_267 = arith.constant 0 : i32
    %dma_wait3A_268 = tpu.memref_slice %arg16[%add3A_183, %dma_wait3A_267] : memref<10240x128xf32, #tpu.memory_space<vmem_shared>> -> memref<64x128xf32, #tpu.memory_space<vmem_shared>>
    tpu.wait_dma2 semaphore(%arg18 : memref<!tpu.dma_semaphore, #tpu.memory_space<semaphore_mem>>) src(%dma_wait3A_268 : memref<64x128xf32, #tpu.memory_space<vmem_shared>>) dst(%dma_wait3A_266 : memref<64x128xf32, #tpu.memory_space<hbm>>)
    %dma_wait3A_269 = arith.constant 0 : i32
    %dma_wait3A_270 = tpu.memref_slice %arg5[%arg0, %add3A_194, %dma_wait3A_269] : memref<2x10240x128xf32, #tpu.memory_space<hbm>> -> memref<1x64x128xf32, #tpu.memory_space<hbm>>
    %dma_wait3A_271 = tpu.memref_squeeze %dma_wait3A_270 : memref<1x64x128xf32, #tpu.memory_space<hbm>> -> memref<64x128xf32, #tpu.memory_space<hbm>>
    %dma_wait3A_272 = arith.constant 0 : i32
    %dma_wait3A_273 = tpu.memref_slice %arg16[%add3A_192, %dma_wait3A_272] : memref<10240x128xf32, #tpu.memory_space<vmem_shared>> -> memref<64x128xf32, #tpu.memory_space<vmem_shared>>
    tpu.wait_dma2 semaphore(%arg18 : memref<!tpu.dma_semaphore, #tpu.memory_space<semaphore_mem>>) src(%dma_wait3A_273 : memref<64x128xf32, #tpu.memory_space<vmem_shared>>) dst(%dma_wait3A_271 : memref<64x128xf32, #tpu.memory_space<hbm>>)
    %dma_wait3A_274 = arith.constant 0 : i32
    %dma_wait3A_275 = tpu.memref_slice %arg5[%arg0, %add3A_203, %dma_wait3A_274] : memref<2x10240x128xf32, #tpu.memory_space<hbm>> -> memref<1x64x128xf32, #tpu.memory_space<hbm>>
    %dma_wait3A_276 = tpu.memref_squeeze %dma_wait3A_275 : memref<1x64x128xf32, #tpu.memory_space<hbm>> -> memref<64x128xf32, #tpu.memory_space<hbm>>
    %dma_wait3A_277 = arith.constant 0 : i32
    %dma_wait3A_278 = tpu.memref_slice %arg16[%add3A_201, %dma_wait3A_277] : memref<10240x128xf32, #tpu.memory_space<vmem_shared>> -> memref<64x128xf32, #tpu.memory_space<vmem_shared>>
    tpu.wait_dma2 semaphore(%arg18 : memref<!tpu.dma_semaphore, #tpu.memory_space<semaphore_mem>>) src(%dma_wait3A_278 : memref<64x128xf32, #tpu.memory_space<vmem_shared>>) dst(%dma_wait3A_276 : memref<64x128xf32, #tpu.memory_space<hbm>>)
    %dma_wait3A_279 = arith.constant 0 : i32
    %dma_wait3A_280 = tpu.memref_slice %arg5[%arg0, %add3A_212, %dma_wait3A_279] : memref<2x10240x128xf32, #tpu.memory_space<hbm>> -> memref<1x64x128xf32, #tpu.memory_space<hbm>>
    %dma_wait3A_281 = tpu.memref_squeeze %dma_wait3A_280 : memref<1x64x128xf32, #tpu.memory_space<hbm>> -> memref<64x128xf32, #tpu.memory_space<hbm>>
    %dma_wait3A_282 = arith.constant 0 : i32
    %dma_wait3A_283 = tpu.memref_slice %arg16[%add3A_210, %dma_wait3A_282] : memref<10240x128xf32, #tpu.memory_space<vmem_shared>> -> memref<64x128xf32, #tpu.memory_space<vmem_shared>>
    tpu.wait_dma2 semaphore(%arg18 : memref<!tpu.dma_semaphore, #tpu.memory_space<semaphore_mem>>) src(%dma_wait3A_283 : memref<64x128xf32, #tpu.memory_space<vmem_shared>>) dst(%dma_wait3A_281 : memref<64x128xf32, #tpu.memory_space<hbm>>)
    %dma_wait3A_284 = arith.constant 0 : i32
    %dma_wait3A_285 = tpu.memref_slice %arg5[%arg0, %add3A_221, %dma_wait3A_284] : memref<2x10240x128xf32, #tpu.memory_space<hbm>> -> memref<1x64x128xf32, #tpu.memory_space<hbm>>
    %dma_wait3A_286 = tpu.memref_squeeze %dma_wait3A_285 : memref<1x64x128xf32, #tpu.memory_space<hbm>> -> memref<64x128xf32, #tpu.memory_space<hbm>>
    %dma_wait3A_287 = arith.constant 0 : i32
    %dma_wait3A_288 = tpu.memref_slice %arg16[%add3A_219, %dma_wait3A_287] : memref<10240x128xf32, #tpu.memory_space<vmem_shared>> -> memref<64x128xf32, #tpu.memory_space<vmem_shared>>
    tpu.wait_dma2 semaphore(%arg18 : memref<!tpu.dma_semaphore, #tpu.memory_space<semaphore_mem>>) src(%dma_wait3A_288 : memref<64x128xf32, #tpu.memory_space<vmem_shared>>) dst(%dma_wait3A_286 : memref<64x128xf32, #tpu.memory_space<hbm>>)
    %dma_wait3A_289 = arith.constant 0 : i32
    %dma_wait3A_290 = tpu.memref_slice %arg5[%arg0, %add3A_230, %dma_wait3A_289] : memref<2x10240x128xf32, #tpu.memory_space<hbm>> -> memref<1x64x128xf32, #tpu.memory_space<hbm>>
    %dma_wait3A_291 = tpu.memref_squeeze %dma_wait3A_290 : memref<1x64x128xf32, #tpu.memory_space<hbm>> -> memref<64x128xf32, #tpu.memory_space<hbm>>
    %dma_wait3A_292 = arith.constant 0 : i32
    %dma_wait3A_293 = tpu.memref_slice %arg16[%add3A_228, %dma_wait3A_292] : memref<10240x128xf32, #tpu.memory_space<vmem_shared>> -> memref<64x128xf32, #tpu.memory_space<vmem_shared>>
    tpu.wait_dma2 semaphore(%arg18 : memref<!tpu.dma_semaphore, #tpu.memory_space<semaphore_mem>>) src(%dma_wait3A_293 : memref<64x128xf32, #tpu.memory_space<vmem_shared>>) dst(%dma_wait3A_291 : memref<64x128xf32, #tpu.memory_space<hbm>>)
    %dma_wait3A_294 = arith.constant 0 : i32
    %dma_wait3A_295 = tpu.memref_slice %arg5[%arg0, %add3A_239, %dma_wait3A_294] : memref<2x10240x128xf32, #tpu.memory_space<hbm>> -> memref<1x64x128xf32, #tpu.memory_space<hbm>>
    %dma_wait3A_296 = tpu.memref_squeeze %dma_wait3A_295 : memref<1x64x128xf32, #tpu.memory_space<hbm>> -> memref<64x128xf32, #tpu.memory_space<hbm>>
    %dma_wait3A_297 = arith.constant 0 : i32
    %dma_wait3A_298 = tpu.memref_slice %arg16[%add3A_237, %dma_wait3A_297] : memref<10240x128xf32, #tpu.memory_space<vmem_shared>> -> memref<64x128xf32, #tpu.memory_space<vmem_shared>>
    tpu.wait_dma2 semaphore(%arg18 : memref<!tpu.dma_semaphore, #tpu.memory_space<semaphore_mem>>) src(%dma_wait3A_298 : memref<64x128xf32, #tpu.memory_space<vmem_shared>>) dst(%dma_wait3A_296 : memref<64x128xf32, #tpu.memory_space<hbm>>)
    %dma_wait3A_299 = arith.constant 0 : i32
    %dma_wait3A_300 = tpu.memref_slice %arg5[%arg0, %add3A_248, %dma_wait3A_299] : memref<2x10240x128xf32, #tpu.memory_space<hbm>> -> memref<1x64x128xf32, #tpu.memory_space<hbm>>
    %dma_wait3A_301 = tpu.memref_squeeze %dma_wait3A_300 : memref<1x64x128xf32, #tpu.memory_space<hbm>> -> memref<64x128xf32, #tpu.memory_space<hbm>>
    %dma_wait3A_302 = arith.constant 0 : i32
    %dma_wait3A_303 = tpu.memref_slice %arg16[%add3A_246, %dma_wait3A_302] : memref<10240x128xf32, #tpu.memory_space<vmem_shared>> -> memref<64x128xf32, #tpu.memory_space<vmem_shared>>
    tpu.wait_dma2 semaphore(%arg18 : memref<!tpu.dma_semaphore, #tpu.memory_space<semaphore_mem>>) src(%dma_wait3A_303 : memref<64x128xf32, #tpu.memory_space<vmem_shared>>) dst(%dma_wait3A_301 : memref<64x128xf32, #tpu.memory_space<hbm>>)
    return
  }
}

module attributes {stable_mosaic.version = 14 : i64} {
  func.func @body(%arg0: i32, %arg1: memref<400x128xf32, #tpu.memory_space<vmem>>, %arg2: memref<2x400x128xf32, #tpu.memory_space<vmem>>, %arg3: memref<2x400x1xf32, #tpu.memory_space<vmem>>, %arg4: memref<128x128xf32, #tpu.memory_space<vmem>>, %arg5: memref<128x128xf32, #tpu.memory_space<vmem>>, %arg6: memref<1x128xf32, #tpu.memory_space<vmem>>, %arg7: memref<400x128xf32, #tpu.memory_space<vmem>>, %arg8: memref<400x1xf32, #tpu.memory_space<vmem>>) attributes {dimension_semantics = [#tpu.dimension_semantics<arbitrary>], iteration_bounds = array<i64: 25>, scalar_prefetch = 0 : i64, scratch_operands = 0 : i64, tpu.core_type = #tpu.core_type<tc>, window_params = [{transform_indices = @transform_0, window_bounds = array<i64: 400, 128>}, {transform_indices = @transform_1, window_bounds = array<i64: 2, 400, 128>}, {transform_indices = @transform_2, window_bounds = array<i64: 2, 400, 1>}, {pipeline_mode = #tpu.pipeline_mode<synchronous>, transform_indices = @transform_3, window_bounds = array<i64: 128, 128>}, {pipeline_mode = #tpu.pipeline_mode<synchronous>, transform_indices = @transform_4, window_bounds = array<i64: 128, 128>}, {pipeline_mode = #tpu.pipeline_mode<synchronous>, transform_indices = @transform_5, window_bounds = array<i64: 1, 128>}, {transform_indices = @transform_6, window_bounds = array<i64: 400, 128>}, {transform_indices = @transform_7, window_bounds = array<i64: 400, 1>}]} {
    %get3A = arith.constant 0 : index
    %get3A_0 = arith.constant 0 : index
    %get3A_1 = arith.constant 0 : index
    %get3A_2 = vector.load %arg3[%get3A, %get3A_0, %get3A_1] : memref<2x400x1xf32, #tpu.memory_space<vmem>>, vector<1x400x1xf32>
    %get3A_3 = vector.shape_cast %get3A_2 : vector<1x400x1xf32> to vector<400x1xf32>
    %get3A_4 = arith.constant 1 : index
    %get3A_5 = arith.constant 0 : index
    %get3A_6 = arith.constant 0 : index
    %get3A_7 = vector.load %arg3[%get3A_4, %get3A_5, %get3A_6] : memref<2x400x1xf32, #tpu.memory_space<vmem>>, vector<1x400x1xf32>
    %get3A_8 = vector.shape_cast %get3A_7 : vector<1x400x1xf32> to vector<400x1xf32>
    %add3A = arith.addf %get3A_3, %get3A_8 : vector<400x1xf32>
    %gt3A = arith.constant 0.000000e+00 : f32
    %gt3A_9 = vector.broadcast %gt3A : f32 to vector<400x1xf32>
    %gt3A_10 = arith.cmpf ogt, %add3A, %gt3A_9 : vector<400x1xf32>
    %div3A = arith.constant 1.000000e+00 : f32
    %div3A_11 = vector.broadcast %div3A : f32 to vector<400x1xf32>
    %div3A_12 = arith.divf %div3A_11, %add3A : vector<400x1xf32>
    %jit3A = arith.constant 0.000000e+00 : f32
    %broadcast_in_dim3A = vector.broadcast %jit3A : f32 to vector<400x1xf32>
    %select_n3A = arith.select %gt3A_10, %div3A_12, %broadcast_in_dim3A : vector<400x1xi1>, vector<400x1xf32>
    %swap3A = arith.constant 0 : index
    %swap3A_13 = arith.constant 0 : index
    %swap3A_14 = vector.load %arg8[%swap3A, %swap3A_13] : memref<400x1xf32, #tpu.memory_space<vmem>>, vector<400x1xf32>
    tpu.vector_store %arg8[%swap3A, %swap3A_13], %select_n3A {strides = array<i32>} : memref<400x1xf32, #tpu.memory_space<vmem>>, vector<400x1xf32>,
    %get3A_15 = arith.constant 0 : index
    %get3A_16 = arith.constant 0 : index
    %get3A_17 = arith.constant 0 : index
    %get3A_18 = vector.load %arg2[%get3A_15, %get3A_16, %get3A_17] : memref<2x400x128xf32, #tpu.memory_space<vmem>>, vector<1x400x128xf32>
    %get3A_19 = vector.shape_cast %get3A_18 : vector<1x400x128xf32> to vector<400x128xf32>
    %get3A_20 = arith.constant 1 : index
    %get3A_21 = arith.constant 0 : index
    %get3A_22 = arith.constant 0 : index
    %get3A_23 = vector.load %arg2[%get3A_20, %get3A_21, %get3A_22] : memref<2x400x128xf32, #tpu.memory_space<vmem>>, vector<1x400x128xf32>
    %get3A_24 = vector.shape_cast %get3A_23 : vector<1x400x128xf32> to vector<400x128xf32>
    %add3A_25 = arith.addf %get3A_19, %get3A_24 : vector<400x128xf32>
    %mul3A = vector.broadcast %select_n3A : vector<400x1xf32> to vector<400x128xf32>
    %mul3A_26 = arith.mulf %add3A_25, %mul3A : vector<400x128xf32>
    %get3A_27 = arith.constant 0 : index
    %get3A_28 = arith.constant 0 : index
    %get3A_29 = vector.load %arg1[%get3A_27, %get3A_28] : memref<400x128xf32, #tpu.memory_space<vmem>>, vector<400x128xf32>
    %get3A_30 = arith.constant 0 : index
    %get3A_31 = arith.constant 0 : index
    %get3A_32 = vector.load %arg4[%get3A_30, %get3A_31] : memref<128x128xf32, #tpu.memory_space<vmem>>, vector<128x128xf32>
    %dot_general3A = arith.constant dense<0.000000e+00> : vector<400x128xf32>
    %dot_general3A_33 = tpu.matmul %get3A_29, %get3A_32, %dot_general3A {dimension_numbers = #tpu.dot_dimension_numbers<[1], [0], [0], [1], [0, 0, 1, 1], [], []>, transpose_lhs_hint = false} : vector<400x128xf32>, vector<128x128xf32>, vector<400x128xf32> -> vector<400x128xf32>
    %get3A_34 = arith.constant 0 : index
    %get3A_35 = arith.constant 0 : index
    %get3A_36 = vector.load %arg6[%get3A_34, %get3A_35] : memref<1x128xf32, #tpu.memory_space<vmem>>, vector<1x128xf32>
    %add3A_37 = vector.broadcast %get3A_36 : vector<1x128xf32> to vector<400x128xf32>
    %add3A_38 = arith.addf %dot_general3A_33, %add3A_37 : vector<400x128xf32>
    %get3A_39 = arith.constant 0 : index
    %get3A_40 = arith.constant 0 : index
    %get3A_41 = vector.load %arg5[%get3A_39, %get3A_40] : memref<128x128xf32, #tpu.memory_space<vmem>>, vector<128x128xf32>
    %dot_general3A_42 = arith.constant dense<0.000000e+00> : vector<400x128xf32>
    %dot_general3A_43 = tpu.matmul %mul3A_26, %get3A_41, %dot_general3A_42 {dimension_numbers = #tpu.dot_dimension_numbers<[1], [0], [0], [1], [0, 0, 1, 1], [], []>, transpose_lhs_hint = false} : vector<400x128xf32>, vector<128x128xf32>, vector<400x128xf32> -> vector<400x128xf32>
    %add3A_44 = arith.addf %add3A_38, %dot_general3A_43 : vector<400x128xf32>
    %reduce_sum3A = arith.constant dense<0.000000e+00> : vector<400xf32>
    %reduce_sum3A_45 = vector.multi_reduction <add>, %add3A_44, %reduce_sum3A [1] : vector<400x128xf32> to vector<400xf32>
    %broadcast_in_dim3A_46 = vector.shape_cast %reduce_sum3A_45 : vector<400xf32> to vector<400x1xf32>
    %div3A_47 = arith.constant 1.280000e+02 : f32
    %div3A_48 = vector.broadcast %div3A_47 : f32 to vector<400x1xf32>
    %div3A_49 = arith.divf %broadcast_in_dim3A_46, %div3A_48 : vector<400x1xf32>
    %sub3A = vector.broadcast %div3A_49 : vector<400x1xf32> to vector<400x128xf32>
    %sub3A_50 = arith.subf %add3A_44, %sub3A : vector<400x128xf32>
    %mul3A_51 = arith.mulf %sub3A_50, %sub3A_50 : vector<400x128xf32>
    %reduce_sum3A_52 = arith.constant dense<0.000000e+00> : vector<400xf32>
    %reduce_sum3A_53 = vector.multi_reduction <add>, %mul3A_51, %reduce_sum3A_52 [1] : vector<400x128xf32> to vector<400xf32>
    %broadcast_in_dim3A_54 = vector.shape_cast %reduce_sum3A_53 : vector<400xf32> to vector<400x1xf32>
    %div3A_55 = arith.constant 1.280000e+02 : f32
    %div3A_56 = vector.broadcast %div3A_55 : f32 to vector<400x1xf32>
    %div3A_57 = arith.divf %broadcast_in_dim3A_54, %div3A_56 : vector<400x1xf32>
    %add3A_58 = arith.constant 9.99999974E-6 : f32
    %add3A_59 = vector.broadcast %add3A_58 : f32 to vector<400x1xf32>
    %add3A_60 = arith.addf %div3A_57, %add3A_59 : vector<400x1xf32>
    %rsqrt3A = math.rsqrt %add3A_60 : vector<400x1xf32>
    %mul3A_61 = vector.broadcast %rsqrt3A : vector<400x1xf32> to vector<400x128xf32>
    %mul3A_62 = arith.mulf %sub3A_50, %mul3A_61 : vector<400x128xf32>
    %max3A = arith.constant 0.000000e+00 : f32
    %max3A_63 = vector.broadcast %max3A : f32 to vector<400x128xf32>
    %max3A_64 = arith.maximumf %mul3A_62, %max3A_63 : vector<400x128xf32>
    %swap3A_65 = arith.constant 0 : index
    %swap3A_66 = arith.constant 0 : index
    %swap3A_67 = vector.load %arg7[%swap3A_65, %swap3A_66] : memref<400x128xf32, #tpu.memory_space<vmem>>, vector<400x128xf32>
    tpu.vector_store %arg7[%swap3A_65, %swap3A_66], %max3A_64 {strides = array<i32>} : memref<400x128xf32, #tpu.memory_space<vmem>>, vector<400x128xf32>,
    return
  }
  func.func @transform_0(%arg0: i32) -> (i32, i32) {
    %c0_i32 = arith.constant 0 : i32
    %c0_i32_0 = arith.constant 0 : i32
    return %arg0, %c0_i32 : i32, i32
  }
  func.func @transform_1(%arg0: i32) -> (i32, i32, i32) {
    %c0_i32 = arith.constant 0 : i32
    %c0_i32_0 = arith.constant 0 : i32
    %c0_i32_1 = arith.constant 0 : i32
    return %c0_i32, %arg0, %c0_i32_0 : i32, i32, i32
  }
  func.func @transform_2(%arg0: i32) -> (i32, i32, i32) {
    %c0_i32 = arith.constant 0 : i32
    %c0_i32_0 = arith.constant 0 : i32
    %c0_i32_1 = arith.constant 0 : i32
    return %c0_i32, %arg0, %c0_i32_0 : i32, i32, i32
  }
  func.func @transform_3(%arg0: i32) -> (i32, i32) {
    %c0_i32 = arith.constant 0 : i32
    %c0_i32_0 = arith.constant 0 : i32
    %c0_i32_1 = arith.constant 0 : i32
    return %c0_i32, %c0_i32_0 : i32, i32
  }
  func.func @transform_4(%arg0: i32) -> (i32, i32) {
    %c0_i32 = arith.constant 0 : i32
    %c0_i32_0 = arith.constant 0 : i32
    %c0_i32_1 = arith.constant 0 : i32
    return %c0_i32, %c0_i32_0 : i32, i32
  }
  func.func @transform_5(%arg0: i32) -> (i32, i32) {
    %c0_i32 = arith.constant 0 : i32
    %c0_i32_0 = arith.constant 0 : i32
    %c0_i32_1 = arith.constant 0 : i32
    return %c0_i32, %c0_i32_0 : i32, i32
  }
  func.func @transform_6(%arg0: i32) -> (i32, i32) {
    %c0_i32 = arith.constant 0 : i32
    %c0_i32_0 = arith.constant 0 : i32
    return %arg0, %c0_i32 : i32, i32
  }
  func.func @transform_7(%arg0: i32) -> (i32, i32) {
    %c0_i32 = arith.constant 0 : i32
    %c0_i32_0 = arith.constant 0 : i32
    return %arg0, %c0_i32 : i32, i32
  }
}

module attributes {stable_mosaic.version = 14 : i64} {
  func.func @body(%arg0: i32, %arg1: memref<400x128xf32, #tpu.memory_space<vmem>>, %arg2: memref<2x400x128xf32, #tpu.memory_space<vmem>>, %arg3: memref<400x1xf32, #tpu.memory_space<vmem>>, %arg4: memref<128x128xf32, #tpu.memory_space<vmem>>, %arg5: memref<128x128xf32, #tpu.memory_space<vmem>>, %arg6: memref<1x128xf32, #tpu.memory_space<vmem>>, %arg7: memref<128x64xf32, #tpu.memory_space<vmem>>, %arg8: memref<400x128xf32, #tpu.memory_space<vmem>>, %arg9: memref<400x64xf32, #tpu.memory_space<vmem>>) attributes {dimension_semantics = [#tpu.dimension_semantics<arbitrary>], iteration_bounds = array<i64: 25>, scalar_prefetch = 0 : i64, scratch_operands = 0 : i64, tpu.core_type = #tpu.core_type<tc>, window_params = [{transform_indices = @transform_0, window_bounds = array<i64: 400, 128>}, {transform_indices = @transform_1, window_bounds = array<i64: 2, 400, 128>}, {transform_indices = @transform_2, window_bounds = array<i64: 400, 1>}, {pipeline_mode = #tpu.pipeline_mode<synchronous>, transform_indices = @transform_3, window_bounds = array<i64: 128, 128>}, {pipeline_mode = #tpu.pipeline_mode<synchronous>, transform_indices = @transform_4, window_bounds = array<i64: 128, 128>}, {pipeline_mode = #tpu.pipeline_mode<synchronous>, transform_indices = @transform_5, window_bounds = array<i64: 1, 128>}, {pipeline_mode = #tpu.pipeline_mode<synchronous>, transform_indices = @transform_6, window_bounds = array<i64: 128, 64>}, {transform_indices = @transform_7, window_bounds = array<i64: 400, 128>}, {transform_indices = @transform_8, window_bounds = array<i64: 400, 64>}]} {
    %get3A = arith.constant 0 : index
    %get3A_0 = arith.constant 0 : index
    %get3A_1 = vector.load %arg3[%get3A, %get3A_0] : memref<400x1xf32, #tpu.memory_space<vmem>>, vector<400x1xf32>
    %get3A_2 = arith.constant 0 : index
    %get3A_3 = arith.constant 0 : index
    %get3A_4 = arith.constant 0 : index
    %get3A_5 = vector.load %arg2[%get3A_2, %get3A_3, %get3A_4] : memref<2x400x128xf32, #tpu.memory_space<vmem>>, vector<1x400x128xf32>
    %get3A_6 = vector.shape_cast %get3A_5 : vector<1x400x128xf32> to vector<400x128xf32>
    %get3A_7 = arith.constant 1 : index
    %get3A_8 = arith.constant 0 : index
    %get3A_9 = arith.constant 0 : index
    %get3A_10 = vector.load %arg2[%get3A_7, %get3A_8, %get3A_9] : memref<2x400x128xf32, #tpu.memory_space<vmem>>, vector<1x400x128xf32>
    %get3A_11 = vector.shape_cast %get3A_10 : vector<1x400x128xf32> to vector<400x128xf32>
    %add3A = arith.addf %get3A_6, %get3A_11 : vector<400x128xf32>
    %mul3A = vector.broadcast %get3A_1 : vector<400x1xf32> to vector<400x128xf32>
    %mul3A_12 = arith.mulf %add3A, %mul3A : vector<400x128xf32>
    %get3A_13 = arith.constant 0 : index
    %get3A_14 = arith.constant 0 : index
    %get3A_15 = vector.load %arg1[%get3A_13, %get3A_14] : memref<400x128xf32, #tpu.memory_space<vmem>>, vector<400x128xf32>
    %get3A_16 = arith.constant 0 : index
    %get3A_17 = arith.constant 0 : index
    %get3A_18 = vector.load %arg4[%get3A_16, %get3A_17] : memref<128x128xf32, #tpu.memory_space<vmem>>, vector<128x128xf32>
    %dot_general3A = arith.constant dense<0.000000e+00> : vector<400x128xf32>
    %dot_general3A_19 = tpu.matmul %get3A_15, %get3A_18, %dot_general3A {dimension_numbers = #tpu.dot_dimension_numbers<[1], [0], [0], [1], [0, 0, 1, 1], [], []>, transpose_lhs_hint = false} : vector<400x128xf32>, vector<128x128xf32>, vector<400x128xf32> -> vector<400x128xf32>
    %get3A_20 = arith.constant 0 : index
    %get3A_21 = arith.constant 0 : index
    %get3A_22 = vector.load %arg6[%get3A_20, %get3A_21] : memref<1x128xf32, #tpu.memory_space<vmem>>, vector<1x128xf32>
    %add3A_23 = vector.broadcast %get3A_22 : vector<1x128xf32> to vector<400x128xf32>
    %add3A_24 = arith.addf %dot_general3A_19, %add3A_23 : vector<400x128xf32>
    %get3A_25 = arith.constant 0 : index
    %get3A_26 = arith.constant 0 : index
    %get3A_27 = vector.load %arg5[%get3A_25, %get3A_26] : memref<128x128xf32, #tpu.memory_space<vmem>>, vector<128x128xf32>
    %dot_general3A_28 = arith.constant dense<0.000000e+00> : vector<400x128xf32>
    %dot_general3A_29 = tpu.matmul %mul3A_12, %get3A_27, %dot_general3A_28 {dimension_numbers = #tpu.dot_dimension_numbers<[1], [0], [0], [1], [0, 0, 1, 1], [], []>, transpose_lhs_hint = false} : vector<400x128xf32>, vector<128x128xf32>, vector<400x128xf32> -> vector<400x128xf32>
    %add3A_30 = arith.addf %add3A_24, %dot_general3A_29 : vector<400x128xf32>
    %reduce_sum3A = arith.constant dense<0.000000e+00> : vector<400xf32>
    %reduce_sum3A_31 = vector.multi_reduction <add>, %add3A_30, %reduce_sum3A [1] : vector<400x128xf32> to vector<400xf32>
    %broadcast_in_dim3A = vector.shape_cast %reduce_sum3A_31 : vector<400xf32> to vector<400x1xf32>
    %div3A = arith.constant 1.280000e+02 : f32
    %div3A_32 = vector.broadcast %div3A : f32 to vector<400x1xf32>
    %div3A_33 = arith.divf %broadcast_in_dim3A, %div3A_32 : vector<400x1xf32>
    %sub3A = vector.broadcast %div3A_33 : vector<400x1xf32> to vector<400x128xf32>
    %sub3A_34 = arith.subf %add3A_30, %sub3A : vector<400x128xf32>
    %mul3A_35 = arith.mulf %sub3A_34, %sub3A_34 : vector<400x128xf32>
    %reduce_sum3A_36 = arith.constant dense<0.000000e+00> : vector<400xf32>
    %reduce_sum3A_37 = vector.multi_reduction <add>, %mul3A_35, %reduce_sum3A_36 [1] : vector<400x128xf32> to vector<400xf32>
    %broadcast_in_dim3A_38 = vector.shape_cast %reduce_sum3A_37 : vector<400xf32> to vector<400x1xf32>
    %div3A_39 = arith.constant 1.280000e+02 : f32
    %div3A_40 = vector.broadcast %div3A_39 : f32 to vector<400x1xf32>
    %div3A_41 = arith.divf %broadcast_in_dim3A_38, %div3A_40 : vector<400x1xf32>
    %add3A_42 = arith.constant 9.99999974E-6 : f32
    %add3A_43 = vector.broadcast %add3A_42 : f32 to vector<400x1xf32>
    %add3A_44 = arith.addf %div3A_41, %add3A_43 : vector<400x1xf32>
    %rsqrt3A = math.rsqrt %add3A_44 : vector<400x1xf32>
    %mul3A_45 = vector.broadcast %rsqrt3A : vector<400x1xf32> to vector<400x128xf32>
    %mul3A_46 = arith.mulf %sub3A_34, %mul3A_45 : vector<400x128xf32>
    %max3A = arith.constant 0.000000e+00 : f32
    %max3A_47 = vector.broadcast %max3A : f32 to vector<400x128xf32>
    %max3A_48 = arith.maximumf %mul3A_46, %max3A_47 : vector<400x128xf32>
    %swap3A = arith.constant 0 : index
    %swap3A_49 = arith.constant 0 : index
    %swap3A_50 = vector.load %arg8[%swap3A, %swap3A_49] : memref<400x128xf32, #tpu.memory_space<vmem>>, vector<400x128xf32>
    tpu.vector_store %arg8[%swap3A, %swap3A_49], %max3A_48 {strides = array<i32>} : memref<400x128xf32, #tpu.memory_space<vmem>>, vector<400x128xf32>,
    %get3A_51 = arith.constant 0 : index
    %get3A_52 = arith.constant 0 : index
    %get3A_53 = vector.load %arg7[%get3A_51, %get3A_52] : memref<128x64xf32, #tpu.memory_space<vmem>>, vector<128x64xf32>
    %dot_general3A_54 = arith.constant dense<0.000000e+00> : vector<400x64xf32>
    %dot_general3A_55 = tpu.matmul %max3A_48, %get3A_53, %dot_general3A_54 {dimension_numbers = #tpu.dot_dimension_numbers<[1], [0], [0], [1], [0, 0, 1, 1], [], []>, transpose_lhs_hint = false} : vector<400x128xf32>, vector<128x64xf32>, vector<400x64xf32> -> vector<400x64xf32>
    %swap3A_56 = arith.constant 0 : index
    %swap3A_57 = arith.constant 0 : index
    %swap3A_58 = vector.load %arg9[%swap3A_56, %swap3A_57] : memref<400x64xf32, #tpu.memory_space<vmem>>, vector<400x64xf32>
    tpu.vector_store %arg9[%swap3A_56, %swap3A_57], %dot_general3A_55 {strides = array<i32>} : memref<400x64xf32, #tpu.memory_space<vmem>>, vector<400x64xf32>,
    return
  }
  func.func @transform_0(%arg0: i32) -> (i32, i32) {
    %c0_i32 = arith.constant 0 : i32
    %c0_i32_0 = arith.constant 0 : i32
    return %arg0, %c0_i32 : i32, i32
  }
  func.func @transform_1(%arg0: i32) -> (i32, i32, i32) {
    %c0_i32 = arith.constant 0 : i32
    %c0_i32_0 = arith.constant 0 : i32
    %c0_i32_1 = arith.constant 0 : i32
    return %c0_i32, %arg0, %c0_i32_0 : i32, i32, i32
  }
  func.func @transform_2(%arg0: i32) -> (i32, i32) {
    %c0_i32 = arith.constant 0 : i32
    %c0_i32_0 = arith.constant 0 : i32
    return %arg0, %c0_i32 : i32, i32
  }
  func.func @transform_3(%arg0: i32) -> (i32, i32) {
    %c0_i32 = arith.constant 0 : i32
    %c0_i32_0 = arith.constant 0 : i32
    %c0_i32_1 = arith.constant 0 : i32
    return %c0_i32, %c0_i32_0 : i32, i32
  }
  func.func @transform_4(%arg0: i32) -> (i32, i32) {
    %c0_i32 = arith.constant 0 : i32
    %c0_i32_0 = arith.constant 0 : i32
    %c0_i32_1 = arith.constant 0 : i32
    return %c0_i32, %c0_i32_0 : i32, i32
  }
  func.func @transform_5(%arg0: i32) -> (i32, i32) {
    %c0_i32 = arith.constant 0 : i32
    %c0_i32_0 = arith.constant 0 : i32
    %c0_i32_1 = arith.constant 0 : i32
    return %c0_i32, %c0_i32_0 : i32, i32
  }
  func.func @transform_6(%arg0: i32) -> (i32, i32) {
    %c0_i32 = arith.constant 0 : i32
    %c0_i32_0 = arith.constant 0 : i32
    %c0_i32_1 = arith.constant 0 : i32
    return %c0_i32, %c0_i32_0 : i32, i32
  }
  func.func @transform_7(%arg0: i32) -> (i32, i32) {
    %c0_i32 = arith.constant 0 : i32
    %c0_i32_0 = arith.constant 0 : i32
    return %arg0, %c0_i32 : i32, i32
  }
  func.func @transform_8(%arg0: i32) -> (i32, i32) {
    %c0_i32 = arith.constant 0 : i32
    %c0_i32_0 = arith.constant 0 : i32
    return %arg0, %c0_i32 : i32, i32
  }
}

module attributes {stable_mosaic.version = 14 : i64} {
  func.func @body(%arg0: i32, %arg1: memref<400x128xf32, #tpu.memory_space<vmem>>, %arg2: memref<2x400x64xf32, #tpu.memory_space<vmem>>, %arg3: memref<400x1xf32, #tpu.memory_space<vmem>>, %arg4: memref<128x64xf32, #tpu.memory_space<vmem>>, %arg5: memref<1x64xf32, #tpu.memory_space<vmem>>, %arg6: memref<400x64xf32, #tpu.memory_space<vmem>>) attributes {dimension_semantics = [#tpu.dimension_semantics<arbitrary>], iteration_bounds = array<i64: 25>, scalar_prefetch = 0 : i64, scratch_operands = 0 : i64, tpu.core_type = #tpu.core_type<tc>, window_params = [{transform_indices = @transform_0, window_bounds = array<i64: 400, 128>}, {transform_indices = @transform_1, window_bounds = array<i64: 2, 400, 64>}, {transform_indices = @transform_2, window_bounds = array<i64: 400, 1>}, {pipeline_mode = #tpu.pipeline_mode<synchronous>, transform_indices = @transform_3, window_bounds = array<i64: 128, 64>}, {pipeline_mode = #tpu.pipeline_mode<synchronous>, transform_indices = @transform_4, window_bounds = array<i64: 1, 64>}, {transform_indices = @transform_5, window_bounds = array<i64: 400, 64>}]} {
    %get3A = arith.constant 0 : index
    %get3A_0 = arith.constant 0 : index
    %get3A_1 = vector.load %arg3[%get3A, %get3A_0] : memref<400x1xf32, #tpu.memory_space<vmem>>, vector<400x1xf32>
    %get3A_2 = arith.constant 0 : index
    %get3A_3 = arith.constant 0 : index
    %get3A_4 = arith.constant 0 : index
    %get3A_5 = vector.load %arg2[%get3A_2, %get3A_3, %get3A_4] : memref<2x400x64xf32, #tpu.memory_space<vmem>>, vector<1x400x64xf32>
    %get3A_6 = vector.shape_cast %get3A_5 : vector<1x400x64xf32> to vector<400x64xf32>
    %get3A_7 = arith.constant 1 : index
    %get3A_8 = arith.constant 0 : index
    %get3A_9 = arith.constant 0 : index
    %get3A_10 = vector.load %arg2[%get3A_7, %get3A_8, %get3A_9] : memref<2x400x64xf32, #tpu.memory_space<vmem>>, vector<1x400x64xf32>
    %get3A_11 = vector.shape_cast %get3A_10 : vector<1x400x64xf32> to vector<400x64xf32>
    %add3A = arith.addf %get3A_6, %get3A_11 : vector<400x64xf32>
    %mul3A = vector.broadcast %get3A_1 : vector<400x1xf32> to vector<400x64xf32>
    %mul3A_12 = arith.mulf %add3A, %mul3A : vector<400x64xf32>
    %get3A_13 = arith.constant 0 : index
    %get3A_14 = arith.constant 0 : index
    %get3A_15 = vector.load %arg1[%get3A_13, %get3A_14] : memref<400x128xf32, #tpu.memory_space<vmem>>, vector<400x128xf32>
    %get3A_16 = arith.constant 0 : index
    %get3A_17 = arith.constant 0 : index
    %get3A_18 = vector.load %arg4[%get3A_16, %get3A_17] : memref<128x64xf32, #tpu.memory_space<vmem>>, vector<128x64xf32>
    %dot_general3A = arith.constant dense<0.000000e+00> : vector<400x64xf32>
    %dot_general3A_19 = tpu.matmul %get3A_15, %get3A_18, %dot_general3A {dimension_numbers = #tpu.dot_dimension_numbers<[1], [0], [0], [1], [0, 0, 1, 1], [], []>, transpose_lhs_hint = false} : vector<400x128xf32>, vector<128x64xf32>, vector<400x64xf32> -> vector<400x64xf32>
    %get3A_20 = arith.constant 0 : index
    %get3A_21 = arith.constant 0 : index
    %get3A_22 = vector.load %arg5[%get3A_20, %get3A_21] : memref<1x64xf32, #tpu.memory_space<vmem>>, vector<1x64xf32>
    %add3A_23 = vector.broadcast %get3A_22 : vector<1x64xf32> to vector<400x64xf32>
    %add3A_24 = arith.addf %dot_general3A_19, %add3A_23 : vector<400x64xf32>
    %add3A_25 = arith.addf %add3A_24, %mul3A_12 : vector<400x64xf32>
    %swap3A = arith.constant 0 : index
    %swap3A_26 = arith.constant 0 : index
    %swap3A_27 = vector.load %arg6[%swap3A, %swap3A_26] : memref<400x64xf32, #tpu.memory_space<vmem>>, vector<400x64xf32>
    tpu.vector_store %arg6[%swap3A, %swap3A_26], %add3A_25 {strides = array<i32>} : memref<400x64xf32, #tpu.memory_space<vmem>>, vector<400x64xf32>,
    return
  }
  func.func @transform_0(%arg0: i32) -> (i32, i32) {
    %c0_i32 = arith.constant 0 : i32
    %c0_i32_0 = arith.constant 0 : i32
    return %arg0, %c0_i32 : i32, i32
  }
  func.func @transform_1(%arg0: i32) -> (i32, i32, i32) {
    %c0_i32 = arith.constant 0 : i32
    %c0_i32_0 = arith.constant 0 : i32
    %c0_i32_1 = arith.constant 0 : i32
    return %c0_i32, %arg0, %c0_i32_0 : i32, i32, i32
  }
  func.func @transform_2(%arg0: i32) -> (i32, i32) {
    %c0_i32 = arith.constant 0 : i32
    %c0_i32_0 = arith.constant 0 : i32
    return %arg0, %c0_i32 : i32, i32
  }
  func.func @transform_3(%arg0: i32) -> (i32, i32) {
    %c0_i32 = arith.constant 0 : i32
    %c0_i32_0 = arith.constant 0 : i32
    %c0_i32_1 = arith.constant 0 : i32
    return %c0_i32, %c0_i32_0 : i32, i32
  }
  func.func @transform_4(%arg0: i32) -> (i32, i32) {
    %c0_i32 = arith.constant 0 : i32
    %c0_i32_0 = arith.constant 0 : i32
    %c0_i32_1 = arith.constant 0 : i32
    return %c0_i32, %c0_i32_0 : i32, i32
  }
  func.func @transform_5(%arg0: i32) -> (i32, i32) {
    %c0_i32 = arith.constant 0 : i32
    %c0_i32_0 = arith.constant 0 : i32
    return %arg0, %c0_i32 : i32, i32
  }
}

</mosaic_0001>

<sc_bundles>
// kernel: kernel.11.cloned.1.call-start
scs
__scs_entry_jumppad:
0x0: {  	(pc) =	sbr.rel $0x88, $3  }
0x1: {  	(tag) =	ssettag $0x0;
	lr =	simm.s32 $0x1  }
0x2: {  	[smem:$0x3F99] =	sst lr;
	_ =	strace $0xD0000000  }
0x3: {  	_ = 	snop  }
0x4: {  	_ = 	snop  }
0x5: {  	_ = 	snop  }
0x6: {  	_ = 	snop  }
0x7: {  	_ = 	snop  }
__scs_overlays_trampoline_lowered:
0x8: {  	[smem:$0x3FA8] =	sst s0  }
0x9: {  	[smem:$0x3FA9] =	sst s1  }
0xa: {  	[smem:$0x3FAA] =	sst s2  }
0xb: {  	[smem:$0x3FAB] =	sst s3  }
0xc: {  	[smem:$0x3FAC] =	sst s4  }
0xd: {  	[smem:$0x3FAD] =	sst s5  }
0xe: {  	[smem:$0x3FAE] =	sst s6  }
0xf: {  	[smem:$0x3FAF] =	sst s7  }
0x10: {  	[smem:$0x3FB0] =	sst s8  }
0x11: {  	[smem:$0x3FB1] =	sst s9;
	s0 =	simm.s32 @!p0 $0x0  }
0x12: {  	s1 =	sld [smem:$0x3F97];
	s0 =	simm.s32 @p0 $0x1  }
0x13: {  	[smem:$0x3FB2] =	sst s0;
	s0 =	simm.s32 @!p1 $0x0  }
0x14: {  	s2 =	sld [smem:$0x3F96];
	s0 =	simm.s32 @p1 $0x1  }
0x15: {  	[smem:$0x3FB3] =	sst s0;
	s0 =	simm.s32 @!p2 $0x0  }
0x16: {  	s3 =	sld [smem:$0x3FDB];
	s0 =	simm.s32 @p2 $0x1  }
0x17: {  	s4 =	simm.s32 $0x1BF5;
	[smem:$0x3FB5] =	sst s0  }
0x18: {  	s0 =	sld [smem:$0x3F98];
	_ =	swait.ge [sflag:s4], $0x0  }
0x19: {  	s7 =	sld [smem:$0x3F99]  }
0x1a: {  	s8 =	sadd.s32 $0xFFFFE003, lr  }
0x1b: {  	s9 =	sadd.s32 $0xFFFFFEF7, lr;
	s5 =	simm.s32 $0xFFFFFFFF;
	p2 =	slt.u32 s8, $0xFFFFF086  }
0x1c: {  	p1 =	slt.u32 s9, $0xF7A;
	s5 =	simm.s32 @!p2 $0x0  }
0x1d: {  	s5 =	simm.s32 @p1 $0x1;
	p0 =	seq.s32 s7, s2  }
0x1e: {  	s7 =	smul.u32 @!p0 $0xF7A, s2;
	p2 =	seq.s32 @!p0 s5, $0x0  }
0x1f: {  	s9 =	smul.u32 $0xF7A, s1;
	s8 =	simm.s32 @!p0 $0x1BF5;
	p2 =	por !p2, p0  }
0x20: {  	[sflag:s8] =	ssyncset.s32 @!p0 $0xFFFFF086;
	s6 =	sadd.s32 @!p0 s3, s7;
	s7 =	simm.s32 @!p0 $0x108  }
0x21: {  	s3 =	sadd.s32 s3, s9;
	s6 =	sadd.s32 @!p0 $0x88, s6;
	s7 =	simm.s32 @p2 $0x1082  }
0x22: {  	[simem:s7], [sflag:s8] =	dma.local @!p0 [hbm:s6], $0xF7A  }
0x23: {  	s9 =	sor.u32 $0xD0000000, s2;
	s6 =	simm.s32 $0x108;
	_ =	swait.ge @!p0 [sflag:s8], $0x0  }
0x24: {  	s3 =	sadd.s32 $0x88, s3;
	s6 =	simm.s32 @!p1 $0x1082;
	[sflag:s4] =	ssyncset.s32 $0xFFFFF086  }
0x25: {  	[simem:s6], [sflag:s4] =	dma.local [hbm:s3], $0xF7A  }
0x26: {  	[smem:$0x3F99] =	sst s1;
	(tag) =	ssettag s2;
	_ =	strace s9  }
0x27: {  	s1 =	sld [smem:$0x3FA9]  }
0x28: {  	s2 =	sld [smem:$0x3FAA]  }
0x29: {  	s4 =	sld [smem:$0x3FAC]  }
0x2a: {  	p0 =	seq.s32 s5, $0x0;
	s5 =	sld [smem:$0x3FAD]  }
0x2b: {  	s6 =	sld [smem:$0x3FAE]  }
0x2c: {  	s7 =	sld [smem:$0x3FAF]  }
0x2d: {  	s3 =	simm.s32 $0x108;
	s8 =	sld [smem:$0x3FB0]  }
0x2e: {  	s3 =	simm.s32 @!p0 $0x1082;
	s9 =	sld [smem:$0x3FB1]  }
0x2f: {  	lr =	sadd.s32 s0, s3;
	s0 =	sld [smem:$0x3FA8]  }
0x30: {  	s3 =	sld [smem:$0x3FAB]  }
0x31: {  	[smem:$0x3FB4] =	sst s10  }
0x32: {  	s10 =	sld [smem:$0x3FB2];
	_ =	sdelay $0x3  }
0x33: {  	p0 =	seq.s32 s10, $0x1;
	s10 =	sld [smem:$0x3FB4];
	_ =	sdelay $0x3  }
0x34: {  	[smem:$0x3FB4] =	sst s10  }
0x35: {  	s10 =	sld [smem:$0x3FB3];
	_ =	sdelay $0x3  }
0x36: {  	p1 =	seq.s32 s10, $0x1;
	s10 =	sld [smem:$0x3FB4];
	_ =	sdelay $0x3  }
0x37: {  	[smem:$0x3FB4] =	sst s10  }
0x38: {  	s10 =	sld [smem:$0x3FB5]  }
0x39: {  	_ = 	snop;
	(pc) =	sbr.ind lr, $3  }
0x3a: {  	_ = 	snop  }
0x3b: {  	_ = 	snop  }
0x3c: {  	p2 =	seq.s32 s10, $0x1;
	s10 =	sld [smem:$0x3FB4]  }
0x3d: {  	_ =	shalt  }
0x3e: {  	_ =	shalt  }
0x3f: {  	_ =	shalt  }
0x40: {  	_ =	shalt  }
0x41: {  	_ =	shalt  }
0x42: {  	_ =	shalt  }
0x43: {  	_ =	shalt  }
0x44: {  	_ =	shalt  }
0x45: {  	_ =	shalt  }
0x46: {  	_ =	shalt  }
0x47: {  	_ =	shalt  }
0x48: {  	_ =	shalt  }
0x49: {  	_ =	shalt  }
0x4a: {  	_ =	shalt  }
0x4b: {  	_ =	shalt  }
0x4c: {  	_ =	shalt  }
0x4d: {  	_ =	shalt  }
0x4e: {  	_ =	shalt  }
0x4f: {  	_ =	shalt  }
0x50: {  	_ =	shalt  }
0x51: {  	_ =	shalt  }
0x52: {  	_ =	shalt  }
0x53: {  	_ =	shalt  }
0x54: {  	_ =	shalt  }
0x55: {  	_ =	shalt  }
0x56: {  	_ =	shalt  }
0x57: {  	_ =	shalt  }
0x58: {  	_ =	shalt  }
0x59: {  	_ =	shalt  }
0x5a: {  	_ =	shalt  }
0x5b: {  	_ =	shalt  }
0x5c: {  	_ =	shalt  }
0x5d: {  	_ =	shalt  }
0x5e: {  	_ =	shalt  }
0x5f: {  	_ =	shalt  }
0x60: {  	_ =	shalt  }
0x61: {  	_ =	shalt  }
0x62: {  	_ =	shalt  }
0x63: {  	_ =	shalt  }
0x64: {  	_ =	shalt  }
0x65: {  	_ =	shalt  }
0x66: {  	_ =	shalt  }
0x67: {  	_ =	shalt  }
0x68: {  	_ =	shalt  }
0x69: {  	_ =	shalt  }
0x6a: {  	_ =	shalt  }
0x6b: {  	_ =	shalt  }
0x6c: {  	_ =	shalt  }
0x6d: {  	_ =	shalt  }
0x6e: {  	_ =	shalt  }
0x6f: {  	_ =	shalt  }
0x70: {  	_ =	shalt  }
0x71: {  	_ =	shalt  }
0x72: {  	_ =	shalt  }
0x73: {  	_ =	shalt  }
0x74: {  	_ =	shalt  }
0x75: {  	_ =	shalt  }
0x76: {  	_ =	shalt  }
0x77: {  	_ =	shalt  }
0x78: {  	_ =	shalt  }
0x79: {  	_ =	shalt  }
0x7a: {  	_ =	shalt  }
0x7b: {  	_ =	shalt  }
0x7c: {  	_ =	shalt  }
0x7d: {  	_ =	shalt  }
0x7e: {  	_ =	shalt  }
0x7f: {  	_ =	shalt  }
0x80: {  	_ =	shalt  }
0x81: {  	_ =	shalt  }
0x82: {  	_ =	shalt  }
0x83: {  	_ =	shalt  }
0x84: {  	_ =	shalt  }
0x85: {  	_ =	shalt  }
0x86: {  	_ =	shalt  }
0x87: {  	_ =	shalt  }
.Lfunc_end0:
.L_simem_size_0:
called_computation.1_lowered:
.L_overlay_start_0:
0x88: {  	s2 =	sld [smem:$0x3FD9]  }
0x89: {  	s3 =	sld [smem:$0x3FFE];
	_ =	sdelay $0x1  }
0x8a: {  	s1 =	srdreg.scid  }
0x8b: {  	s0 =	sand.u32 $0x1, s1  }
0x8c: {  	s16 =	sshll.u32 s0, $0xA;
	s2 =	sadd.s32 s3, s2  }
0x8d: {  	s2 =	sadd.s32 s2, s16  }
0x8e: {  	[smem:$0x3FC0] =	sst s2  }
0x8f: {  	_ = 	snop  }
0x90: {  	(tm) =	ssettm $0x1  }
0x91: {  	s17 =	sld [smem:$0x3FFB];
	_ =	sdelay $0x3  }
0x92: {  	_ =	strace s17  }
0x93: {  	s2 =	sld [smem:$0x3FFC];
	_ =	sdelay $0x3  }
0x94: {  	_ =	strace s2  }
0x95: {  	s2 =	sld [smem:$0x3FFD];
	_ =	sdelay $0x3  }
0x96: {  	_ =	strace s2  }
0x97: {  	_ =	strace $0x8FFFFFFF  }
0x98: {  	s18 =	sld [smem:$0x3FDB];
	_ =	sdelay $0x1  }
0x99: {  	s19 =	simm.s32 $_scs_section_size  }
0x9a: {  	s4 =	simm.s32 $_size__tile_overlayer_lowered;
	s5 =	simm.s32 $_tile_overlayer_lowered  }
0x9b: {  	s22 =	simm.s32 $0x1BFF;
	s21 =	sshll.u32 s5, $0x1;
	s2 =	sadd.s32 s19, s18  }
0x9c: {  	s6 =	simm.s32 $0x0;
	s20 =	sshll.u32 s4, $0x1;
	s4 =	sadd.s32 s21, s2  }
0x9d: {  	[timem:s6], [sflag:s22] =	dma.local [hbm:s4], s20  }
0x9e: {  	_ =	swait.ge [sflag:s22], s20  }
0x9f: {  	s3 =	ssub.s32 $0x0, s20;
	[sflag:s22] =	ssyncset.done $0x0  }
0xa0: {  	[sflag:s22] =	ssyncadd.s32 s3;
	_ =	sdelay $0x1  }
0xa1: {  	s23 =	simm.s32 $0x1B8B  }
0xa2: {  	_ =	swait.ge [sflag:s23], $0x1  }
0xa3: {  	[sflag:s23] =	ssyncset.done $0x0  }
0xa4: {  	s25 =	simm.s32 $0x1B8E;
	s24 =	sld [smem:$0x3FFE];
	[sflag:s23] =	ssyncadd.s32 $0xFFFFFFFF  }
0xa5: {  	s26 =	simm.s32 $execute0_lowered;
	[smem:$0x3FD2] =	sst s25  }
0xa6: {  	s4 =	sshll.u32 s26, $0x1;
	_ =	strace $0x80000049;
	[dreg:$0x1] =	wrdreg $0xFFFFFFFF  }
0xa7: {  	s28 =	simm.s32 $_size_execute0_lowered;
	s2 =	sadd.s32 s2, s4;
	[dreg:$0x0] =	wrdreg $0x0  }
0xa8: {  	s4 =	sshll.u32 s28, $0x1;
	[dreg:$0x2] =	wrdreg s2  }
0xa9: {  	[dreg:$0x3] =	wrdreg s4  }
0xaa: {  	[dreg:$0x4] =	wrdreg $0xC0  }
0xab: {  	_ =	task [dreg:s6], $0x5FFFF  }
0xac: {  	[dreg:$0x1] =	wrdreg $0xFFFFFFFF  }
0xad: {  	[dreg:$0x0] =	wrdreg $0x60  }
0xae: {  	[dreg:$0x2] =	wrdreg s24  }
0xaf: {  	[dreg:$0x3] =	wrdreg $0xAB000  }
0xb0: {  	[dreg:$0x4] =	wrdreg $0x9  }
0xb1: {  	_ =	task.clear_ibuf [dreg:s6], $0x5FFFF;
	_ =	strace $0x90000049  }
0xb2: {  	s29 =	simm.s32 $0x9;
	_ =	strace $0x8000004B  }
0xb3: {  	_ =	swait.ge [sflag:s29], $0x1  }
0xb4: {  	[sflag:s29] =	ssyncadd.s32 $0xFFFFFFFF  }
0xb5: {  	_ =	strace $0x9000004B  }
0xb6: {  	_ =	sfence  }
0xb7: {  	s30 =	sld [smem:$0x0];
	_ =	sdelay $0x2  }
0xb8: {  	s31 =	sshll.u32 s1, $0xD;
	s1 =	sshrl.u32 s1, $0x2  }
0xb9: {  	s3 =	sand.u32 $0x4000, s31;
	s1 =	sadd.s32 s1, s30  }
0xba: {  	s0 =	sor.u32 s3, s0;
	s1 =	sshll.u32 s1, $0x11  }
0xbb: {  	s0 =	sor.u32 s1, s0  }
0xbc: {  	s0 =	sadd.s32 $0x8F2B, s0  }
0xbd: {  	[sflag:s0] =	ssyncadd.remote.s32 $0x1  }
0xbe: {  	_ =	sfence.sel $0xFFFF  }
0xbf: {  	[dreg:$0x0] =	wrdreg $0xFFFFFFFF;
	(pc) =	sbr.abs _section_cstart, $3  }
0xc0: {  	[dreg:$0x1] =	wrdreg $0xFFFFFFFF  }
0xc1: {  	_ =	task.clear_ibuf [dreg:s6], $0x2FFFF;
	_ =	strace $0x9FFFFFFF  }
0xc2: {  	(tm) =	ssettm $0x7FFFFFFF  }
0xc3: {  	_ =	shalt  }
tec
execute0_lowered:
.L_overlay_start_1:
0x0: {  	(tag) =	ssettag $0x1  }
0x1: {  	s0 =	srdreg.scid;
	s3 =	rddreg [dreg:$0x0]  }
0x2: {  	s20 =	stileid.u32;
	s1 =	simm.s32 $0x0;
	s28 =	simm.s32 $0x80  }
0x3: {  	s29 =	simm.s32 $0x100;
	s30 =	simm.s32 $0x180;
	s31 =	simm.s32 $0x3  }
0x4: {  	s2 =	sand.u32 $0x1, s0;
	s5 =	smul.u32 $0x14000, s20;
	[smem:$0x7FF] =	sst s1  }
0x5: {  	s6 =	sadd.s32 $0x3D800, s3;
	s0 =	ssub.s32 $0x2, s2;
	s11 =	smul.u32 $0x140000, s2  }
0x6: {  	s4 =	sshrl.u32 s0, $0x1;
	s7 =	sadd.s32 $0x4000, s5;
	s8 =	sadd.s32 $0x6000, s5  }
0x7: {  	s9 =	sadd.s32 $0x8000, s5;
	s10 =	sadd.s32 $0xA000, s5;
	s13 =	sadd.s32 $0xC000, s5  }
0x8: {  	s17 =	sadd.s32 $0xE000, s5;
	s18 =	sadd.s32 $0x10000, s5;
	s19 =	sadd.s32 $0x12000, s5  }
0x9: {  	s0 =	ssub.s32 s0, s4;
	s4 =	sor.u32 $0x2000, s5;
	s5 =	sadd.s32 s5, s11  }
0xa: {  	s14 =	sadd.s32 s11, s7;
	s15 =	sadd.s32 s11, s9;
	s16 =	sadd.s32 s11, s10  }
0xb: {  	s23 =	sadd.s32 s11, s13;
	s24 =	sadd.s32 s11, s17;
	s25 =	sadd.s32 s11, s18  }
0xc: {  	s12 =	sadd.s32 s11, s4;
	s5 =	sshrl.u32 s5, $0x3;
	s22 =	sshrl.u32 s16, $0x3  }
0xd: {  	s16 =	smul.u32 $0x2710, s20;
	s12 =	sshrl.u32 s12, $0x3;
	s5 =	sadd.s32 s6, s5  }
0xe: {  	s0 =	smax.u32 s0, $0x1;
	[dreg:$0x3] =	wrdreg s5;
	s26 =	sadd.s32 s6, s12  }
0xf: {  	s12 =	sshrl.u32 s14, $0x3;
	s14 =	sadd.s32 s11, s8;
	[dreg:$0x4] =	wrdreg s26  }
0x10: {  	s5 =	sadd.s32 s6, s12;
	s12 =	sshrl.u32 s15, $0x3;
	s15 =	smul.u32 $0x27100, s2  }
0x11: {  	s2 =	sshll.u32 s2, $0x4;
	[dreg:$0x5] =	wrdreg s5;
	s5 =	sshrl.u32 s14, $0x3  }
0x12: {  	s21 =	sadd.s32 s6, s12;
	s12 =	sshrl.u32 s24, $0x3;
	s14 =	sadd.s32 s11, s19  }
0x13: {  	s2 =	sor.u32 s20, s2;
	s5 =	sadd.s32 s6, s5;
	[dreg:$0x7] =	wrdreg s21  }
0x14: {  	s26 =	sadd.s32 s6, s12;
	[dreg:$0x6] =	wrdreg s5;
	s5 =	sadd.s32 s6, s22  }
0x15: {  	s12 =	sshrl.u32 s25, $0x3;
	[dreg:$0x8] =	wrdreg s5;
	s5 =	sshrl.u32 s23, $0x3  }
0x16: {  	s2 =	smul.u32 $0x2710, s2;
	[dreg:$0xa] =	wrdreg s26;
	s5 =	sadd.s32 s6, s5  }
0x17: {  	s21 =	smul.u32 $0x50000, s20;
	[dreg:$0x9] =	wrdreg s5;
	s5 =	sadd.s32 s6, s12  }
0x18: {  	s2 =	sshrl.u32 s2, $0x3;
	[dreg:$0xb] =	wrdreg s5;
	s5 =	sshrl.u32 s14, $0x3  }
0x19: {  	s20 =	sadd.s32 $0x4D0, s2;
	s12 =	rddreg [dreg:$0x1];
	s5 =	sadd.s32 s6, s5  }
0x1a: {  	s14 =	sadd.s32 $0xC800, s3;
	s22 =	sadd.s32 s7, s12;
	[dreg:$0xc] =	wrdreg s5  }
0x1b: {  	s23 =	sadd.s32 s8, s12;
	_ =	strace $0x8000004A;
	[dreg:$0xe] =	wrdreg s22  }
0x1c: {  	s26 =	sadd.s32 s4, s12;
	s24 =	sadd.s32 s9, s12;
	[dreg:$0xf] =	wrdreg s23  }
0x1d: {  	s4 =	sadd.s32 s10, s12;
	s7 =	sadd.s32 s17, s12;
	[dreg:$0x10] =	wrdreg s24  }
0x1e: {  	s8 =	sadd.s32 s18, s12;
	s9 =	sadd.s32 s19, s12;
	[dreg:$0x11] =	wrdreg s4  }
0x1f: {  	s10 =	sadd.s32 $0x10, s2;
	s6 =	sadd.s32 s16, s15;
	[dreg:$0x13] =	wrdreg s7  }
0x20: {  	s15 =	sadd.s32 $0x2A00, s3;
	s16 =	sadd.s32 $0x16600, s3;
	[dreg:$0x14] =	wrdreg s8  }
0x21: {  	s11 =	sadd.s32 s14, s10;
	s18 =	sadd.s32 s14, s2;
	[dreg:$0x15] =	wrdreg s9  }
0x22: {  	s5 =	sshrl.u32 s21, $0x2;
	s3 =	sadd.s32 s15, s10;
	[dreg:$0x16] =	wrdreg s11  }
0x23: {  	s19 =	sadd.s32 s15, s2;
	s21 =	sadd.s32 $0x180, s6;
	[dreg:$0x17] =	wrdreg s3  }
0x24: {  	s10 =	simm.s32 $0x8B00;
	s25 =	sadd.s32 s5, s12;
	[dreg:$0x1a] =	wrdreg s0  }
0x25: {  	s5 =	sadd.s32 s13, s12;
	s13 =	sadd.s32 $0x4E0, s2;
	[dreg:$0x1b] =	wrdreg s18  }
0x26: {  	[dreg:$0x1c] =	wrdreg s19;
	s2 =	sadd.s32 $0x4C0, s2;
	s4 =	sadd.s32 s15, s20  }
0x27: {  	s22 =	sshrl.u32 s21, $0x3;
	s24 =	sadd.s32 $0x100, s6;
	s11 =	simm.s32 $0x200  }
0x28: {  	s0 =	simm.s32 $0x4;
	s6 =	simm.s32 $0x2;
	[dreg:$0xd] =	wrdreg s26  }
0x29: {  	s18 =	simm.s32 $0x7;
	s19 =	simm.s32 $0x8;
	[dreg:$0x12] =	wrdreg s5  }
0x2a: {  	s21 =	simm.s32 $0x0;
	s17 =	sadd.s32 s14, s13;
	[dreg:$0x1f] =	wrdreg s24  }
0x2b: {  	s3 =	sadd.s32 s15, s13;
	s23 =	sadd.s32 s14, s2;
	[dreg:$0x18] =	wrdreg s17  }
0x2c: {  	s2 =	sadd.s32 s15, s2;
	s8 =	sadd.s32 s22, s15;
	[dreg:$0x19] =	wrdreg s3  }
0x2d: {  	s9 =	sadd.s32 s22, s14;
	s13 =	simm.s32 $0x1;
	[dreg:$0x1d] =	wrdreg s23  }
0x2e: {  	s5 =	simm.s32 $0x5;
	s3 =	sadd.s32 s14, s20;
	[dreg:$0x1e] =	wrdreg s2  }
0x2f: {  	v0 =	vimm.f32 $0.0e+00;
	s2 =	simm.s32 $0x4200;
	s17 =	simm.s32 $0x6;
	s20 =	simm.s32 $0x9  }
.LBB2_1:
0x30: {  	s22 =	simm.s32 $0x0;
	s23 =	simm.s32 $0x200  }
.LBB2_2:
0x31: {  	p0 =	sne.s32 s23, $0x7E00;
	[tilespmem:s22+$0x8B70] =	vst v0  }
0x32: {  	[tilespmem:s22+$0x8B00] =	vst v0  }
0x33: {  	[tilespmem:s22+$0x8B10] =	vst v0  }
.Ltmp0:
0x34: {  	[tilespmem:s22+$0x8B20] =	vst v0;
	(pc) =	sbr.rel @p0 .LBB2_2-.Ltmp0, $4  }
0x35: {  	[tilespmem:s22+$0x8B30] =	vst v0  }
0x36: {  	[tilespmem:s22+$0x8B40] =	vst v0  }
0x37: {  	[tilespmem:s22+$0x8B50] =	vst v0  }
0x38: {  	[tilespmem:s22+$0x8B60] =	vst v0;
	s22 =	sshra.s32 s23, $0x2;
	s23 =	sadd.s32 $0x200, s23  }
0x39: {  	[tilespmem:s22+$0x8B70] =	vst v0  }
0x3a: {  	[tilespmem:s22+$0x8B00] =	vst v0  }
0x3b: {  	[tilespmem:s22+$0x8B10] =	vst v0  }
0x3c: {  	[tilespmem:s22+$0x8B20] =	vst v0  }
0x3d: {  	[tilespmem:s22+$0x8B30] =	vst v0  }
0x3e: {  	[tilespmem:s22+$0x8B40] =	vst v0  }
0x3f: {  	[tilespmem:s22+$0x8B50] =	vst v0  }
0x40: {  	[tilespmem:s22+$0x8B60] =	vst v0  }
0x41: {  	[spmem:s25] =	stream.linear.scatter [tilespmem:s10], [sflag:$0x1], $0x2000, $0x38;
	[tilespmem:$0x1EB00] =	vst v63  }
0x42: {  	_ = 	snop  }
0x43: {  	[spmem:s26] =	stream.linear.scatter [tilespmem:s10], [sflag:$0x1], $0x2000, $0x38;
	[tilespmem:$0x1EB00] =	vst v63  }
0x44: {  	s24 =	rddreg [dreg:$0xe]  }
0x45: {  	[spmem:s24] =	stream.linear.scatter [tilespmem:s10], [sflag:$0x1], $0x2000, $0x38;
	[tilespmem:$0x1EB00] =	vst v63  }
0x46: {  	s7 =	smov.u32 s25;
	s25 =	rddreg [dreg:$0xf]  }
0x47: {  	[spmem:s25] =	stream.linear.scatter [tilespmem:s10], [sflag:$0x1], $0x2000, $0x38;
	[tilespmem:$0x1EB00] =	vst v63  }
0x48: {  	s26 =	rddreg [dreg:$0x10]  }
0x49: {  	[spmem:s26] =	stream.linear.scatter [tilespmem:s10], [sflag:$0x1], $0x2000, $0x38;
	[tilespmem:$0x1EB00] =	vst v63  }
0x4a: {  	s23 =	rddreg [dreg:$0x11]  }
0x4b: {  	[spmem:s23] =	stream.linear.scatter [tilespmem:s10], [sflag:$0x1], $0x2000, $0x38;
	[tilespmem:$0x1EB00] =	vst v63  }
0x4c: {  	s24 =	rddreg [dreg:$0x12]  }
0x4d: {  	[spmem:s24] =	stream.linear.scatter [tilespmem:s10], [sflag:$0x1], $0x2000, $0x38;
	[tilespmem:$0x1EB00] =	vst v63  }
0x4e: {  	s25 =	rddreg [dreg:$0x13]  }
0x4f: {  	[spmem:s25] =	stream.linear.scatter [tilespmem:s10], [sflag:$0x1], $0x2000, $0x38;
	[tilespmem:$0x1EB00] =	vst v63  }
0x50: {  	s26 =	rddreg [dreg:$0x14]  }
0x51: {  	[spmem:s26] =	stream.linear.scatter [tilespmem:s10], [sflag:$0x1], $0x2000, $0x38;
	[tilespmem:$0x1EB00] =	vst v63  }
0x52: {  	s23 =	rddreg [dreg:$0x15]  }
0x53: {  	[spmem:s23] =	stream.linear.scatter [tilespmem:s10], [sflag:$0x1], $0x2000, $0x38;
	[tilespmem:$0x1EB00] =	vst v63  }
0x54: {  	_ =	swait.ge [sflag:s13], $0x2000  }
0x55: {  	[sflag:s13] =	ssyncset.done $0x0  }
0x56: {  	[sflag:s13] =	ssyncadd.s32 $0xFFFFE000  }
0x57: {  	_ =	swait.ge [sflag:s13], $0x2000  }
0x58: {  	[sflag:s13] =	ssyncset.done $0x0  }
0x59: {  	[sflag:s13] =	ssyncadd.s32 $0xFFFFE000  }
0x5a: {  	_ =	swait.ge [sflag:s13], $0x2000  }
0x5b: {  	[sflag:s13] =	ssyncset.done $0x0  }
0x5c: {  	[sflag:s13] =	ssyncadd.s32 $0xFFFFE000  }
0x5d: {  	_ =	swait.ge [sflag:s13], $0x2000  }
0x5e: {  	[sflag:s13] =	ssyncset.done $0x0  }
0x5f: {  	[sflag:s13] =	ssyncadd.s32 $0xFFFFE000  }
0x60: {  	_ =	swait.ge [sflag:s13], $0x2000  }
0x61: {  	[sflag:s13] =	ssyncset.done $0x0  }
0x62: {  	[sflag:s13] =	ssyncadd.s32 $0xFFFFE000  }
0x63: {  	_ =	swait.ge [sflag:s13], $0x2000  }
0x64: {  	[sflag:s13] =	ssyncset.done $0x0  }
0x65: {  	[sflag:s13] =	ssyncadd.s32 $0xFFFFE000  }
0x66: {  	_ =	swait.ge [sflag:s13], $0x2000  }
0x67: {  	[sflag:s13] =	ssyncset.done $0x0  }
0x68: {  	[sflag:s13] =	ssyncadd.s32 $0xFFFFE000  }
0x69: {  	_ =	swait.ge [sflag:s13], $0x2000  }
0x6a: {  	[sflag:s13] =	ssyncset.done $0x0  }
0x6b: {  	[sflag:s13] =	ssyncadd.s32 $0xFFFFE000  }
0x6c: {  	_ =	swait.ge [sflag:s13], $0x2000  }
0x6d: {  	[sflag:s13] =	ssyncset.done $0x0  }
0x6e: {  	[sflag:s13] =	ssyncadd.s32 $0xFFFFE000  }
0x6f: {  	_ =	swait.ge [sflag:s13], $0x2000  }
0x70: {  	[sflag:s13] =	ssyncset.done $0x0  }
0x71: {  	[sflag:s13] =	ssyncadd.s32 $0xFFFFE000  }
0x72: {  	[bflag:$0x0] =	sbarrier.arrive $0xFFFF  }
0x73: {  	s22 =	simm.s32 $0x0;
	s23 =	rddreg [dreg:$0x1b]  }
0x74: {  	[tilespmem:s22], [sflag:$0x3] =	stream.linear.gather [hbm4b:s23+s22], $0x80, $0x38;
	[tilespmem:$0x1EB00] =	vst v63  }
0x75: {  	s24 =	rddreg [dreg:$0x1c]  }
0x76: {  	[tilespmem:s28], [sflag:$0x5] =	stream.linear.gather [hbm4b:s24+s22], $0x80, $0x38;
	[tilespmem:$0x1EB00] =	vst v63  }
0x77: {  	s25 =	rddreg [dreg:$0x16]  }
0x78: {  	[tilespmem:s29], [sflag:$0x4] =	stream.linear.gather [hbm4b:s25+s22], $0x80, $0x38;
	[tilespmem:$0x1EB00] =	vst v63  }
0x79: {  	s26 =	rddreg [dreg:$0x17]  }
0x7a: {  	[tilespmem:s30], [sflag:$0x6] =	stream.linear.gather [hbm4b:s26+s22], $0x80, $0x38;
	[tilespmem:$0x1EB00] =	vst v63  }
0x7b: {  	_ =	swait.ge [sflag:s31], $0x80  }
0x7c: {  	[sflag:s31] =	ssyncset.done $0x0  }
0x7d: {  	[sflag:s31] =	ssyncadd.s32 $0xFFFFFF80  }
0x7e: {  	[tilespmem:s11], [sflag:$0x1] =	stream.indirect.gather [hbm4b:s16+s28], $0x80, s22, s28, $0xb8;
	[tilespmem:$0x1EB00] =	vst v63  }
0x7f: {  	_ =	swait.ge [sflag:s0], $0x80  }
0x80: {  	[sflag:s0] =	ssyncset.done $0x0  }
0x81: {  	[sflag:s0] =	ssyncadd.s32 $0xFFFFFF80  }
0x82: {  	[tilespmem:s2], [sflag:$0x2] =	stream.indirect.gather [hbm4b:s16+s28], $0x80, s29, s28, $0xb8;
	[tilespmem:$0x1EB00] =	vst v63  }
0x83: {  	_ =	swait.ge [sflag:s13], $0x4000  }
0x84: {  	s25 =	rddreg [dreg:$0x1f]  }
0x85: {  	[sflag:s13] =	ssyncset.done $0x0;
	s22 =	sshrl.u32 s25, $0x3  }
0x86: {  	[sflag:s13] =	ssyncadd.s32 $0xFFFFC000;
	s24 =	sadd.s32 s14, s22  }
0x87: {  	[tilespmem:s1], [sflag:$0x3] =	stream.linear.gather [hbm4b:s24+s1], $0x80, $0x38;
	[tilespmem:$0x1EB00] =	vst v63  }
0x88: {  	_ =	swait.ge [sflag:s5], $0x80  }
0x89: {  	[sflag:s5] =	ssyncset.done $0x0  }
0x8a: {  	[sflag:s5] =	ssyncadd.s32 $0xFFFFFF80  }
0x8b: {  	[spmem:s12] =	stream.indirect.scatter.add.f32 [tilespmem:s11], [sflag:$0x7], $0x80, s28, s28, $0xb8;
	[tilespmem:$0x1EB00] =	vst v63  }
0x8c: {  	_ =	swait.ge [sflag:s6], $0x4000  }
0x8d: {  	[sflag:s6] =	ssyncset.done $0x0  }
0x8e: {  	s26 =	sadd.s32 $0x0, s9;
	[sflag:s6] =	ssyncadd.s32 $0xFFFFC000  }
0x8f: {  	[tilespmem:s29], [sflag:$0x4] =	stream.linear.gather [hbm4b:s26+s1], $0x80, $0x38;
	[tilespmem:$0x1EB00] =	vst v63  }
0x90: {  	_ =	swait.ge [sflag:s17], $0x80  }
0x91: {  	[sflag:s17] =	ssyncset.done $0x0  }
0x92: {  	[sflag:s17] =	ssyncadd.s32 $0xFFFFFF80  }
0x93: {  	[spmem:s12] =	stream.indirect.scatter.add.f32 [tilespmem:s2], [sflag:$0x8], $0x80, s30, s28, $0xb8;
	[tilespmem:$0x1EB00] =	vst v63  }
0x94: {  	_ =	swait.ge [sflag:s18], $0x4000  }
0x95: {  	[sflag:s18] =	ssyncset.done $0x0  }
0x96: {  	s22 =	sadd.s32 s15, s22;
	[sflag:s18] =	ssyncadd.s32 $0xFFFFC000  }
0x97: {  	[tilespmem:s28], [sflag:$0x5] =	stream.linear.gather [hbm4b:s22+s1], $0x80, $0x38;
	[tilespmem:$0x1EB00] =	vst v63  }
0x98: {  	_ =	swait.ge [sflag:s31], $0x80  }
0x99: {  	[sflag:s31] =	ssyncset.done $0x0  }
0x9a: {  	[sflag:s31] =	ssyncadd.s32 $0xFFFFFF80  }
0x9b: {  	[tilespmem:s11], [sflag:$0x1] =	stream.indirect.gather [hbm4b:s16+s28], $0x80, s1, s28, $0xb8;
	[tilespmem:$0x1EB00] =	vst v63  }
0x9c: {  	_ =	swait.ge [sflag:s19], $0x4000  }
0x9d: {  	s23 =	sadd.s32 $0x100, s25;
	[sflag:s19] =	ssyncset.done $0x0  }
0x9e: {  	s24 =	sadd.s32 $0x0, s8;
	s22 =	simm.s32 $0x20;
	[sflag:s19] =	ssyncadd.s32 $0xFFFFC000  }
.LBB2_4:
0x9f: {  	[tilespmem:s30], [sflag:$0x6] =	stream.linear.gather [hbm4b:s24+s1], $0x80, $0x38;
	[tilespmem:$0x1EB00] =	vst v63  }
0xa0: {  	s24 =	smov.u32 s22  }
0xa1: {  	p0 =	sne.s32 s22, $0x480;
	s22 =	sadd.s32 $0x20, s22;
	_ =	swait.ge [sflag:s0], $0x80  }
0xa2: {  	[sflag:s0] =	ssyncset.done $0x0  }
0xa3: {  	[sflag:s0] =	ssyncadd.s32 $0xFFFFFF80  }
0xa4: {  	[tilespmem:s2], [sflag:$0x2] =	stream.indirect.gather [hbm4b:s16+s28], $0x80, s29, s28, $0xb8;
	[tilespmem:$0x1EB00] =	vst v63  }
0xa5: {  	_ =	swait.ge [sflag:s13], $0x4000  }
0xa6: {  	s25 =	sshrl.u32 s23, $0x3;
	[sflag:s13] =	ssyncset.done $0x0  }
0xa7: {  	s26 =	sadd.s32 s14, s25;
	[sflag:s13] =	ssyncadd.s32 $0xFFFFC000  }
0xa8: {  	[tilespmem:s1], [sflag:$0x3] =	stream.linear.gather [hbm4b:s26+s1], $0x80, $0x38;
	[tilespmem:$0x1EB00] =	vst v63  }
0xa9: {  	_ =	swait.ge [sflag:s5], $0x80  }
0xaa: {  	[sflag:s5] =	ssyncset.done $0x0  }
0xab: {  	[sflag:s5] =	ssyncadd.s32 $0xFFFFFF80  }
0xac: {  	[spmem:s12] =	stream.indirect.scatter.add.f32 [tilespmem:s11], [sflag:$0x7], $0x80, s28, s28, $0xb8;
	[tilespmem:$0x1EB00] =	vst v63  }
0xad: {  	_ =	swait.ge [sflag:s6], $0x4000  }
0xae: {  	[sflag:s6] =	ssyncset.done $0x0  }
0xaf: {  	s26 =	sadd.s32 s24, s9;
	[sflag:s6] =	ssyncadd.s32 $0xFFFFC000  }
0xb0: {  	[tilespmem:s29], [sflag:$0x4] =	stream.linear.gather [hbm4b:s26+s1], $0x80, $0x38;
	[tilespmem:$0x1EB00] =	vst v63  }
0xb1: {  	_ =	swait.ge [sflag:s17], $0x80  }
0xb2: {  	[sflag:s17] =	ssyncset.done $0x0  }
0xb3: {  	[sflag:s17] =	ssyncadd.s32 $0xFFFFFF80  }
0xb4: {  	[spmem:s12] =	stream.indirect.scatter.add.f32 [tilespmem:s2], [sflag:$0x8], $0x80, s30, s28, $0xb8;
	[tilespmem:$0x1EB00] =	vst v63  }
0xb5: {  	_ =	swait.ge [sflag:s18], $0x4000  }
0xb6: {  	[sflag:s18] =	ssyncset.done $0x0  }
0xb7: {  	s25 =	sadd.s32 s15, s25;
	[sflag:s18] =	ssyncadd.s32 $0xFFFFC000  }
0xb8: {  	[tilespmem:s28], [sflag:$0x5] =	stream.linear.gather [hbm4b:s25+s1], $0x80, $0x38;
	[tilespmem:$0x1EB00] =	vst v63  }
0xb9: {  	_ =	swait.ge [sflag:s31], $0x80  }
0xba: {  	[sflag:s31] =	ssyncset.done $0x0  }
.Ltmp1:
0xbb: {  	[sflag:s31] =	ssyncadd.s32 $0xFFFFFF80;
	(pc) =	sbr.rel @p0 .LBB2_4-.Ltmp1, $4  }
0xbc: {  	[tilespmem:s11], [sflag:$0x1] =	stream.indirect.gather [hbm4b:s16+s28], $0x80, s1, s28, $0xb8;
	[tilespmem:$0x1EB00] =	vst v63  }
0xbd: {  	_ =	swait.ge [sflag:s19], $0x4000  }
0xbe: {  	[sflag:s19] =	ssyncset.done $0x0  }
0xbf: {  	s23 =	sadd.s32 $0x100, s23;
	s24 =	sadd.s32 s24, s8;
	[sflag:s19] =	ssyncadd.s32 $0xFFFFC000  }
0xc0: {  	[tilespmem:s30], [sflag:$0x6] =	stream.linear.gather [hbm4b:s24+s1], $0x80, $0x38;
	[tilespmem:$0x1EB00] =	vst v63  }
0xc1: {  	_ =	swait.ge [sflag:s0], $0x80  }
0xc2: {  	[sflag:s0] =	ssyncset.done $0x0  }
0xc3: {  	[sflag:s0] =	ssyncadd.s32 $0xFFFFFF80  }
0xc4: {  	[tilespmem:s2], [sflag:$0x2] =	stream.indirect.gather [hbm4b:s16+s28], $0x80, s29, s28, $0xb8;
	[tilespmem:$0x1EB00] =	vst v63  }
0xc5: {  	_ =	swait.ge [sflag:s13], $0x4000  }
0xc6: {  	[sflag:s13] =	ssyncset.done $0x0  }
0xc7: {  	s22 =	rddreg [dreg:$0x1d];
	[sflag:s13] =	ssyncadd.s32 $0xFFFFC000  }
0xc8: {  	[tilespmem:s1], [sflag:$0x3] =	stream.linear.gather [hbm4b:s22+s1], $0x80, $0x38;
	[tilespmem:$0x1EB00] =	vst v63  }
0xc9: {  	_ =	swait.ge [sflag:s5], $0x80  }
0xca: {  	[sflag:s5] =	ssyncset.done $0x0  }
0xcb: {  	[sflag:s5] =	ssyncadd.s32 $0xFFFFFF80  }
0xcc: {  	[spmem:s12] =	stream.indirect.scatter.add.f32 [tilespmem:s11], [sflag:$0x7], $0x80, s28, s28, $0xb8;
	[tilespmem:$0x1EB00] =	vst v63  }
0xcd: {  	_ =	swait.ge [sflag:s6], $0x4000  }
0xce: {  	[sflag:s6] =	ssyncset.done $0x0  }
0xcf: {  	[sflag:s6] =	ssyncadd.s32 $0xFFFFC000  }
0xd0: {  	[tilespmem:s29], [sflag:$0x4] =	stream.linear.gather [hbm4b:s3+s1], $0x80, $0x38;
	[tilespmem:$0x1EB00] =	vst v63  }
0xd1: {  	_ =	swait.ge [sflag:s17], $0x80  }
0xd2: {  	[sflag:s17] =	ssyncset.done $0x0  }
0xd3: {  	[sflag:s17] =	ssyncadd.s32 $0xFFFFFF80  }
0xd4: {  	[spmem:s12] =	stream.indirect.scatter.add.f32 [tilespmem:s2], [sflag:$0x8], $0x80, s30, s28, $0xb8;
	[tilespmem:$0x1EB00] =	vst v63  }
0xd5: {  	_ =	swait.ge [sflag:s18], $0x4000  }
0xd6: {  	[sflag:s18] =	ssyncset.done $0x0  }
0xd7: {  	s23 =	rddreg [dreg:$0x1e];
	[sflag:s18] =	ssyncadd.s32 $0xFFFFC000  }
0xd8: {  	[tilespmem:s28], [sflag:$0x5] =	stream.linear.gather [hbm4b:s23+s1], $0x80, $0x38;
	[tilespmem:$0x1EB00] =	vst v63  }
0xd9: {  	_ =	swait.ge [sflag:s31], $0x80  }
0xda: {  	[sflag:s31] =	ssyncset.done $0x0  }
0xdb: {  	[sflag:s31] =	ssyncadd.s32 $0xFFFFFF80  }
0xdc: {  	[tilespmem:s11], [sflag:$0x1] =	stream.indirect.gather [hbm4b:s16+s28], $0x80, s1, s28, $0xb8;
	[tilespmem:$0x1EB00] =	vst v63  }
0xdd: {  	_ =	swait.ge [sflag:s19], $0x4000  }
0xde: {  	[sflag:s19] =	ssyncset.done $0x0  }
0xdf: {  	[sflag:s19] =	ssyncadd.s32 $0xFFFFC000  }
0xe0: {  	[tilespmem:s30], [sflag:$0x6] =	stream.linear.gather [hbm4b:s4+s1], $0x80, $0x38;
	[tilespmem:$0x1EB00] =	vst v63  }
0xe1: {  	_ =	swait.ge [sflag:s0], $0x80  }
0xe2: {  	[sflag:s0] =	ssyncset.done $0x0  }
0xe3: {  	[sflag:s0] =	ssyncadd.s32 $0xFFFFFF80  }
0xe4: {  	[tilespmem:s2], [sflag:$0x2] =	stream.indirect.gather [hbm4b:s16+s28], $0x80, s29, s28, $0xb8;
	[tilespmem:$0x1EB00] =	vst v63  }
0xe5: {  	_ =	swait.ge [sflag:s13], $0x4000  }
0xe6: {  	[sflag:s13] =	ssyncset.done $0x0  }
0xe7: {  	[sflag:s13] =	ssyncadd.s32 $0xFFFFC000  }
0xe8: {  	[tilespmem:s1], [sflag:$0x3] =	stream.linear.gather [hbm4b:s3+s1], $0x80, $0x38;
	[tilespmem:$0x1EB00] =	vst v63  }
0xe9: {  	_ =	swait.ge [sflag:s5], $0x80  }
0xea: {  	[sflag:s5] =	ssyncset.done $0x0  }
0xeb: {  	[sflag:s5] =	ssyncadd.s32 $0xFFFFFF80  }
0xec: {  	[spmem:s12] =	stream.indirect.scatter.add.f32 [tilespmem:s11], [sflag:$0x7], $0x80, s28, s28, $0xb8;
	[tilespmem:$0x1EB00] =	vst v63  }
0xed: {  	_ =	swait.ge [sflag:s6], $0x4000  }
0xee: {  	[sflag:s6] =	ssyncset.done $0x0  }
0xef: {  	[sflag:s6] =	ssyncadd.s32 $0xFFFFC000  }
0xf0: {  	[tilespmem:s29], [sflag:$0x4] =	stream.linear.gather [hbm4b:s3+s1], $0x80, $0x38;
	[tilespmem:$0x1EB00] =	vst v63  }
0xf1: {  	_ =	swait.ge [sflag:s17], $0x80  }
0xf2: {  	[sflag:s17] =	ssyncset.done $0x0  }
0xf3: {  	[sflag:s17] =	ssyncadd.s32 $0xFFFFFF80  }
0xf4: {  	[spmem:s12] =	stream.indirect.scatter.add.f32 [tilespmem:s2], [sflag:$0x8], $0x80, s30, s28, $0xb8;
	[tilespmem:$0x1EB00] =	vst v63  }
0xf5: {  	_ =	swait.ge [sflag:s18], $0x4000  }
0xf6: {  	[sflag:s18] =	ssyncset.done $0x0  }
0xf7: {  	[sflag:s18] =	ssyncadd.s32 $0xFFFFC000  }
0xf8: {  	[tilespmem:s28], [sflag:$0x5] =	stream.linear.gather [hbm4b:s4+s1], $0x80, $0x38;
	[tilespmem:$0x1EB00] =	vst v63  }
0xf9: {  	_ =	swait.ge [sflag:s31], $0x80  }
0xfa: {  	[sflag:s31] =	ssyncset.done $0x0  }
0xfb: {  	[sflag:s31] =	ssyncadd.s32 $0xFFFFFF80  }
0xfc: {  	[tilespmem:s11], [sflag:$0x1] =	stream.indirect.gather [hbm4b:s16+s28], $0x80, s1, s28, $0xb8;
	[tilespmem:$0x1EB00] =	vst v63  }
0xfd: {  	_ =	swait.ge [sflag:s19], $0x4000  }
0xfe: {  	[sflag:s19] =	ssyncset.done $0x0  }
0xff: {  	[sflag:s19] =	ssyncadd.s32 $0xFFFFC000  }
0x100: {  	[tilespmem:s30], [sflag:$0x6] =	stream.linear.gather [hbm4b:s4+s1], $0x80, $0x38;
	[tilespmem:$0x1EB00] =	vst v63  }
0x101: {  	s23 =	simm.s32 $0x8200;
	s24 =	rddreg [dreg:$0x18]  }
0x102: {  	[tilespmem:s23], [sflag:$0x9] =	stream.linear.gather [hbm4b:s24+s1], $0x10, $0x38;
	[tilespmem:$0x1EB00] =	vst v63  }
0x103: {  	_ =	swait.ge [sflag:s20], $0x10  }
0x104: {  	[sflag:s20] =	ssyncset.done $0x0  }
0x105: {  	s24 =	simm.s32 $0x8280;
	s25 =	rddreg [dreg:$0x19];
	[sflag:s20] =	ssyncadd.s32 $0xFFFFFFF0  }
0x106: {  	[tilespmem:s24], [sflag:$0x9] =	stream.linear.gather [hbm4b:s25+s1], $0x10, $0x38;
	[tilespmem:$0x1EB00] =	vst v63  }
0x107: {  	_ =	swait.ge [sflag:s20], $0x10  }
0x108: {  	[sflag:s20] =	ssyncset.done $0x0  }
0x109: {  	s26 =	simm.s32 $0x10;
	s25 =	simm.s32 $0x8300;
	[sflag:s20] =	ssyncadd.s32 $0xFFFFFFF0  }
0x10a: {  	[tilespmem:s25], [sflag:$0x2] =	stream.indirect.gather [hbm4b:s16+s26], $0x80, s23, s26, $0xb8;
	[tilespmem:$0x1EB00] =	vst v63  }
0x10b: {  	_ =	swait.ge [sflag:s6], $0x800  }
0x10c: {  	[sflag:s6] =	ssyncset.done $0x0  }
0x10d: {  	[sflag:s6] =	ssyncadd.s32 $0xFFFFF800  }
0x10e: {  	[spmem:s12] =	stream.indirect.scatter.add.f32 [tilespmem:s25], [sflag:$0x9], $0x80, s24, s26, $0xb8;
	[tilespmem:$0x1EB00] =	vst v63  }
0x10f: {  	_ =	swait.ge [sflag:s20], $0x800  }
0x110: {  	[sflag:s20] =	ssyncset.done $0x0  }
0x111: {  	[sflag:s20] =	ssyncadd.s32 $0xFFFFF800  }
0x112: {  	_ =	swait.ge [sflag:s13], $0x4000  }
0x113: {  	[sflag:s13] =	ssyncset.done $0x0  }
0x114: {  	[sflag:s13] =	ssyncadd.s32 $0xFFFFC000  }
0x115: {  	_ =	swait.ge [sflag:s5], $0x80  }
0x116: {  	[sflag:s5] =	ssyncset.done $0x0  }
0x117: {  	[sflag:s5] =	ssyncadd.s32 $0xFFFFFF80  }
0x118: {  	_ =	swait.ge [sflag:s0], $0x80  }
0x119: {  	[sflag:s0] =	ssyncset.done $0x0  }
0x11a: {  	[sflag:s0] =	ssyncadd.s32 $0xFFFFFF80  }
0x11b: {  	_ =	swait.ge [sflag:s17], $0x80  }
0x11c: {  	[sflag:s17] =	ssyncset.done $0x0  }
0x11d: {  	s23 =	stileid.u32;
	[sflag:s17] =	ssyncadd.s32 $0xFFFFFF80  }
0x11e: {  	s22 =	sshll.u32 s23, $0x6;
	[bflag:$0x0] =	sbarrier.arrive $0xFFFF  }
0x11f: {  	s22 =	sor.u32 $0x1C02, s22;
	s24 =	sshrl.u32 s7, $0x3;
	s26 =	rddreg [dreg:$0x3]  }
0x120: {  	[hbm:s26], [sflag:s22] =	dma.local [spmem:s24], $0x400  }
0x121: {  	s26 =	rddreg [dreg:$0xd]  }
0x122: {  	s25 =	smov.u32 s7;
	s24 =	rddreg [dreg:$0x4];
	s7 =	sshrl.u32 s26, $0x3  }
0x123: {  	[hbm:s24], [sflag:s22] =	dma.local [spmem:s7], $0x400  }
0x124: {  	s24 =	rddreg [dreg:$0xe]  }
0x125: {  	s7 =	sshrl.u32 s24, $0x3;
	s24 =	rddreg [dreg:$0x5]  }
0x126: {  	[hbm:s24], [sflag:s22] =	dma.local [spmem:s7], $0x400  }
0x127: {  	s24 =	rddreg [dreg:$0xf]  }
0x128: {  	s7 =	sshrl.u32 s24, $0x3;
	s24 =	rddreg [dreg:$0x6]  }
0x129: {  	[hbm:s24], [sflag:s22] =	dma.local [spmem:s7], $0x400  }
0x12a: {  	s24 =	rddreg [dreg:$0x10]  }
0x12b: {  	s7 =	sshrl.u32 s24, $0x3;
	s24 =	rddreg [dreg:$0x7]  }
0x12c: {  	[hbm:s24], [sflag:s22] =	dma.local [spmem:s7], $0x400  }
0x12d: {  	s24 =	rddreg [dreg:$0x11]  }
0x12e: {  	s7 =	sshrl.u32 s24, $0x3;
	s24 =	rddreg [dreg:$0x8]  }
0x12f: {  	[hbm:s24], [sflag:s22] =	dma.local [spmem:s7], $0x400  }
0x130: {  	s24 =	rddreg [dreg:$0x12]  }
0x131: {  	s7 =	sshrl.u32 s24, $0x3;
	s24 =	rddreg [dreg:$0x9]  }
0x132: {  	[hbm:s24], [sflag:s22] =	dma.local [spmem:s7], $0x400  }
0x133: {  	s24 =	rddreg [dreg:$0x13]  }
0x134: {  	s7 =	sshrl.u32 s24, $0x3;
	s24 =	rddreg [dreg:$0xa]  }
0x135: {  	[hbm:s24], [sflag:s22] =	dma.local [spmem:s7], $0x400  }
0x136: {  	s24 =	rddreg [dreg:$0x14]  }
0x137: {  	s7 =	sshrl.u32 s24, $0x3;
	s24 =	rddreg [dreg:$0xb]  }
0x138: {  	[hbm:s24], [sflag:s22] =	dma.local [spmem:s7], $0x400  }
0x139: {  	s24 =	rddreg [dreg:$0x15]  }
0x13a: {  	s7 =	sshrl.u32 s24, $0x3;
	s24 =	rddreg [dreg:$0xc]  }
0x13b: {  	[hbm:s24], [sflag:s22] =	dma.local [spmem:s7], $0x400  }
0x13c: {  	_ =	swait.ge [sflag:s6], $0x400  }
0x13d: {  	[sflag:s6] =	ssyncset.done $0x0  }
0x13e: {  	[sflag:s6] =	ssyncadd.s32 $0xFFFFFC00  }
0x13f: {  	_ =	swait.ge [sflag:s6], $0x400  }
0x140: {  	[sflag:s6] =	ssyncset.done $0x0  }
0x141: {  	[sflag:s6] =	ssyncadd.s32 $0xFFFFFC00  }
0x142: {  	_ =	swait.ge [sflag:s6], $0x400  }
0x143: {  	[sflag:s6] =	ssyncset.done $0x0  }
0x144: {  	[sflag:s6] =	ssyncadd.s32 $0xFFFFFC00  }
0x145: {  	_ =	swait.ge [sflag:s6], $0x400  }
0x146: {  	[sflag:s6] =	ssyncset.done $0x0  }
0x147: {  	[sflag:s6] =	ssyncadd.s32 $0xFFFFFC00  }
0x148: {  	_ =	swait.ge [sflag:s6], $0x400  }
0x149: {  	[sflag:s6] =	ssyncset.done $0x0  }
0x14a: {  	[sflag:s6] =	ssyncadd.s32 $0xFFFFFC00  }
0x14b: {  	_ =	swait.ge [sflag:s6], $0x400  }
0x14c: {  	[sflag:s6] =	ssyncset.done $0x0  }
0x14d: {  	[sflag:s6] =	ssyncadd.s32 $0xFFFFFC00  }
0x14e: {  	_ =	swait.ge [sflag:s6], $0x400  }
0x14f: {  	[sflag:s6] =	ssyncset.done $0x0  }
0x150: {  	[sflag:s6] =	ssyncadd.s32 $0xFFFFFC00  }
0x151: {  	_ =	swait.ge [sflag:s6], $0x400  }
0x152: {  	[sflag:s6] =	ssyncset.done $0x0  }
0x153: {  	[sflag:s6] =	ssyncadd.s32 $0xFFFFFC00  }
0x154: {  	_ =	swait.ge [sflag:s6], $0x400  }
0x155: {  	[sflag:s6] =	ssyncset.done $0x0  }
0x156: {  	[sflag:s6] =	ssyncadd.s32 $0xFFFFFC00  }
0x157: {  	_ =	swait.ge [sflag:s6], $0x400  }
0x158: {  	s21 =	sadd.s32 $0x1, s21;
	s24 =	rddreg [dreg:$0x1a]  }
0x159: {  	p0 =	sne.s32 s21, s24  }
.Ltmp2:
0x15a: {  	_ = 	snop;
	(pc) =	sbr.rel @p0 .LBB2_1-.Ltmp2, $3  }
0x15b: {  	_ =	sdelay $0x1  }
0x15c: {  	[sflag:s6] =	ssyncset.done $0x0  }
0x15d: {  	[sflag:s6] =	ssyncadd.s32 $0xFFFFFC00  }
0x15e: {  	_ =	sfence.sel $0x180000  }
0x15f: {  	[bflag:$0x0] =	sbarrier.arrive $0xFFFF  }
0x160: {  	_ =	strace $0x9000004A  }
0x161: {  	s0 =	stileid.u32;
	[bflag:$0x2] =	sbarrier.arrive $0xFFFF  }
0x162: {  	p0 =	sne.s32 s0, $0x0;
	s0 =	rddreg [dreg:$0x2]  }
0x163: {  	s0 =	sadd.s32 @!p0 $0x100000, s0  }
0x164: {  	[sflag:s0] =	ssyncadd.tile.s32 @!p0 $0x1;
	_ =	shalt  }
.Lfunc_end2:
_tile_overlayer_lowered:
.L_overlay_start_2:
0x165: {  	(tag) =	ssettag $0x2  }
0x166: {  	s0 =	rddreg [dreg:$0x0];
	s2 =	stileid.u32  }
0x167: {  	s1 =	rddreg [dreg:$0x1];
	p0 =	sne.s32 s2, $0x0  }
0x168: {  	s3 =	rddreg [dreg:$0x2];
	[bflag:$0x3] =	sbarrier.arrive $0xFFFF;
	s2 =	simm.s32 @!p0 $0x1C09  }
0x169: {  	[timem:s3], [sflag:s2] =	dma.local @!p0 [hbm:s0], s1  }
0x16a: {  	s0 =	simm.s32 @!p0 $0x9  }
0x16b: {  	_ =	swait.ge @!p0 [sflag:s0], s1  }
0x16c: {  	s1 =	ssub.s32 @!p0 $0x0, s1;
	[sflag:s0] =	ssyncset.done @!p0 $0x0  }
0x16d: {  	[sflag:s0] =	ssyncadd.s32 @!p0 s1  }
0x16e: {  	[bflag:$0x3] =	sbarrier.arrive $0xFFFF  }
0x16f: {  	_ =	shalt  }

// kernel: kernel.14.cloned.1.call-start
scs
__scs_entry_jumppad:
0x0: {  	(pc) =	sbr.rel $0x88, $3  }
0x1: {  	(tag) =	ssettag $0x0;
	lr =	simm.s32 $0x1  }
0x2: {  	[smem:$0x3F99] =	sst lr;
	_ =	strace $0xD0000000  }
0x3: {  	_ = 	snop  }
0x4: {  	_ = 	snop  }
0x5: {  	_ = 	snop  }
0x6: {  	_ = 	snop  }
0x7: {  	_ = 	snop  }
__scs_overlays_trampoline_lowered:
0x8: {  	[smem:$0x3FA8] =	sst s0  }
0x9: {  	[smem:$0x3FA9] =	sst s1  }
0xa: {  	[smem:$0x3FAA] =	sst s2  }
0xb: {  	[smem:$0x3FAB] =	sst s3  }
0xc: {  	[smem:$0x3FAC] =	sst s4  }
0xd: {  	[smem:$0x3FAD] =	sst s5  }
0xe: {  	[smem:$0x3FAE] =	sst s6  }
0xf: {  	[smem:$0x3FAF] =	sst s7  }
0x10: {  	[smem:$0x3FB0] =	sst s8  }
0x11: {  	[smem:$0x3FB1] =	sst s9;
	s0 =	simm.s32 @!p0 $0x0  }
0x12: {  	s1 =	sld [smem:$0x3F97];
	s0 =	simm.s32 @p0 $0x1  }
0x13: {  	[smem:$0x3FB2] =	sst s0;
	s0 =	simm.s32 @!p1 $0x0  }
0x14: {  	s2 =	sld [smem:$0x3F96];
	s0 =	simm.s32 @p1 $0x1  }
0x15: {  	[smem:$0x3FB3] =	sst s0;
	s0 =	simm.s32 @!p2 $0x0  }
0x16: {  	s3 =	sld [smem:$0x3FDB];
	s0 =	simm.s32 @p2 $0x1  }
0x17: {  	s4 =	simm.s32 $0x1BF5;
	[smem:$0x3FB5] =	sst s0  }
0x18: {  	s0 =	sld [smem:$0x3F98];
	_ =	swait.ge [sflag:s4], $0x0  }
0x19: {  	s7 =	sld [smem:$0x3F99]  }
0x1a: {  	s8 =	sadd.s32 $0xFFFFE003, lr  }
0x1b: {  	s9 =	sadd.s32 $0xFFFFFEF7, lr;
	s5 =	simm.s32 $0xFFFFFFFF;
	p2 =	slt.u32 s8, $0xFFFFF086  }
0x1c: {  	p1 =	slt.u32 s9, $0xF7A;
	s5 =	simm.s32 @!p2 $0x0  }
0x1d: {  	s5 =	simm.s32 @p1 $0x1;
	p0 =	seq.s32 s7, s2  }
0x1e: {  	s7 =	smul.u32 @!p0 $0xF7A, s2;
	p2 =	seq.s32 @!p0 s5, $0x0  }
0x1f: {  	s9 =	smul.u32 $0xF7A, s1;
	s8 =	simm.s32 @!p0 $0x1BF5;
	p2 =	por !p2, p0  }
0x20: {  	[sflag:s8] =	ssyncset.s32 @!p0 $0xFFFFF086;
	s6 =	sadd.s32 @!p0 s3, s7;
	s7 =	simm.s32 @!p0 $0x108  }
0x21: {  	s3 =	sadd.s32 s3, s9;
	s6 =	sadd.s32 @!p0 $0x88, s6;
	s7 =	simm.s32 @p2 $0x1082  }
0x22: {  	[simem:s7], [sflag:s8] =	dma.local @!p0 [hbm:s6], $0xF7A  }
0x23: {  	s9 =	sor.u32 $0xD0000000, s2;
	s6 =	simm.s32 $0x108;
	_ =	swait.ge @!p0 [sflag:s8], $0x0  }
0x24: {  	s3 =	sadd.s32 $0x88, s3;
	s6 =	simm.s32 @!p1 $0x1082;
	[sflag:s4] =	ssyncset.s32 $0xFFFFF086  }
0x25: {  	[simem:s6], [sflag:s4] =	dma.local [hbm:s3], $0xF7A  }
0x26: {  	[smem:$0x3F99] =	sst s1;
	(tag) =	ssettag s2;
	_ =	strace s9  }
0x27: {  	s1 =	sld [smem:$0x3FA9]  }
0x28: {  	s2 =	sld [smem:$0x3FAA]  }
0x29: {  	s4 =	sld [smem:$0x3FAC]  }
0x2a: {  	p0 =	seq.s32 s5, $0x0;
	s5 =	sld [smem:$0x3FAD]  }
0x2b: {  	s6 =	sld [smem:$0x3FAE]  }
0x2c: {  	s7 =	sld [smem:$0x3FAF]  }
0x2d: {  	s3 =	simm.s32 $0x108;
	s8 =	sld [smem:$0x3FB0]  }
0x2e: {  	s3 =	simm.s32 @!p0 $0x1082;
	s9 =	sld [smem:$0x3FB1]  }
0x2f: {  	lr =	sadd.s32 s0, s3;
	s0 =	sld [smem:$0x3FA8]  }
0x30: {  	s3 =	sld [smem:$0x3FAB]  }
0x31: {  	[smem:$0x3FB4] =	sst s10  }
0x32: {  	s10 =	sld [smem:$0x3FB2];
	_ =	sdelay $0x3  }
0x33: {  	p0 =	seq.s32 s10, $0x1;
	s10 =	sld [smem:$0x3FB4];
	_ =	sdelay $0x3  }
0x34: {  	[smem:$0x3FB4] =	sst s10  }
0x35: {  	s10 =	sld [smem:$0x3FB3];
	_ =	sdelay $0x3  }
0x36: {  	p1 =	seq.s32 s10, $0x1;
	s10 =	sld [smem:$0x3FB4];
	_ =	sdelay $0x3  }
0x37: {  	[smem:$0x3FB4] =	sst s10  }
0x38: {  	s10 =	sld [smem:$0x3FB5]  }
0x39: {  	_ = 	snop;
	(pc) =	sbr.ind lr, $3  }
0x3a: {  	_ = 	snop  }
0x3b: {  	_ = 	snop  }
0x3c: {  	p2 =	seq.s32 s10, $0x1;
	s10 =	sld [smem:$0x3FB4]  }
0x3d: {  	_ =	shalt  }
0x3e: {  	_ =	shalt  }
0x3f: {  	_ =	shalt  }
0x40: {  	_ =	shalt  }
0x41: {  	_ =	shalt  }
0x42: {  	_ =	shalt  }
0x43: {  	_ =	shalt  }
0x44: {  	_ =	shalt  }
0x45: {  	_ =	shalt  }
0x46: {  	_ =	shalt  }
0x47: {  	_ =	shalt  }
0x48: {  	_ =	shalt  }
0x49: {  	_ =	shalt  }
0x4a: {  	_ =	shalt  }
0x4b: {  	_ =	shalt  }
0x4c: {  	_ =	shalt  }
0x4d: {  	_ =	shalt  }
0x4e: {  	_ =	shalt  }
0x4f: {  	_ =	shalt  }
0x50: {  	_ =	shalt  }
0x51: {  	_ =	shalt  }
0x52: {  	_ =	shalt  }
0x53: {  	_ =	shalt  }
0x54: {  	_ =	shalt  }
0x55: {  	_ =	shalt  }
0x56: {  	_ =	shalt  }
0x57: {  	_ =	shalt  }
0x58: {  	_ =	shalt  }
0x59: {  	_ =	shalt  }
0x5a: {  	_ =	shalt  }
0x5b: {  	_ =	shalt  }
0x5c: {  	_ =	shalt  }
0x5d: {  	_ =	shalt  }
0x5e: {  	_ =	shalt  }
0x5f: {  	_ =	shalt  }
0x60: {  	_ =	shalt  }
0x61: {  	_ =	shalt  }
0x62: {  	_ =	shalt  }
0x63: {  	_ =	shalt  }
0x64: {  	_ =	shalt  }
0x65: {  	_ =	shalt  }
0x66: {  	_ =	shalt  }
0x67: {  	_ =	shalt  }
0x68: {  	_ =	shalt  }
0x69: {  	_ =	shalt  }
0x6a: {  	_ =	shalt  }
0x6b: {  	_ =	shalt  }
0x6c: {  	_ =	shalt  }
0x6d: {  	_ =	shalt  }
0x6e: {  	_ =	shalt  }
0x6f: {  	_ =	shalt  }
0x70: {  	_ =	shalt  }
0x71: {  	_ =	shalt  }
0x72: {  	_ =	shalt  }
0x73: {  	_ =	shalt  }
0x74: {  	_ =	shalt  }
0x75: {  	_ =	shalt  }
0x76: {  	_ =	shalt  }
0x77: {  	_ =	shalt  }
0x78: {  	_ =	shalt  }
0x79: {  	_ =	shalt  }
0x7a: {  	_ =	shalt  }
0x7b: {  	_ =	shalt  }
0x7c: {  	_ =	shalt  }
0x7d: {  	_ =	shalt  }
0x7e: {  	_ =	shalt  }
0x7f: {  	_ =	shalt  }
0x80: {  	_ =	shalt  }
0x81: {  	_ =	shalt  }
0x82: {  	_ =	shalt  }
0x83: {  	_ =	shalt  }
0x84: {  	_ =	shalt  }
0x85: {  	_ =	shalt  }
0x86: {  	_ =	shalt  }
0x87: {  	_ =	shalt  }
.Lfunc_end0:
.L_simem_size_0:
called_computation.2_lowered:
.L_overlay_start_0:
0x88: {  	s2 =	sld [smem:$0x3FD9]  }
0x89: {  	s3 =	sld [smem:$0x3FFE];
	_ =	sdelay $0x1  }
0x8a: {  	s1 =	srdreg.scid  }
0x8b: {  	s0 =	sand.u32 $0x1, s1  }
0x8c: {  	s17 =	sshll.u32 s0, $0xA;
	s2 =	sadd.s32 s3, s2  }
0x8d: {  	s2 =	sadd.s32 s2, s17  }
0x8e: {  	[smem:$0x3FC0] =	sst s2  }
0x8f: {  	_ = 	snop  }
0x90: {  	s2 =	sld [smem:$0x3FD0];
	(tm) =	ssettm $0x1  }
0x91: {  	s18 =	sld [smem:$0x3FFB];
	_ =	sdelay $0x3  }
0x92: {  	_ =	strace s18  }
0x93: {  	s3 =	sld [smem:$0x3FFC];
	_ =	sdelay $0x3  }
0x94: {  	_ =	strace s3  }
0x95: {  	s3 =	sld [smem:$0x3FFD];
	_ =	sdelay $0x3  }
0x96: {  	_ =	strace s3  }
0x97: {  	_ =	strace $0x8FFFFFFF  }
0x98: {  	s19 =	sld [smem:$0x3FDB];
	_ =	sdelay $0x1  }
0x99: {  	s4 =	simm.s32 $_scs_section_size  }
0x9a: {  	s5 =	simm.s32 $_size__tile_overlayer_lowered;
	s6 =	simm.s32 $_tile_overlayer_lowered  }
0x9b: {  	s22 =	simm.s32 $0x1BFF;
	s21 =	sshll.u32 s6, $0x1;
	s3 =	sadd.s32 s4, s19  }
0x9c: {  	s7 =	simm.s32 $0x0;
	s20 =	sshll.u32 s5, $0x1;
	s5 =	sadd.s32 s21, s3  }
0x9d: {  	[timem:s7], [sflag:s22] =	dma.local [hbm:s5], s20  }
0x9e: {  	_ =	swait.ge [sflag:s22], s20  }
0x9f: {  	s4 =	ssub.s32 $0x0, s20;
	[sflag:s22] =	ssyncset.done $0x0  }
0xa0: {  	[sflag:s22] =	ssyncadd.s32 s4;
	_ =	sdelay $0x1  }
0xa1: {  	s23 =	simm.s32 $0x1B8B  }
0xa2: {  	_ =	swait.ge [sflag:s23], $0x1  }
0xa3: {  	[sflag:s23] =	ssyncset.done $0x0  }
0xa4: {  	s25 =	simm.s32 $0x1B8E;
	s24 =	sld [smem:$0x3FFE];
	[sflag:s23] =	ssyncadd.s32 $0xFFFFFFFF  }
0xa5: {  	s26 =	simm.s32 $execute0_lowered;
	[smem:$0x3FD2] =	sst s25  }
0xa6: {  	s5 =	sshll.u32 s26, $0x1;
	_ =	strace $0x8000004C;
	[dreg:$0x1] =	wrdreg $0xFFFFFFFF  }
0xa7: {  	s28 =	simm.s32 $_size_execute0_lowered;
	s3 =	sadd.s32 s3, s5;
	[dreg:$0x0] =	wrdreg $0x0  }
0xa8: {  	s5 =	sshll.u32 s28, $0x1;
	[dreg:$0x2] =	wrdreg s3  }
0xa9: {  	[dreg:$0x3] =	wrdreg s5  }
0xaa: {  	[dreg:$0x4] =	wrdreg $0xC0  }
0xab: {  	_ =	task [dreg:s7], $0x5FFFF  }
0xac: {  	[dreg:$0x1] =	wrdreg $0xFFFFFFFF  }
0xad: {  	[dreg:$0x0] =	wrdreg $0x60  }
0xae: {  	[dreg:$0x2] =	wrdreg s24  }
0xaf: {  	[dreg:$0x3] =	wrdreg s2  }
0xb0: {  	[dreg:$0x4] =	wrdreg $0x56200  }
0xb1: {  	[dreg:$0x5] =	wrdreg $0x9  }
0xb2: {  	_ =	task.clear_ibuf [dreg:s7], $0x6FFFF;
	_ =	strace $0x9000004C  }
0xb3: {  	s29 =	simm.s32 $0x9;
	_ =	strace $0x8000004E  }
0xb4: {  	_ =	swait.ge [sflag:s29], $0x1  }
0xb5: {  	[sflag:s29] =	ssyncadd.s32 $0xFFFFFFFF  }
0xb6: {  	_ =	strace $0x9000004E  }
0xb7: {  	_ =	sfence  }
0xb8: {  	s30 =	sld [smem:$0x0];
	_ =	sdelay $0x2  }
0xb9: {  	s31 =	sshll.u32 s1, $0xD;
	s1 =	sshrl.u32 s1, $0x2  }
0xba: {  	s3 =	sand.u32 $0x4000, s31;
	s1 =	sadd.s32 s1, s30  }
0xbb: {  	s0 =	sor.u32 s3, s0;
	s1 =	sshll.u32 s1, $0x11  }
0xbc: {  	s0 =	sor.u32 s1, s0  }
0xbd: {  	s0 =	sadd.s32 $0x8F2B, s0  }
0xbe: {  	[sflag:s0] =	ssyncadd.remote.s32 $0x1  }
0xbf: {  	_ =	sfence.sel $0xFFFF  }
0xc0: {  	[dreg:$0x0] =	wrdreg $0xFFFFFFFF;
	(pc) =	sbr.abs _section_cstart, $3  }
0xc1: {  	[dreg:$0x1] =	wrdreg $0xFFFFFFFF  }
0xc2: {  	_ =	task.clear_ibuf [dreg:s7], $0x2FFFF;
	_ =	strace $0x9FFFFFFF  }
0xc3: {  	(tm) =	ssettm $0x7FFFFFFF  }
tec
execute0_lowered:
.L_overlay_start_1:
0x0: {  	(tag) =	ssettag $0x1  }
0x1: {  	s0 =	srdreg.scid  }
0x2: {  	s2 =	rddreg [dreg:$0x0];
	s20 =	stileid.u32  }
0x3: {  	s1 =	simm.s32 $0x0;
	s28 =	simm.s32 $0x80;
	s29 =	simm.s32 $0x100  }
0x4: {  	s3 =	sand.u32 $0x1, s0;
	s4 =	smul.u32 $0xA000, s20;
	[smem:$0x7FF] =	sst s1  }
0x5: {  	s6 =	sadd.s32 $0x16600, s2;
	s0 =	ssub.s32 $0x2, s3;
	s9 =	smul.u32 $0xA0000, s3  }
0x6: {  	s5 =	sshrl.u32 s0, $0x1;
	s7 =	sadd.s32 $0x2000, s4;
	s8 =	sadd.s32 $0x3000, s4  }
0x7: {  	s11 =	sadd.s32 $0x4000, s4;
	s12 =	sadd.s32 $0x5000, s4;
	s14 =	sadd.s32 $0x6000, s4  }
0x8: {  	s17 =	sadd.s32 $0x7000, s4;
	s18 =	sadd.s32 $0x8000, s4;
	s19 =	sadd.s32 $0x9000, s4  }
0x9: {  	s0 =	ssub.s32 s0, s5;
	s5 =	sor.u32 $0x1000, s4;
	s10 =	sadd.s32 s4, s9  }
0xa: {  	s24 =	sadd.s32 s9, s7;
	s26 =	sadd.s32 s9, s8;
	s16 =	sadd.s32 s9, s11  }
0xb: {  	s10 =	sshrl.u32 s10, $0x3;
	s13 =	sadd.s32 s9, s5;
	s21 =	sshrl.u32 s16, $0x3  }
0xc: {  	s16 =	sadd.s32 s9, s18;
	s10 =	sadd.s32 s6, s10;
	s23 =	sshrl.u32 s13, $0x3  }
0xd: {  	s13 =	sshrl.u32 s16, $0x3;
	[dreg:$0x4] =	wrdreg s10;
	s10 =	sadd.s32 s6, s23  }
0xe: {  	s22 =	sadd.s32 s9, s12;
	s13 =	sadd.s32 s6, s13;
	[dreg:$0x5] =	wrdreg s10  }
0xf: {  	s25 =	sshrl.u32 s24, $0x3;
	s15 =	sshrl.u32 s26, $0x3;
	[dreg:$0xc] =	wrdreg s13  }
0x10: {  	s24 =	sadd.s32 s9, s14;
	s10 =	sadd.s32 s6, s25;
	s13 =	rddreg [dreg:$0x2]  }
0x11: {  	s26 =	sadd.s32 s9, s17;
	[dreg:$0x6] =	wrdreg s10;
	s10 =	sadd.s32 s6, s15  }
0x12: {  	s23 =	sshrl.u32 s22, $0x3;
	[dreg:$0x7] =	wrdreg s10;
	s10 =	sadd.s32 s6, s21  }
0x13: {  	s25 =	sshrl.u32 s24, $0x3;
	[dreg:$0x8] =	wrdreg s10;
	s10 =	sadd.s32 s6, s23  }
0x14: {  	s15 =	sshrl.u32 s26, $0x3;
	[dreg:$0x9] =	wrdreg s10;
	s10 =	sadd.s32 s6, s25  }
0x15: {  	s9 =	sadd.s32 s9, s19;
	[dreg:$0xa] =	wrdreg s10;
	s10 =	sadd.s32 s6, s15  }
0x16: {  	s30 =	simm.s32 $0x180;
	s9 =	sshrl.u32 s9, $0x3;
	[dreg:$0xb] =	wrdreg s10  }
0x17: {  	s31 =	simm.s32 $0x3;
	s6 =	sadd.s32 s6, s9;
	s10 =	rddreg [dreg:$0x1]  }
0x18: {  	s0 =	smax.u32 s0, $0x1;
	s22 =	sadd.s32 s7, s13;
	[dreg:$0xd] =	wrdreg s6  }
0x19: {  	s23 =	sadd.s32 s8, s13;
	_ =	strace $0x8000004D;
	[dreg:$0xf] =	wrdreg s22  }
0x1a: {  	s16 =	smul.u32 $0x2710, s20;
	s24 =	sadd.s32 s11, s13;
	[dreg:$0x10] =	wrdreg s23  }
0x1b: {  	s25 =	sadd.s32 s4, s13;
	s4 =	sadd.s32 s12, s13;
	[dreg:$0x11] =	wrdreg s24  }
0x1c: {  	s26 =	sadd.s32 s5, s13;
	s5 =	sadd.s32 s14, s13;
	[dreg:$0x12] =	wrdreg s4  }
0x1d: {  	s7 =	sadd.s32 s17, s13;
	s8 =	sadd.s32 s18, s13;
	[dreg:$0x13] =	wrdreg s5  }
0x1e: {  	s15 =	smul.u32 $0x27100, s3;
	s3 =	sshll.u32 s3, $0x4;
	[dreg:$0x14] =	wrdreg s7  }
0x1f: {  	s9 =	sadd.s32 s19, s13;
	s21 =	sor.u32 s20, s3;
	[dreg:$0x15] =	wrdreg s8  }
0x20: {  	s6 =	sadd.s32 s16, s15;
	s15 =	sadd.s32 $0xC800, s2;
	[dreg:$0x16] =	wrdreg s9  }
0x21: {  	s16 =	sadd.s32 $0x2A00, s2;
	s2 =	smul.u32 $0x2710, s21;
	[dreg:$0x1b] =	wrdreg s0  }
0x22: {  	s0 =	simm.s32 $0x4;
	s5 =	simm.s32 $0x5;
	[dreg:$0xe] =	wrdreg s26  }
0x23: {  	s21 =	sadd.s32 $0x180, s6;
	s24 =	sadd.s32 $0x100, s6;
	s6 =	simm.s32 $0x2  }
0x24: {  	s2 =	sshrl.u32 s2, $0x3;
	s22 =	sshrl.u32 s21, $0x3;
	[smem:$0x7FD] =	sst s24  }
0x25: {  	s21 =	simm.s32 $0x0;
	s11 =	sadd.s32 $0x10, s2;
	s14 =	sadd.s32 $0x4E0, s2  }
0x26: {  	s18 =	sadd.s32 s15, s2;
	s19 =	sadd.s32 s16, s2;
	s20 =	sadd.s32 $0x4D0, s2  }
0x27: {  	s2 =	sadd.s32 $0x4C0, s2;
	s8 =	sadd.s32 s22, s16;
	[dreg:$0x1c] =	wrdreg s18  }
0x28: {  	s9 =	sadd.s32 s22, s15;
	s12 =	sadd.s32 s15, s11;
	[dreg:$0x1d] =	wrdreg s19  }
0x29: {  	s3 =	sadd.s32 s16, s11;
	s17 =	sadd.s32 s15, s14;
	[dreg:$0x17] =	wrdreg s12  }
0x2a: {  	s4 =	sadd.s32 s16, s20;
	s23 =	sadd.s32 s15, s2;
	[dreg:$0x18] =	wrdreg s3  }
0x2b: {  	s2 =	sadd.s32 s16, s2;
	s11 =	simm.s32 $0x200;
	[dreg:$0x19] =	wrdreg s17  }
0x2c: {  	s18 =	simm.s32 $0x7;
	s19 =	simm.s32 $0x8;
	[dreg:$0x1e] =	wrdreg s23  }
0x2d: {  	s3 =	sadd.s32 s16, s14;
	[dreg:$0x1f] =	wrdreg s2;
	s12 =	simm.s32 $0x4620  }
0x2e: {  	s14 =	simm.s32 $0x1;
	s2 =	simm.s32 $0x2200;
	s17 =	simm.s32 $0x6  }
0x2f: {  	v0 =	vimm.f32 $0.0e+00;
	[dreg:$0x1a] =	wrdreg s3;
	s3 =	sadd.s32 s15, s20;
	s20 =	simm.s32 $0x9  }
.LBB2_1:
0x30: {  	s23 =	simm.s32 $0x100;
	s22 =	simm.s32 $0x0  }
.LBB2_2:
0x31: {  	p0 =	sne.s32 s23, $0x3F00;
	[tilespmem:s22+$0x4650] =	vst v0;
	s24 =	smov.u32 s23;
	s23 =	sadd.s32 $0x100, s23  }
.Ltmp0:
0x32: {  	[tilespmem:s22+$0x4640] =	vst v0;
	(pc) =	sbr.rel @p0 .LBB2_2-.Ltmp0, $3  }
0x33: {  	[tilespmem:s22+$0x4620] =	vst v0  }
0x34: {  	[tilespmem:s22+$0x4630] =	vst v0;
	_ =	sdelay $0x1  }
0x35: {  	s22 =	sshra.s32 s24, $0x2  }
0x36: {  	[tilespmem:s22+$0x4650] =	vst v0  }
0x37: {  	[tilespmem:s22+$0x4640] =	vst v0  }
0x38: {  	[tilespmem:s22+$0x4620] =	vst v0  }
0x39: {  	[tilespmem:s22+$0x4630] =	vst v0  }
0x3a: {  	[spmem:s25] =	stream.linear.scatter [tilespmem:s12], [sflag:$0x1], $0x1000, $0x38;
	[tilespmem:$0xF620] =	vst v63  }
0x3b: {  	_ = 	snop  }
0x3c: {  	[spmem:s26] =	stream.linear.scatter [tilespmem:s12], [sflag:$0x1], $0x1000, $0x38;
	[tilespmem:$0xF620] =	vst v63  }
0x3d: {  	s24 =	rddreg [dreg:$0xf]  }
0x3e: {  	[spmem:s24] =	stream.linear.scatter [tilespmem:s12], [sflag:$0x1], $0x1000, $0x38;
	[tilespmem:$0xF620] =	vst v63  }
0x3f: {  	s7 =	smov.u32 s25;
	s25 =	rddreg [dreg:$0x10]  }
0x40: {  	[spmem:s25] =	stream.linear.scatter [tilespmem:s12], [sflag:$0x1], $0x1000, $0x38;
	[tilespmem:$0xF620] =	vst v63  }
0x41: {  	s26 =	rddreg [dreg:$0x11]  }
0x42: {  	[spmem:s26] =	stream.linear.scatter [tilespmem:s12], [sflag:$0x1], $0x1000, $0x38;
	[tilespmem:$0xF620] =	vst v63  }
0x43: {  	s23 =	rddreg [dreg:$0x12]  }
0x44: {  	[spmem:s23] =	stream.linear.scatter [tilespmem:s12], [sflag:$0x1], $0x1000, $0x38;
	[tilespmem:$0xF620] =	vst v63  }
0x45: {  	s24 =	rddreg [dreg:$0x13]  }
0x46: {  	[spmem:s24] =	stream.linear.scatter [tilespmem:s12], [sflag:$0x1], $0x1000, $0x38;
	[tilespmem:$0xF620] =	vst v63  }
0x47: {  	s25 =	rddreg [dreg:$0x14]  }
0x48: {  	[spmem:s25] =	stream.linear.scatter [tilespmem:s12], [sflag:$0x1], $0x1000, $0x38;
	[tilespmem:$0xF620] =	vst v63  }
0x49: {  	s26 =	rddreg [dreg:$0x15]  }
0x4a: {  	[spmem:s26] =	stream.linear.scatter [tilespmem:s12], [sflag:$0x1], $0x1000, $0x38;
	[tilespmem:$0xF620] =	vst v63  }
0x4b: {  	s23 =	rddreg [dreg:$0x16]  }
0x4c: {  	[spmem:s23] =	stream.linear.scatter [tilespmem:s12], [sflag:$0x1], $0x1000, $0x38;
	[tilespmem:$0xF620] =	vst v63  }
0x4d: {  	_ =	swait.ge [sflag:s14], $0x1000  }
0x4e: {  	[sflag:s14] =	ssyncset.done $0x0  }
0x4f: {  	[sflag:s14] =	ssyncadd.s32 $0xFFFFF000  }
0x50: {  	_ =	swait.ge [sflag:s14], $0x1000  }
0x51: {  	[sflag:s14] =	ssyncset.done $0x0  }
0x52: {  	[sflag:s14] =	ssyncadd.s32 $0xFFFFF000  }
0x53: {  	_ =	swait.ge [sflag:s14], $0x1000  }
0x54: {  	[sflag:s14] =	ssyncset.done $0x0  }
0x55: {  	[sflag:s14] =	ssyncadd.s32 $0xFFFFF000  }
0x56: {  	_ =	swait.ge [sflag:s14], $0x1000  }
0x57: {  	[sflag:s14] =	ssyncset.done $0x0  }
0x58: {  	[sflag:s14] =	ssyncadd.s32 $0xFFFFF000  }
0x59: {  	_ =	swait.ge [sflag:s14], $0x1000  }
0x5a: {  	[sflag:s14] =	ssyncset.done $0x0  }
0x5b: {  	[sflag:s14] =	ssyncadd.s32 $0xFFFFF000  }
0x5c: {  	_ =	swait.ge [sflag:s14], $0x1000  }
0x5d: {  	[sflag:s14] =	ssyncset.done $0x0  }
0x5e: {  	[sflag:s14] =	ssyncadd.s32 $0xFFFFF000  }
0x5f: {  	_ =	swait.ge [sflag:s14], $0x1000  }
0x60: {  	[sflag:s14] =	ssyncset.done $0x0  }
0x61: {  	[sflag:s14] =	ssyncadd.s32 $0xFFFFF000  }
0x62: {  	_ =	swait.ge [sflag:s14], $0x1000  }
0x63: {  	[sflag:s14] =	ssyncset.done $0x0  }
0x64: {  	[sflag:s14] =	ssyncadd.s32 $0xFFFFF000  }
0x65: {  	_ =	swait.ge [sflag:s14], $0x1000  }
0x66: {  	[sflag:s14] =	ssyncset.done $0x0  }
0x67: {  	[sflag:s14] =	ssyncadd.s32 $0xFFFFF000  }
0x68: {  	_ =	swait.ge [sflag:s14], $0x1000  }
0x69: {  	[sflag:s14] =	ssyncset.done $0x0  }
0x6a: {  	[sflag:s14] =	ssyncadd.s32 $0xFFFFF000  }
0x6b: {  	[bflag:$0x0] =	sbarrier.arrive $0xFFFF  }
0x6c: {  	s22 =	simm.s32 $0x0;
	s23 =	rddreg [dreg:$0x1c]  }
0x6d: {  	[tilespmem:s22], [sflag:$0x3] =	stream.linear.gather [hbm4b:s23+s22], $0x80, $0x38;
	[tilespmem:$0xF620] =	vst v63  }
0x6e: {  	s24 =	rddreg [dreg:$0x1d]  }
0x6f: {  	[tilespmem:s28], [sflag:$0x5] =	stream.linear.gather [hbm4b:s24+s22], $0x80, $0x38;
	[tilespmem:$0xF620] =	vst v63  }
0x70: {  	s25 =	rddreg [dreg:$0x17]  }
0x71: {  	[tilespmem:s29], [sflag:$0x4] =	stream.linear.gather [hbm4b:s25+s22], $0x80, $0x38;
	[tilespmem:$0xF620] =	vst v63  }
0x72: {  	s26 =	rddreg [dreg:$0x18]  }
0x73: {  	[tilespmem:s30], [sflag:$0x6] =	stream.linear.gather [hbm4b:s26+s22], $0x80, $0x38;
	[tilespmem:$0xF620] =	vst v63  }
0x74: {  	_ =	swait.ge [sflag:s31], $0x80  }
0x75: {  	[sflag:s31] =	ssyncset.done $0x0  }
0x76: {  	[sflag:s31] =	ssyncadd.s32 $0xFFFFFF80  }
0x77: {  	[tilespmem:s11], [sflag:$0x1] =	stream.indirect.gather [hbm4b:s10+s28], $0x40, s22, s28, $0xb8;
	[tilespmem:$0xF620] =	vst v63  }
0x78: {  	_ =	swait.ge [sflag:s0], $0x80  }
0x79: {  	[sflag:s0] =	ssyncset.done $0x0  }
0x7a: {  	[sflag:s0] =	ssyncadd.s32 $0xFFFFFF80  }
0x7b: {  	[tilespmem:s2], [sflag:$0x2] =	stream.indirect.gather [hbm4b:s10+s28], $0x40, s29, s28, $0xb8;
	[tilespmem:$0xF620] =	vst v63  }
0x7c: {  	_ =	swait.ge [sflag:s14], $0x2000  }
0x7d: {  	s25 =	sld [smem:$0x7FD];
	_ =	sdelay $0x2  }
0x7e: {  	[sflag:s14] =	ssyncset.done $0x0;
	s22 =	sshrl.u32 s25, $0x3  }
0x7f: {  	[sflag:s14] =	ssyncadd.s32 $0xFFFFE000;
	s24 =	sadd.s32 s15, s22  }
0x80: {  	[tilespmem:s1], [sflag:$0x3] =	stream.linear.gather [hbm4b:s24+s1], $0x80, $0x38;
	[tilespmem:$0xF620] =	vst v63  }
0x81: {  	_ =	swait.ge [sflag:s5], $0x80  }
0x82: {  	[sflag:s5] =	ssyncset.done $0x0  }
0x83: {  	[sflag:s5] =	ssyncadd.s32 $0xFFFFFF80  }
0x84: {  	[spmem:s13] =	stream.indirect.scatter.add.f32 [tilespmem:s11], [sflag:$0x7], $0x40, s28, s28, $0xb8;
	[tilespmem:$0xF620] =	vst v63  }
0x85: {  	_ =	swait.ge [sflag:s6], $0x2000  }
0x86: {  	[sflag:s6] =	ssyncset.done $0x0  }
0x87: {  	s26 =	sadd.s32 $0x0, s9;
	[sflag:s6] =	ssyncadd.s32 $0xFFFFE000  }
0x88: {  	[tilespmem:s29], [sflag:$0x4] =	stream.linear.gather [hbm4b:s26+s1], $0x80, $0x38;
	[tilespmem:$0xF620] =	vst v63  }
0x89: {  	_ =	swait.ge [sflag:s17], $0x80  }
0x8a: {  	[sflag:s17] =	ssyncset.done $0x0  }
0x8b: {  	[sflag:s17] =	ssyncadd.s32 $0xFFFFFF80  }
0x8c: {  	[spmem:s13] =	stream.indirect.scatter.add.f32 [tilespmem:s2], [sflag:$0x8], $0x40, s30, s28, $0xb8;
	[tilespmem:$0xF620] =	vst v63  }
0x8d: {  	_ =	swait.ge [sflag:s18], $0x2000  }
0x8e: {  	[sflag:s18] =	ssyncset.done $0x0  }
0x8f: {  	s22 =	sadd.s32 s16, s22;
	[sflag:s18] =	ssyncadd.s32 $0xFFFFE000  }
0x90: {  	[tilespmem:s28], [sflag:$0x5] =	stream.linear.gather [hbm4b:s22+s1], $0x80, $0x38;
	[tilespmem:$0xF620] =	vst v63  }
0x91: {  	_ =	swait.ge [sflag:s31], $0x80  }
0x92: {  	[sflag:s31] =	ssyncset.done $0x0  }
0x93: {  	[sflag:s31] =	ssyncadd.s32 $0xFFFFFF80  }
0x94: {  	[tilespmem:s11], [sflag:$0x1] =	stream.indirect.gather [hbm4b:s10+s28], $0x40, s1, s28, $0xb8;
	[tilespmem:$0xF620] =	vst v63  }
0x95: {  	_ =	swait.ge [sflag:s19], $0x2000  }
0x96: {  	s23 =	sadd.s32 $0x100, s25;
	[sflag:s19] =	ssyncset.done $0x0  }
0x97: {  	s24 =	sadd.s32 $0x0, s8;
	s22 =	simm.s32 $0x20;
	[sflag:s19] =	ssyncadd.s32 $0xFFFFE000  }
.LBB2_4:
0x98: {  	[tilespmem:s30], [sflag:$0x6] =	stream.linear.gather [hbm4b:s24+s1], $0x80, $0x38;
	[tilespmem:$0xF620] =	vst v63  }
0x99: {  	s24 =	smov.u32 s22  }
0x9a: {  	p0 =	sne.s32 s22, $0x480;
	s22 =	sadd.s32 $0x20, s22;
	_ =	swait.ge [sflag:s0], $0x80  }
0x9b: {  	[sflag:s0] =	ssyncset.done $0x0  }
0x9c: {  	[sflag:s0] =	ssyncadd.s32 $0xFFFFFF80  }
0x9d: {  	[tilespmem:s2], [sflag:$0x2] =	stream.indirect.gather [hbm4b:s10+s28], $0x40, s29, s28, $0xb8;
	[tilespmem:$0xF620] =	vst v63  }
0x9e: {  	_ =	swait.ge [sflag:s14], $0x2000  }
0x9f: {  	s25 =	sshrl.u32 s23, $0x3;
	[sflag:s14] =	ssyncset.done $0x0  }
0xa0: {  	s26 =	sadd.s32 s15, s25;
	[sflag:s14] =	ssyncadd.s32 $0xFFFFE000  }
0xa1: {  	[tilespmem:s1], [sflag:$0x3] =	stream.linear.gather [hbm4b:s26+s1], $0x80, $0x38;
	[tilespmem:$0xF620] =	vst v63  }
0xa2: {  	_ =	swait.ge [sflag:s5], $0x80  }
0xa3: {  	[sflag:s5] =	ssyncset.done $0x0  }
0xa4: {  	[sflag:s5] =	ssyncadd.s32 $0xFFFFFF80  }
0xa5: {  	[spmem:s13] =	stream.indirect.scatter.add.f32 [tilespmem:s11], [sflag:$0x7], $0x40, s28, s28, $0xb8;
	[tilespmem:$0xF620] =	vst v63  }
0xa6: {  	_ =	swait.ge [sflag:s6], $0x2000  }
0xa7: {  	[sflag:s6] =	ssyncset.done $0x0  }
0xa8: {  	s26 =	sadd.s32 s24, s9;
	[sflag:s6] =	ssyncadd.s32 $0xFFFFE000  }
0xa9: {  	[tilespmem:s29], [sflag:$0x4] =	stream.linear.gather [hbm4b:s26+s1], $0x80, $0x38;
	[tilespmem:$0xF620] =	vst v63  }
0xaa: {  	_ =	swait.ge [sflag:s17], $0x80  }
0xab: {  	[sflag:s17] =	ssyncset.done $0x0  }
0xac: {  	[sflag:s17] =	ssyncadd.s32 $0xFFFFFF80  }
0xad: {  	[spmem:s13] =	stream.indirect.scatter.add.f32 [tilespmem:s2], [sflag:$0x8], $0x40, s30, s28, $0xb8;
	[tilespmem:$0xF620] =	vst v63  }
0xae: {  	_ =	swait.ge [sflag:s18], $0x2000  }
0xaf: {  	[sflag:s18] =	ssyncset.done $0x0  }
0xb0: {  	s25 =	sadd.s32 s16, s25;
	[sflag:s18] =	ssyncadd.s32 $0xFFFFE000  }
0xb1: {  	[tilespmem:s28], [sflag:$0x5] =	stream.linear.gather [hbm4b:s25+s1], $0x80, $0x38;
	[tilespmem:$0xF620] =	vst v63  }
0xb2: {  	_ =	swait.ge [sflag:s31], $0x80  }
0xb3: {  	[sflag:s31] =	ssyncset.done $0x0  }
.Ltmp1:
0xb4: {  	[sflag:s31] =	ssyncadd.s32 $0xFFFFFF80;
	(pc) =	sbr.rel @p0 .LBB2_4-.Ltmp1, $4  }
0xb5: {  	[tilespmem:s11], [sflag:$0x1] =	stream.indirect.gather [hbm4b:s10+s28], $0x40, s1, s28, $0xb8;
	[tilespmem:$0xF620] =	vst v63  }
0xb6: {  	_ =	swait.ge [sflag:s19], $0x2000  }
0xb7: {  	[sflag:s19] =	ssyncset.done $0x0  }
0xb8: {  	s23 =	sadd.s32 $0x100, s23;
	s24 =	sadd.s32 s24, s8;
	[sflag:s19] =	ssyncadd.s32 $0xFFFFE000  }
0xb9: {  	[tilespmem:s30], [sflag:$0x6] =	stream.linear.gather [hbm4b:s24+s1], $0x80, $0x38;
	[tilespmem:$0xF620] =	vst v63  }
0xba: {  	_ =	swait.ge [sflag:s0], $0x80  }
0xbb: {  	[sflag:s0] =	ssyncset.done $0x0  }
0xbc: {  	[sflag:s0] =	ssyncadd.s32 $0xFFFFFF80  }
0xbd: {  	[tilespmem:s2], [sflag:$0x2] =	stream.indirect.gather [hbm4b:s10+s28], $0x40, s29, s28, $0xb8;
	[tilespmem:$0xF620] =	vst v63  }
0xbe: {  	_ =	swait.ge [sflag:s14], $0x2000  }
0xbf: {  	[sflag:s14] =	ssyncset.done $0x0  }
0xc0: {  	s22 =	rddreg [dreg:$0x1e];
	[sflag:s14] =	ssyncadd.s32 $0xFFFFE000  }
0xc1: {  	[tilespmem:s1], [sflag:$0x3] =	stream.linear.gather [hbm4b:s22+s1], $0x80, $0x38;
	[tilespmem:$0xF620] =	vst v63  }
0xc2: {  	_ =	swait.ge [sflag:s5], $0x80  }
0xc3: {  	[sflag:s5] =	ssyncset.done $0x0  }
0xc4: {  	[sflag:s5] =	ssyncadd.s32 $0xFFFFFF80  }
0xc5: {  	[spmem:s13] =	stream.indirect.scatter.add.f32 [tilespmem:s11], [sflag:$0x7], $0x40, s28, s28, $0xb8;
	[tilespmem:$0xF620] =	vst v63  }
0xc6: {  	_ =	swait.ge [sflag:s6], $0x2000  }
0xc7: {  	[sflag:s6] =	ssyncset.done $0x0  }
0xc8: {  	[sflag:s6] =	ssyncadd.s32 $0xFFFFE000  }
0xc9: {  	[tilespmem:s29], [sflag:$0x4] =	stream.linear.gather [hbm4b:s3+s1], $0x80, $0x38;
	[tilespmem:$0xF620] =	vst v63  }
0xca: {  	_ =	swait.ge [sflag:s17], $0x80  }
0xcb: {  	[sflag:s17] =	ssyncset.done $0x0  }
0xcc: {  	[sflag:s17] =	ssyncadd.s32 $0xFFFFFF80  }
0xcd: {  	[spmem:s13] =	stream.indirect.scatter.add.f32 [tilespmem:s2], [sflag:$0x8], $0x40, s30, s28, $0xb8;
	[tilespmem:$0xF620] =	vst v63  }
0xce: {  	_ =	swait.ge [sflag:s18], $0x2000  }
0xcf: {  	[sflag:s18] =	ssyncset.done $0x0  }
0xd0: {  	s23 =	rddreg [dreg:$0x1f];
	[sflag:s18] =	ssyncadd.s32 $0xFFFFE000  }
0xd1: {  	[tilespmem:s28], [sflag:$0x5] =	stream.linear.gather [hbm4b:s23+s1], $0x80, $0x38;
	[tilespmem:$0xF620] =	vst v63  }
0xd2: {  	_ =	swait.ge [sflag:s31], $0x80  }
0xd3: {  	[sflag:s31] =	ssyncset.done $0x0  }
0xd4: {  	[sflag:s31] =	ssyncadd.s32 $0xFFFFFF80  }
0xd5: {  	[tilespmem:s11], [sflag:$0x1] =	stream.indirect.gather [hbm4b:s10+s28], $0x40, s1, s28, $0xb8;
	[tilespmem:$0xF620] =	vst v63  }
0xd6: {  	_ =	swait.ge [sflag:s19], $0x2000  }
0xd7: {  	[sflag:s19] =	ssyncset.done $0x0  }
0xd8: {  	[sflag:s19] =	ssyncadd.s32 $0xFFFFE000  }
0xd9: {  	[tilespmem:s30], [sflag:$0x6] =	stream.linear.gather [hbm4b:s4+s1], $0x80, $0x38;
	[tilespmem:$0xF620] =	vst v63  }
0xda: {  	_ =	swait.ge [sflag:s0], $0x80  }
0xdb: {  	[sflag:s0] =	ssyncset.done $0x0  }
0xdc: {  	[sflag:s0] =	ssyncadd.s32 $0xFFFFFF80  }
0xdd: {  	[tilespmem:s2], [sflag:$0x2] =	stream.indirect.gather [hbm4b:s10+s28], $0x40, s29, s28, $0xb8;
	[tilespmem:$0xF620] =	vst v63  }
0xde: {  	_ =	swait.ge [sflag:s14], $0x2000  }
0xdf: {  	[sflag:s14] =	ssyncset.done $0x0  }
0xe0: {  	[sflag:s14] =	ssyncadd.s32 $0xFFFFE000  }
0xe1: {  	[tilespmem:s1], [sflag:$0x3] =	stream.linear.gather [hbm4b:s3+s1], $0x80, $0x38;
	[tilespmem:$0xF620] =	vst v63  }
0xe2: {  	_ =	swait.ge [sflag:s5], $0x80  }
0xe3: {  	[sflag:s5] =	ssyncset.done $0x0  }
0xe4: {  	[sflag:s5] =	ssyncadd.s32 $0xFFFFFF80  }
0xe5: {  	[spmem:s13] =	stream.indirect.scatter.add.f32 [tilespmem:s11], [sflag:$0x7], $0x40, s28, s28, $0xb8;
	[tilespmem:$0xF620] =	vst v63  }
0xe6: {  	_ =	swait.ge [sflag:s6], $0x2000  }
0xe7: {  	[sflag:s6] =	ssyncset.done $0x0  }
0xe8: {  	[sflag:s6] =	ssyncadd.s32 $0xFFFFE000  }
0xe9: {  	[tilespmem:s29], [sflag:$0x4] =	stream.linear.gather [hbm4b:s3+s1], $0x80, $0x38;
	[tilespmem:$0xF620] =	vst v63  }
0xea: {  	_ =	swait.ge [sflag:s17], $0x80  }
0xeb: {  	[sflag:s17] =	ssyncset.done $0x0  }
0xec: {  	[sflag:s17] =	ssyncadd.s32 $0xFFFFFF80  }
0xed: {  	[spmem:s13] =	stream.indirect.scatter.add.f32 [tilespmem:s2], [sflag:$0x8], $0x40, s30, s28, $0xb8;
	[tilespmem:$0xF620] =	vst v63  }
0xee: {  	_ =	swait.ge [sflag:s18], $0x2000  }
0xef: {  	[sflag:s18] =	ssyncset.done $0x0  }
0xf0: {  	[sflag:s18] =	ssyncadd.s32 $0xFFFFE000  }
0xf1: {  	[tilespmem:s28], [sflag:$0x5] =	stream.linear.gather [hbm4b:s4+s1], $0x80, $0x38;
	[tilespmem:$0xF620] =	vst v63  }
0xf2: {  	_ =	swait.ge [sflag:s31], $0x80  }
0xf3: {  	[sflag:s31] =	ssyncset.done $0x0  }
0xf4: {  	[sflag:s31] =	ssyncadd.s32 $0xFFFFFF80  }
0xf5: {  	[tilespmem:s11], [sflag:$0x1] =	stream.indirect.gather [hbm4b:s10+s28], $0x40, s1, s28, $0xb8;
	[tilespmem:$0xF620] =	vst v63  }
0xf6: {  	_ =	swait.ge [sflag:s19], $0x2000  }
0xf7: {  	[sflag:s19] =	ssyncset.done $0x0  }
0xf8: {  	[sflag:s19] =	ssyncadd.s32 $0xFFFFE000  }
0xf9: {  	[tilespmem:s30], [sflag:$0x6] =	stream.linear.gather [hbm4b:s4+s1], $0x80, $0x38;
	[tilespmem:$0xF620] =	vst v63  }
0xfa: {  	s23 =	simm.s32 $0x4200;
	s24 =	rddreg [dreg:$0x19]  }
0xfb: {  	[tilespmem:s23], [sflag:$0x9] =	stream.linear.gather [hbm4b:s24+s1], $0x10, $0x38;
	[tilespmem:$0xF620] =	vst v63  }
0xfc: {  	_ =	swait.ge [sflag:s20], $0x10  }
0xfd: {  	[sflag:s20] =	ssyncset.done $0x0  }
0xfe: {  	s24 =	simm.s32 $0x4210;
	s25 =	rddreg [dreg:$0x1a];
	[sflag:s20] =	ssyncadd.s32 $0xFFFFFFF0  }
0xff: {  	[tilespmem:s24], [sflag:$0x9] =	stream.linear.gather [hbm4b:s25+s1], $0x10, $0x38;
	[tilespmem:$0xF620] =	vst v63  }
0x100: {  	_ =	swait.ge [sflag:s20], $0x10  }
0x101: {  	[sflag:s20] =	ssyncset.done $0x0  }
0x102: {  	s26 =	simm.s32 $0x10;
	s25 =	simm.s32 $0x4220;
	[sflag:s20] =	ssyncadd.s32 $0xFFFFFFF0  }
0x103: {  	[tilespmem:s25], [sflag:$0x2] =	stream.indirect.gather [hbm4b:s10+s26], $0x40, s23, s26, $0xb8;
	[tilespmem:$0xF620] =	vst v63  }
0x104: {  	_ =	swait.ge [sflag:s6], $0x400  }
0x105: {  	[sflag:s6] =	ssyncset.done $0x0  }
0x106: {  	[sflag:s6] =	ssyncadd.s32 $0xFFFFFC00  }
0x107: {  	[spmem:s13] =	stream.indirect.scatter.add.f32 [tilespmem:s25], [sflag:$0x9], $0x40, s24, s26, $0xb8;
	[tilespmem:$0xF620] =	vst v63  }
0x108: {  	_ =	swait.ge [sflag:s20], $0x400  }
0x109: {  	[sflag:s20] =	ssyncset.done $0x0  }
0x10a: {  	[sflag:s20] =	ssyncadd.s32 $0xFFFFFC00  }
0x10b: {  	_ =	swait.ge [sflag:s14], $0x2000  }
0x10c: {  	[sflag:s14] =	ssyncset.done $0x0  }
0x10d: {  	[sflag:s14] =	ssyncadd.s32 $0xFFFFE000  }
0x10e: {  	_ =	swait.ge [sflag:s5], $0x80  }
0x10f: {  	[sflag:s5] =	ssyncset.done $0x0  }
0x110: {  	[sflag:s5] =	ssyncadd.s32 $0xFFFFFF80  }
0x111: {  	_ =	swait.ge [sflag:s0], $0x80  }
0x112: {  	[sflag:s0] =	ssyncset.done $0x0  }
0x113: {  	[sflag:s0] =	ssyncadd.s32 $0xFFFFFF80  }
0x114: {  	_ =	swait.ge [sflag:s17], $0x80  }
0x115: {  	[sflag:s17] =	ssyncset.done $0x0  }
0x116: {  	s23 =	stileid.u32;
	[sflag:s17] =	ssyncadd.s32 $0xFFFFFF80  }
0x117: {  	s22 =	sshll.u32 s23, $0x6;
	[bflag:$0x0] =	sbarrier.arrive $0xFFFF  }
0x118: {  	s22 =	sor.u32 $0x1C02, s22;
	s24 =	sshrl.u32 s7, $0x3;
	s26 =	rddreg [dreg:$0x4]  }
0x119: {  	[hbm:s26], [sflag:s22] =	dma.local [spmem:s24], $0x200  }
0x11a: {  	s26 =	rddreg [dreg:$0xe]  }
0x11b: {  	s25 =	smov.u32 s7;
	s24 =	rddreg [dreg:$0x5];
	s7 =	sshrl.u32 s26, $0x3  }
0x11c: {  	[hbm:s24], [sflag:s22] =	dma.local [spmem:s7], $0x200  }
0x11d: {  	s24 =	rddreg [dreg:$0xf]  }
0x11e: {  	s7 =	sshrl.u32 s24, $0x3;
	s24 =	rddreg [dreg:$0x6]  }
0x11f: {  	[hbm:s24], [sflag:s22] =	dma.local [spmem:s7], $0x200  }
0x120: {  	s24 =	rddreg [dreg:$0x10]  }
0x121: {  	s7 =	sshrl.u32 s24, $0x3;
	s24 =	rddreg [dreg:$0x7]  }
0x122: {  	[hbm:s24], [sflag:s22] =	dma.local [spmem:s7], $0x200  }
0x123: {  	s24 =	rddreg [dreg:$0x11]  }
0x124: {  	s7 =	sshrl.u32 s24, $0x3;
	s24 =	rddreg [dreg:$0x8]  }
0x125: {  	[hbm:s24], [sflag:s22] =	dma.local [spmem:s7], $0x200  }
0x126: {  	s24 =	rddreg [dreg:$0x12]  }
0x127: {  	s7 =	sshrl.u32 s24, $0x3;
	s24 =	rddreg [dreg:$0x9]  }
0x128: {  	[hbm:s24], [sflag:s22] =	dma.local [spmem:s7], $0x200  }
0x129: {  	s24 =	rddreg [dreg:$0x13]  }
0x12a: {  	s7 =	sshrl.u32 s24, $0x3;
	s24 =	rddreg [dreg:$0xa]  }
0x12b: {  	[hbm:s24], [sflag:s22] =	dma.local [spmem:s7], $0x200  }
0x12c: {  	s24 =	rddreg [dreg:$0x14]  }
0x12d: {  	s7 =	sshrl.u32 s24, $0x3;
	s24 =	rddreg [dreg:$0xb]  }
0x12e: {  	[hbm:s24], [sflag:s22] =	dma.local [spmem:s7], $0x200  }
0x12f: {  	s24 =	rddreg [dreg:$0x15]  }
0x130: {  	s7 =	sshrl.u32 s24, $0x3;
	s24 =	rddreg [dreg:$0xc]  }
0x131: {  	[hbm:s24], [sflag:s22] =	dma.local [spmem:s7], $0x200  }
0x132: {  	s24 =	rddreg [dreg:$0x16]  }
0x133: {  	s7 =	sshrl.u32 s24, $0x3;
	s24 =	rddreg [dreg:$0xd]  }
0x134: {  	[hbm:s24], [sflag:s22] =	dma.local [spmem:s7], $0x200  }
0x135: {  	_ =	swait.ge [sflag:s6], $0x200  }
0x136: {  	[sflag:s6] =	ssyncset.done $0x0  }
0x137: {  	[sflag:s6] =	ssyncadd.s32 $0xFFFFFE00  }
0x138: {  	_ =	swait.ge [sflag:s6], $0x200  }
0x139: {  	[sflag:s6] =	ssyncset.done $0x0  }
0x13a: {  	[sflag:s6] =	ssyncadd.s32 $0xFFFFFE00  }
0x13b: {  	_ =	swait.ge [sflag:s6], $0x200  }
0x13c: {  	[sflag:s6] =	ssyncset.done $0x0  }
0x13d: {  	[sflag:s6] =	ssyncadd.s32 $0xFFFFFE00  }
0x13e: {  	_ =	swait.ge [sflag:s6], $0x200  }
0x13f: {  	[sflag:s6] =	ssyncset.done $0x0  }
0x140: {  	[sflag:s6] =	ssyncadd.s32 $0xFFFFFE00  }
0x141: {  	_ =	swait.ge [sflag:s6], $0x200  }
0x142: {  	[sflag:s6] =	ssyncset.done $0x0  }
0x143: {  	[sflag:s6] =	ssyncadd.s32 $0xFFFFFE00  }
0x144: {  	_ =	swait.ge [sflag:s6], $0x200  }
0x145: {  	[sflag:s6] =	ssyncset.done $0x0  }
0x146: {  	[sflag:s6] =	ssyncadd.s32 $0xFFFFFE00  }
0x147: {  	_ =	swait.ge [sflag:s6], $0x200  }
0x148: {  	[sflag:s6] =	ssyncset.done $0x0  }
0x149: {  	[sflag:s6] =	ssyncadd.s32 $0xFFFFFE00  }
0x14a: {  	_ =	swait.ge [sflag:s6], $0x200  }
0x14b: {  	[sflag:s6] =	ssyncset.done $0x0  }
0x14c: {  	[sflag:s6] =	ssyncadd.s32 $0xFFFFFE00  }
0x14d: {  	_ =	swait.ge [sflag:s6], $0x200  }
0x14e: {  	[sflag:s6] =	ssyncset.done $0x0  }
0x14f: {  	[sflag:s6] =	ssyncadd.s32 $0xFFFFFE00  }
0x150: {  	_ =	swait.ge [sflag:s6], $0x200  }
0x151: {  	s21 =	sadd.s32 $0x1, s21;
	s24 =	rddreg [dreg:$0x1b]  }
0x152: {  	p0 =	sne.s32 s21, s24  }
.Ltmp2:
0x153: {  	_ = 	snop;
	(pc) =	sbr.rel @p0 .LBB2_1-.Ltmp2, $3  }
0x154: {  	_ =	sdelay $0x1  }
0x155: {  	[sflag:s6] =	ssyncset.done $0x0  }
0x156: {  	[sflag:s6] =	ssyncadd.s32 $0xFFFFFE00  }
0x157: {  	_ =	sfence.sel $0x180000  }
0x158: {  	[bflag:$0x0] =	sbarrier.arrive $0xFFFF  }
0x159: {  	_ =	strace $0x9000004D  }
0x15a: {  	s0 =	stileid.u32;
	[bflag:$0x2] =	sbarrier.arrive $0xFFFF  }
0x15b: {  	p0 =	sne.s32 s0, $0x0;
	s0 =	rddreg [dreg:$0x3]  }
0x15c: {  	s0 =	sadd.s32 @!p0 $0x100000, s0  }
0x15d: {  	[sflag:s0] =	ssyncadd.tile.s32 @!p0 $0x1;
	_ =	shalt  }
.Lfunc_end2:
_tile_overlayer_lowered:
.L_overlay_start_2:
0x15e: {  	(tag) =	ssettag $0x2  }
0x15f: {  	s0 =	rddreg [dreg:$0x0];
	s2 =	stileid.u32  }
0x160: {  	s1 =	rddreg [dreg:$0x1];
	p0 =	sne.s32 s2, $0x0  }
0x161: {  	s3 =	rddreg [dreg:$0x2];
	[bflag:$0x3] =	sbarrier.arrive $0xFFFF;
	s2 =	simm.s32 @!p0 $0x1C09  }
0x162: {  	[timem:s3], [sflag:s2] =	dma.local @!p0 [hbm:s0], s1  }
0x163: {  	s0 =	simm.s32 @!p0 $0x9  }
0x164: {  	_ =	swait.ge @!p0 [sflag:s0], s1  }
0x165: {  	s1 =	ssub.s32 @!p0 $0x0, s1;
	[sflag:s0] =	ssyncset.done @!p0 $0x0  }
0x166: {  	[sflag:s0] =	ssyncadd.s32 @!p0 s1  }
0x167: {  	[bflag:$0x3] =	sbarrier.arrive $0xFFFF  }
0x168: {  	_ =	shalt  }

// kernel: kernel.8.cloned.1.call-start
scs
__scs_entry_jumppad:
0x0: {  	(pc) =	sbr.rel $0x88, $3  }
0x1: {  	(tag) =	ssettag $0x0;
	lr =	simm.s32 $0x1  }
0x2: {  	[smem:$0x3F99] =	sst lr;
	_ =	strace $0xD0000000  }
0x3: {  	_ = 	snop  }
0x4: {  	_ = 	snop  }
0x5: {  	_ = 	snop  }
0x6: {  	_ = 	snop  }
0x7: {  	_ = 	snop  }
__scs_overlays_trampoline_lowered:
0x8: {  	[smem:$0x3FA8] =	sst s0  }
0x9: {  	[smem:$0x3FA9] =	sst s1  }
0xa: {  	[smem:$0x3FAA] =	sst s2  }
0xb: {  	[smem:$0x3FAB] =	sst s3  }
0xc: {  	[smem:$0x3FAC] =	sst s4  }
0xd: {  	[smem:$0x3FAD] =	sst s5  }
0xe: {  	[smem:$0x3FAE] =	sst s6  }
0xf: {  	[smem:$0x3FAF] =	sst s7  }
0x10: {  	[smem:$0x3FB0] =	sst s8  }
0x11: {  	[smem:$0x3FB1] =	sst s9;
	s0 =	simm.s32 @!p0 $0x0  }
0x12: {  	s1 =	sld [smem:$0x3F97];
	s0 =	simm.s32 @p0 $0x1  }
0x13: {  	[smem:$0x3FB2] =	sst s0;
	s0 =	simm.s32 @!p1 $0x0  }
0x14: {  	s2 =	sld [smem:$0x3F96];
	s0 =	simm.s32 @p1 $0x1  }
0x15: {  	[smem:$0x3FB3] =	sst s0;
	s0 =	simm.s32 @!p2 $0x0  }
0x16: {  	s3 =	sld [smem:$0x3FDB];
	s0 =	simm.s32 @p2 $0x1  }
0x17: {  	s4 =	simm.s32 $0x1BF5;
	[smem:$0x3FB5] =	sst s0  }
0x18: {  	s0 =	sld [smem:$0x3F98];
	_ =	swait.ge [sflag:s4], $0x0  }
0x19: {  	s7 =	sld [smem:$0x3F99]  }
0x1a: {  	s8 =	sadd.s32 $0xFFFFE003, lr  }
0x1b: {  	s9 =	sadd.s32 $0xFFFFFEF7, lr;
	s5 =	simm.s32 $0xFFFFFFFF;
	p2 =	slt.u32 s8, $0xFFFFF086  }
0x1c: {  	p1 =	slt.u32 s9, $0xF7A;
	s5 =	simm.s32 @!p2 $0x0  }
0x1d: {  	s5 =	simm.s32 @p1 $0x1;
	p0 =	seq.s32 s7, s2  }
0x1e: {  	s7 =	smul.u32 @!p0 $0xF7A, s2;
	p2 =	seq.s32 @!p0 s5, $0x0  }
0x1f: {  	s9 =	smul.u32 $0xF7A, s1;
	s8 =	simm.s32 @!p0 $0x1BF5;
	p2 =	por !p2, p0  }
0x20: {  	[sflag:s8] =	ssyncset.s32 @!p0 $0xFFFFF086;
	s6 =	sadd.s32 @!p0 s3, s7;
	s7 =	simm.s32 @!p0 $0x108  }
0x21: {  	s3 =	sadd.s32 s3, s9;
	s6 =	sadd.s32 @!p0 $0x88, s6;
	s7 =	simm.s32 @p2 $0x1082  }
0x22: {  	[simem:s7], [sflag:s8] =	dma.local @!p0 [hbm:s6], $0xF7A  }
0x23: {  	s9 =	sor.u32 $0xD0000000, s2;
	s6 =	simm.s32 $0x108;
	_ =	swait.ge @!p0 [sflag:s8], $0x0  }
0x24: {  	s3 =	sadd.s32 $0x88, s3;
	s6 =	simm.s32 @!p1 $0x1082;
	[sflag:s4] =	ssyncset.s32 $0xFFFFF086  }
0x25: {  	[simem:s6], [sflag:s4] =	dma.local [hbm:s3], $0xF7A  }
0x26: {  	[smem:$0x3F99] =	sst s1;
	(tag) =	ssettag s2;
	_ =	strace s9  }
0x27: {  	s1 =	sld [smem:$0x3FA9]  }
0x28: {  	s2 =	sld [smem:$0x3FAA]  }
0x29: {  	s4 =	sld [smem:$0x3FAC]  }
0x2a: {  	p0 =	seq.s32 s5, $0x0;
	s5 =	sld [smem:$0x3FAD]  }
0x2b: {  	s6 =	sld [smem:$0x3FAE]  }
0x2c: {  	s7 =	sld [smem:$0x3FAF]  }
0x2d: {  	s3 =	simm.s32 $0x108;
	s8 =	sld [smem:$0x3FB0]  }
0x2e: {  	s3 =	simm.s32 @!p0 $0x1082;
	s9 =	sld [smem:$0x3FB1]  }
0x2f: {  	lr =	sadd.s32 s0, s3;
	s0 =	sld [smem:$0x3FA8]  }
0x30: {  	s3 =	sld [smem:$0x3FAB]  }
0x31: {  	[smem:$0x3FB4] =	sst s10  }
0x32: {  	s10 =	sld [smem:$0x3FB2];
	_ =	sdelay $0x3  }
0x33: {  	p0 =	seq.s32 s10, $0x1;
	s10 =	sld [smem:$0x3FB4];
	_ =	sdelay $0x3  }
0x34: {  	[smem:$0x3FB4] =	sst s10  }
0x35: {  	s10 =	sld [smem:$0x3FB3];
	_ =	sdelay $0x3  }
0x36: {  	p1 =	seq.s32 s10, $0x1;
	s10 =	sld [smem:$0x3FB4];
	_ =	sdelay $0x3  }
0x37: {  	[smem:$0x3FB4] =	sst s10  }
0x38: {  	s10 =	sld [smem:$0x3FB5]  }
0x39: {  	_ = 	snop;
	(pc) =	sbr.ind lr, $3  }
0x3a: {  	_ = 	snop  }
0x3b: {  	_ = 	snop  }
0x3c: {  	p2 =	seq.s32 s10, $0x1;
	s10 =	sld [smem:$0x3FB4]  }
0x3d: {  	_ =	shalt  }
0x3e: {  	_ =	shalt  }
0x3f: {  	_ =	shalt  }
0x40: {  	_ =	shalt  }
0x41: {  	_ =	shalt  }
0x42: {  	_ =	shalt  }
0x43: {  	_ =	shalt  }
0x44: {  	_ =	shalt  }
0x45: {  	_ =	shalt  }
0x46: {  	_ =	shalt  }
0x47: {  	_ =	shalt  }
0x48: {  	_ =	shalt  }
0x49: {  	_ =	shalt  }
0x4a: {  	_ =	shalt  }
0x4b: {  	_ =	shalt  }
0x4c: {  	_ =	shalt  }
0x4d: {  	_ =	shalt  }
0x4e: {  	_ =	shalt  }
0x4f: {  	_ =	shalt  }
0x50: {  	_ =	shalt  }
0x51: {  	_ =	shalt  }
0x52: {  	_ =	shalt  }
0x53: {  	_ =	shalt  }
0x54: {  	_ =	shalt  }
0x55: {  	_ =	shalt  }
0x56: {  	_ =	shalt  }
0x57: {  	_ =	shalt  }
0x58: {  	_ =	shalt  }
0x59: {  	_ =	shalt  }
0x5a: {  	_ =	shalt  }
0x5b: {  	_ =	shalt  }
0x5c: {  	_ =	shalt  }
0x5d: {  	_ =	shalt  }
0x5e: {  	_ =	shalt  }
0x5f: {  	_ =	shalt  }
0x60: {  	_ =	shalt  }
0x61: {  	_ =	shalt  }
0x62: {  	_ =	shalt  }
0x63: {  	_ =	shalt  }
0x64: {  	_ =	shalt  }
0x65: {  	_ =	shalt  }
0x66: {  	_ =	shalt  }
0x67: {  	_ =	shalt  }
0x68: {  	_ =	shalt  }
0x69: {  	_ =	shalt  }
0x6a: {  	_ =	shalt  }
0x6b: {  	_ =	shalt  }
0x6c: {  	_ =	shalt  }
0x6d: {  	_ =	shalt  }
0x6e: {  	_ =	shalt  }
0x6f: {  	_ =	shalt  }
0x70: {  	_ =	shalt  }
0x71: {  	_ =	shalt  }
0x72: {  	_ =	shalt  }
0x73: {  	_ =	shalt  }
0x74: {  	_ =	shalt  }
0x75: {  	_ =	shalt  }
0x76: {  	_ =	shalt  }
0x77: {  	_ =	shalt  }
0x78: {  	_ =	shalt  }
0x79: {  	_ =	shalt  }
0x7a: {  	_ =	shalt  }
0x7b: {  	_ =	shalt  }
0x7c: {  	_ =	shalt  }
0x7d: {  	_ =	shalt  }
0x7e: {  	_ =	shalt  }
0x7f: {  	_ =	shalt  }
0x80: {  	_ =	shalt  }
0x81: {  	_ =	shalt  }
0x82: {  	_ =	shalt  }
0x83: {  	_ =	shalt  }
0x84: {  	_ =	shalt  }
0x85: {  	_ =	shalt  }
0x86: {  	_ =	shalt  }
0x87: {  	_ =	shalt  }
.Lfunc_end0:
.L_simem_size_0:
called_computation_lowered:
.L_overlay_start_0:
0x88: {  	s2 =	sld [smem:$0x3FD9]  }
0x89: {  	s3 =	sld [smem:$0x3FFE];
	_ =	sdelay $0x1  }
0x8a: {  	s1 =	srdreg.scid  }
0x8b: {  	s0 =	sand.u32 $0x1, s1  }
0x8c: {  	s17 =	sshll.u32 s0, $0xA;
	s2 =	sadd.s32 s3, s2  }
0x8d: {  	s2 =	sadd.s32 s2, s17  }
0x8e: {  	[smem:$0x3FC0] =	sst s2  }
0x8f: {  	_ = 	snop  }
0x90: {  	s2 =	sld [smem:$0x3FC9]  }
0x91: {  	s18 =	sld [smem:$0x3FD0];
	(tm) =	ssettm $0x1  }
0x92: {  	s4 =	sld [smem:$0x3FFB];
	_ =	sdelay $0x3  }
0x93: {  	_ =	strace s4  }
0x94: {  	s4 =	sld [smem:$0x3FFC];
	_ =	sdelay $0x3  }
0x95: {  	_ =	strace s4  }
0x96: {  	s4 =	sld [smem:$0x3FFD];
	_ =	sdelay $0x3  }
0x97: {  	_ =	strace s4  }
0x98: {  	_ =	strace $0x8FFFFFFF  }
0x99: {  	s19 =	sld [smem:$0x3FDB];
	_ =	sdelay $0x1  }
0x9a: {  	s5 =	simm.s32 $_scs_section_size  }
0x9b: {  	s6 =	simm.s32 $_size__tile_overlayer_lowered;
	s7 =	simm.s32 $_tile_overlayer_lowered  }
0x9c: {  	s22 =	simm.s32 $0x1BFF;
	s21 =	sshll.u32 s7, $0x1;
	s4 =	sadd.s32 s5, s19  }
0x9d: {  	s8 =	simm.s32 $0x0;
	s20 =	sshll.u32 s6, $0x1;
	s6 =	sadd.s32 s21, s4  }
0x9e: {  	[timem:s8], [sflag:s22] =	dma.local [hbm:s6], s20  }
0x9f: {  	_ =	swait.ge [sflag:s22], s20  }
0xa0: {  	s5 =	ssub.s32 $0x0, s20;
	[sflag:s22] =	ssyncset.done $0x0  }
0xa1: {  	[sflag:s22] =	ssyncadd.s32 s5;
	_ =	sdelay $0x1  }
0xa2: {  	s23 =	simm.s32 $0x1B8B  }
0xa3: {  	_ =	swait.ge [sflag:s23], $0x1  }
0xa4: {  	[sflag:s23] =	ssyncset.done $0x0  }
0xa5: {  	s25 =	simm.s32 $0x1B8E;
	s24 =	sld [smem:$0x3FFE];
	[sflag:s23] =	ssyncadd.s32 $0xFFFFFFFF  }
0xa6: {  	s26 =	simm.s32 $execute0_lowered;
	[smem:$0x3FD2] =	sst s25  }
0xa7: {  	s6 =	sshll.u32 s26, $0x1;
	_ =	strace $0x80000046;
	[dreg:$0x1] =	wrdreg $0xFFFFFFFF  }
0xa8: {  	s28 =	simm.s32 $_size_execute0_lowered;
	s4 =	sadd.s32 s4, s6;
	[dreg:$0x0] =	wrdreg $0x0  }
0xa9: {  	s6 =	sshll.u32 s28, $0x1;
	[dreg:$0x2] =	wrdreg s4  }
0xaa: {  	[dreg:$0x3] =	wrdreg s6  }
0xab: {  	[dreg:$0x4] =	wrdreg $0xC0  }
0xac: {  	_ =	task [dreg:s8], $0x5FFFF  }
0xad: {  	[dreg:$0x1] =	wrdreg $0xFFFFFFFF  }
0xae: {  	[dreg:$0x0] =	wrdreg $0x60  }
0xaf: {  	[dreg:$0x2] =	wrdreg s24  }
0xb0: {  	[dreg:$0x3] =	wrdreg s2  }
0xb1: {  	[dreg:$0x4] =	wrdreg s18  }
0xb2: {  	[dreg:$0x5] =	wrdreg $0xAB000  }
0xb3: {  	[dreg:$0x6] =	wrdreg $0x1EE000  }
0xb4: {  	[dreg:$0x7] =	wrdreg $0x9  }
0xb5: {  	_ =	task.clear_ibuf [dreg:s8], $0x8FFFF;
	_ =	strace $0x90000046  }
0xb6: {  	s29 =	simm.s32 $0x9;
	_ =	strace $0x80000048  }
0xb7: {  	_ =	swait.ge [sflag:s29], $0x1  }
0xb8: {  	[sflag:s29] =	ssyncadd.s32 $0xFFFFFFFF  }
0xb9: {  	_ =	strace $0x90000048  }
0xba: {  	_ =	sfence  }
0xbb: {  	s30 =	sld [smem:$0x0];
	_ =	sdelay $0x2  }
0xbc: {  	s31 =	sshll.u32 s1, $0xD;
	s1 =	sshrl.u32 s1, $0x2  }
0xbd: {  	s3 =	sand.u32 $0x4000, s31;
	s1 =	sadd.s32 s1, s30  }
0xbe: {  	s0 =	sor.u32 s3, s0;
	s1 =	sshll.u32 s1, $0x11  }
0xbf: {  	s0 =	sor.u32 s1, s0  }
0xc0: {  	s0 =	sadd.s32 $0x8F2B, s0  }
0xc1: {  	[sflag:s0] =	ssyncadd.remote.s32 $0x1  }
0xc2: {  	_ =	sfence.sel $0xFFFF  }
0xc3: {  	[dreg:$0x0] =	wrdreg $0xFFFFFFFF;
	(pc) =	sbr.abs _section_cstart, $3  }
0xc4: {  	[dreg:$0x1] =	wrdreg $0xFFFFFFFF  }
0xc5: {  	_ =	task.clear_ibuf [dreg:s8], $0x2FFFF;
	_ =	strace $0x9FFFFFFF  }
0xc6: {  	(tm) =	ssettm $0x7FFFFFFF  }
0xc7: {  	_ =	shalt  }
tec
execute0_lowered:
.L_overlay_start_1:
0x0: {  	(tag) =	ssettag $0x1  }
0x1: {  	s0 =	srdreg.scid  }
0x2: {  	s22 =	stileid.u32;
	s3 =	rddreg [dreg:$0x0];
	s1 =	simm.s32 $0x0  }
0x3: {  	s31 =	simm.s32 $0x8B00;
	s4 =	sand.u32 $0x1, s0;
	s0 =	smul.u32 $0x280, s22  }
0x4: {  	[smem:$0x7FF] =	sst s1;
	s7 =	sadd.s32 $0x16600, s3;
	s2 =	ssub.s32 $0x2, s4  }
0x5: {  	s11 =	smul.u32 $0x14000, s22;
	s5 =	sshrl.u32 s2, $0x1;
	s6 =	sshll.u32 s0, $0x7  }
0x6: {  	s10 =	smul.u32 $0x140000, s4;
	s2 =	ssub.s32 s2, s5;
	s5 =	sor.u32 $0x2000, s6  }
0x7: {  	s8 =	sadd.s32 $0x4000, s6;
	s9 =	sadd.s32 $0x6000, s6;
	s12 =	sadd.s32 $0x8000, s6  }
0x8: {  	s13 =	sadd.s32 $0xA000, s6;
	s16 =	sadd.s32 $0xC000, s6;
	s19 =	sadd.s32 $0xE000, s6  }
0x9: {  	s20 =	sadd.s32 $0x10000, s6;
	s6 =	sadd.s32 $0x12000, s6;
	s11 =	sadd.s32 s11, s10  }
0xa: {  	s14 =	sadd.s32 s10, s5;
	s11 =	sshrl.u32 s11, $0x3;
	s15 =	sadd.s32 s10, s8  }
0xb: {  	s26 =	sadd.s32 s10, s9;
	s28 =	sadd.s32 s10, s12;
	s14 =	sshrl.u32 s14, $0x3  }
0xc: {  	s11 =	sadd.s32 s7, s11;
	s25 =	sshrl.u32 s15, $0x3;
	s15 =	rddreg [dreg:$0x4]  }
0xd: {  	s29 =	sadd.s32 s10, s13;
	[dreg:$0x6] =	wrdreg s11;
	s24 =	sadd.s32 s7, s14  }
0xe: {  	s11 =	sadd.s32 s7, s25;
	s14 =	sshrl.u32 s28, $0x3;
	[dreg:$0x7] =	wrdreg s24  }
0xf: {  	[dreg:$0x8] =	wrdreg s11;
	s11 =	sshrl.u32 s26, $0x3;
	s14 =	sadd.s32 s7, s14  }
0x10: {  	s18 =	sadd.s32 s10, s16;
	s11 =	sadd.s32 s7, s11;
	[dreg:$0xa] =	wrdreg s14  }
0x11: {  	s21 =	sadd.s32 s10, s19;
	s17 =	sshrl.u32 s29, $0x3;
	[dreg:$0x9] =	wrdreg s11  }
0x12: {  	s14 =	sshrl.u32 s21, $0x3;
	s11 =	sadd.s32 s7, s17;
	s17 =	rddreg [dreg:$0x2]  }
0x13: {  	s23 =	sadd.s32 s10, s20;
	s24 =	sadd.s32 s7, s14;
	s14 =	rddreg [dreg:$0x3]  }
0x14: {  	s25 =	sshrl.u32 s23, $0x3;
	[dreg:$0xb] =	wrdreg s11;
	s11 =	sshrl.u32 s18, $0x3  }
0x15: {  	s26 =	smul.u32 $0x2800, s4;
	[dreg:$0xd] =	wrdreg s24;
	s11 =	sadd.s32 s7, s11  }
0x16: {  	s10 =	sadd.s32 s10, s6;
	[dreg:$0xc] =	wrdreg s11;
	s11 =	sadd.s32 s7, s25  }
0x17: {  	s10 =	sshrl.u32 s10, $0x3;
	s29 =	sadd.s32 s0, s26;
	[dreg:$0xe] =	wrdreg s11  }
0x18: {  	s7 =	sadd.s32 s7, s10;
	s10 =	sshrl.u32 s29, $0x3;
	s11 =	rddreg [dreg:$0x1]  }
0x19: {  	s28 =	smul.u32 $0x27100, s4;
	[dreg:$0xf] =	wrdreg s7;
	s10 =	sadd.s32 s17, s10  }
0x1a: {  	s18 =	smul.u32 $0x2710, s22;
	s24 =	sadd.s32 s5, s14;
	[dreg:$0x10] =	wrdreg s10  }
0x1b: {  	s25 =	sadd.s32 s8, s14;
	_ =	strace $0x80000047;
	[dreg:$0x11] =	wrdreg s24  }
0x1c: {  	s4 =	sshll.u32 s4, $0x4;
	s26 =	sadd.s32 s9, s14;
	[dreg:$0x12] =	wrdreg s25  }
0x1d: {  	s10 =	sadd.s32 s18, s28;
	s28 =	sadd.s32 s12, s14;
	[dreg:$0x13] =	wrdreg s26  }
0x1e: {  	s21 =	smul.u32 $0x50000, s22;
	s29 =	sadd.s32 s13, s14;
	[dreg:$0x14] =	wrdreg s28  }
0x1f: {  	s23 =	sor.u32 s22, s4;
	s5 =	sadd.s32 s16, s14;
	[dreg:$0x15] =	wrdreg s29  }
0x20: {  	s0 =	sadd.s32 s0, s15;
	s7 =	sadd.s32 s19, s14;
	[dreg:$0x16] =	wrdreg s5  }
0x21: {  	s21 =	sshrl.u32 s21, $0x2;
	s8 =	sadd.s32 s20, s14;
	[dreg:$0x17] =	wrdreg s7  }
0x22: {  	s9 =	sadd.s32 s6, s14;
	s30 =	sadd.s32 s21, s14;
	[dreg:$0x18] =	wrdreg s8  }
0x23: {  	s20 =	smax.u32 s2, $0x1;
	s17 =	sadd.s32 $0xC800, s3;
	[dreg:$0x19] =	wrdreg s9  }
0x24: {  	s18 =	sadd.s32 $0x2A00, s3;
	s3 =	smul.u32 $0x2710, s23;
	[dreg:$0x1a] =	wrdreg s0  }
0x25: {  	[dreg:$0x1f] =	wrdreg s20;
	s28 =	sadd.s32 $0x180, s10;
	s29 =	sadd.s32 $0x100, s10  }
0x26: {  	s5 =	simm.s32 $0x200;
	s8 =	simm.s32 $0x4;
	s3 =	sshrl.u32 s3, $0x3  }
0x27: {  	s9 =	simm.s32 $0x4200;
	[smem:$0x7FD] =	sst s29;
	s21 =	sadd.s32 s17, s3  }
0x28: {  	s12 =	sadd.s32 $0x10, s3;
	s23 =	sadd.s32 s18, s3;
	[smem:$0x7F7] =	sst s21  }
0x29: {  	s20 =	simm.s32 $0x1EB00;
	s13 =	sadd.s32 s17, s12;
	[smem:$0x7F8] =	sst s23  }
0x2a: {  	s16 =	sadd.s32 $0x4E0, s3;
	s4 =	sadd.s32 s18, s12;
	[dreg:$0x1b] =	wrdreg s13  }
0x2b: {  	s22 =	sadd.s32 $0x4D0, s3;
	s19 =	sadd.s32 s17, s16;
	[dreg:$0x1c] =	wrdreg s4  }
0x2c: {  	s24 =	sadd.s32 $0x4C0, s3;
	s0 =	sadd.s32 s18, s16;
	[dreg:$0x1d] =	wrdreg s19  }
0x2d: {  	s3 =	simm.s32 $0x180;
	s25 =	sadd.s32 s17, s22;
	[dreg:$0x1e] =	wrdreg s0  }
0x2e: {  	s26 =	sadd.s32 s17, s24;
	s2 =	sadd.s32 s18, s24;
	[smem:$0x7F9] =	sst s25  }
0x2f: {  	s21 =	simm.s32 $0x2;
	s23 =	simm.s32 $0x7;
	[smem:$0x7FB] =	sst s26  }
0x30: {  	s24 =	simm.s32 $0x8;
	s0 =	sadd.s32 s18, s22;
	[smem:$0x7FC] =	sst s2  }
0x31: {  	s13 =	simm.s32 $0x1;
	s2 =	simm.s32 $0x100;
	s4 =	simm.s32 $0x3  }
0x32: {  	s19 =	simm.s32 $0x5;
	s22 =	simm.s32 $0x6;
	s25 =	simm.s32 $0x9  }
0x33: {  	s26 =	simm.s32 $0x0;
	[smem:$0x7FA] =	sst s0;
	s0 =	sshrl.u32 s28, $0x3  }
0x34: {  	v0 =	vimm.f32 $0.0e+00;
	v1 =	vimm.f32 $1.000000000e+00;
	s12 =	sadd.s32 s0, s18;
	s16 =	sadd.s32 s0, s17;
	s0 =	simm.s32 $0x80  }
.LBB2_1:
0x35: {  	s28 =	simm.s32 $0x0;
	s29 =	simm.s32 $0x200  }
.LBB2_2:
0x36: {  	p0 =	sne.s32 s29, $0x7E00;
	[tilespmem:s28+$0x8B70] =	vst v0  }
0x37: {  	[tilespmem:s28+$0x8B00] =	vst v0  }
0x38: {  	[tilespmem:s28+$0x8B10] =	vst v0  }
.Ltmp0:
0x39: {  	[tilespmem:s28+$0x8B20] =	vst v0;
	(pc) =	sbr.rel @p0 .LBB2_2-.Ltmp0, $4  }
0x3a: {  	[tilespmem:s28+$0x8B30] =	vst v0  }
0x3b: {  	[tilespmem:s28+$0x8B40] =	vst v0  }
0x3c: {  	[tilespmem:s28+$0x8B50] =	vst v0  }
0x3d: {  	[tilespmem:s28+$0x8B60] =	vst v0;
	s28 =	sshra.s32 s29, $0x2;
	s29 =	sadd.s32 $0x200, s29  }
0x3e: {  	[tilespmem:s28+$0x8B70] =	vst v0  }
0x3f: {  	[tilespmem:s28+$0x8B00] =	vst v0  }
0x40: {  	[tilespmem:s28+$0x8B10] =	vst v0  }
0x41: {  	[tilespmem:s28+$0x8B20] =	vst v0  }
0x42: {  	[tilespmem:s28+$0x8B30] =	vst v0  }
0x43: {  	[tilespmem:s28+$0x8B40] =	vst v0  }
0x44: {  	[tilespmem:s28+$0x8B50] =	vst v0  }
0x45: {  	[tilespmem:s28+$0x8B60] =	vst v0  }
0x46: {  	[tilespmem:$0x1EB00] =	vst v1  }
0x47: {  	[tilespmem:$0x1EB10] =	vst v1  }
0x48: {  	[tilespmem:$0x1EB20] =	vst v1  }
0x49: {  	[tilespmem:$0x1EB30] =	vst v1  }
0x4a: {  	[tilespmem:$0x1EB40] =	vst v1  }
0x4b: {  	[tilespmem:$0x1EB50] =	vst v1  }
0x4c: {  	[tilespmem:$0x1EB60] =	vst v1  }
0x4d: {  	[tilespmem:$0x1EB70] =	vst v1  }
0x4e: {  	[tilespmem:$0x1EB80] =	vst v0  }
0x4f: {  	[tilespmem:$0x1EB90] =	vst v0  }
0x50: {  	[tilespmem:$0x1EBA0] =	vst v0  }
0x51: {  	[tilespmem:$0x1EBB0] =	vst v0  }
0x52: {  	[tilespmem:$0x1EBC0] =	vst v0  }
0x53: {  	[tilespmem:$0x1EBD0] =	vst v0  }
0x54: {  	[tilespmem:$0x1EBE0] =	vst v0  }
0x55: {  	[tilespmem:$0x1EBF0] =	vst v0  }
0x56: {  	[tilespmem:$0x1EC00] =	vst v0  }
0x57: {  	[tilespmem:$0x1EC10] =	vst v0  }
0x58: {  	[tilespmem:$0x1EC20] =	vst v0  }
0x59: {  	[tilespmem:$0x1EC30] =	vst v0  }
0x5a: {  	[tilespmem:$0x1EC40] =	vst v0  }
0x5b: {  	[tilespmem:$0x1EC50] =	vst v0  }
0x5c: {  	[tilespmem:$0x1EC60] =	vst v0  }
0x5d: {  	[tilespmem:$0x1EC70] =	vst v0  }
0x5e: {  	[tilespmem:$0x1EC80] =	vst v0  }
0x5f: {  	[tilespmem:$0x1EC90] =	vst v0  }
0x60: {  	[tilespmem:$0x1ECA0] =	vst v0  }
0x61: {  	[tilespmem:$0x1ECB0] =	vst v0  }
0x62: {  	[tilespmem:$0x1ECC0] =	vst v0  }
0x63: {  	[tilespmem:$0x1ECD0] =	vst v0  }
0x64: {  	[tilespmem:$0x1ECE0] =	vst v0  }
0x65: {  	[tilespmem:$0x1ECF0] =	vst v0  }
0x66: {  	[tilespmem:$0x1ED00] =	vst v0  }
0x67: {  	[tilespmem:$0x1ED10] =	vst v0  }
0x68: {  	[tilespmem:$0x1ED20] =	vst v0  }
0x69: {  	[tilespmem:$0x1ED30] =	vst v0  }
0x6a: {  	[tilespmem:$0x1ED40] =	vst v0  }
0x6b: {  	[tilespmem:$0x1ED50] =	vst v0  }
0x6c: {  	[tilespmem:$0x1ED60] =	vst v0  }
0x6d: {  	[tilespmem:$0x1ED70] =	vst v0  }
0x6e: {  	[tilespmem:$0x1ED80] =	vst v0  }
0x6f: {  	[tilespmem:$0x1ED90] =	vst v0  }
0x70: {  	[tilespmem:$0x1EDA0] =	vst v0  }
0x71: {  	[tilespmem:$0x1EDB0] =	vst v0  }
0x72: {  	[tilespmem:$0x1EDC0] =	vst v0  }
0x73: {  	[tilespmem:$0x1EDD0] =	vst v0  }
0x74: {  	[tilespmem:$0x1EDE0] =	vst v0  }
0x75: {  	[tilespmem:$0x1EDF0] =	vst v0  }
0x76: {  	[spmem:s30] =	stream.linear.scatter [tilespmem:s31], [sflag:$0x1], $0x2000, $0x38;
	[tilespmem:$0x1F080] =	vst v63  }
0x77: {  	s6 =	rddreg [dreg:$0x11]  }
0x78: {  	[spmem:s6] =	stream.linear.scatter [tilespmem:s31], [sflag:$0x1], $0x2000, $0x38;
	[tilespmem:$0x1F080] =	vst v63  }
0x79: {  	s10 =	rddreg [dreg:$0x12]  }
0x7a: {  	[spmem:s10] =	stream.linear.scatter [tilespmem:s31], [sflag:$0x1], $0x2000, $0x38;
	[tilespmem:$0x1F080] =	vst v63  }
0x7b: {  	s10 =	rddreg [dreg:$0x13]  }
0x7c: {  	[spmem:s10] =	stream.linear.scatter [tilespmem:s31], [sflag:$0x1], $0x2000, $0x38;
	[tilespmem:$0x1F080] =	vst v63  }
0x7d: {  	s10 =	rddreg [dreg:$0x14]  }
0x7e: {  	[spmem:s10] =	stream.linear.scatter [tilespmem:s31], [sflag:$0x1], $0x2000, $0x38;
	[tilespmem:$0x1F080] =	vst v63  }
0x7f: {  	s10 =	rddreg [dreg:$0x15]  }
0x80: {  	[spmem:s10] =	stream.linear.scatter [tilespmem:s31], [sflag:$0x1], $0x2000, $0x38;
	[tilespmem:$0x1F080] =	vst v63  }
0x81: {  	s10 =	rddreg [dreg:$0x16]  }
0x82: {  	[spmem:s10] =	stream.linear.scatter [tilespmem:s31], [sflag:$0x1], $0x2000, $0x38;
	[tilespmem:$0x1F080] =	vst v63  }
0x83: {  	s10 =	rddreg [dreg:$0x17]  }
0x84: {  	[spmem:s10] =	stream.linear.scatter [tilespmem:s31], [sflag:$0x1], $0x2000, $0x38;
	[tilespmem:$0x1F080] =	vst v63  }
0x85: {  	s10 =	rddreg [dreg:$0x18]  }
0x86: {  	[spmem:s10] =	stream.linear.scatter [tilespmem:s31], [sflag:$0x1], $0x2000, $0x38;
	[tilespmem:$0x1F080] =	vst v63  }
0x87: {  	s10 =	rddreg [dreg:$0x19]  }
0x88: {  	[spmem:s10] =	stream.linear.scatter [tilespmem:s31], [sflag:$0x1], $0x2000, $0x38;
	[tilespmem:$0x1F080] =	vst v63  }
0x89: {  	s6 =	rddreg [dreg:$0x1a];
	s10 =	simm.s32 $0x1EB80  }
0x8a: {  	[spmem:s6] =	stream.linear.scatter [tilespmem:s10], [sflag:$0x1], $0x280, $0x38;
	[tilespmem:$0x1F080] =	vst v63  }
0x8b: {  	_ =	swait.ge [sflag:s13], $0x2000  }
0x8c: {  	[sflag:s13] =	ssyncset.done $0x0  }
0x8d: {  	[sflag:s13] =	ssyncadd.s32 $0xFFFFE000  }
0x8e: {  	_ =	swait.ge [sflag:s13], $0x2000  }
0x8f: {  	[sflag:s13] =	ssyncset.done $0x0  }
0x90: {  	[sflag:s13] =	ssyncadd.s32 $0xFFFFE000  }
0x91: {  	_ =	swait.ge [sflag:s13], $0x2000  }
0x92: {  	[sflag:s13] =	ssyncset.done $0x0  }
0x93: {  	[sflag:s13] =	ssyncadd.s32 $0xFFFFE000  }
0x94: {  	_ =	swait.ge [sflag:s13], $0x2000  }
0x95: {  	[sflag:s13] =	ssyncset.done $0x0  }
0x96: {  	[sflag:s13] =	ssyncadd.s32 $0xFFFFE000  }
0x97: {  	_ =	swait.ge [sflag:s13], $0x2000  }
0x98: {  	[sflag:s13] =	ssyncset.done $0x0  }
0x99: {  	[sflag:s13] =	ssyncadd.s32 $0xFFFFE000  }
0x9a: {  	_ =	swait.ge [sflag:s13], $0x2000  }
0x9b: {  	[sflag:s13] =	ssyncset.done $0x0  }
0x9c: {  	[sflag:s13] =	ssyncadd.s32 $0xFFFFE000  }
0x9d: {  	_ =	swait.ge [sflag:s13], $0x2000  }
0x9e: {  	[sflag:s13] =	ssyncset.done $0x0  }
0x9f: {  	[sflag:s13] =	ssyncadd.s32 $0xFFFFE000  }
0xa0: {  	_ =	swait.ge [sflag:s13], $0x2000  }
0xa1: {  	[sflag:s13] =	ssyncset.done $0x0  }
0xa2: {  	[sflag:s13] =	ssyncadd.s32 $0xFFFFE000  }
0xa3: {  	_ =	swait.ge [sflag:s13], $0x2000  }
0xa4: {  	[sflag:s13] =	ssyncset.done $0x0  }
0xa5: {  	[sflag:s13] =	ssyncadd.s32 $0xFFFFE000  }
0xa6: {  	_ =	swait.ge [sflag:s13], $0x2000  }
0xa7: {  	[sflag:s13] =	ssyncset.done $0x0  }
0xa8: {  	[sflag:s13] =	ssyncadd.s32 $0xFFFFE000  }
0xa9: {  	_ =	swait.ge [sflag:s13], $0x280  }
0xaa: {  	[sflag:s13] =	ssyncset.done $0x0  }
0xab: {  	[sflag:s13] =	ssyncadd.s32 $0xFFFFFD80  }
0xac: {  	[bflag:$0x0] =	sbarrier.arrive $0xFFFF  }
0xad: {  	s10 =	sld [smem:$0x7F7];
	_ =	sdelay $0x1  }
0xae: {  	s28 =	simm.s32 $0x0  }
0xaf: {  	[tilespmem:s28], [sflag:$0x3] =	stream.linear.gather [hbm4b:s10+s28], $0x80, $0x38;
	[tilespmem:$0x1F080] =	vst v63  }
0xb0: {  	s10 =	sld [smem:$0x7F8];
	_ =	sdelay $0x2  }
0xb1: {  	[tilespmem:s0], [sflag:$0x5] =	stream.linear.gather [hbm4b:s10+s28], $0x80, $0x38;
	[tilespmem:$0x1F080] =	vst v63  }
0xb2: {  	s10 =	rddreg [dreg:$0x1b]  }
0xb3: {  	[tilespmem:s2], [sflag:$0x4] =	stream.linear.gather [hbm4b:s10+s28], $0x80, $0x38;
	[tilespmem:$0x1F080] =	vst v63  }
0xb4: {  	s10 =	rddreg [dreg:$0x1c]  }
0xb5: {  	[tilespmem:s3], [sflag:$0x6] =	stream.linear.gather [hbm4b:s10+s28], $0x80, $0x38;
	[tilespmem:$0x1F080] =	vst v63  }
0xb6: {  	_ =	swait.ge [sflag:s4], $0x80  }
0xb7: {  	[sflag:s4] =	ssyncset.done $0x0  }
0xb8: {  	[sflag:s4] =	ssyncadd.s32 $0xFFFFFF80  }
0xb9: {  	[tilespmem:s5], [sflag:$0x1] =	stream.indirect.gather [hbm4b:s11+s0], $0x80, s28, s0, $0xb8;
	[tilespmem:$0x1F080] =	vst v63  }
0xba: {  	_ =	swait.ge [sflag:s8], $0x80  }
0xbb: {  	[sflag:s8] =	ssyncset.done $0x0  }
0xbc: {  	[sflag:s8] =	ssyncadd.s32 $0xFFFFFF80  }
0xbd: {  	[tilespmem:s9], [sflag:$0x2] =	stream.indirect.gather [hbm4b:s11+s0], $0x80, s2, s0, $0xb8;
	[tilespmem:$0x1F080] =	vst v63  }
0xbe: {  	_ =	swait.ge [sflag:s13], $0x4000  }
0xbf: {  	s10 =	sld [smem:$0x7FD];
	_ =	sdelay $0x2  }
0xc0: {  	[sflag:s13] =	ssyncset.done $0x0;
	s28 =	sshrl.u32 s10, $0x3  }
0xc1: {  	[sflag:s13] =	ssyncadd.s32 $0xFFFFC000;
	s29 =	sadd.s32 s17, s28  }
0xc2: {  	[tilespmem:s1], [sflag:$0x3] =	stream.linear.gather [hbm4b:s29+s1], $0x80, $0x38;
	[tilespmem:$0x1F080] =	vst v63  }
0xc3: {  	_ =	swait.ge [sflag:s19], $0x80  }
0xc4: {  	[sflag:s19] =	ssyncset.done $0x0  }
0xc5: {  	[sflag:s19] =	ssyncadd.s32 $0xFFFFFF80  }
0xc6: {  	[spmem:s14] =	stream.indirect.scatter.add.f32 [tilespmem:s5], [sflag:$0x7], $0x80, s0, s0, $0xb8;
	[tilespmem:$0x1F080] =	vst v63  }
0xc7: {  	_ = 	snop  }
0xc8: {  	[spmem:s15] =	stream.indirect.scatter.add.f32 [tilespmem:s20], [sflag:$0x7], $0x1, s0, s0, $0xb8;
	[tilespmem:$0x1F080] =	vst v63  }
0xc9: {  	_ =	swait.ge [sflag:s21], $0x4000  }
0xca: {  	[sflag:s21] =	ssyncset.done $0x0  }
0xcb: {  	s29 =	sadd.s32 $0x0, s16;
	[sflag:s21] =	ssyncadd.s32 $0xFFFFC000  }
0xcc: {  	[tilespmem:s2], [sflag:$0x4] =	stream.linear.gather [hbm4b:s29+s1], $0x80, $0x38;
	[tilespmem:$0x1F080] =	vst v63  }
0xcd: {  	_ =	swait.ge [sflag:s22], $0x80  }
0xce: {  	[sflag:s22] =	ssyncset.done $0x0  }
0xcf: {  	[sflag:s22] =	ssyncadd.s32 $0xFFFFFF80  }
0xd0: {  	[spmem:s14] =	stream.indirect.scatter.add.f32 [tilespmem:s9], [sflag:$0x8], $0x80, s3, s0, $0xb8;
	[tilespmem:$0x1F080] =	vst v63  }
0xd1: {  	_ = 	snop  }
0xd2: {  	[spmem:s15] =	stream.indirect.scatter.add.f32 [tilespmem:s20], [sflag:$0x8], $0x1, s3, s0, $0xb8;
	[tilespmem:$0x1F080] =	vst v63  }
0xd3: {  	_ =	swait.ge [sflag:s23], $0x4000  }
0xd4: {  	[sflag:s23] =	ssyncset.done $0x0  }
0xd5: {  	[sflag:s23] =	ssyncadd.s32 $0xFFFFC000  }
0xd6: {  	_ =	swait.ge [sflag:s23], $0x80  }
0xd7: {  	[sflag:s23] =	ssyncset.done $0x0  }
0xd8: {  	s28 =	sadd.s32 s18, s28;
	[sflag:s23] =	ssyncadd.s32 $0xFFFFFF80  }
0xd9: {  	[tilespmem:s0], [sflag:$0x5] =	stream.linear.gather [hbm4b:s28+s1], $0x80, $0x38;
	[tilespmem:$0x1F080] =	vst v63  }
0xda: {  	_ =	swait.ge [sflag:s4], $0x80  }
0xdb: {  	[sflag:s4] =	ssyncset.done $0x0  }
0xdc: {  	[sflag:s4] =	ssyncadd.s32 $0xFFFFFF80  }
0xdd: {  	[tilespmem:s5], [sflag:$0x1] =	stream.indirect.gather [hbm4b:s11+s0], $0x80, s1, s0, $0xb8;
	[tilespmem:$0x1F080] =	vst v63  }
0xde: {  	_ =	swait.ge [sflag:s24], $0x4000  }
0xdf: {  	[sflag:s24] =	ssyncset.done $0x0  }
0xe0: {  	[sflag:s24] =	ssyncadd.s32 $0xFFFFC000  }
0xe1: {  	_ =	swait.ge [sflag:s24], $0x80  }
0xe2: {  	s7 =	smov.u32 s30;
	s30 =	sadd.s32 $0x0, s12;
	[sflag:s24] =	ssyncset.done $0x0  }
0xe3: {  	s29 =	sadd.s32 $0x100, s10;
	s28 =	simm.s32 $0x20;
	[sflag:s24] =	ssyncadd.s32 $0xFFFFFF80  }
.LBB2_4:
0xe4: {  	[tilespmem:s3], [sflag:$0x6] =	stream.linear.gather [hbm4b:s30+s1], $0x80, $0x38;
	[tilespmem:$0x1F080] =	vst v63  }
0xe5: {  	s30 =	smov.u32 s28  }
0xe6: {  	p0 =	sne.s32 s28, $0x480;
	s28 =	sadd.s32 $0x20, s28;
	_ =	swait.ge [sflag:s8], $0x80  }
0xe7: {  	[sflag:s8] =	ssyncset.done $0x0  }
0xe8: {  	[sflag:s8] =	ssyncadd.s32 $0xFFFFFF80  }
0xe9: {  	[tilespmem:s9], [sflag:$0x2] =	stream.indirect.gather [hbm4b:s11+s0], $0x80, s2, s0, $0xb8;
	[tilespmem:$0x1F080] =	vst v63  }
0xea: {  	_ =	swait.ge [sflag:s13], $0x4000  }
0xeb: {  	s10 =	sshrl.u32 s29, $0x3;
	[sflag:s13] =	ssyncset.done $0x0  }
0xec: {  	s6 =	sadd.s32 s17, s10;
	[sflag:s13] =	ssyncadd.s32 $0xFFFFC000  }
0xed: {  	[tilespmem:s1], [sflag:$0x3] =	stream.linear.gather [hbm4b:s6+s1], $0x80, $0x38;
	[tilespmem:$0x1F080] =	vst v63  }
0xee: {  	_ =	swait.ge [sflag:s19], $0x80  }
0xef: {  	[sflag:s19] =	ssyncset.done $0x0  }
0xf0: {  	[sflag:s19] =	ssyncadd.s32 $0xFFFFFF80  }
0xf1: {  	[spmem:s14] =	stream.indirect.scatter.add.f32 [tilespmem:s5], [sflag:$0x7], $0x80, s0, s0, $0xb8;
	[tilespmem:$0x1F080] =	vst v63  }
0xf2: {  	_ = 	snop  }
0xf3: {  	[spmem:s15] =	stream.indirect.scatter.add.f32 [tilespmem:s20], [sflag:$0x7], $0x1, s0, s0, $0xb8;
	[tilespmem:$0x1F080] =	vst v63  }
0xf4: {  	_ =	swait.ge [sflag:s21], $0x4000  }
0xf5: {  	[sflag:s21] =	ssyncset.done $0x0  }
0xf6: {  	s6 =	sadd.s32 s30, s16;
	[sflag:s21] =	ssyncadd.s32 $0xFFFFC000  }
0xf7: {  	[tilespmem:s2], [sflag:$0x4] =	stream.linear.gather [hbm4b:s6+s1], $0x80, $0x38;
	[tilespmem:$0x1F080] =	vst v63  }
0xf8: {  	_ =	swait.ge [sflag:s22], $0x80  }
0xf9: {  	[sflag:s22] =	ssyncset.done $0x0  }
0xfa: {  	[sflag:s22] =	ssyncadd.s32 $0xFFFFFF80  }
0xfb: {  	[spmem:s14] =	stream.indirect.scatter.add.f32 [tilespmem:s9], [sflag:$0x8], $0x80, s3, s0, $0xb8;
	[tilespmem:$0x1F080] =	vst v63  }
0xfc: {  	_ = 	snop  }
0xfd: {  	[spmem:s15] =	stream.indirect.scatter.add.f32 [tilespmem:s20], [sflag:$0x8], $0x1, s3, s0, $0xb8;
	[tilespmem:$0x1F080] =	vst v63  }
0xfe: {  	_ =	swait.ge [sflag:s23], $0x4000  }
0xff: {  	[sflag:s23] =	ssyncset.done $0x0  }
0x100: {  	[sflag:s23] =	ssyncadd.s32 $0xFFFFC000  }
0x101: {  	_ =	swait.ge [sflag:s23], $0x80  }
0x102: {  	[sflag:s23] =	ssyncset.done $0x0  }
0x103: {  	s6 =	sadd.s32 s18, s10;
	[sflag:s23] =	ssyncadd.s32 $0xFFFFFF80  }
0x104: {  	[tilespmem:s0], [sflag:$0x5] =	stream.linear.gather [hbm4b:s6+s1], $0x80, $0x38;
	[tilespmem:$0x1F080] =	vst v63  }
0x105: {  	_ =	swait.ge [sflag:s4], $0x80  }
0x106: {  	[sflag:s4] =	ssyncset.done $0x0  }
0x107: {  	[sflag:s4] =	ssyncadd.s32 $0xFFFFFF80  }
0x108: {  	[tilespmem:s5], [sflag:$0x1] =	stream.indirect.gather [hbm4b:s11+s0], $0x80, s1, s0, $0xb8;
	[tilespmem:$0x1F080] =	vst v63  }
0x109: {  	_ =	swait.ge [sflag:s24], $0x4000  }
.Ltmp1:
0x10a: {  	[sflag:s24] =	ssyncset.done $0x0;
	(pc) =	sbr.rel @p0 .LBB2_4-.Ltmp1, $4  }
0x10b: {  	[sflag:s24] =	ssyncadd.s32 $0xFFFFC000  }
0x10c: {  	_ =	swait.ge [sflag:s24], $0x80  }
0x10d: {  	[sflag:s24] =	ssyncset.done $0x0  }
0x10e: {  	s29 =	sadd.s32 $0x100, s29;
	s30 =	sadd.s32 s30, s12;
	[sflag:s24] =	ssyncadd.s32 $0xFFFFFF80  }
0x10f: {  	[tilespmem:s3], [sflag:$0x6] =	stream.linear.gather [hbm4b:s30+s1], $0x80, $0x38;
	[tilespmem:$0x1F080] =	vst v63  }
0x110: {  	_ =	swait.ge [sflag:s8], $0x80  }
0x111: {  	[sflag:s8] =	ssyncset.done $0x0  }
0x112: {  	[sflag:s8] =	ssyncadd.s32 $0xFFFFFF80  }
0x113: {  	[tilespmem:s9], [sflag:$0x2] =	stream.indirect.gather [hbm4b:s11+s0], $0x80, s2, s0, $0xb8;
	[tilespmem:$0x1F080] =	vst v63  }
0x114: {  	_ =	swait.ge [sflag:s13], $0x4000  }
0x115: {  	s6 =	sld [smem:$0x7FB]  }
0x116: {  	[sflag:s13] =	ssyncset.done $0x0  }
0x117: {  	[sflag:s13] =	ssyncadd.s32 $0xFFFFC000  }
0x118: {  	[tilespmem:s1], [sflag:$0x3] =	stream.linear.gather [hbm4b:s6+s1], $0x80, $0x38;
	[tilespmem:$0x1F080] =	vst v63  }
0x119: {  	_ =	swait.ge [sflag:s19], $0x80  }
0x11a: {  	[sflag:s19] =	ssyncset.done $0x0  }
0x11b: {  	[sflag:s19] =	ssyncadd.s32 $0xFFFFFF80  }
0x11c: {  	[spmem:s14] =	stream.indirect.scatter.add.f32 [tilespmem:s5], [sflag:$0x7], $0x80, s0, s0, $0xb8;
	[tilespmem:$0x1F080] =	vst v63  }
0x11d: {  	_ = 	snop  }
0x11e: {  	[spmem:s15] =	stream.indirect.scatter.add.f32 [tilespmem:s20], [sflag:$0x7], $0x1, s0, s0, $0xb8;
	[tilespmem:$0x1F080] =	vst v63  }
0x11f: {  	_ =	swait.ge [sflag:s21], $0x4000  }
0x120: {  	s28 =	sld [smem:$0x7F9]  }
0x121: {  	[sflag:s21] =	ssyncset.done $0x0  }
0x122: {  	[sflag:s21] =	ssyncadd.s32 $0xFFFFC000  }
0x123: {  	[tilespmem:s2], [sflag:$0x4] =	stream.linear.gather [hbm4b:s28+s1], $0x80, $0x38;
	[tilespmem:$0x1F080] =	vst v63  }
0x124: {  	_ =	swait.ge [sflag:s22], $0x80  }
0x125: {  	[sflag:s22] =	ssyncset.done $0x0  }
0x126: {  	[sflag:s22] =	ssyncadd.s32 $0xFFFFFF80  }
0x127: {  	[spmem:s14] =	stream.indirect.scatter.add.f32 [tilespmem:s9], [sflag:$0x8], $0x80, s3, s0, $0xb8;
	[tilespmem:$0x1F080] =	vst v63  }
0x128: {  	_ = 	snop  }
0x129: {  	[spmem:s15] =	stream.indirect.scatter.add.f32 [tilespmem:s20], [sflag:$0x8], $0x1, s3, s0, $0xb8;
	[tilespmem:$0x1F080] =	vst v63  }
0x12a: {  	_ =	swait.ge [sflag:s23], $0x4000  }
0x12b: {  	[sflag:s23] =	ssyncset.done $0x0  }
0x12c: {  	[sflag:s23] =	ssyncadd.s32 $0xFFFFC000  }
0x12d: {  	_ =	swait.ge [sflag:s23], $0x80  }
0x12e: {  	s10 =	sld [smem:$0x7FC]  }
0x12f: {  	[sflag:s23] =	ssyncset.done $0x0  }
0x130: {  	[sflag:s23] =	ssyncadd.s32 $0xFFFFFF80  }
0x131: {  	[tilespmem:s0], [sflag:$0x5] =	stream.linear.gather [hbm4b:s10+s1], $0x80, $0x38;
	[tilespmem:$0x1F080] =	vst v63  }
0x132: {  	_ =	swait.ge [sflag:s4], $0x80  }
0x133: {  	[sflag:s4] =	ssyncset.done $0x0  }
0x134: {  	[sflag:s4] =	ssyncadd.s32 $0xFFFFFF80  }
0x135: {  	[tilespmem:s5], [sflag:$0x1] =	stream.indirect.gather [hbm4b:s11+s0], $0x80, s1, s0, $0xb8;
	[tilespmem:$0x1F080] =	vst v63  }
0x136: {  	_ =	swait.ge [sflag:s24], $0x4000  }
0x137: {  	[sflag:s24] =	ssyncset.done $0x0  }
0x138: {  	[sflag:s24] =	ssyncadd.s32 $0xFFFFC000  }
0x139: {  	_ =	swait.ge [sflag:s24], $0x80  }
0x13a: {  	s29 =	sld [smem:$0x7FA]  }
0x13b: {  	[sflag:s24] =	ssyncset.done $0x0  }
0x13c: {  	[sflag:s24] =	ssyncadd.s32 $0xFFFFFF80  }
0x13d: {  	[tilespmem:s3], [sflag:$0x6] =	stream.linear.gather [hbm4b:s29+s1], $0x80, $0x38;
	[tilespmem:$0x1F080] =	vst v63  }
0x13e: {  	_ =	swait.ge [sflag:s8], $0x80  }
0x13f: {  	[sflag:s8] =	ssyncset.done $0x0  }
0x140: {  	[sflag:s8] =	ssyncadd.s32 $0xFFFFFF80  }
0x141: {  	[tilespmem:s9], [sflag:$0x2] =	stream.indirect.gather [hbm4b:s11+s0], $0x80, s2, s0, $0xb8;
	[tilespmem:$0x1F080] =	vst v63  }
0x142: {  	_ =	swait.ge [sflag:s13], $0x4000  }
0x143: {  	[sflag:s13] =	ssyncset.done $0x0  }
0x144: {  	[sflag:s13] =	ssyncadd.s32 $0xFFFFC000  }
0x145: {  	[tilespmem:s1], [sflag:$0x3] =	stream.linear.gather [hbm4b:s28+s1], $0x80, $0x38;
	[tilespmem:$0x1F080] =	vst v63  }
0x146: {  	_ =	swait.ge [sflag:s19], $0x80  }
0x147: {  	[sflag:s19] =	ssyncset.done $0x0  }
0x148: {  	[sflag:s19] =	ssyncadd.s32 $0xFFFFFF80  }
0x149: {  	[spmem:s14] =	stream.indirect.scatter.add.f32 [tilespmem:s5], [sflag:$0x7], $0x80, s0, s0, $0xb8;
	[tilespmem:$0x1F080] =	vst v63  }
0x14a: {  	_ = 	snop  }
0x14b: {  	[spmem:s15] =	stream.indirect.scatter.add.f32 [tilespmem:s20], [sflag:$0x7], $0x1, s0, s0, $0xb8;
	[tilespmem:$0x1F080] =	vst v63  }
0x14c: {  	_ =	swait.ge [sflag:s21], $0x4000  }
0x14d: {  	[sflag:s21] =	ssyncset.done $0x0  }
0x14e: {  	[sflag:s21] =	ssyncadd.s32 $0xFFFFC000  }
0x14f: {  	[tilespmem:s2], [sflag:$0x4] =	stream.linear.gather [hbm4b:s28+s1], $0x80, $0x38;
	[tilespmem:$0x1F080] =	vst v63  }
0x150: {  	_ =	swait.ge [sflag:s22], $0x80  }
0x151: {  	[sflag:s22] =	ssyncset.done $0x0  }
0x152: {  	[sflag:s22] =	ssyncadd.s32 $0xFFFFFF80  }
0x153: {  	[spmem:s14] =	stream.indirect.scatter.add.f32 [tilespmem:s9], [sflag:$0x8], $0x80, s3, s0, $0xb8;
	[tilespmem:$0x1F080] =	vst v63  }
0x154: {  	_ = 	snop  }
0x155: {  	[spmem:s15] =	stream.indirect.scatter.add.f32 [tilespmem:s20], [sflag:$0x8], $0x1, s3, s0, $0xb8;
	[tilespmem:$0x1F080] =	vst v63  }
0x156: {  	_ =	swait.ge [sflag:s23], $0x4000  }
0x157: {  	[sflag:s23] =	ssyncset.done $0x0  }
0x158: {  	[sflag:s23] =	ssyncadd.s32 $0xFFFFC000  }
0x159: {  	_ =	swait.ge [sflag:s23], $0x80  }
0x15a: {  	[sflag:s23] =	ssyncset.done $0x0  }
0x15b: {  	[sflag:s23] =	ssyncadd.s32 $0xFFFFFF80  }
0x15c: {  	[tilespmem:s0], [sflag:$0x5] =	stream.linear.gather [hbm4b:s29+s1], $0x80, $0x38;
	[tilespmem:$0x1F080] =	vst v63  }
0x15d: {  	_ =	swait.ge [sflag:s4], $0x80  }
0x15e: {  	[sflag:s4] =	ssyncset.done $0x0  }
0x15f: {  	[sflag:s4] =	ssyncadd.s32 $0xFFFFFF80  }
0x160: {  	[tilespmem:s5], [sflag:$0x1] =	stream.indirect.gather [hbm4b:s11+s0], $0x80, s1, s0, $0xb8;
	[tilespmem:$0x1F080] =	vst v63  }
0x161: {  	_ =	swait.ge [sflag:s24], $0x4000  }
0x162: {  	[sflag:s24] =	ssyncset.done $0x0  }
0x163: {  	[sflag:s24] =	ssyncadd.s32 $0xFFFFC000  }
0x164: {  	_ =	swait.ge [sflag:s24], $0x80  }
0x165: {  	[sflag:s24] =	ssyncset.done $0x0  }
0x166: {  	[sflag:s24] =	ssyncadd.s32 $0xFFFFFF80  }
0x167: {  	[tilespmem:s3], [sflag:$0x6] =	stream.linear.gather [hbm4b:s29+s1], $0x80, $0x38;
	[tilespmem:$0x1F080] =	vst v63  }
0x168: {  	s10 =	simm.s32 $0x8200;
	s28 =	rddreg [dreg:$0x1d]  }
0x169: {  	[tilespmem:s10], [sflag:$0x9] =	stream.linear.gather [hbm4b:s28+s1], $0x10, $0x38;
	[tilespmem:$0x1F080] =	vst v63  }
0x16a: {  	_ =	swait.ge [sflag:s25], $0x10  }
0x16b: {  	[sflag:s25] =	ssyncset.done $0x0  }
0x16c: {  	s28 =	simm.s32 $0x8280;
	s29 =	rddreg [dreg:$0x1e];
	[sflag:s25] =	ssyncadd.s32 $0xFFFFFFF0  }
0x16d: {  	[tilespmem:s28], [sflag:$0x9] =	stream.linear.gather [hbm4b:s29+s1], $0x10, $0x38;
	[tilespmem:$0x1F080] =	vst v63  }
0x16e: {  	_ =	swait.ge [sflag:s25], $0x10  }
0x16f: {  	[sflag:s25] =	ssyncset.done $0x0  }
0x170: {  	s6 =	simm.s32 $0x10;
	s29 =	simm.s32 $0x8300;
	[sflag:s25] =	ssyncadd.s32 $0xFFFFFFF0  }
0x171: {  	[tilespmem:s29], [sflag:$0x2] =	stream.indirect.gather [hbm4b:s11+s6], $0x80, s10, s6, $0xb8;
	[tilespmem:$0x1F080] =	vst v63  }
0x172: {  	_ =	swait.ge [sflag:s21], $0x800  }
0x173: {  	[sflag:s21] =	ssyncset.done $0x0  }
0x174: {  	[sflag:s21] =	ssyncadd.s32 $0xFFFFF800  }
0x175: {  	[spmem:s14] =	stream.indirect.scatter.add.f32 [tilespmem:s29], [sflag:$0x9], $0x80, s28, s6, $0xb8;
	[tilespmem:$0x1F080] =	vst v63  }
0x176: {  	_ =	swait.ge [sflag:s25], $0x800  }
0x177: {  	[sflag:s25] =	ssyncset.done $0x0  }
0x178: {  	[sflag:s25] =	ssyncadd.s32 $0xFFFFF800  }
0x179: {  	[spmem:s15] =	stream.indirect.scatter.add.f32 [tilespmem:s20], [sflag:$0x9], $0x1, s28, s6, $0xb8;
	[tilespmem:$0x1F080] =	vst v63  }
0x17a: {  	_ =	swait.ge [sflag:s25], $0x10  }
0x17b: {  	[sflag:s25] =	ssyncset.done $0x0  }
0x17c: {  	[sflag:s25] =	ssyncadd.s32 $0xFFFFFFF0  }
0x17d: {  	_ =	swait.ge [sflag:s13], $0x4000  }
0x17e: {  	[sflag:s13] =	ssyncset.done $0x0  }
0x17f: {  	[sflag:s13] =	ssyncadd.s32 $0xFFFFC000  }
0x180: {  	_ =	swait.ge [sflag:s19], $0x80  }
0x181: {  	[sflag:s19] =	ssyncset.done $0x0  }
0x182: {  	[sflag:s19] =	ssyncadd.s32 $0xFFFFFF80  }
0x183: {  	_ =	swait.ge [sflag:s8], $0x80  }
0x184: {  	[sflag:s8] =	ssyncset.done $0x0  }
0x185: {  	[sflag:s8] =	ssyncadd.s32 $0xFFFFFF80  }
0x186: {  	_ =	swait.ge [sflag:s22], $0x80  }
0x187: {  	[sflag:s22] =	ssyncset.done $0x0  }
0x188: {  	s28 =	stileid.u32;
	[sflag:s22] =	ssyncadd.s32 $0xFFFFFF80  }
0x189: {  	s30 =	smov.u32 s7;
	s6 =	sshll.u32 s28, $0x6;
	[bflag:$0x0] =	sbarrier.arrive $0xFFFF  }
0x18a: {  	s29 =	sshrl.u32 s7, $0x3;
	s6 =	sor.u32 $0x1C02, s6;
	s7 =	rddreg [dreg:$0x6]  }
0x18b: {  	[hbm:s7], [sflag:s6] =	dma.local [spmem:s29], $0x400  }
0x18c: {  	s29 =	rddreg [dreg:$0x11]  }
0x18d: {  	s28 =	rddreg [dreg:$0x7];
	s7 =	sshrl.u32 s29, $0x3  }
0x18e: {  	[hbm:s28], [sflag:s6] =	dma.local [spmem:s7], $0x400  }
0x18f: {  	s29 =	rddreg [dreg:$0x12]  }
0x190: {  	s28 =	rddreg [dreg:$0x8];
	s7 =	sshrl.u32 s29, $0x3  }
0x191: {  	[hbm:s28], [sflag:s6] =	dma.local [spmem:s7], $0x400  }
0x192: {  	s29 =	rddreg [dreg:$0x13]  }
0x193: {  	s28 =	rddreg [dreg:$0x9];
	s7 =	sshrl.u32 s29, $0x3  }
0x194: {  	[hbm:s28], [sflag:s6] =	dma.local [spmem:s7], $0x400  }
0x195: {  	s29 =	rddreg [dreg:$0x14]  }
0x196: {  	s28 =	rddreg [dreg:$0xa];
	s7 =	sshrl.u32 s29, $0x3  }
0x197: {  	[hbm:s28], [sflag:s6] =	dma.local [spmem:s7], $0x400  }
0x198: {  	s29 =	rddreg [dreg:$0x15]  }
0x199: {  	s28 =	rddreg [dreg:$0xb];
	s7 =	sshrl.u32 s29, $0x3  }
0x19a: {  	[hbm:s28], [sflag:s6] =	dma.local [spmem:s7], $0x400  }
0x19b: {  	s29 =	rddreg [dreg:$0x16]  }
0x19c: {  	s28 =	rddreg [dreg:$0xc];
	s7 =	sshrl.u32 s29, $0x3  }
0x19d: {  	[hbm:s28], [sflag:s6] =	dma.local [spmem:s7], $0x400  }
0x19e: {  	s29 =	rddreg [dreg:$0x17]  }
0x19f: {  	s28 =	rddreg [dreg:$0xd];
	s7 =	sshrl.u32 s29, $0x3  }
0x1a0: {  	[hbm:s28], [sflag:s6] =	dma.local [spmem:s7], $0x400  }
0x1a1: {  	s29 =	rddreg [dreg:$0x18]  }
0x1a2: {  	s28 =	rddreg [dreg:$0xe];
	s7 =	sshrl.u32 s29, $0x3  }
0x1a3: {  	[hbm:s28], [sflag:s6] =	dma.local [spmem:s7], $0x400  }
0x1a4: {  	s29 =	rddreg [dreg:$0x19]  }
0x1a5: {  	s28 =	rddreg [dreg:$0xf];
	s7 =	sshrl.u32 s29, $0x3  }
0x1a6: {  	[hbm:s28], [sflag:s6] =	dma.local [spmem:s7], $0x400  }
0x1a7: {  	s29 =	rddreg [dreg:$0x1a]  }
0x1a8: {  	s28 =	rddreg [dreg:$0x10];
	s7 =	sshrl.u32 s29, $0x3  }
0x1a9: {  	[hbm:s28], [sflag:s6] =	dma.local [spmem:s7], $0x50  }
0x1aa: {  	_ =	swait.ge [sflag:s21], $0x400  }
0x1ab: {  	[sflag:s21] =	ssyncset.done $0x0  }
0x1ac: {  	[sflag:s21] =	ssyncadd.s32 $0xFFFFFC00  }
0x1ad: {  	_ =	swait.ge [sflag:s21], $0x400  }
0x1ae: {  	[sflag:s21] =	ssyncset.done $0x0  }
0x1af: {  	[sflag:s21] =	ssyncadd.s32 $0xFFFFFC00  }
0x1b0: {  	_ =	swait.ge [sflag:s21], $0x400  }
0x1b1: {  	[sflag:s21] =	ssyncset.done $0x0  }
0x1b2: {  	[sflag:s21] =	ssyncadd.s32 $0xFFFFFC00  }
0x1b3: {  	_ =	swait.ge [sflag:s21], $0x400  }
0x1b4: {  	[sflag:s21] =	ssyncset.done $0x0  }
0x1b5: {  	[sflag:s21] =	ssyncadd.s32 $0xFFFFFC00  }
0x1b6: {  	_ =	swait.ge [sflag:s21], $0x400  }
0x1b7: {  	[sflag:s21] =	ssyncset.done $0x0  }
0x1b8: {  	[sflag:s21] =	ssyncadd.s32 $0xFFFFFC00  }
0x1b9: {  	_ =	swait.ge [sflag:s21], $0x400  }
0x1ba: {  	[sflag:s21] =	ssyncset.done $0x0  }
0x1bb: {  	[sflag:s21] =	ssyncadd.s32 $0xFFFFFC00  }
0x1bc: {  	_ =	swait.ge [sflag:s21], $0x400  }
0x1bd: {  	[sflag:s21] =	ssyncset.done $0x0  }
0x1be: {  	[sflag:s21] =	ssyncadd.s32 $0xFFFFFC00  }
0x1bf: {  	_ =	swait.ge [sflag:s21], $0x400  }
0x1c0: {  	[sflag:s21] =	ssyncset.done $0x0  }
0x1c1: {  	[sflag:s21] =	ssyncadd.s32 $0xFFFFFC00  }
0x1c2: {  	_ =	swait.ge [sflag:s21], $0x400  }
0x1c3: {  	[sflag:s21] =	ssyncset.done $0x0  }
0x1c4: {  	[sflag:s21] =	ssyncadd.s32 $0xFFFFFC00  }
0x1c5: {  	_ =	swait.ge [sflag:s21], $0x400  }
0x1c6: {  	[sflag:s21] =	ssyncset.done $0x0  }
0x1c7: {  	[sflag:s21] =	ssyncadd.s32 $0xFFFFFC00  }
0x1c8: {  	_ =	swait.ge [sflag:s21], $0x50  }
0x1c9: {  	s26 =	sadd.s32 $0x1, s26;
	s29 =	rddreg [dreg:$0x1f]  }
0x1ca: {  	p0 =	sne.s32 s26, s29  }
.Ltmp2:
0x1cb: {  	_ = 	snop;
	(pc) =	sbr.rel @p0 .LBB2_1-.Ltmp2, $3  }
0x1cc: {  	_ =	sdelay $0x1  }
0x1cd: {  	[sflag:s21] =	ssyncset.done $0x0  }
0x1ce: {  	[sflag:s21] =	ssyncadd.s32 $0xFFFFFFB0  }
0x1cf: {  	_ =	sfence.sel $0x180000  }
0x1d0: {  	[bflag:$0x0] =	sbarrier.arrive $0xFFFF  }
0x1d1: {  	_ =	strace $0x90000047  }
0x1d2: {  	s0 =	stileid.u32;
	[bflag:$0x2] =	sbarrier.arrive $0xFFFF  }
0x1d3: {  	p0 =	sne.s32 s0, $0x0;
	s0 =	rddreg [dreg:$0x5]  }
0x1d4: {  	s0 =	sadd.s32 @!p0 $0x100000, s0  }
0x1d5: {  	[sflag:s0] =	ssyncadd.tile.s32 @!p0 $0x1;
	_ =	shalt  }
.Lfunc_end2:
_tile_overlayer_lowered:
.L_overlay_start_2:
0x1d6: {  	(tag) =	ssettag $0x2  }
0x1d7: {  	s0 =	rddreg [dreg:$0x0];
	s2 =	stileid.u32  }
0x1d8: {  	s1 =	rddreg [dreg:$0x1];
	p0 =	sne.s32 s2, $0x0  }
0x1d9: {  	s3 =	rddreg [dreg:$0x2];
	[bflag:$0x3] =	sbarrier.arrive $0xFFFF;
	s2 =	simm.s32 @!p0 $0x1C09  }
0x1da: {  	[timem:s3], [sflag:s2] =	dma.local @!p0 [hbm:s0], s1  }
0x1db: {  	s0 =	simm.s32 @!p0 $0x9  }
0x1dc: {  	_ =	swait.ge @!p0 [sflag:s0], s1  }
0x1dd: {  	s1 =	ssub.s32 @!p0 $0x0, s1;
	[sflag:s0] =	ssyncset.done @!p0 $0x0  }
0x1de: {  	[sflag:s0] =	ssyncadd.s32 @!p0 s1  }
0x1df: {  	[bflag:$0x3] =	sbarrier.arrive $0xFFFF  }
0x1e0: {  	_ =	shalt  }

</sc_bundles>
